<compile_context>
chip_gen: v7x
topology: tpu7x:2x2x1
jax: 0.10.2.dev20260603
libtpu: 0.0.44.dev20260713+nightly
codegen_flags: <defaults>
</compile_context>

<pallas_src>
import functools

import jax
import jax.numpy as jnp
from jax import lax
from jax.experimental import pallas as pl
from jax.experimental.pallas import tpu as pltpu
from jax.experimental.pallas import tpu_sc as plsc

N_PAD = 10240
E_PAD = 327680
CH = 128
NC = 2
NS = 16
ROWS_PER_TILE = N_PAD // NS
EDGES_PER_TILE = E_PAD // (NC * NS)


GC = 8
NG = EDGES_PER_TILE // (GC * CH)


def _make_agg(d, untiled=False):
    mesh = plsc.VectorSubcoreMesh(core_axis_name="c", subcore_axis_name="s",
                                  num_cores=NC, num_subcores=NS)
    cp = (pltpu.CompilerParams(use_tc_tiling_on_sc=False)
          if untiled else None)

    @functools.partial(
        pl.kernel,
        out_type=jax.ShapeDtypeStruct((NC, N_PAD, d), jnp.float32),
        mesh=mesh,
        scratch_types=[
            pltpu.VMEM((GC, CH), jnp.int32),
            pltpu.VMEM((GC, CH), jnp.int32),
            pltpu.VMEM((GC, CH), jnp.int32),
            pltpu.VMEM((GC, CH), jnp.int32),
            pltpu.VMEM((CH, d), jnp.float32),
            pltpu.VMEM((CH, d), jnp.float32),
            pltpu.VMEM_SHARED((N_PAD, d), jnp.float32),
            pltpu.SemaphoreType.DMA,
            pltpu.SemaphoreType.DMA,
            pltpu.SemaphoreType.DMA,
            pltpu.SemaphoreType.DMA,
            pltpu.SemaphoreType.DMA,
            pltpu.SemaphoreType.DMA,
        ],
        compiler_params=cp,
    )
    def agg(table_hbm, edges_hbm, out_hbm, sa, da, sb, db,
            rows_a, rows_b, acc_sh, si_a, si_b, sg_a, sg_b, ss_a, ss_b):
        c = lax.axis_index("c")
        s = lax.axis_index("s")
        r0 = s * ROWS_PER_TILE
        chunk0 = (c * NS + s) * NG * GC

        @pl.loop(0, CH)
        def _zrow(i):
            for k in range(d // 16):
                rows_a[i, pl.ds(k * 16, 16)] = jnp.zeros((16,), jnp.float32)

        for k in range(ROWS_PER_TILE // CH):
            pltpu.sync_copy(rows_a, acc_sh.at[pl.ds(r0 + k * CH, CH)])

        pltpu.sync_copy(edges_hbm.at[0].at[pl.ds(chunk0, GC)], sa)
        pltpu.sync_copy(edges_hbm.at[1].at[pl.ds(chunk0, GC)], da)
        pltpu.async_copy(table_hbm.at[sa.at[0]], rows_a, sg_a)
        pltpu.async_copy(edges_hbm.at[0].at[pl.ds(chunk0 + GC, GC)], sb, si_b)
        pltpu.async_copy(edges_hbm.at[1].at[pl.ds(chunk0 + GC, GC)], db, si_b)
        plsc.subcore_barrier()

        ibufs = ((sa, da, si_a), (sb, db, si_b))
        rbufs = ((rows_a, sg_a, ss_a), (rows_b, sg_b, ss_b))

        @pl.loop(0, NG, step=2)
        def _group(g):
            for q in range(2):
                m = g + q
                sB, dB, si = ibufs[q]
                oS, oD, osi = ibufs[1 - q]
                for k in range(GC):
                    rr, sg, ss = rbufs[k % 2]
                    orr, osg, oss = rbufs[1 - k % 2]
                    if k > 0:
                        pltpu.make_async_copy(
                            orr, acc_sh.at[dB.at[k - 1]], oss).wait()
                    if k < GC - 1:
                        pltpu.async_copy(table_hbm.at[sB.at[k + 1]], orr, osg)
                    else:
                        @pl.when(m + 1 < NG)
                        def _():
                            gb = chunk0 + (m + 1) * GC
                            pltpu.make_async_copy(
                                edges_hbm.at[0].at[pl.ds(gb, GC)], oS,
                                osi).wait()
                            pltpu.make_async_copy(
                                edges_hbm.at[1].at[pl.ds(gb, GC)], oD,
                                osi).wait()
                            pltpu.async_copy(table_hbm.at[oS.at[0]], orr, osg)
                    pltpu.make_async_copy(table_hbm.at[sB.at[k]], rr,
                                          sg).wait()
                    if k < GC - 1:
                        pltpu.async_copy(rr, acc_sh.at[dB.at[k]], ss,
                                         add=True)
                    else:
                        pltpu.sync_copy(rr, acc_sh.at[dB.at[k]], add=True)

                        @pl.when(m + 2 < NG)
                        def _():
                            gb = chunk0 + (m + 2) * GC
                            pltpu.async_copy(
                                edges_hbm.at[0].at[pl.ds(gb, GC)], sB, si)
                            pltpu.async_copy(
                                edges_hbm.at[1].at[pl.ds(gb, GC)], dB, si)

        plsc.subcore_barrier()
        pltpu.sync_copy(acc_sh.at[pl.ds(r0, ROWS_PER_TILE)],
                        out_hbm.at[c].at[pl.ds(r0, ROWS_PER_TILE)])

    return agg


def _make_deg():
    mesh = plsc.VectorSubcoreMesh(core_axis_name="c", subcore_axis_name="s",
                                  num_cores=NC, num_subcores=NS)

    @functools.partial(
        pl.kernel,
        out_type=jax.ShapeDtypeStruct((NC * NS, N_PAD), jnp.float32),
        mesh=mesh,
        scratch_types=[
            pltpu.VMEM((GC, CH), jnp.int32),
            pltpu.VMEM((GC, CH), jnp.int32),
            pltpu.VMEM((N_PAD,), jnp.float32),
            pltpu.SemaphoreType.DMA,
            pltpu.SemaphoreType.DMA,
        ],
        compiler_params=pltpu.CompilerParams(needs_layout_passes=False),
    )
    def deg(edges_hbm, out_hbm, ga, gb, hist_v, si_a, si_b):
        c = lax.axis_index("c")
        s = lax.axis_index("s")
        wid = c * NS + s
        chunk0 = wid * NG * GC

        pltpu.sync_copy(edges_hbm.at[1].at[pl.ds(chunk0, GC)], ga)
        pltpu.async_copy(edges_hbm.at[1].at[pl.ds(chunk0 + GC, GC)], gb, si_b)

        @pl.loop(0, N_PAD // 16)
        def _z(i):
            hist_v[pl.ds(i * 16, 16)] = jnp.zeros((16,), jnp.float32)

        ones = jnp.ones((16,), jnp.float32)
        ibufs = ((ga, si_a), (gb, si_b))

        @pl.loop(0, NG, step=2)
        def _group(g):
            for q in range(2):
                m = g + q
                buf, si = ibufs[q]

                @pl.when(m > 0)
                def _():
                    pltpu.make_async_copy(
                        edges_hbm.at[1].at[pl.ds(chunk0 + m * GC, GC)],
                        buf, si).wait()

                for k in range(GC):
                    for u in range(CH // 16):
                        plsc.addupdate_scatter(
                            hist_v, [buf[k, pl.ds(u * 16, 16)]], ones)

                @pl.when(m + 2 < NG)
                def _():
                    pltpu.async_copy(
                        edges_hbm.at[1].at[pl.ds(chunk0 + (m + 2) * GC, GC)],
                        buf, si)

        pltpu.sync_copy(hist_v, out_hbm.at[wid])

    return deg


_BLK = 2048
_GRID = N_PAD // _BLK


def _tc1_body(degp_ref, x_ref, w1_ref, g1_ref, dinv_ref):
    deg = jnp.sum(degp_ref[...], axis=1, keepdims=True) + 1.0
    dinv = lax.rsqrt(deg)
    h = jnp.dot(x_ref[...], w1_ref[...], preferred_element_type=jnp.float32)
    g1_ref[...] = h * dinv
    dinv_ref[...] = dinv


def _tc2_body(s1_ref, g1_ref, dinv_ref, b1_ref, w2_ref, g2_ref):
    dinv = dinv_ref[...]
    agg = (s1_ref[0] + s1_ref[1] + g1_ref[...]) * dinv + b1_ref[...]
    h1 = jnp.where(agg > 0, agg, jnp.exp(agg) - 1.0)
    g2_ref[...] = jnp.dot(h1, w2_ref[...],
                          preferred_element_type=jnp.float32) * dinv


def _tc3_body(s2_ref, g2_ref, dinv_ref, b2_ref, out_ref):
    out_ref[...] = ((s2_ref[0] + s2_ref[1] + g2_ref[...]) * dinv_ref[...]
                    + b2_ref[...])


def _tc1(degp, x, w1):
    return pl.pallas_call(
        _tc1_body,
        grid=(_GRID,),
        in_specs=[
            pl.BlockSpec((_BLK, NC * NS), lambda i: (i, 0)),
            pl.BlockSpec((_BLK, 128), lambda i: (i, 0)),
            pl.BlockSpec((128, 128), lambda i: (0, 0)),
        ],
        out_specs=[
            pl.BlockSpec((_BLK, 128), lambda i: (i, 0)),
            pl.BlockSpec((_BLK, 1), lambda i: (i, 0)),
        ],
        out_shape=[
            jax.ShapeDtypeStruct((N_PAD, 128), jnp.float32),
            jax.ShapeDtypeStruct((N_PAD, 1), jnp.float32),
        ],
    )(degp, x, w1)


def _tc2(s1, g1, dinv, b1, w2):
    d_out = w2.shape[1]
    return pl.pallas_call(
        _tc2_body,
        grid=(_GRID,),
        in_specs=[
            pl.BlockSpec((NC, _BLK, 128), lambda i: (0, i, 0)),
            pl.BlockSpec((_BLK, 128), lambda i: (i, 0)),
            pl.BlockSpec((_BLK, 1), lambda i: (i, 0)),
            pl.BlockSpec((1, 128), lambda i: (0, 0)),
            pl.BlockSpec((128, d_out), lambda i: (0, 0)),
        ],
        out_specs=pl.BlockSpec((_BLK, d_out), lambda i: (i, 0)),
        out_shape=jax.ShapeDtypeStruct((N_PAD, d_out), jnp.float32),
    )(s1, g1, dinv, b1, w2)


def _tc3(s2, g2, dinv, b2, n):
    d_out = g2.shape[1]
    return pl.pallas_call(
        _tc3_body,
        grid=(_GRID,),
        in_specs=[
            pl.BlockSpec((NC, _BLK, d_out), lambda i: (0, i, 0)),
            pl.BlockSpec((_BLK, d_out), lambda i: (i, 0)),
            pl.BlockSpec((_BLK, 1), lambda i: (i, 0)),
            pl.BlockSpec((1, d_out), lambda i: (0, 0)),
        ],
        out_specs=pl.BlockSpec((_BLK, d_out), lambda i: (i, 0)),
        out_shape=jax.ShapeDtypeStruct((n, d_out), jnp.float32),
    )(s2, g2, dinv, b2)


def kernel(x, edge_index, W1, b1, W2, b2):
    n = x.shape[0]
    e = edge_index.shape[1]
    pad_idx = n + (jnp.arange(E_PAD - e, dtype=edge_index.dtype) % (N_PAD - n))
    edges3d = jnp.concatenate(
        [edge_index, jnp.stack([pad_idx, pad_idx])], axis=1,
    ).reshape(2, E_PAD // CH, CH)

    degp = _make_deg()(edges3d)
    g1, dinv = _tc1(degp.T, x, W1)
    s1 = _make_agg(128)(g1, edges3d)
    g2 = _tc2(s1, g1, dinv, b1.reshape(1, -1), W2)
    s2 = _make_agg(W2.shape[1], untiled=True)(g2, edges3d)
    return _tc3(s2, g2, dinv, b2.reshape(1, -1), n)

# --- scband reference (transcript-rebuilt; emitter-appended) ---
"""Pipeline reference for scband-gcn-13975823581428 (READ-ONLY COPY).

The authoritative reference and input builder live on the scoring server;
editing this copy changes nothing except your own understanding.
"""

import jax, jax.numpy as jnp
import numpy as np

N = 10000
E = 320000
D_IN = 128
D_HID = 128
D_OUT = 64


def setup_inputs(seed: int = 0):
    key = jax.random.key(seed)
    ks = jax.random.split(key, 4)
    x = jax.random.normal(ks[0], (N, D_IN), dtype=jnp.float32)
    edge_index = jax.random.randint(ks[1], (2, E), 0, N, dtype=jnp.int32)
    s1 = 1.0 / np.sqrt(D_IN)
    W1 = jax.random.uniform(ks[2], (D_IN, D_HID), minval=-s1, maxval=s1, dtype=jnp.float32)
    b1 = jnp.zeros((D_HID,), dtype=jnp.float32)
    s2 = 1.0 / np.sqrt(D_HID)
    W2 = jax.random.uniform(ks[3], (D_HID, D_OUT), minval=-s2, maxval=s2, dtype=jnp.float32)
    b2 = jnp.zeros((D_OUT,), dtype=jnp.float32)
    return {"x": x, "edge_index": edge_index, "W1": W1, "b1": b1, "W2": W2, "b2": b2}


def _gcn_conv(x, src, dst, norm, W, b, num_nodes):
    # PyG GCNConv: out_i = sum_{j in N(i) U {i}} norm_ij * (x_j @ W) + b
    h = x @ W
    msg = h[src] * norm[:, None]
    out = jax.ops.segment_sum(msg, dst, num_segments=num_nodes)
    return out + b


def reference(x, edge_index, W1, b1, W2, b2):
    num_nodes = x.shape[0]
    # add self loops (GCNConv default add_self_loops=True)
    loop = jnp.arange(num_nodes, dtype=edge_index.dtype)
    src = jnp.concatenate([edge_index[0], loop])
    dst = jnp.concatenate([edge_index[1], loop])
    # symmetric normalization D^{-1/2} (A+I) D^{-1/2}
    deg = jnp.zeros((num_nodes,), dtype=x.dtype).at[dst].add(1.0)
    dinv = jnp.where(deg > 0, 1.0 / jnp.sqrt(deg), 0.0)
    norm = dinv[src] * dinv[dst]
    h = _gcn_conv(x, src, dst, norm, W1, b1, num_nodes)
    h = jax.nn.elu(h)
    # F.dropout is identity in eval mode
    out = _gcn_conv(h, src, dst, norm, W2, b2, num_nodes)
    return out

if __name__ == "__main__":
    import jax
    _d = setup_inputs()
    print(jax.jit(kernel)(*tuple(_d.values())))

</pallas_src>

<mosaic_0001>
#map = affine_map<(d0, d1) -> (0, 0)>
#map1 = affine_map<(d0, d1) -> (0, 0, 0)>
module attributes {stable_mosaic.version = 14 : i64} {
  func.func @agg(%arg0: i32, %arg1: i32, %arg2: memref<10240x64xf32, #tpu.memory_space<hbm>>, %arg3: memref<2x2560x128xi32, #tpu.memory_space<hbm>>, %arg4: memref<2x10240x64xf32, #tpu.memory_space<hbm>>, %arg5: memref<8x128xi32, #tpu.memory_space<vmem>>, %arg6: memref<8x128xi32, #tpu.memory_space<vmem>>, %arg7: memref<8x128xi32, #tpu.memory_space<vmem>>, %arg8: memref<8x128xi32, #tpu.memory_space<vmem>>, %arg9: memref<128x64xf32, #tpu.memory_space<vmem>>, %arg10: memref<128x64xf32, #tpu.memory_space<vmem>>, %arg11: memref<10240x64xf32, #tpu.memory_space<vmem_shared>>, %arg12: memref<!tpu.dma_semaphore, #tpu.memory_space<semaphore_mem>>, %arg13: memref<!tpu.dma_semaphore, #tpu.memory_space<semaphore_mem>>, %arg14: memref<!tpu.dma_semaphore, #tpu.memory_space<semaphore_mem>>, %arg15: memref<!tpu.dma_semaphore, #tpu.memory_space<semaphore_mem>>, %arg16: memref<!tpu.dma_semaphore, #tpu.memory_space<semaphore_mem>>, %arg17: memref<!tpu.dma_semaphore, #tpu.memory_space<semaphore_mem>>) attributes {dimension_semantics = [#tpu.dimension_semantics<core_parallel>, #tpu.dimension_semantics<subcore_parallel>], iteration_bounds = array<i64: 2, 16>, scalar_prefetch = 0 : i64, scratch_operands = 13 : i64, tpu.core_type = #tpu.core_type<sc_vector_subcore>, window_params = [{transform_indices = #map}, {transform_indices = #map1}, {transform_indices = #map1}]} {
    %mul3A = arith.constant 640 : i32
    %mul3A_0 = arith.muli %arg1, %mul3A : i32
    %mul3A_1 = arith.constant 16 : i32
    %mul3A_2 = arith.muli %arg0, %mul3A_1 : i32
    %add3A = arith.addi %mul3A_2, %arg1 : i32
    %mul3A_3 = arith.constant 10 : i32
    %mul3A_4 = arith.muli %add3A, %mul3A_3 : i32
    %mul3A_5 = arith.constant 8 : i32
    %mul3A_6 = arith.muli %mul3A_4, %mul3A_5 : i32
    %scan3A = arith.constant 0 : i32
    %scan3A_7 = arith.constant 128 : i32
    %scan3A_8 = arith.addi %scan3A, %scan3A_7 : i32
    %scan3A_9 = arith.constant 1 : i32
    scf.for %scan3A_64 = %scan3A to %scan3A_8 step %scan3A_9  : i32 {
      %mul3A_65 = arith.constant 1 : i32
      %mul3A_66 = arith.muli %scan3A_64, %mul3A_65 : i32
      %add3A_67 = arith.constant 0 : i32
      %add3A_68 = arith.addi %add3A_67, %mul3A_66 : i32
      %broadcast_in_dim3A = arith.constant 0.000000e+00 : f32
      %broadcast_in_dim3A_69 = vector.broadcast %broadcast_in_dim3A : f32 to vector<16xf32>
      %swap3A = arith.index_cast %add3A_68 : i32 to index
      %swap3A_70 = arith.constant 0 : index
      %swap3A_71 = tpu.vector_load %arg9[%swap3A, %swap3A_70] {strides = array<i32>} : memref<128x64xf32, #tpu.memory_space<vmem>>, vector<1x16xf32>,
      %swap3A_72 = vector.shape_cast %swap3A_71 : vector<1x16xf32> to vector<16xf32>
      %swap3A_73 = vector.shape_cast %broadcast_in_dim3A_69 : vector<16xf32> to vector<1x16xf32>
      tpu.vector_store %arg9[%swap3A, %swap3A_70], %swap3A_73 {strides = array<i32>} : memref<128x64xf32, #tpu.memory_space<vmem>>, vector<1x16xf32>,
      %broadcast_in_dim3A_74 = arith.constant 0.000000e+00 : f32
      %broadcast_in_dim3A_75 = vector.broadcast %broadcast_in_dim3A_74 : f32 to vector<16xf32>
      %swap3A_76 = arith.index_cast %add3A_68 : i32 to index
      %swap3A_77 = arith.constant 16 : index
      %swap3A_78 = tpu.vector_load %arg9[%swap3A_76, %swap3A_77] {strides = array<i32>} : memref<128x64xf32, #tpu.memory_space<vmem>>, vector<1x16xf32>,
      %swap3A_79 = vector.shape_cast %swap3A_78 : vector<1x16xf32> to vector<16xf32>
      %swap3A_80 = vector.shape_cast %broadcast_in_dim3A_75 : vector<16xf32> to vector<1x16xf32>
      tpu.vector_store %arg9[%swap3A_76, %swap3A_77], %swap3A_80 {strides = array<i32>} : memref<128x64xf32, #tpu.memory_space<vmem>>, vector<1x16xf32>,
      %broadcast_in_dim3A_81 = arith.constant 0.000000e+00 : f32
      %broadcast_in_dim3A_82 = vector.broadcast %broadcast_in_dim3A_81 : f32 to vector<16xf32>
      %swap3A_83 = arith.index_cast %add3A_68 : i32 to index
      %swap3A_84 = arith.constant 32 : index
      %swap3A_85 = tpu.vector_load %arg9[%swap3A_83, %swap3A_84] {strides = array<i32>} : memref<128x64xf32, #tpu.memory_space<vmem>>, vector<1x16xf32>,
      %swap3A_86 = vector.shape_cast %swap3A_85 : vector<1x16xf32> to vector<16xf32>
      %swap3A_87 = vector.shape_cast %broadcast_in_dim3A_82 : vector<16xf32> to vector<1x16xf32>
      tpu.vector_store %arg9[%swap3A_83, %swap3A_84], %swap3A_87 {strides = array<i32>} : memref<128x64xf32, #tpu.memory_space<vmem>>, vector<1x16xf32>,
      %broadcast_in_dim3A_88 = arith.constant 0.000000e+00 : f32
      %broadcast_in_dim3A_89 = vector.broadcast %broadcast_in_dim3A_88 : f32 to vector<16xf32>
      %swap3A_90 = arith.index_cast %add3A_68 : i32 to index
      %swap3A_91 = arith.constant 48 : index
      %swap3A_92 = tpu.vector_load %arg9[%swap3A_90, %swap3A_91] {strides = array<i32>} : memref<128x64xf32, #tpu.memory_space<vmem>>, vector<1x16xf32>,
      %swap3A_93 = vector.shape_cast %swap3A_92 : vector<1x16xf32> to vector<16xf32>
      %swap3A_94 = vector.shape_cast %broadcast_in_dim3A_89 : vector<16xf32> to vector<1x16xf32>
      tpu.vector_store %arg9[%swap3A_90, %swap3A_91], %swap3A_94 {strides = array<i32>} : memref<128x64xf32, #tpu.memory_space<vmem>>, vector<1x16xf32>,
    }
    %scan3A_10 = arith.constant 128 : i32
    %add3A_11 = arith.constant 0 : i32
    %add3A_12 = arith.addi %mul3A_0, %add3A_11 : i32
    "tpu.region"() ({
      %run_scoped3A_64 = tpu.sem_alloc : memref<!tpu.dma_semaphore, #tpu.memory_space<semaphore_mem>>
      %dma_start3A_65 = arith.constant 0 : i32
      %dma_start3A_66 = tpu.memref_slice %arg11[%add3A_12, %dma_start3A_65] : memref<10240x64xf32, #tpu.memory_space<vmem_shared>> -> memref<128x64xf32, #tpu.memory_space<vmem_shared>>
      %dma_start3A_67 = arith.constant 0 : i32
      %dma_start3A_68 = tpu.memref_slice %arg11[%add3A_12, %dma_start3A_67] : memref<10240x64xf32, #tpu.memory_space<vmem_shared>> -> memref<128x64xf32, #tpu.memory_space<vmem_shared>>
      tpu.enqueue_dma source(%arg9 : memref<128x64xf32, #tpu.memory_space<vmem>>) target(%dma_start3A_68 : memref<128x64xf32, #tpu.memory_space<vmem_shared>>) target_semaphore(%run_scoped3A_64 : memref<!tpu.dma_semaphore, #tpu.memory_space<semaphore_mem>>)
      %dma_wait3A = arith.constant 0 : i32
      %dma_wait3A_69 = tpu.memref_slice %arg11[%add3A_12, %dma_wait3A] : memref<10240x64xf32, #tpu.memory_space<vmem_shared>> -> memref<128x64xf32, #tpu.memory_space<vmem_shared>>
      %dma_wait3A_70 = arith.constant 0 : i32
      %dma_wait3A_71 = tpu.memref_slice %arg11[%add3A_12, %dma_wait3A_70] : memref<10240x64xf32, #tpu.memory_space<vmem_shared>> -> memref<128x64xf32, #tpu.memory_space<vmem_shared>>
      tpu.wait_dma2 semaphore(%run_scoped3A_64 : memref<!tpu.dma_semaphore, #tpu.memory_space<semaphore_mem>>) src(%arg9 : memref<128x64xf32, #tpu.memory_space<vmem>>) dst(%dma_wait3A_71 : memref<128x64xf32, #tpu.memory_space<vmem_shared>>)
      tpu.yield
    }) : () -> ()
    %add3A_13 = arith.constant 128 : i32
    %add3A_14 = arith.addi %mul3A_0, %add3A_13 : i32
    "tpu.region"() ({
      %run_scoped3A_64 = tpu.sem_alloc : memref<!tpu.dma_semaphore, #tpu.memory_space<semaphore_mem>>
      %dma_start3A_65 = arith.constant 0 : i32
      %dma_start3A_66 = tpu.memref_slice %arg11[%add3A_14, %dma_start3A_65] : memref<10240x64xf32, #tpu.memory_space<vmem_shared>> -> memref<128x64xf32, #tpu.memory_space<vmem_shared>>
      %dma_start3A_67 = arith.constant 0 : i32
      %dma_start3A_68 = tpu.memref_slice %arg11[%add3A_14, %dma_start3A_67] : memref<10240x64xf32, #tpu.memory_space<vmem_shared>> -> memref<128x64xf32, #tpu.memory_space<vmem_shared>>
      tpu.enqueue_dma source(%arg9 : memref<128x64xf32, #tpu.memory_space<vmem>>) target(%dma_start3A_68 : memref<128x64xf32, #tpu.memory_space<vmem_shared>>) target_semaphore(%run_scoped3A_64 : memref<!tpu.dma_semaphore, #tpu.memory_space<semaphore_mem>>)
      %dma_wait3A = arith.constant 0 : i32
      %dma_wait3A_69 = tpu.memref_slice %arg11[%add3A_14, %dma_wait3A] : memref<10240x64xf32, #tpu.memory_space<vmem_shared>> -> memref<128x64xf32, #tpu.memory_space<vmem_shared>>
      %dma_wait3A_70 = arith.constant 0 : i32
      %dma_wait3A_71 = tpu.memref_slice %arg11[%add3A_14, %dma_wait3A_70] : memref<10240x64xf32, #tpu.memory_space<vmem_shared>> -> memref<128x64xf32, #tpu.memory_space<vmem_shared>>
      tpu.wait_dma2 semaphore(%run_scoped3A_64 : memref<!tpu.dma_semaphore, #tpu.memory_space<semaphore_mem>>) src(%arg9 : memref<128x64xf32, #tpu.memory_space<vmem>>) dst(%dma_wait3A_71 : memref<128x64xf32, #tpu.memory_space<vmem_shared>>)
      tpu.yield
    }) : () -> ()
    %add3A_15 = arith.constant 256 : i32
    %add3A_16 = arith.addi %mul3A_0, %add3A_15 : i32
    "tpu.region"() ({
      %run_scoped3A_64 = tpu.sem_alloc : memref<!tpu.dma_semaphore, #tpu.memory_space<semaphore_mem>>
      %dma_start3A_65 = arith.constant 0 : i32
      %dma_start3A_66 = tpu.memref_slice %arg11[%add3A_16, %dma_start3A_65] : memref<10240x64xf32, #tpu.memory_space<vmem_shared>> -> memref<128x64xf32, #tpu.memory_space<vmem_shared>>
      %dma_start3A_67 = arith.constant 0 : i32
      %dma_start3A_68 = tpu.memref_slice %arg11[%add3A_16, %dma_start3A_67] : memref<10240x64xf32, #tpu.memory_space<vmem_shared>> -> memref<128x64xf32, #tpu.memory_space<vmem_shared>>
      tpu.enqueue_dma source(%arg9 : memref<128x64xf32, #tpu.memory_space<vmem>>) target(%dma_start3A_68 : memref<128x64xf32, #tpu.memory_space<vmem_shared>>) target_semaphore(%run_scoped3A_64 : memref<!tpu.dma_semaphore, #tpu.memory_space<semaphore_mem>>)
      %dma_wait3A = arith.constant 0 : i32
      %dma_wait3A_69 = tpu.memref_slice %arg11[%add3A_16, %dma_wait3A] : memref<10240x64xf32, #tpu.memory_space<vmem_shared>> -> memref<128x64xf32, #tpu.memory_space<vmem_shared>>
      %dma_wait3A_70 = arith.constant 0 : i32
      %dma_wait3A_71 = tpu.memref_slice %arg11[%add3A_16, %dma_wait3A_70] : memref<10240x64xf32, #tpu.memory_space<vmem_shared>> -> memref<128x64xf32, #tpu.memory_space<vmem_shared>>
      tpu.wait_dma2 semaphore(%run_scoped3A_64 : memref<!tpu.dma_semaphore, #tpu.memory_space<semaphore_mem>>) src(%arg9 : memref<128x64xf32, #tpu.memory_space<vmem>>) dst(%dma_wait3A_71 : memref<128x64xf32, #tpu.memory_space<vmem_shared>>)
      tpu.yield
    }) : () -> ()
    %add3A_17 = arith.constant 384 : i32
    %add3A_18 = arith.addi %mul3A_0, %add3A_17 : i32
    "tpu.region"() ({
      %run_scoped3A_64 = tpu.sem_alloc : memref<!tpu.dma_semaphore, #tpu.memory_space<semaphore_mem>>
      %dma_start3A_65 = arith.constant 0 : i32
      %dma_start3A_66 = tpu.memref_slice %arg11[%add3A_18, %dma_start3A_65] : memref<10240x64xf32, #tpu.memory_space<vmem_shared>> -> memref<128x64xf32, #tpu.memory_space<vmem_shared>>
      %dma_start3A_67 = arith.constant 0 : i32
      %dma_start3A_68 = tpu.memref_slice %arg11[%add3A_18, %dma_start3A_67] : memref<10240x64xf32, #tpu.memory_space<vmem_shared>> -> memref<128x64xf32, #tpu.memory_space<vmem_shared>>
      tpu.enqueue_dma source(%arg9 : memref<128x64xf32, #tpu.memory_space<vmem>>) target(%dma_start3A_68 : memref<128x64xf32, #tpu.memory_space<vmem_shared>>) target_semaphore(%run_scoped3A_64 : memref<!tpu.dma_semaphore, #tpu.memory_space<semaphore_mem>>)
      %dma_wait3A = arith.constant 0 : i32
      %dma_wait3A_69 = tpu.memref_slice %arg11[%add3A_18, %dma_wait3A] : memref<10240x64xf32, #tpu.memory_space<vmem_shared>> -> memref<128x64xf32, #tpu.memory_space<vmem_shared>>
      %dma_wait3A_70 = arith.constant 0 : i32
      %dma_wait3A_71 = tpu.memref_slice %arg11[%add3A_18, %dma_wait3A_70] : memref<10240x64xf32, #tpu.memory_space<vmem_shared>> -> memref<128x64xf32, #tpu.memory_space<vmem_shared>>
      tpu.wait_dma2 semaphore(%run_scoped3A_64 : memref<!tpu.dma_semaphore, #tpu.memory_space<semaphore_mem>>) src(%arg9 : memref<128x64xf32, #tpu.memory_space<vmem>>) dst(%dma_wait3A_71 : memref<128x64xf32, #tpu.memory_space<vmem_shared>>)
      tpu.yield
    }) : () -> ()
    %add3A_19 = arith.constant 512 : i32
    %add3A_20 = arith.addi %mul3A_0, %add3A_19 : i32
    "tpu.region"() ({
      %run_scoped3A_64 = tpu.sem_alloc : memref<!tpu.dma_semaphore, #tpu.memory_space<semaphore_mem>>
      %dma_start3A_65 = arith.constant 0 : i32
      %dma_start3A_66 = tpu.memref_slice %arg11[%add3A_20, %dma_start3A_65] : memref<10240x64xf32, #tpu.memory_space<vmem_shared>> -> memref<128x64xf32, #tpu.memory_space<vmem_shared>>
      %dma_start3A_67 = arith.constant 0 : i32
      %dma_start3A_68 = tpu.memref_slice %arg11[%add3A_20, %dma_start3A_67] : memref<10240x64xf32, #tpu.memory_space<vmem_shared>> -> memref<128x64xf32, #tpu.memory_space<vmem_shared>>
      tpu.enqueue_dma source(%arg9 : memref<128x64xf32, #tpu.memory_space<vmem>>) target(%dma_start3A_68 : memref<128x64xf32, #tpu.memory_space<vmem_shared>>) target_semaphore(%run_scoped3A_64 : memref<!tpu.dma_semaphore, #tpu.memory_space<semaphore_mem>>)
      %dma_wait3A = arith.constant 0 : i32
      %dma_wait3A_69 = tpu.memref_slice %arg11[%add3A_20, %dma_wait3A] : memref<10240x64xf32, #tpu.memory_space<vmem_shared>> -> memref<128x64xf32, #tpu.memory_space<vmem_shared>>
      %dma_wait3A_70 = arith.constant 0 : i32
      %dma_wait3A_71 = tpu.memref_slice %arg11[%add3A_20, %dma_wait3A_70] : memref<10240x64xf32, #tpu.memory_space<vmem_shared>> -> memref<128x64xf32, #tpu.memory_space<vmem_shared>>
      tpu.wait_dma2 semaphore(%run_scoped3A_64 : memref<!tpu.dma_semaphore, #tpu.memory_space<semaphore_mem>>) src(%arg9 : memref<128x64xf32, #tpu.memory_space<vmem>>) dst(%dma_wait3A_71 : memref<128x64xf32, #tpu.memory_space<vmem_shared>>)
      tpu.yield
    }) : () -> ()
    %run_scoped3A = arith.constant 0 : i32
    "tpu.region"() ({
      %run_scoped3A_64 = tpu.sem_alloc : memref<!tpu.dma_semaphore, #tpu.memory_space<semaphore_mem>>
      %dma_start3A_65 = arith.constant 0 : i32
      %dma_start3A_66 = arith.constant 0 : i32
      %dma_start3A_67 = tpu.memref_slice %arg3[%run_scoped3A, %dma_start3A_65, %dma_start3A_66] : memref<2x2560x128xi32, #tpu.memory_space<hbm>> -> memref<1x2560x128xi32, #tpu.memory_space<hbm>>
      %dma_start3A_68 = tpu.memref_squeeze %dma_start3A_67 : memref<1x2560x128xi32, #tpu.memory_space<hbm>> -> memref<2560x128xi32, #tpu.memory_space<hbm>>
      %dma_start3A_69 = arith.constant 0 : i32
      %dma_start3A_70 = tpu.memref_slice %dma_start3A_68[%mul3A_6, %dma_start3A_69] : memref<2560x128xi32, #tpu.memory_space<hbm>> -> memref<8x128xi32, #tpu.memory_space<hbm>>
      %dma_start3A_71 = arith.constant 0 : i32
      %dma_start3A_72 = arith.constant 0 : i32
      %dma_start3A_73 = tpu.memref_slice %arg3[%run_scoped3A, %dma_start3A_71, %dma_start3A_72] : memref<2x2560x128xi32, #tpu.memory_space<hbm>> -> memref<1x2560x128xi32, #tpu.memory_space<hbm>>
      %dma_start3A_74 = tpu.memref_squeeze %dma_start3A_73 : memref<1x2560x128xi32, #tpu.memory_space<hbm>> -> memref<2560x128xi32, #tpu.memory_space<hbm>>
      %dma_start3A_75 = arith.constant 0 : i32
      %dma_start3A_76 = tpu.memref_slice %dma_start3A_74[%mul3A_6, %dma_start3A_75] : memref<2560x128xi32, #tpu.memory_space<hbm>> -> memref<8x128xi32, #tpu.memory_space<hbm>>
      tpu.enqueue_dma source(%dma_start3A_76 : memref<8x128xi32, #tpu.memory_space<hbm>>) target(%arg5 : memref<8x128xi32, #tpu.memory_space<vmem>>) target_semaphore(%run_scoped3A_64 : memref<!tpu.dma_semaphore, #tpu.memory_space<semaphore_mem>>)
      %dma_wait3A = arith.constant 0 : i32
      %dma_wait3A_77 = arith.constant 0 : i32
      %dma_wait3A_78 = tpu.memref_slice %arg3[%run_scoped3A, %dma_wait3A, %dma_wait3A_77] : memref<2x2560x128xi32, #tpu.memory_space<hbm>> -> memref<1x2560x128xi32, #tpu.memory_space<hbm>>
      %dma_wait3A_79 = tpu.memref_squeeze %dma_wait3A_78 : memref<1x2560x128xi32, #tpu.memory_space<hbm>> -> memref<2560x128xi32, #tpu.memory_space<hbm>>
      %dma_wait3A_80 = arith.constant 0 : i32
      %dma_wait3A_81 = tpu.memref_slice %dma_wait3A_79[%mul3A_6, %dma_wait3A_80] : memref<2560x128xi32, #tpu.memory_space<hbm>> -> memref<8x128xi32, #tpu.memory_space<hbm>>
      %dma_wait3A_82 = arith.constant 0 : i32
      %dma_wait3A_83 = arith.constant 0 : i32
      %dma_wait3A_84 = tpu.memref_slice %arg3[%run_scoped3A, %dma_wait3A_82, %dma_wait3A_83] : memref<2x2560x128xi32, #tpu.memory_space<hbm>> -> memref<1x2560x128xi32, #tpu.memory_space<hbm>>
      %dma_wait3A_85 = tpu.memref_squeeze %dma_wait3A_84 : memref<1x2560x128xi32, #tpu.memory_space<hbm>> -> memref<2560x128xi32, #tpu.memory_space<hbm>>
      %dma_wait3A_86 = arith.constant 0 : i32
      %dma_wait3A_87 = tpu.memref_slice %dma_wait3A_85[%mul3A_6, %dma_wait3A_86] : memref<2560x128xi32, #tpu.memory_space<hbm>> -> memref<8x128xi32, #tpu.memory_space<hbm>>
      tpu.wait_dma2 semaphore(%run_scoped3A_64 : memref<!tpu.dma_semaphore, #tpu.memory_space<semaphore_mem>>) src(%dma_wait3A_87 : memref<8x128xi32, #tpu.memory_space<hbm>>) dst(%arg5 : memref<8x128xi32, #tpu.memory_space<vmem>>)
      tpu.yield
    }) : () -> ()
    %run_scoped3A_21 = arith.constant 1 : i32
    "tpu.region"() ({
      %run_scoped3A_64 = tpu.sem_alloc : memref<!tpu.dma_semaphore, #tpu.memory_space<semaphore_mem>>
      %dma_start3A_65 = arith.constant 0 : i32
      %dma_start3A_66 = arith.constant 0 : i32
      %dma_start3A_67 = tpu.memref_slice %arg3[%run_scoped3A_21, %dma_start3A_65, %dma_start3A_66] : memref<2x2560x128xi32, #tpu.memory_space<hbm>> -> memref<1x2560x128xi32, #tpu.memory_space<hbm>>
      %dma_start3A_68 = tpu.memref_squeeze %dma_start3A_67 : memref<1x2560x128xi32, #tpu.memory_space<hbm>> -> memref<2560x128xi32, #tpu.memory_space<hbm>>
      %dma_start3A_69 = arith.constant 0 : i32
      %dma_start3A_70 = tpu.memref_slice %dma_start3A_68[%mul3A_6, %dma_start3A_69] : memref<2560x128xi32, #tpu.memory_space<hbm>> -> memref<8x128xi32, #tpu.memory_space<hbm>>
      %dma_start3A_71 = arith.constant 0 : i32
      %dma_start3A_72 = arith.constant 0 : i32
      %dma_start3A_73 = tpu.memref_slice %arg3[%run_scoped3A_21, %dma_start3A_71, %dma_start3A_72] : memref<2x2560x128xi32, #tpu.memory_space<hbm>> -> memref<1x2560x128xi32, #tpu.memory_space<hbm>>
      %dma_start3A_74 = tpu.memref_squeeze %dma_start3A_73 : memref<1x2560x128xi32, #tpu.memory_space<hbm>> -> memref<2560x128xi32, #tpu.memory_space<hbm>>
      %dma_start3A_75 = arith.constant 0 : i32
      %dma_start3A_76 = tpu.memref_slice %dma_start3A_74[%mul3A_6, %dma_start3A_75] : memref<2560x128xi32, #tpu.memory_space<hbm>> -> memref<8x128xi32, #tpu.memory_space<hbm>>
      tpu.enqueue_dma source(%dma_start3A_76 : memref<8x128xi32, #tpu.memory_space<hbm>>) target(%arg6 : memref<8x128xi32, #tpu.memory_space<vmem>>) target_semaphore(%run_scoped3A_64 : memref<!tpu.dma_semaphore, #tpu.memory_space<semaphore_mem>>)
      %dma_wait3A = arith.constant 0 : i32
      %dma_wait3A_77 = arith.constant 0 : i32
      %dma_wait3A_78 = tpu.memref_slice %arg3[%run_scoped3A_21, %dma_wait3A, %dma_wait3A_77] : memref<2x2560x128xi32, #tpu.memory_space<hbm>> -> memref<1x2560x128xi32, #tpu.memory_space<hbm>>
      %dma_wait3A_79 = tpu.memref_squeeze %dma_wait3A_78 : memref<1x2560x128xi32, #tpu.memory_space<hbm>> -> memref<2560x128xi32, #tpu.memory_space<hbm>>
      %dma_wait3A_80 = arith.constant 0 : i32
      %dma_wait3A_81 = tpu.memref_slice %dma_wait3A_79[%mul3A_6, %dma_wait3A_80] : memref<2560x128xi32, #tpu.memory_space<hbm>> -> memref<8x128xi32, #tpu.memory_space<hbm>>
      %dma_wait3A_82 = arith.constant 0 : i32
      %dma_wait3A_83 = arith.constant 0 : i32
      %dma_wait3A_84 = tpu.memref_slice %arg3[%run_scoped3A_21, %dma_wait3A_82, %dma_wait3A_83] : memref<2x2560x128xi32, #tpu.memory_space<hbm>> -> memref<1x2560x128xi32, #tpu.memory_space<hbm>>
      %dma_wait3A_85 = tpu.memref_squeeze %dma_wait3A_84 : memref<1x2560x128xi32, #tpu.memory_space<hbm>> -> memref<2560x128xi32, #tpu.memory_space<hbm>>
      %dma_wait3A_86 = arith.constant 0 : i32
      %dma_wait3A_87 = tpu.memref_slice %dma_wait3A_85[%mul3A_6, %dma_wait3A_86] : memref<2560x128xi32, #tpu.memory_space<hbm>> -> memref<8x128xi32, #tpu.memory_space<hbm>>
      tpu.wait_dma2 semaphore(%run_scoped3A_64 : memref<!tpu.dma_semaphore, #tpu.memory_space<semaphore_mem>>) src(%dma_wait3A_87 : memref<8x128xi32, #tpu.memory_space<hbm>>) dst(%arg6 : memref<8x128xi32, #tpu.memory_space<vmem>>)
      tpu.yield
    }) : () -> ()
    %dma_start3A = arith.constant 0 : i32
    %dma_start3A_22 = arith.constant 0 : i32
    %dma_start3A_23 = tpu.memref_slice %arg5[%dma_start3A, %dma_start3A_22] : memref<8x128xi32, #tpu.memory_space<vmem>> -> memref<1x128xi32, #tpu.memory_space<vmem>>
    %dma_start3A_24 = tpu.memref_squeeze %dma_start3A_23 : memref<1x128xi32, #tpu.memory_space<vmem>> -> memref<128xi32, #tpu.memory_space<vmem>>
    %dma_start3A_25 = arith.constant 0 : i32
    %dma_start3A_26 = arith.constant 0 : i32
    %dma_start3A_27 = tpu.memref_slice %arg2[%dma_start3A_25, %dma_start3A_26] : memref<10240x64xf32, #tpu.memory_space<hbm>> -> memref<10240x64xf32, #tpu.memory_space<hbm>>
    tpu.enqueue_indirect_dma source(%dma_start3A_27 : memref<10240x64xf32, #tpu.memory_space<hbm>>) target(%arg9 : memref<128x64xf32, #tpu.memory_space<vmem>>) offsets(%dma_start3A_24 : memref<128xi32, #tpu.memory_space<vmem>>) semaphore(%arg14 : memref<!tpu.dma_semaphore, #tpu.memory_space<semaphore_mem>>)
    %add3A_28 = arith.constant 8 : i32
    %add3A_29 = arith.addi %mul3A_6, %add3A_28 : i32
    %dma_start3A_30 = arith.constant 0 : i32
    %dma_start3A_31 = arith.constant 0 : i32
    %dma_start3A_32 = arith.constant 0 : i32
    %dma_start3A_33 = tpu.memref_slice %arg3[%dma_start3A_30, %dma_start3A_31, %dma_start3A_32] : memref<2x2560x128xi32, #tpu.memory_space<hbm>> -> memref<1x2560x128xi32, #tpu.memory_space<hbm>>
    %dma_start3A_34 = tpu.memref_squeeze %dma_start3A_33 : memref<1x2560x128xi32, #tpu.memory_space<hbm>> -> memref<2560x128xi32, #tpu.memory_space<hbm>>
    %dma_start3A_35 = arith.constant 0 : i32
    %dma_start3A_36 = tpu.memref_slice %dma_start3A_34[%add3A_29, %dma_start3A_35] : memref<2560x128xi32, #tpu.memory_space<hbm>> -> memref<8x128xi32, #tpu.memory_space<hbm>>
    %dma_start3A_37 = arith.constant 0 : i32
    %dma_start3A_38 = arith.constant 0 : i32
    %dma_start3A_39 = tpu.memref_slice %arg3[%dma_start3A_30, %dma_start3A_37, %dma_start3A_38] : memref<2x2560x128xi32, #tpu.memory_space<hbm>> -> memref<1x2560x128xi32, #tpu.memory_space<hbm>>
    %dma_start3A_40 = tpu.memref_squeeze %dma_start3A_39 : memref<1x2560x128xi32, #tpu.memory_space<hbm>> -> memref<2560x128xi32, #tpu.memory_space<hbm>>
    %dma_start3A_41 = arith.constant 0 : i32
    %dma_start3A_42 = tpu.memref_slice %dma_start3A_40[%add3A_29, %dma_start3A_41] : memref<2560x128xi32, #tpu.memory_space<hbm>> -> memref<8x128xi32, #tpu.memory_space<hbm>>
    tpu.enqueue_dma source(%dma_start3A_42 : memref<8x128xi32, #tpu.memory_space<hbm>>) target(%arg7 : memref<8x128xi32, #tpu.memory_space<vmem>>) target_semaphore(%arg13 : memref<!tpu.dma_semaphore, #tpu.memory_space<semaphore_mem>>)
    %add3A_43 = arith.constant 8 : i32
    %add3A_44 = arith.addi %mul3A_6, %add3A_43 : i32
    %dma_start3A_45 = arith.constant 1 : i32
    %dma_start3A_46 = arith.constant 0 : i32
    %dma_start3A_47 = arith.constant 0 : i32
    %dma_start3A_48 = tpu.memref_slice %arg3[%dma_start3A_45, %dma_start3A_46, %dma_start3A_47] : memref<2x2560x128xi32, #tpu.memory_space<hbm>> -> memref<1x2560x128xi32, #tpu.memory_space<hbm>>
    %dma_start3A_49 = tpu.memref_squeeze %dma_start3A_48 : memref<1x2560x128xi32, #tpu.memory_space<hbm>> -> memref<2560x128xi32, #tpu.memory_space<hbm>>
    %dma_start3A_50 = arith.constant 0 : i32
    %dma_start3A_51 = tpu.memref_slice %dma_start3A_49[%add3A_44, %dma_start3A_50] : memref<2560x128xi32, #tpu.memory_space<hbm>> -> memref<8x128xi32, #tpu.memory_space<hbm>>
    %dma_start3A_52 = arith.constant 0 : i32
    %dma_start3A_53 = arith.constant 0 : i32
    %dma_start3A_54 = tpu.memref_slice %arg3[%dma_start3A_45, %dma_start3A_52, %dma_start3A_53] : memref<2x2560x128xi32, #tpu.memory_space<hbm>> -> memref<1x2560x128xi32, #tpu.memory_space<hbm>>
    %dma_start3A_55 = tpu.memref_squeeze %dma_start3A_54 : memref<1x2560x128xi32, #tpu.memory_space<hbm>> -> memref<2560x128xi32, #tpu.memory_space<hbm>>
    %dma_start3A_56 = arith.constant 0 : i32
    %dma_start3A_57 = tpu.memref_slice %dma_start3A_55[%add3A_44, %dma_start3A_56] : memref<2560x128xi32, #tpu.memory_space<hbm>> -> memref<8x128xi32, #tpu.memory_space<hbm>>
    tpu.enqueue_dma source(%dma_start3A_57 : memref<8x128xi32, #tpu.memory_space<hbm>>) target(%arg8 : memref<8x128xi32, #tpu.memory_space<vmem>>) target_semaphore(%arg13 : memref<!tpu.dma_semaphore, #tpu.memory_space<semaphore_mem>>)
    %barrier3A = arith.constant 0 : index
    tpu.barrier barrier_id(%barrier3A)
    %scan3A_58 = arith.constant 0 : i32
    %scan3A_59 = arith.constant 5 : i32
    %scan3A_60 = arith.addi %scan3A_58, %scan3A_59 : i32
    %scan3A_61 = arith.constant 1 : i32
    scf.for %scan3A_64 = %scan3A_58 to %scan3A_60 step %scan3A_61  : i32 {
      %mul3A_65 = arith.constant 2 : i32
      %mul3A_66 = arith.muli %scan3A_64, %mul3A_65 : i32
      %add3A_67 = arith.constant 0 : i32
      %add3A_68 = arith.addi %add3A_67, %mul3A_66 : i32
      %add3A_69 = arith.constant 0 : i32
      %add3A_70 = arith.addi %add3A_68, %add3A_69 : i32
      %dma_start3A_71 = arith.constant 1 : i32
      %dma_start3A_72 = arith.constant 0 : i32
      %dma_start3A_73 = tpu.memref_slice %arg5[%dma_start3A_71, %dma_start3A_72] : memref<8x128xi32, #tpu.memory_space<vmem>> -> memref<1x128xi32, #tpu.memory_space<vmem>>
      %dma_start3A_74 = tpu.memref_squeeze %dma_start3A_73 : memref<1x128xi32, #tpu.memory_space<vmem>> -> memref<128xi32, #tpu.memory_space<vmem>>
      %dma_start3A_75 = arith.constant 0 : i32
      %dma_start3A_76 = arith.constant 0 : i32
      %dma_start3A_77 = tpu.memref_slice %arg2[%dma_start3A_75, %dma_start3A_76] : memref<10240x64xf32, #tpu.memory_space<hbm>> -> memref<10240x64xf32, #tpu.memory_space<hbm>>
      tpu.enqueue_indirect_dma source(%dma_start3A_77 : memref<10240x64xf32, #tpu.memory_space<hbm>>) target(%arg10 : memref<128x64xf32, #tpu.memory_space<vmem>>) offsets(%dma_start3A_74 : memref<128xi32, #tpu.memory_space<vmem>>) semaphore(%arg15 : memref<!tpu.dma_semaphore, #tpu.memory_space<semaphore_mem>>)
      %dma_wait3A = arith.constant 0 : i32
      %dma_wait3A_78 = arith.constant 0 : i32
      %dma_wait3A_79 = tpu.memref_slice %arg5[%dma_wait3A, %dma_wait3A_78] : memref<8x128xi32, #tpu.memory_space<vmem>> -> memref<1x128xi32, #tpu.memory_space<vmem>>
      %dma_wait3A_80 = tpu.memref_squeeze %dma_wait3A_79 : memref<1x128xi32, #tpu.memory_space<vmem>> -> memref<128xi32, #tpu.memory_space<vmem>>
      %dma_wait3A_81 = arith.constant 0 : i32
      %dma_wait3A_82 = arith.constant 0 : i32
      %dma_wait3A_83 = tpu.memref_slice %arg2[%dma_wait3A_81, %dma_wait3A_82] : memref<10240x64xf32, #tpu.memory_space<hbm>> -> memref<10240x64xf32, #tpu.memory_space<hbm>>
      tpu.wait_indirect_dma semaphore(%arg14 : memref<!tpu.dma_semaphore, #tpu.memory_space<semaphore_mem>>) src(%dma_wait3A_83 : memref<10240x64xf32, #tpu.memory_space<hbm>>) dst(%arg9 : memref<128x64xf32, #tpu.memory_space<vmem>>)
      %dma_start3A_84 = arith.constant 0 : i32
      %dma_start3A_85 = arith.constant 0 : i32
      %dma_start3A_86 = tpu.memref_slice %arg6[%dma_start3A_84, %dma_start3A_85] : memref<8x128xi32, #tpu.memory_space<vmem>> -> memref<1x128xi32, #tpu.memory_space<vmem>>
      %dma_start3A_87 = tpu.memref_squeeze %dma_start3A_86 : memref<1x128xi32, #tpu.memory_space<vmem>> -> memref<128xi32, #tpu.memory_space<vmem>>
      %dma_start3A_88 = arith.constant 0 : i32
      %dma_start3A_89 = arith.constant 0 : i32
      %dma_start3A_90 = tpu.memref_slice %arg11[%dma_start3A_88, %dma_start3A_89] : memref<10240x64xf32, #tpu.memory_space<vmem_shared>> -> memref<10240x64xf32, #tpu.memory_space<vmem_shared>>
      tpu.enqueue_indirect_dma source(%arg9 : memref<128x64xf32, #tpu.memory_space<vmem>>) target(%dma_start3A_90 : memref<10240x64xf32, #tpu.memory_space<vmem_shared>>) offsets(%dma_start3A_87 : memref<128xi32, #tpu.memory_space<vmem>>) semaphore(%arg16 : memref<!tpu.dma_semaphore, #tpu.memory_space<semaphore_mem>>) {add = true}
      %dma_wait3A_91 = arith.constant 0 : i32
      %dma_wait3A_92 = arith.constant 0 : i32
      %dma_wait3A_93 = tpu.memref_slice %arg6[%dma_wait3A_91, %dma_wait3A_92] : memref<8x128xi32, #tpu.memory_space<vmem>> -> memref<1x128xi32, #tpu.memory_space<vmem>>
      %dma_wait3A_94 = tpu.memref_squeeze %dma_wait3A_93 : memref<1x128xi32, #tpu.memory_space<vmem>> -> memref<128xi32, #tpu.memory_space<vmem>>
      %dma_wait3A_95 = arith.constant 0 : i32
      %dma_wait3A_96 = arith.constant 0 : i32
      %dma_wait3A_97 = tpu.memref_slice %arg11[%dma_wait3A_95, %dma_wait3A_96] : memref<10240x64xf32, #tpu.memory_space<vmem_shared>> -> memref<10240x64xf32, #tpu.memory_space<vmem_shared>>
      tpu.wait_indirect_dma semaphore(%arg16 : memref<!tpu.dma_semaphore, #tpu.memory_space<semaphore_mem>>) src(%arg9 : memref<128x64xf32, #tpu.memory_space<vmem>>) dst(%dma_wait3A_97 : memref<10240x64xf32, #tpu.memory_space<vmem_shared>>)
      %dma_start3A_98 = arith.constant 2 : i32
      %dma_start3A_99 = arith.constant 0 : i32
      %dma_start3A_100 = tpu.memref_slice %arg5[%dma_start3A_98, %dma_start3A_99] : memref<8x128xi32, #tpu.memory_space<vmem>> -> memref<1x128xi32, #tpu.memory_space<vmem>>
      %dma_start3A_101 = tpu.memref_squeeze %dma_start3A_100 : memref<1x128xi32, #tpu.memory_space<vmem>> -> memref<128xi32, #tpu.memory_space<vmem>>
      %dma_start3A_102 = arith.constant 0 : i32
      %dma_start3A_103 = arith.constant 0 : i32
      %dma_start3A_104 = tpu.memref_slice %arg2[%dma_start3A_102, %dma_start3A_103] : memref<10240x64xf32, #tpu.memory_space<hbm>> -> memref<10240x64xf32, #tpu.memory_space<hbm>>
      tpu.enqueue_indirect_dma source(%dma_start3A_104 : memref<10240x64xf32, #tpu.memory_space<hbm>>) target(%arg9 : memref<128x64xf32, #tpu.memory_space<vmem>>) offsets(%dma_start3A_101 : memref<128xi32, #tpu.memory_space<vmem>>) semaphore(%arg14 : memref<!tpu.dma_semaphore, #tpu.memory_space<semaphore_mem>>)
      %dma_wait3A_105 = arith.constant 1 : i32
      %dma_wait3A_106 = arith.constant 0 : i32
      %dma_wait3A_107 = tpu.memref_slice %arg5[%dma_wait3A_105, %dma_wait3A_106] : memref<8x128xi32, #tpu.memory_space<vmem>> -> memref<1x128xi32, #tpu.memory_space<vmem>>
      %dma_wait3A_108 = tpu.memref_squeeze %dma_wait3A_107 : memref<1x128xi32, #tpu.memory_space<vmem>> -> memref<128xi32, #tpu.memory_space<vmem>>
      %dma_wait3A_109 = arith.constant 0 : i32
      %dma_wait3A_110 = arith.constant 0 : i32
      %dma_wait3A_111 = tpu.memref_slice %arg2[%dma_wait3A_109, %dma_wait3A_110] : memref<10240x64xf32, #tpu.memory_space<hbm>> -> memref<10240x64xf32, #tpu.memory_space<hbm>>
      tpu.wait_indirect_dma semaphore(%arg15 : memref<!tpu.dma_semaphore, #tpu.memory_space<semaphore_mem>>) src(%dma_wait3A_111 : memref<10240x64xf32, #tpu.memory_space<hbm>>) dst(%arg10 : memref<128x64xf32, #tpu.memory_space<vmem>>)
      %dma_start3A_112 = arith.constant 1 : i32
      %dma_start3A_113 = arith.constant 0 : i32
      %dma_start3A_114 = tpu.memref_slice %arg6[%dma_start3A_112, %dma_start3A_113] : memref<8x128xi32, #tpu.memory_space<vmem>> -> memref<1x128xi32, #tpu.memory_space<vmem>>
      %dma_start3A_115 = tpu.memref_squeeze %dma_start3A_114 : memref<1x128xi32, #tpu.memory_space<vmem>> -> memref<128xi32, #tpu.memory_space<vmem>>
      %dma_start3A_116 = arith.constant 0 : i32
      %dma_start3A_117 = arith.constant 0 : i32
      %dma_start3A_118 = tpu.memref_slice %arg11[%dma_start3A_116, %dma_start3A_117] : memref<10240x64xf32, #tpu.memory_space<vmem_shared>> -> memref<10240x64xf32, #tpu.memory_space<vmem_shared>>
      tpu.enqueue_indirect_dma source(%arg10 : memref<128x64xf32, #tpu.memory_space<vmem>>) target(%dma_start3A_118 : memref<10240x64xf32, #tpu.memory_space<vmem_shared>>) offsets(%dma_start3A_115 : memref<128xi32, #tpu.memory_space<vmem>>) semaphore(%arg17 : memref<!tpu.dma_semaphore, #tpu.memory_space<semaphore_mem>>) {add = true}
      %dma_wait3A_119 = arith.constant 1 : i32
      %dma_wait3A_120 = arith.constant 0 : i32
      %dma_wait3A_121 = tpu.memref_slice %arg6[%dma_wait3A_119, %dma_wait3A_120] : memref<8x128xi32, #tpu.memory_space<vmem>> -> memref<1x128xi32, #tpu.memory_space<vmem>>
      %dma_wait3A_122 = tpu.memref_squeeze %dma_wait3A_121 : memref<1x128xi32, #tpu.memory_space<vmem>> -> memref<128xi32, #tpu.memory_space<vmem>>
      %dma_wait3A_123 = arith.constant 0 : i32
      %dma_wait3A_124 = arith.constant 0 : i32
      %dma_wait3A_125 = tpu.memref_slice %arg11[%dma_wait3A_123, %dma_wait3A_124] : memref<10240x64xf32, #tpu.memory_space<vmem_shared>> -> memref<10240x64xf32, #tpu.memory_space<vmem_shared>>
      tpu.wait_indirect_dma semaphore(%arg17 : memref<!tpu.dma_semaphore, #tpu.memory_space<semaphore_mem>>) src(%arg10 : memref<128x64xf32, #tpu.memory_space<vmem>>) dst(%dma_wait3A_125 : memref<10240x64xf32, #tpu.memory_space<vmem_shared>>)
      %dma_start3A_126 = arith.constant 3 : i32
      %dma_start3A_127 = arith.constant 0 : i32
      %dma_start3A_128 = tpu.memref_slice %arg5[%dma_start3A_126, %dma_start3A_127] : memref<8x128xi32, #tpu.memory_space<vmem>> -> memref<1x128xi32, #tpu.memory_space<vmem>>
      %dma_start3A_129 = tpu.memref_squeeze %dma_start3A_128 : memref<1x128xi32, #tpu.memory_space<vmem>> -> memref<128xi32, #tpu.memory_space<vmem>>
      %dma_start3A_130 = arith.constant 0 : i32
      %dma_start3A_131 = arith.constant 0 : i32
      %dma_start3A_132 = tpu.memref_slice %arg2[%dma_start3A_130, %dma_start3A_131] : memref<10240x64xf32, #tpu.memory_space<hbm>> -> memref<10240x64xf32, #tpu.memory_space<hbm>>
      tpu.enqueue_indirect_dma source(%dma_start3A_132 : memref<10240x64xf32, #tpu.memory_space<hbm>>) target(%arg10 : memref<128x64xf32, #tpu.memory_space<vmem>>) offsets(%dma_start3A_129 : memref<128xi32, #tpu.memory_space<vmem>>) semaphore(%arg15 : memref<!tpu.dma_semaphore, #tpu.memory_space<semaphore_mem>>)
      %dma_wait3A_133 = arith.constant 2 : i32
      %dma_wait3A_134 = arith.constant 0 : i32
      %dma_wait3A_135 = tpu.memref_slice %arg5[%dma_wait3A_133, %dma_wait3A_134] : memref<8x128xi32, #tpu.memory_space<vmem>> -> memref<1x128xi32, #tpu.memory_space<vmem>>
      %dma_wait3A_136 = tpu.memref_squeeze %dma_wait3A_135 : memref<1x128xi32, #tpu.memory_space<vmem>> -> memref<128xi32, #tpu.memory_space<vmem>>
      %dma_wait3A_137 = arith.constant 0 : i32
      %dma_wait3A_138 = arith.constant 0 : i32
      %dma_wait3A_139 = tpu.memref_slice %arg2[%dma_wait3A_137, %dma_wait3A_138] : memref<10240x64xf32, #tpu.memory_space<hbm>> -> memref<10240x64xf32, #tpu.memory_space<hbm>>
      tpu.wait_indirect_dma semaphore(%arg14 : memref<!tpu.dma_semaphore, #tpu.memory_space<semaphore_mem>>) src(%dma_wait3A_139 : memref<10240x64xf32, #tpu.memory_space<hbm>>) dst(%arg9 : memref<128x64xf32, #tpu.memory_space<vmem>>)
      %dma_start3A_140 = arith.constant 2 : i32
      %dma_start3A_141 = arith.constant 0 : i32
      %dma_start3A_142 = tpu.memref_slice %arg6[%dma_start3A_140, %dma_start3A_141] : memref<8x128xi32, #tpu.memory_space<vmem>> -> memref<1x128xi32, #tpu.memory_space<vmem>>
      %dma_start3A_143 = tpu.memref_squeeze %dma_start3A_142 : memref<1x128xi32, #tpu.memory_space<vmem>> -> memref<128xi32, #tpu.memory_space<vmem>>
      %dma_start3A_144 = arith.constant 0 : i32
      %dma_start3A_145 = arith.constant 0 : i32
      %dma_start3A_146 = tpu.memref_slice %arg11[%dma_start3A_144, %dma_start3A_145] : memref<10240x64xf32, #tpu.memory_space<vmem_shared>> -> memref<10240x64xf32, #tpu.memory_space<vmem_shared>>
      tpu.enqueue_indirect_dma source(%arg9 : memref<128x64xf32, #tpu.memory_space<vmem>>) target(%dma_start3A_146 : memref<10240x64xf32, #tpu.memory_space<vmem_shared>>) offsets(%dma_start3A_143 : memref<128xi32, #tpu.memory_space<vmem>>) semaphore(%arg16 : memref<!tpu.dma_semaphore, #tpu.memory_space<semaphore_mem>>) {add = true}
      %dma_wait3A_147 = arith.constant 2 : i32
      %dma_wait3A_148 = arith.constant 0 : i32
      %dma_wait3A_149 = tpu.memref_slice %arg6[%dma_wait3A_147, %dma_wait3A_148] : memref<8x128xi32, #tpu.memory_space<vmem>> -> memref<1x128xi32, #tpu.memory_space<vmem>>
      %dma_wait3A_150 = tpu.memref_squeeze %dma_wait3A_149 : memref<1x128xi32, #tpu.memory_space<vmem>> -> memref<128xi32, #tpu.memory_space<vmem>>
      %dma_wait3A_151 = arith.constant 0 : i32
      %dma_wait3A_152 = arith.constant 0 : i32
      %dma_wait3A_153 = tpu.memref_slice %arg11[%dma_wait3A_151, %dma_wait3A_152] : memref<10240x64xf32, #tpu.memory_space<vmem_shared>> -> memref<10240x64xf32, #tpu.memory_space<vmem_shared>>
      tpu.wait_indirect_dma semaphore(%arg16 : memref<!tpu.dma_semaphore, #tpu.memory_space<semaphore_mem>>) src(%arg9 : memref<128x64xf32, #tpu.memory_space<vmem>>) dst(%dma_wait3A_153 : memref<10240x64xf32, #tpu.memory_space<vmem_shared>>)
      %dma_start3A_154 = arith.constant 4 : i32
      %dma_start3A_155 = arith.constant 0 : i32
      %dma_start3A_156 = tpu.memref_slice %arg5[%dma_start3A_154, %dma_start3A_155] : memref<8x128xi32, #tpu.memory_space<vmem>> -> memref<1x128xi32, #tpu.memory_space<vmem>>
      %dma_start3A_157 = tpu.memref_squeeze %dma_start3A_156 : memref<1x128xi32, #tpu.memory_space<vmem>> -> memref<128xi32, #tpu.memory_space<vmem>>
      %dma_start3A_158 = arith.constant 0 : i32
      %dma_start3A_159 = arith.constant 0 : i32
      %dma_start3A_160 = tpu.memref_slice %arg2[%dma_start3A_158, %dma_start3A_159] : memref<10240x64xf32, #tpu.memory_space<hbm>> -> memref<10240x64xf32, #tpu.memory_space<hbm>>
      tpu.enqueue_indirect_dma source(%dma_start3A_160 : memref<10240x64xf32, #tpu.memory_space<hbm>>) target(%arg9 : memref<128x64xf32, #tpu.memory_space<vmem>>) offsets(%dma_start3A_157 : memref<128xi32, #tpu.memory_space<vmem>>) semaphore(%arg14 : memref<!tpu.dma_semaphore, #tpu.memory_space<semaphore_mem>>)
      %dma_wait3A_161 = arith.constant 3 : i32
      %dma_wait3A_162 = arith.constant 0 : i32
      %dma_wait3A_163 = tpu.memref_slice %arg5[%dma_wait3A_161, %dma_wait3A_162] : memref<8x128xi32, #tpu.memory_space<vmem>> -> memref<1x128xi32, #tpu.memory_space<vmem>>
      %dma_wait3A_164 = tpu.memref_squeeze %dma_wait3A_163 : memref<1x128xi32, #tpu.memory_space<vmem>> -> memref<128xi32, #tpu.memory_space<vmem>>
      %dma_wait3A_165 = arith.constant 0 : i32
      %dma_wait3A_166 = arith.constant 0 : i32
      %dma_wait3A_167 = tpu.memref_slice %arg2[%dma_wait3A_165, %dma_wait3A_166] : memref<10240x64xf32, #tpu.memory_space<hbm>> -> memref<10240x64xf32, #tpu.memory_space<hbm>>
      tpu.wait_indirect_dma semaphore(%arg15 : memref<!tpu.dma_semaphore, #tpu.memory_space<semaphore_mem>>) src(%dma_wait3A_167 : memref<10240x64xf32, #tpu.memory_space<hbm>>) dst(%arg10 : memref<128x64xf32, #tpu.memory_space<vmem>>)
      %dma_start3A_168 = arith.constant 3 : i32
      %dma_start3A_169 = arith.constant 0 : i32
      %dma_start3A_170 = tpu.memref_slice %arg6[%dma_start3A_168, %dma_start3A_169] : memref<8x128xi32, #tpu.memory_space<vmem>> -> memref<1x128xi32, #tpu.memory_space<vmem>>
      %dma_start3A_171 = tpu.memref_squeeze %dma_start3A_170 : memref<1x128xi32, #tpu.memory_space<vmem>> -> memref<128xi32, #tpu.memory_space<vmem>>
      %dma_start3A_172 = arith.constant 0 : i32
      %dma_start3A_173 = arith.constant 0 : i32
      %dma_start3A_174 = tpu.memref_slice %arg11[%dma_start3A_172, %dma_start3A_173] : memref<10240x64xf32, #tpu.memory_space<vmem_shared>> -> memref<10240x64xf32, #tpu.memory_space<vmem_shared>>
      tpu.enqueue_indirect_dma source(%arg10 : memref<128x64xf32, #tpu.memory_space<vmem>>) target(%dma_start3A_174 : memref<10240x64xf32, #tpu.memory_space<vmem_shared>>) offsets(%dma_start3A_171 : memref<128xi32, #tpu.memory_space<vmem>>) semaphore(%arg17 : memref<!tpu.dma_semaphore, #tpu.memory_space<semaphore_mem>>) {add = true}
      %dma_wait3A_175 = arith.constant 3 : i32
      %dma_wait3A_176 = arith.constant 0 : i32
      %dma_wait3A_177 = tpu.memref_slice %arg6[%dma_wait3A_175, %dma_wait3A_176] : memref<8x128xi32, #tpu.memory_space<vmem>> -> memref<1x128xi32, #tpu.memory_space<vmem>>
      %dma_wait3A_178 = tpu.memref_squeeze %dma_wait3A_177 : memref<1x128xi32, #tpu.memory_space<vmem>> -> memref<128xi32, #tpu.memory_space<vmem>>
      %dma_wait3A_179 = arith.constant 0 : i32
      %dma_wait3A_180 = arith.constant 0 : i32
      %dma_wait3A_181 = tpu.memref_slice %arg11[%dma_wait3A_179, %dma_wait3A_180] : memref<10240x64xf32, #tpu.memory_space<vmem_shared>> -> memref<10240x64xf32, #tpu.memory_space<vmem_shared>>
      tpu.wait_indirect_dma semaphore(%arg17 : memref<!tpu.dma_semaphore, #tpu.memory_space<semaphore_mem>>) src(%arg10 : memref<128x64xf32, #tpu.memory_space<vmem>>) dst(%dma_wait3A_181 : memref<10240x64xf32, #tpu.memory_space<vmem_shared>>)
      %dma_start3A_182 = arith.constant 5 : i32
      %dma_start3A_183 = arith.constant 0 : i32
      %dma_start3A_184 = tpu.memref_slice %arg5[%dma_start3A_182, %dma_start3A_183] : memref<8x128xi32, #tpu.memory_space<vmem>> -> memref<1x128xi32, #tpu.memory_space<vmem>>
      %dma_start3A_185 = tpu.memref_squeeze %dma_start3A_184 : memref<1x128xi32, #tpu.memory_space<vmem>> -> memref<128xi32, #tpu.memory_space<vmem>>
      %dma_start3A_186 = arith.constant 0 : i32
      %dma_start3A_187 = arith.constant 0 : i32
      %dma_start3A_188 = tpu.memref_slice %arg2[%dma_start3A_186, %dma_start3A_187] : memref<10240x64xf32, #tpu.memory_space<hbm>> -> memref<10240x64xf32, #tpu.memory_space<hbm>>
      tpu.enqueue_indirect_dma source(%dma_start3A_188 : memref<10240x64xf32, #tpu.memory_space<hbm>>) target(%arg10 : memref<128x64xf32, #tpu.memory_space<vmem>>) offsets(%dma_start3A_185 : memref<128xi32, #tpu.memory_space<vmem>>) semaphore(%arg15 : memref<!tpu.dma_semaphore, #tpu.memory_space<semaphore_mem>>)
      %dma_wait3A_189 = arith.constant 4 : i32
      %dma_wait3A_190 = arith.constant 0 : i32
      %dma_wait3A_191 = tpu.memref_slice %arg5[%dma_wait3A_189, %dma_wait3A_190] : memref<8x128xi32, #tpu.memory_space<vmem>> -> memref<1x128xi32, #tpu.memory_space<vmem>>
      %dma_wait3A_192 = tpu.memref_squeeze %dma_wait3A_191 : memref<1x128xi32, #tpu.memory_space<vmem>> -> memref<128xi32, #tpu.memory_space<vmem>>
      %dma_wait3A_193 = arith.constant 0 : i32
      %dma_wait3A_194 = arith.constant 0 : i32
      %dma_wait3A_195 = tpu.memref_slice %arg2[%dma_wait3A_193, %dma_wait3A_194] : memref<10240x64xf32, #tpu.memory_space<hbm>> -> memref<10240x64xf32, #tpu.memory_space<hbm>>
      tpu.wait_indirect_dma semaphore(%arg14 : memref<!tpu.dma_semaphore, #tpu.memory_space<semaphore_mem>>) src(%dma_wait3A_195 : memref<10240x64xf32, #tpu.memory_space<hbm>>) dst(%arg9 : memref<128x64xf32, #tpu.memory_space<vmem>>)
      %dma_start3A_196 = arith.constant 4 : i32
      %dma_start3A_197 = arith.constant 0 : i32
      %dma_start3A_198 = tpu.memref_slice %arg6[%dma_start3A_196, %dma_start3A_197] : memref<8x128xi32, #tpu.memory_space<vmem>> -> memref<1x128xi32, #tpu.memory_space<vmem>>
      %dma_start3A_199 = tpu.memref_squeeze %dma_start3A_198 : memref<1x128xi32, #tpu.memory_space<vmem>> -> memref<128xi32, #tpu.memory_space<vmem>>
      %dma_start3A_200 = arith.constant 0 : i32
      %dma_start3A_201 = arith.constant 0 : i32
      %dma_start3A_202 = tpu.memref_slice %arg11[%dma_start3A_200, %dma_start3A_201] : memref<10240x64xf32, #tpu.memory_space<vmem_shared>> -> memref<10240x64xf32, #tpu.memory_space<vmem_shared>>
      tpu.enqueue_indirect_dma source(%arg9 : memref<128x64xf32, #tpu.memory_space<vmem>>) target(%dma_start3A_202 : memref<10240x64xf32, #tpu.memory_space<vmem_shared>>) offsets(%dma_start3A_199 : memref<128xi32, #tpu.memory_space<vmem>>) semaphore(%arg16 : memref<!tpu.dma_semaphore, #tpu.memory_space<semaphore_mem>>) {add = true}
      %dma_wait3A_203 = arith.constant 4 : i32
      %dma_wait3A_204 = arith.constant 0 : i32
      %dma_wait3A_205 = tpu.memref_slice %arg6[%dma_wait3A_203, %dma_wait3A_204] : memref<8x128xi32, #tpu.memory_space<vmem>> -> memref<1x128xi32, #tpu.memory_space<vmem>>
      %dma_wait3A_206 = tpu.memref_squeeze %dma_wait3A_205 : memref<1x128xi32, #tpu.memory_space<vmem>> -> memref<128xi32, #tpu.memory_space<vmem>>
      %dma_wait3A_207 = arith.constant 0 : i32
      %dma_wait3A_208 = arith.constant 0 : i32
      %dma_wait3A_209 = tpu.memref_slice %arg11[%dma_wait3A_207, %dma_wait3A_208] : memref<10240x64xf32, #tpu.memory_space<vmem_shared>> -> memref<10240x64xf32, #tpu.memory_space<vmem_shared>>
      tpu.wait_indirect_dma semaphore(%arg16 : memref<!tpu.dma_semaphore, #tpu.memory_space<semaphore_mem>>) src(%arg9 : memref<128x64xf32, #tpu.memory_space<vmem>>) dst(%dma_wait3A_209 : memref<10240x64xf32, #tpu.memory_space<vmem_shared>>)
      %dma_start3A_210 = arith.constant 6 : i32
      %dma_start3A_211 = arith.constant 0 : i32
      %dma_start3A_212 = tpu.memref_slice %arg5[%dma_start3A_210, %dma_start3A_211] : memref<8x128xi32, #tpu.memory_space<vmem>> -> memref<1x128xi32, #tpu.memory_space<vmem>>
      %dma_start3A_213 = tpu.memref_squeeze %dma_start3A_212 : memref<1x128xi32, #tpu.memory_space<vmem>> -> memref<128xi32, #tpu.memory_space<vmem>>
      %dma_start3A_214 = arith.constant 0 : i32
      %dma_start3A_215 = arith.constant 0 : i32
      %dma_start3A_216 = tpu.memref_slice %arg2[%dma_start3A_214, %dma_start3A_215] : memref<10240x64xf32, #tpu.memory_space<hbm>> -> memref<10240x64xf32, #tpu.memory_space<hbm>>
      tpu.enqueue_indirect_dma source(%dma_start3A_216 : memref<10240x64xf32, #tpu.memory_space<hbm>>) target(%arg9 : memref<128x64xf32, #tpu.memory_space<vmem>>) offsets(%dma_start3A_213 : memref<128xi32, #tpu.memory_space<vmem>>) semaphore(%arg14 : memref<!tpu.dma_semaphore, #tpu.memory_space<semaphore_mem>>)
      %dma_wait3A_217 = arith.constant 5 : i32
      %dma_wait3A_218 = arith.constant 0 : i32
      %dma_wait3A_219 = tpu.memref_slice %arg5[%dma_wait3A_217, %dma_wait3A_218] : memref<8x128xi32, #tpu.memory_space<vmem>> -> memref<1x128xi32, #tpu.memory_space<vmem>>
      %dma_wait3A_220 = tpu.memref_squeeze %dma_wait3A_219 : memref<1x128xi32, #tpu.memory_space<vmem>> -> memref<128xi32, #tpu.memory_space<vmem>>
      %dma_wait3A_221 = arith.constant 0 : i32
      %dma_wait3A_222 = arith.constant 0 : i32
      %dma_wait3A_223 = tpu.memref_slice %arg2[%dma_wait3A_221, %dma_wait3A_222] : memref<10240x64xf32, #tpu.memory_space<hbm>> -> memref<10240x64xf32, #tpu.memory_space<hbm>>
      tpu.wait_indirect_dma semaphore(%arg15 : memref<!tpu.dma_semaphore, #tpu.memory_space<semaphore_mem>>) src(%dma_wait3A_223 : memref<10240x64xf32, #tpu.memory_space<hbm>>) dst(%arg10 : memref<128x64xf32, #tpu.memory_space<vmem>>)
      %dma_start3A_224 = arith.constant 5 : i32
      %dma_start3A_225 = arith.constant 0 : i32
      %dma_start3A_226 = tpu.memref_slice %arg6[%dma_start3A_224, %dma_start3A_225] : memref<8x128xi32, #tpu.memory_space<vmem>> -> memref<1x128xi32, #tpu.memory_space<vmem>>
      %dma_start3A_227 = tpu.memref_squeeze %dma_start3A_226 : memref<1x128xi32, #tpu.memory_space<vmem>> -> memref<128xi32, #tpu.memory_space<vmem>>
      %dma_start3A_228 = arith.constant 0 : i32
      %dma_start3A_229 = arith.constant 0 : i32
      %dma_start3A_230 = tpu.memref_slice %arg11[%dma_start3A_228, %dma_start3A_229] : memref<10240x64xf32, #tpu.memory_space<vmem_shared>> -> memref<10240x64xf32, #tpu.memory_space<vmem_shared>>
      tpu.enqueue_indirect_dma source(%arg10 : memref<128x64xf32, #tpu.memory_space<vmem>>) target(%dma_start3A_230 : memref<10240x64xf32, #tpu.memory_space<vmem_shared>>) offsets(%dma_start3A_227 : memref<128xi32, #tpu.memory_space<vmem>>) semaphore(%arg17 : memref<!tpu.dma_semaphore, #tpu.memory_space<semaphore_mem>>) {add = true}
      %dma_wait3A_231 = arith.constant 5 : i32
      %dma_wait3A_232 = arith.constant 0 : i32
      %dma_wait3A_233 = tpu.memref_slice %arg6[%dma_wait3A_231, %dma_wait3A_232] : memref<8x128xi32, #tpu.memory_space<vmem>> -> memref<1x128xi32, #tpu.memory_space<vmem>>
      %dma_wait3A_234 = tpu.memref_squeeze %dma_wait3A_233 : memref<1x128xi32, #tpu.memory_space<vmem>> -> memref<128xi32, #tpu.memory_space<vmem>>
      %dma_wait3A_235 = arith.constant 0 : i32
      %dma_wait3A_236 = arith.constant 0 : i32
      %dma_wait3A_237 = tpu.memref_slice %arg11[%dma_wait3A_235, %dma_wait3A_236] : memref<10240x64xf32, #tpu.memory_space<vmem_shared>> -> memref<10240x64xf32, #tpu.memory_space<vmem_shared>>
      tpu.wait_indirect_dma semaphore(%arg17 : memref<!tpu.dma_semaphore, #tpu.memory_space<semaphore_mem>>) src(%arg10 : memref<128x64xf32, #tpu.memory_space<vmem>>) dst(%dma_wait3A_237 : memref<10240x64xf32, #tpu.memory_space<vmem_shared>>)
      %dma_start3A_238 = arith.constant 7 : i32
      %dma_start3A_239 = arith.constant 0 : i32
      %dma_start3A_240 = tpu.memref_slice %arg5[%dma_start3A_238, %dma_start3A_239] : memref<8x128xi32, #tpu.memory_space<vmem>> -> memref<1x128xi32, #tpu.memory_space<vmem>>
      %dma_start3A_241 = tpu.memref_squeeze %dma_start3A_240 : memref<1x128xi32, #tpu.memory_space<vmem>> -> memref<128xi32, #tpu.memory_space<vmem>>
      %dma_start3A_242 = arith.constant 0 : i32
      %dma_start3A_243 = arith.constant 0 : i32
      %dma_start3A_244 = tpu.memref_slice %arg2[%dma_start3A_242, %dma_start3A_243] : memref<10240x64xf32, #tpu.memory_space<hbm>> -> memref<10240x64xf32, #tpu.memory_space<hbm>>
      tpu.enqueue_indirect_dma source(%dma_start3A_244 : memref<10240x64xf32, #tpu.memory_space<hbm>>) target(%arg10 : memref<128x64xf32, #tpu.memory_space<vmem>>) offsets(%dma_start3A_241 : memref<128xi32, #tpu.memory_space<vmem>>) semaphore(%arg15 : memref<!tpu.dma_semaphore, #tpu.memory_space<semaphore_mem>>)
      %dma_wait3A_245 = arith.constant 6 : i32
      %dma_wait3A_246 = arith.constant 0 : i32
      %dma_wait3A_247 = tpu.memref_slice %arg5[%dma_wait3A_245, %dma_wait3A_246] : memref<8x128xi32, #tpu.memory_space<vmem>> -> memref<1x128xi32, #tpu.memory_space<vmem>>
      %dma_wait3A_248 = tpu.memref_squeeze %dma_wait3A_247 : memref<1x128xi32, #tpu.memory_space<vmem>> -> memref<128xi32, #tpu.memory_space<vmem>>
      %dma_wait3A_249 = arith.constant 0 : i32
      %dma_wait3A_250 = arith.constant 0 : i32
      %dma_wait3A_251 = tpu.memref_slice %arg2[%dma_wait3A_249, %dma_wait3A_250] : memref<10240x64xf32, #tpu.memory_space<hbm>> -> memref<10240x64xf32, #tpu.memory_space<hbm>>
      tpu.wait_indirect_dma semaphore(%arg14 : memref<!tpu.dma_semaphore, #tpu.memory_space<semaphore_mem>>) src(%dma_wait3A_251 : memref<10240x64xf32, #tpu.memory_space<hbm>>) dst(%arg9 : memref<128x64xf32, #tpu.memory_space<vmem>>)
      %dma_start3A_252 = arith.constant 6 : i32
      %dma_start3A_253 = arith.constant 0 : i32
      %dma_start3A_254 = tpu.memref_slice %arg6[%dma_start3A_252, %dma_start3A_253] : memref<8x128xi32, #tpu.memory_space<vmem>> -> memref<1x128xi32, #tpu.memory_space<vmem>>
      %dma_start3A_255 = tpu.memref_squeeze %dma_start3A_254 : memref<1x128xi32, #tpu.memory_space<vmem>> -> memref<128xi32, #tpu.memory_space<vmem>>
      %dma_start3A_256 = arith.constant 0 : i32
      %dma_start3A_257 = arith.constant 0 : i32
      %dma_start3A_258 = tpu.memref_slice %arg11[%dma_start3A_256, %dma_start3A_257] : memref<10240x64xf32, #tpu.memory_space<vmem_shared>> -> memref<10240x64xf32, #tpu.memory_space<vmem_shared>>
      tpu.enqueue_indirect_dma source(%arg9 : memref<128x64xf32, #tpu.memory_space<vmem>>) target(%dma_start3A_258 : memref<10240x64xf32, #tpu.memory_space<vmem_shared>>) offsets(%dma_start3A_255 : memref<128xi32, #tpu.memory_space<vmem>>) semaphore(%arg16 : memref<!tpu.dma_semaphore, #tpu.memory_space<semaphore_mem>>) {add = true}
      %dma_wait3A_259 = arith.constant 6 : i32
      %dma_wait3A_260 = arith.constant 0 : i32
      %dma_wait3A_261 = tpu.memref_slice %arg6[%dma_wait3A_259, %dma_wait3A_260] : memref<8x128xi32, #tpu.memory_space<vmem>> -> memref<1x128xi32, #tpu.memory_space<vmem>>
      %dma_wait3A_262 = tpu.memref_squeeze %dma_wait3A_261 : memref<1x128xi32, #tpu.memory_space<vmem>> -> memref<128xi32, #tpu.memory_space<vmem>>
      %dma_wait3A_263 = arith.constant 0 : i32
      %dma_wait3A_264 = arith.constant 0 : i32
      %dma_wait3A_265 = tpu.memref_slice %arg11[%dma_wait3A_263, %dma_wait3A_264] : memref<10240x64xf32, #tpu.memory_space<vmem_shared>> -> memref<10240x64xf32, #tpu.memory_space<vmem_shared>>
      tpu.wait_indirect_dma semaphore(%arg16 : memref<!tpu.dma_semaphore, #tpu.memory_space<semaphore_mem>>) src(%arg9 : memref<128x64xf32, #tpu.memory_space<vmem>>) dst(%dma_wait3A_265 : memref<10240x64xf32, #tpu.memory_space<vmem_shared>>)
      %add3A_266 = arith.constant 1 : i32
      %add3A_267 = arith.addi %add3A_70, %add3A_266 : i32
      %lt3A = arith.constant 10 : i32
      %lt3A_268 = arith.cmpi slt, %add3A_267, %lt3A : i32
      %convert_element_type3A = arith.extui %lt3A_268 : i1 to i32
      %cond3A = arith.constant 0 : i32
      %cond3A_269 = arith.cmpi ne, %convert_element_type3A, %cond3A : i32
      scf.if %cond3A_269 {
        %add3A_505 = arith.constant 1 : i32
        %add3A_506 = arith.addi %add3A_70, %add3A_505 : i32
        %mul3A_507 = arith.constant 8 : i32
        %mul3A_508 = arith.muli %add3A_506, %mul3A_507 : i32
        %add3A_509 = arith.addi %mul3A_6, %mul3A_508 : i32
        %dma_wait3A_510 = arith.constant 0 : i32
        %dma_wait3A_511 = arith.constant 0 : i32
        %dma_wait3A_512 = arith.constant 0 : i32
        %dma_wait3A_513 = tpu.memref_slice %arg3[%dma_wait3A_510, %dma_wait3A_511, %dma_wait3A_512] : memref<2x2560x128xi32, #tpu.memory_space<hbm>> -> memref<1x2560x128xi32, #tpu.memory_space<hbm>>
        %dma_wait3A_514 = tpu.memref_squeeze %dma_wait3A_513 : memref<1x2560x128xi32, #tpu.memory_space<hbm>> -> memref<2560x128xi32, #tpu.memory_space<hbm>>
        %dma_wait3A_515 = arith.constant 0 : i32
        %dma_wait3A_516 = tpu.memref_slice %dma_wait3A_514[%add3A_509, %dma_wait3A_515] : memref<2560x128xi32, #tpu.memory_space<hbm>> -> memref<8x128xi32, #tpu.memory_space<hbm>>
        %dma_wait3A_517 = arith.constant 0 : i32
        %dma_wait3A_518 = arith.constant 0 : i32
        %dma_wait3A_519 = tpu.memref_slice %arg3[%dma_wait3A_510, %dma_wait3A_517, %dma_wait3A_518] : memref<2x2560x128xi32, #tpu.memory_space<hbm>> -> memref<1x2560x128xi32, #tpu.memory_space<hbm>>
        %dma_wait3A_520 = tpu.memref_squeeze %dma_wait3A_519 : memref<1x2560x128xi32, #tpu.memory_space<hbm>> -> memref<2560x128xi32, #tpu.memory_space<hbm>>
        %dma_wait3A_521 = arith.constant 0 : i32
        %dma_wait3A_522 = tpu.memref_slice %dma_wait3A_520[%add3A_509, %dma_wait3A_521] : memref<2560x128xi32, #tpu.memory_space<hbm>> -> memref<8x128xi32, #tpu.memory_space<hbm>>
        tpu.wait_dma2 semaphore(%arg13 : memref<!tpu.dma_semaphore, #tpu.memory_space<semaphore_mem>>) src(%dma_wait3A_522 : memref<8x128xi32, #tpu.memory_space<hbm>>) dst(%arg7 : memref<8x128xi32, #tpu.memory_space<vmem>>)
        %dma_wait3A_523 = arith.constant 1 : i32
        %dma_wait3A_524 = arith.constant 0 : i32
        %dma_wait3A_525 = arith.constant 0 : i32
        %dma_wait3A_526 = tpu.memref_slice %arg3[%dma_wait3A_523, %dma_wait3A_524, %dma_wait3A_525] : memref<2x2560x128xi32, #tpu.memory_space<hbm>> -> memref<1x2560x128xi32, #tpu.memory_space<hbm>>
        %dma_wait3A_527 = tpu.memref_squeeze %dma_wait3A_526 : memref<1x2560x128xi32, #tpu.memory_space<hbm>> -> memref<2560x128xi32, #tpu.memory_space<hbm>>
        %dma_wait3A_528 = arith.constant 0 : i32
        %dma_wait3A_529 = tpu.memref_slice %dma_wait3A_527[%add3A_509, %dma_wait3A_528] : memref<2560x128xi32, #tpu.memory_space<hbm>> -> memref<8x128xi32, #tpu.memory_space<hbm>>
        %dma_wait3A_530 = arith.constant 0 : i32
        %dma_wait3A_531 = arith.constant 0 : i32
        %dma_wait3A_532 = tpu.memref_slice %arg3[%dma_wait3A_523, %dma_wait3A_530, %dma_wait3A_531] : memref<2x2560x128xi32, #tpu.memory_space<hbm>> -> memref<1x2560x128xi32, #tpu.memory_space<hbm>>
        %dma_wait3A_533 = tpu.memref_squeeze %dma_wait3A_532 : memref<1x2560x128xi32, #tpu.memory_space<hbm>> -> memref<2560x128xi32, #tpu.memory_space<hbm>>
        %dma_wait3A_534 = arith.constant 0 : i32
        %dma_wait3A_535 = tpu.memref_slice %dma_wait3A_533[%add3A_509, %dma_wait3A_534] : memref<2560x128xi32, #tpu.memory_space<hbm>> -> memref<8x128xi32, #tpu.memory_space<hbm>>
        tpu.wait_dma2 semaphore(%arg13 : memref<!tpu.dma_semaphore, #tpu.memory_space<semaphore_mem>>) src(%dma_wait3A_535 : memref<8x128xi32, #tpu.memory_space<hbm>>) dst(%arg8 : memref<8x128xi32, #tpu.memory_space<vmem>>)
        %dma_start3A_536 = arith.constant 0 : i32
        %dma_start3A_537 = arith.constant 0 : i32
        %dma_start3A_538 = tpu.memref_slice %arg7[%dma_start3A_536, %dma_start3A_537] : memref<8x128xi32, #tpu.memory_space<vmem>> -> memref<1x128xi32, #tpu.memory_space<vmem>>
        %dma_start3A_539 = tpu.memref_squeeze %dma_start3A_538 : memref<1x128xi32, #tpu.memory_space<vmem>> -> memref<128xi32, #tpu.memory_space<vmem>>
        %dma_start3A_540 = arith.constant 0 : i32
        %dma_start3A_541 = arith.constant 0 : i32
        %dma_start3A_542 = tpu.memref_slice %arg2[%dma_start3A_540, %dma_start3A_541] : memref<10240x64xf32, #tpu.memory_space<hbm>> -> memref<10240x64xf32, #tpu.memory_space<hbm>>
        tpu.enqueue_indirect_dma source(%dma_start3A_542 : memref<10240x64xf32, #tpu.memory_space<hbm>>) target(%arg9 : memref<128x64xf32, #tpu.memory_space<vmem>>) offsets(%dma_start3A_539 : memref<128xi32, #tpu.memory_space<vmem>>) semaphore(%arg14 : memref<!tpu.dma_semaphore, #tpu.memory_space<semaphore_mem>>)
      } else {
      }
      %dma_wait3A_270 = arith.constant 7 : i32
      %dma_wait3A_271 = arith.constant 0 : i32
      %dma_wait3A_272 = tpu.memref_slice %arg5[%dma_wait3A_270, %dma_wait3A_271] : memref<8x128xi32, #tpu.memory_space<vmem>> -> memref<1x128xi32, #tpu.memory_space<vmem>>
      %dma_wait3A_273 = tpu.memref_squeeze %dma_wait3A_272 : memref<1x128xi32, #tpu.memory_space<vmem>> -> memref<128xi32, #tpu.memory_space<vmem>>
      %dma_wait3A_274 = arith.constant 0 : i32
      %dma_wait3A_275 = arith.constant 0 : i32
      %dma_wait3A_276 = tpu.memref_slice %arg2[%dma_wait3A_274, %dma_wait3A_275] : memref<10240x64xf32, #tpu.memory_space<hbm>> -> memref<10240x64xf32, #tpu.memory_space<hbm>>
      tpu.wait_indirect_dma semaphore(%arg15 : memref<!tpu.dma_semaphore, #tpu.memory_space<semaphore_mem>>) src(%dma_wait3A_276 : memref<10240x64xf32, #tpu.memory_space<hbm>>) dst(%arg10 : memref<128x64xf32, #tpu.memory_space<vmem>>)
      %run_scoped3A_277 = arith.constant 7 : i32
      "tpu.region"() ({
        %run_scoped3A_505 = tpu.sem_alloc : memref<!tpu.dma_semaphore, #tpu.memory_space<semaphore_mem>>
        %dma_start3A_506 = arith.constant 0 : i32
        %dma_start3A_507 = tpu.memref_slice %arg6[%run_scoped3A_277, %dma_start3A_506] : memref<8x128xi32, #tpu.memory_space<vmem>> -> memref<1x128xi32, #tpu.memory_space<vmem>>
        %dma_start3A_508 = tpu.memref_squeeze %dma_start3A_507 : memref<1x128xi32, #tpu.memory_space<vmem>> -> memref<128xi32, #tpu.memory_space<vmem>>
        %dma_start3A_509 = arith.constant 0 : i32
        %dma_start3A_510 = arith.constant 0 : i32
        %dma_start3A_511 = tpu.memref_slice %arg11[%dma_start3A_509, %dma_start3A_510] : memref<10240x64xf32, #tpu.memory_space<vmem_shared>> -> memref<10240x64xf32, #tpu.memory_space<vmem_shared>>
        tpu.enqueue_indirect_dma source(%arg10 : memref<128x64xf32, #tpu.memory_space<vmem>>) target(%dma_start3A_511 : memref<10240x64xf32, #tpu.memory_space<vmem_shared>>) offsets(%dma_start3A_508 : memref<128xi32, #tpu.memory_space<vmem>>) semaphore(%run_scoped3A_505 : memref<!tpu.dma_semaphore, #tpu.memory_space<semaphore_mem>>) {add = true}
        %dma_wait3A_512 = arith.constant 0 : i32
        %dma_wait3A_513 = tpu.memref_slice %arg6[%run_scoped3A_277, %dma_wait3A_512] : memref<8x128xi32, #tpu.memory_space<vmem>> -> memref<1x128xi32, #tpu.memory_space<vmem>>
        %dma_wait3A_514 = tpu.memref_squeeze %dma_wait3A_513 : memref<1x128xi32, #tpu.memory_space<vmem>> -> memref<128xi32, #tpu.memory_space<vmem>>
        %dma_wait3A_515 = arith.constant 0 : i32
        %dma_wait3A_516 = arith.constant 0 : i32
        %dma_wait3A_517 = tpu.memref_slice %arg11[%dma_wait3A_515, %dma_wait3A_516] : memref<10240x64xf32, #tpu.memory_space<vmem_shared>> -> memref<10240x64xf32, #tpu.memory_space<vmem_shared>>
        tpu.wait_indirect_dma semaphore(%run_scoped3A_505 : memref<!tpu.dma_semaphore, #tpu.memory_space<semaphore_mem>>) src(%arg10 : memref<128x64xf32, #tpu.memory_space<vmem>>) dst(%dma_wait3A_517 : memref<10240x64xf32, #tpu.memory_space<vmem_shared>>)
        tpu.yield
      }) : () -> ()
      %add3A_278 = arith.constant 2 : i32
      %add3A_279 = arith.addi %add3A_70, %add3A_278 : i32
      %lt3A_280 = arith.constant 10 : i32
      %lt3A_281 = arith.cmpi slt, %add3A_279, %lt3A_280 : i32
      %convert_element_type3A_282 = arith.extui %lt3A_281 : i1 to i32
      %cond3A_283 = arith.constant 0 : i32
      %cond3A_284 = arith.cmpi ne, %convert_element_type3A_282, %cond3A_283 : i32
      scf.if %cond3A_284 {
        %add3A_505 = arith.constant 2 : i32
        %add3A_506 = arith.addi %add3A_70, %add3A_505 : i32
        %mul3A_507 = arith.constant 8 : i32
        %mul3A_508 = arith.muli %add3A_506, %mul3A_507 : i32
        %add3A_509 = arith.addi %mul3A_6, %mul3A_508 : i32
        %dma_start3A_510 = arith.constant 0 : i32
        %dma_start3A_511 = arith.constant 0 : i32
        %dma_start3A_512 = arith.constant 0 : i32
        %dma_start3A_513 = tpu.memref_slice %arg3[%dma_start3A_510, %dma_start3A_511, %dma_start3A_512] : memref<2x2560x128xi32, #tpu.memory_space<hbm>> -> memref<1x2560x128xi32, #tpu.memory_space<hbm>>
        %dma_start3A_514 = tpu.memref_squeeze %dma_start3A_513 : memref<1x2560x128xi32, #tpu.memory_space<hbm>> -> memref<2560x128xi32, #tpu.memory_space<hbm>>
        %dma_start3A_515 = arith.constant 0 : i32
        %dma_start3A_516 = tpu.memref_slice %dma_start3A_514[%add3A_509, %dma_start3A_515] : memref<2560x128xi32, #tpu.memory_space<hbm>> -> memref<8x128xi32, #tpu.memory_space<hbm>>
        %dma_start3A_517 = arith.constant 0 : i32
        %dma_start3A_518 = arith.constant 0 : i32
        %dma_start3A_519 = tpu.memref_slice %arg3[%dma_start3A_510, %dma_start3A_517, %dma_start3A_518] : memref<2x2560x128xi32, #tpu.memory_space<hbm>> -> memref<1x2560x128xi32, #tpu.memory_space<hbm>>
        %dma_start3A_520 = tpu.memref_squeeze %dma_start3A_519 : memref<1x2560x128xi32, #tpu.memory_space<hbm>> -> memref<2560x128xi32, #tpu.memory_space<hbm>>
        %dma_start3A_521 = arith.constant 0 : i32
        %dma_start3A_522 = tpu.memref_slice %dma_start3A_520[%add3A_509, %dma_start3A_521] : memref<2560x128xi32, #tpu.memory_space<hbm>> -> memref<8x128xi32, #tpu.memory_space<hbm>>
        tpu.enqueue_dma source(%dma_start3A_522 : memref<8x128xi32, #tpu.memory_space<hbm>>) target(%arg5 : memref<8x128xi32, #tpu.memory_space<vmem>>) target_semaphore(%arg12 : memref<!tpu.dma_semaphore, #tpu.memory_space<semaphore_mem>>)
        %dma_start3A_523 = arith.constant 1 : i32
        %dma_start3A_524 = arith.constant 0 : i32
        %dma_start3A_525 = arith.constant 0 : i32
        %dma_start3A_526 = tpu.memref_slice %arg3[%dma_start3A_523, %dma_start3A_524, %dma_start3A_525] : memref<2x2560x128xi32, #tpu.memory_space<hbm>> -> memref<1x2560x128xi32, #tpu.memory_space<hbm>>
        %dma_start3A_527 = tpu.memref_squeeze %dma_start3A_526 : memref<1x2560x128xi32, #tpu.memory_space<hbm>> -> memref<2560x128xi32, #tpu.memory_space<hbm>>
        %dma_start3A_528 = arith.constant 0 : i32
        %dma_start3A_529 = tpu.memref_slice %dma_start3A_527[%add3A_509, %dma_start3A_528] : memref<2560x128xi32, #tpu.memory_space<hbm>> -> memref<8x128xi32, #tpu.memory_space<hbm>>
        %dma_start3A_530 = arith.constant 0 : i32
        %dma_start3A_531 = arith.constant 0 : i32
        %dma_start3A_532 = tpu.memref_slice %arg3[%dma_start3A_523, %dma_start3A_530, %dma_start3A_531] : memref<2x2560x128xi32, #tpu.memory_space<hbm>> -> memref<1x2560x128xi32, #tpu.memory_space<hbm>>
        %dma_start3A_533 = tpu.memref_squeeze %dma_start3A_532 : memref<1x2560x128xi32, #tpu.memory_space<hbm>> -> memref<2560x128xi32, #tpu.memory_space<hbm>>
        %dma_start3A_534 = arith.constant 0 : i32
        %dma_start3A_535 = tpu.memref_slice %dma_start3A_533[%add3A_509, %dma_start3A_534] : memref<2560x128xi32, #tpu.memory_space<hbm>> -> memref<8x128xi32, #tpu.memory_space<hbm>>
        tpu.enqueue_dma source(%dma_start3A_535 : memref<8x128xi32, #tpu.memory_space<hbm>>) target(%arg6 : memref<8x128xi32, #tpu.memory_space<vmem>>) target_semaphore(%arg12 : memref<!tpu.dma_semaphore, #tpu.memory_space<semaphore_mem>>)
      } else {
      }
      %add3A_285 = arith.constant 1 : i32
      %add3A_286 = arith.addi %add3A_68, %add3A_285 : i32
      %dma_start3A_287 = arith.constant 1 : i32
      %dma_start3A_288 = arith.constant 0 : i32
      %dma_start3A_289 = tpu.memref_slice %arg7[%dma_start3A_287, %dma_start3A_288] : memref<8x128xi32, #tpu.memory_space<vmem>> -> memref<1x128xi32, #tpu.memory_space<vmem>>
      %dma_start3A_290 = tpu.memref_squeeze %dma_start3A_289 : memref<1x128xi32, #tpu.memory_space<vmem>> -> memref<128xi32, #tpu.memory_space<vmem>>
      %dma_start3A_291 = arith.constant 0 : i32
      %dma_start3A_292 = arith.constant 0 : i32
      %dma_start3A_293 = tpu.memref_slice %arg2[%dma_start3A_291, %dma_start3A_292] : memref<10240x64xf32, #tpu.memory_space<hbm>> -> memref<10240x64xf32, #tpu.memory_space<hbm>>
      tpu.enqueue_indirect_dma source(%dma_start3A_293 : memref<10240x64xf32, #tpu.memory_space<hbm>>) target(%arg10 : memref<128x64xf32, #tpu.memory_space<vmem>>) offsets(%dma_start3A_290 : memref<128xi32, #tpu.memory_space<vmem>>) semaphore(%arg15 : memref<!tpu.dma_semaphore, #tpu.memory_space<semaphore_mem>>)
      %dma_wait3A_294 = arith.constant 0 : i32
      %dma_wait3A_295 = arith.constant 0 : i32
      %dma_wait3A_296 = tpu.memref_slice %arg7[%dma_wait3A_294, %dma_wait3A_295] : memref<8x128xi32, #tpu.memory_space<vmem>> -> memref<1x128xi32, #tpu.memory_space<vmem>>
      %dma_wait3A_297 = tpu.memref_squeeze %dma_wait3A_296 : memref<1x128xi32, #tpu.memory_space<vmem>> -> memref<128xi32, #tpu.memory_space<vmem>>
      %dma_wait3A_298 = arith.constant 0 : i32
      %dma_wait3A_299 = arith.constant 0 : i32
      %dma_wait3A_300 = tpu.memref_slice %arg2[%dma_wait3A_298, %dma_wait3A_299] : memref<10240x64xf32, #tpu.memory_space<hbm>> -> memref<10240x64xf32, #tpu.memory_space<hbm>>
      tpu.wait_indirect_dma semaphore(%arg14 : memref<!tpu.dma_semaphore, #tpu.memory_space<semaphore_mem>>) src(%dma_wait3A_300 : memref<10240x64xf32, #tpu.memory_space<hbm>>) dst(%arg9 : memref<128x64xf32, #tpu.memory_space<vmem>>)
      %dma_start3A_301 = arith.constant 0 : i32
      %dma_start3A_302 = arith.constant 0 : i32
      %dma_start3A_303 = tpu.memref_slice %arg8[%dma_start3A_301, %dma_start3A_302] : memref<8x128xi32, #tpu.memory_space<vmem>> -> memref<1x128xi32, #tpu.memory_space<vmem>>
      %dma_start3A_304 = tpu.memref_squeeze %dma_start3A_303 : memref<1x128xi32, #tpu.memory_space<vmem>> -> memref<128xi32, #tpu.memory_space<vmem>>
      %dma_start3A_305 = arith.constant 0 : i32
      %dma_start3A_306 = arith.constant 0 : i32
      %dma_start3A_307 = tpu.memref_slice %arg11[%dma_start3A_305, %dma_start3A_306] : memref<10240x64xf32, #tpu.memory_space<vmem_shared>> -> memref<10240x64xf32, #tpu.memory_space<vmem_shared>>
      tpu.enqueue_indirect_dma source(%arg9 : memref<128x64xf32, #tpu.memory_space<vmem>>) target(%dma_start3A_307 : memref<10240x64xf32, #tpu.memory_space<vmem_shared>>) offsets(%dma_start3A_304 : memref<128xi32, #tpu.memory_space<vmem>>) semaphore(%arg16 : memref<!tpu.dma_semaphore, #tpu.memory_space<semaphore_mem>>) {add = true}
      %dma_wait3A_308 = arith.constant 0 : i32
      %dma_wait3A_309 = arith.constant 0 : i32
      %dma_wait3A_310 = tpu.memref_slice %arg8[%dma_wait3A_308, %dma_wait3A_309] : memref<8x128xi32, #tpu.memory_space<vmem>> -> memref<1x128xi32, #tpu.memory_space<vmem>>
      %dma_wait3A_311 = tpu.memref_squeeze %dma_wait3A_310 : memref<1x128xi32, #tpu.memory_space<vmem>> -> memref<128xi32, #tpu.memory_space<vmem>>
      %dma_wait3A_312 = arith.constant 0 : i32
      %dma_wait3A_313 = arith.constant 0 : i32
      %dma_wait3A_314 = tpu.memref_slice %arg11[%dma_wait3A_312, %dma_wait3A_313] : memref<10240x64xf32, #tpu.memory_space<vmem_shared>> -> memref<10240x64xf32, #tpu.memory_space<vmem_shared>>
      tpu.wait_indirect_dma semaphore(%arg16 : memref<!tpu.dma_semaphore, #tpu.memory_space<semaphore_mem>>) src(%arg9 : memref<128x64xf32, #tpu.memory_space<vmem>>) dst(%dma_wait3A_314 : memref<10240x64xf32, #tpu.memory_space<vmem_shared>>)
      %dma_start3A_315 = arith.constant 2 : i32
      %dma_start3A_316 = arith.constant 0 : i32
      %dma_start3A_317 = tpu.memref_slice %arg7[%dma_start3A_315, %dma_start3A_316] : memref<8x128xi32, #tpu.memory_space<vmem>> -> memref<1x128xi32, #tpu.memory_space<vmem>>
      %dma_start3A_318 = tpu.memref_squeeze %dma_start3A_317 : memref<1x128xi32, #tpu.memory_space<vmem>> -> memref<128xi32, #tpu.memory_space<vmem>>
      %dma_start3A_319 = arith.constant 0 : i32
      %dma_start3A_320 = arith.constant 0 : i32
      %dma_start3A_321 = tpu.memref_slice %arg2[%dma_start3A_319, %dma_start3A_320] : memref<10240x64xf32, #tpu.memory_space<hbm>> -> memref<10240x64xf32, #tpu.memory_space<hbm>>
      tpu.enqueue_indirect_dma source(%dma_start3A_321 : memref<10240x64xf32, #tpu.memory_space<hbm>>) target(%arg9 : memref<128x64xf32, #tpu.memory_space<vmem>>) offsets(%dma_start3A_318 : memref<128xi32, #tpu.memory_space<vmem>>) semaphore(%arg14 : memref<!tpu.dma_semaphore, #tpu.memory_space<semaphore_mem>>)
      %dma_wait3A_322 = arith.constant 1 : i32
      %dma_wait3A_323 = arith.constant 0 : i32
      %dma_wait3A_324 = tpu.memref_slice %arg7[%dma_wait3A_322, %dma_wait3A_323] : memref<8x128xi32, #tpu.memory_space<vmem>> -> memref<1x128xi32, #tpu.memory_space<vmem>>
      %dma_wait3A_325 = tpu.memref_squeeze %dma_wait3A_324 : memref<1x128xi32, #tpu.memory_space<vmem>> -> memref<128xi32, #tpu.memory_space<vmem>>
      %dma_wait3A_326 = arith.constant 0 : i32
      %dma_wait3A_327 = arith.constant 0 : i32
      %dma_wait3A_328 = tpu.memref_slice %arg2[%dma_wait3A_326, %dma_wait3A_327] : memref<10240x64xf32, #tpu.memory_space<hbm>> -> memref<10240x64xf32, #tpu.memory_space<hbm>>
      tpu.wait_indirect_dma semaphore(%arg15 : memref<!tpu.dma_semaphore, #tpu.memory_space<semaphore_mem>>) src(%dma_wait3A_328 : memref<10240x64xf32, #tpu.memory_space<hbm>>) dst(%arg10 : memref<128x64xf32, #tpu.memory_space<vmem>>)
      %dma_start3A_329 = arith.constant 1 : i32
      %dma_start3A_330 = arith.constant 0 : i32
      %dma_start3A_331 = tpu.memref_slice %arg8[%dma_start3A_329, %dma_start3A_330] : memref<8x128xi32, #tpu.memory_space<vmem>> -> memref<1x128xi32, #tpu.memory_space<vmem>>
      %dma_start3A_332 = tpu.memref_squeeze %dma_start3A_331 : memref<1x128xi32, #tpu.memory_space<vmem>> -> memref<128xi32, #tpu.memory_space<vmem>>
      %dma_start3A_333 = arith.constant 0 : i32
      %dma_start3A_334 = arith.constant 0 : i32
      %dma_start3A_335 = tpu.memref_slice %arg11[%dma_start3A_333, %dma_start3A_334] : memref<10240x64xf32, #tpu.memory_space<vmem_shared>> -> memref<10240x64xf32, #tpu.memory_space<vmem_shared>>
      tpu.enqueue_indirect_dma source(%arg10 : memref<128x64xf32, #tpu.memory_space<vmem>>) target(%dma_start3A_335 : memref<10240x64xf32, #tpu.memory_space<vmem_shared>>) offsets(%dma_start3A_332 : memref<128xi32, #tpu.memory_space<vmem>>) semaphore(%arg17 : memref<!tpu.dma_semaphore, #tpu.memory_space<semaphore_mem>>) {add = true}
      %dma_wait3A_336 = arith.constant 1 : i32
      %dma_wait3A_337 = arith.constant 0 : i32
      %dma_wait3A_338 = tpu.memref_slice %arg8[%dma_wait3A_336, %dma_wait3A_337] : memref<8x128xi32, #tpu.memory_space<vmem>> -> memref<1x128xi32, #tpu.memory_space<vmem>>
      %dma_wait3A_339 = tpu.memref_squeeze %dma_wait3A_338 : memref<1x128xi32, #tpu.memory_space<vmem>> -> memref<128xi32, #tpu.memory_space<vmem>>
      %dma_wait3A_340 = arith.constant 0 : i32
      %dma_wait3A_341 = arith.constant 0 : i32
      %dma_wait3A_342 = tpu.memref_slice %arg11[%dma_wait3A_340, %dma_wait3A_341] : memref<10240x64xf32, #tpu.memory_space<vmem_shared>> -> memref<10240x64xf32, #tpu.memory_space<vmem_shared>>
      tpu.wait_indirect_dma semaphore(%arg17 : memref<!tpu.dma_semaphore, #tpu.memory_space<semaphore_mem>>) src(%arg10 : memref<128x64xf32, #tpu.memory_space<vmem>>) dst(%dma_wait3A_342 : memref<10240x64xf32, #tpu.memory_space<vmem_shared>>)
      %dma_start3A_343 = arith.constant 3 : i32
      %dma_start3A_344 = arith.constant 0 : i32
      %dma_start3A_345 = tpu.memref_slice %arg7[%dma_start3A_343, %dma_start3A_344] : memref<8x128xi32, #tpu.memory_space<vmem>> -> memref<1x128xi32, #tpu.memory_space<vmem>>
      %dma_start3A_346 = tpu.memref_squeeze %dma_start3A_345 : memref<1x128xi32, #tpu.memory_space<vmem>> -> memref<128xi32, #tpu.memory_space<vmem>>
      %dma_start3A_347 = arith.constant 0 : i32
      %dma_start3A_348 = arith.constant 0 : i32
      %dma_start3A_349 = tpu.memref_slice %arg2[%dma_start3A_347, %dma_start3A_348] : memref<10240x64xf32, #tpu.memory_space<hbm>> -> memref<10240x64xf32, #tpu.memory_space<hbm>>
      tpu.enqueue_indirect_dma source(%dma_start3A_349 : memref<10240x64xf32, #tpu.memory_space<hbm>>) target(%arg10 : memref<128x64xf32, #tpu.memory_space<vmem>>) offsets(%dma_start3A_346 : memref<128xi32, #tpu.memory_space<vmem>>) semaphore(%arg15 : memref<!tpu.dma_semaphore, #tpu.memory_space<semaphore_mem>>)
      %dma_wait3A_350 = arith.constant 2 : i32
      %dma_wait3A_351 = arith.constant 0 : i32
      %dma_wait3A_352 = tpu.memref_slice %arg7[%dma_wait3A_350, %dma_wait3A_351] : memref<8x128xi32, #tpu.memory_space<vmem>> -> memref<1x128xi32, #tpu.memory_space<vmem>>
      %dma_wait3A_353 = tpu.memref_squeeze %dma_wait3A_352 : memref<1x128xi32, #tpu.memory_space<vmem>> -> memref<128xi32, #tpu.memory_space<vmem>>
      %dma_wait3A_354 = arith.constant 0 : i32
      %dma_wait3A_355 = arith.constant 0 : i32
      %dma_wait3A_356 = tpu.memref_slice %arg2[%dma_wait3A_354, %dma_wait3A_355] : memref<10240x64xf32, #tpu.memory_space<hbm>> -> memref<10240x64xf32, #tpu.memory_space<hbm>>
      tpu.wait_indirect_dma semaphore(%arg14 : memref<!tpu.dma_semaphore, #tpu.memory_space<semaphore_mem>>) src(%dma_wait3A_356 : memref<10240x64xf32, #tpu.memory_space<hbm>>) dst(%arg9 : memref<128x64xf32, #tpu.memory_space<vmem>>)
      %dma_start3A_357 = arith.constant 2 : i32
      %dma_start3A_358 = arith.constant 0 : i32
      %dma_start3A_359 = tpu.memref_slice %arg8[%dma_start3A_357, %dma_start3A_358] : memref<8x128xi32, #tpu.memory_space<vmem>> -> memref<1x128xi32, #tpu.memory_space<vmem>>
      %dma_start3A_360 = tpu.memref_squeeze %dma_start3A_359 : memref<1x128xi32, #tpu.memory_space<vmem>> -> memref<128xi32, #tpu.memory_space<vmem>>
      %dma_start3A_361 = arith.constant 0 : i32
      %dma_start3A_362 = arith.constant 0 : i32
      %dma_start3A_363 = tpu.memref_slice %arg11[%dma_start3A_361, %dma_start3A_362] : memref<10240x64xf32, #tpu.memory_space<vmem_shared>> -> memref<10240x64xf32, #tpu.memory_space<vmem_shared>>
      tpu.enqueue_indirect_dma source(%arg9 : memref<128x64xf32, #tpu.memory_space<vmem>>) target(%dma_start3A_363 : memref<10240x64xf32, #tpu.memory_space<vmem_shared>>) offsets(%dma_start3A_360 : memref<128xi32, #tpu.memory_space<vmem>>) semaphore(%arg16 : memref<!tpu.dma_semaphore, #tpu.memory_space<semaphore_mem>>) {add = true}
      %dma_wait3A_364 = arith.constant 2 : i32
      %dma_wait3A_365 = arith.constant 0 : i32
      %dma_wait3A_366 = tpu.memref_slice %arg8[%dma_wait3A_364, %dma_wait3A_365] : memref<8x128xi32, #tpu.memory_space<vmem>> -> memref<1x128xi32, #tpu.memory_space<vmem>>
      %dma_wait3A_367 = tpu.memref_squeeze %dma_wait3A_366 : memref<1x128xi32, #tpu.memory_space<vmem>> -> memref<128xi32, #tpu.memory_space<vmem>>
      %dma_wait3A_368 = arith.constant 0 : i32
      %dma_wait3A_369 = arith.constant 0 : i32
      %dma_wait3A_370 = tpu.memref_slice %arg11[%dma_wait3A_368, %dma_wait3A_369] : memref<10240x64xf32, #tpu.memory_space<vmem_shared>> -> memref<10240x64xf32, #tpu.memory_space<vmem_shared>>
      tpu.wait_indirect_dma semaphore(%arg16 : memref<!tpu.dma_semaphore, #tpu.memory_space<semaphore_mem>>) src(%arg9 : memref<128x64xf32, #tpu.memory_space<vmem>>) dst(%dma_wait3A_370 : memref<10240x64xf32, #tpu.memory_space<vmem_shared>>)
      %dma_start3A_371 = arith.constant 4 : i32
      %dma_start3A_372 = arith.constant 0 : i32
      %dma_start3A_373 = tpu.memref_slice %arg7[%dma_start3A_371, %dma_start3A_372] : memref<8x128xi32, #tpu.memory_space<vmem>> -> memref<1x128xi32, #tpu.memory_space<vmem>>
      %dma_start3A_374 = tpu.memref_squeeze %dma_start3A_373 : memref<1x128xi32, #tpu.memory_space<vmem>> -> memref<128xi32, #tpu.memory_space<vmem>>
      %dma_start3A_375 = arith.constant 0 : i32
      %dma_start3A_376 = arith.constant 0 : i32
      %dma_start3A_377 = tpu.memref_slice %arg2[%dma_start3A_375, %dma_start3A_376] : memref<10240x64xf32, #tpu.memory_space<hbm>> -> memref<10240x64xf32, #tpu.memory_space<hbm>>
      tpu.enqueue_indirect_dma source(%dma_start3A_377 : memref<10240x64xf32, #tpu.memory_space<hbm>>) target(%arg9 : memref<128x64xf32, #tpu.memory_space<vmem>>) offsets(%dma_start3A_374 : memref<128xi32, #tpu.memory_space<vmem>>) semaphore(%arg14 : memref<!tpu.dma_semaphore, #tpu.memory_space<semaphore_mem>>)
      %dma_wait3A_378 = arith.constant 3 : i32
      %dma_wait3A_379 = arith.constant 0 : i32
      %dma_wait3A_380 = tpu.memref_slice %arg7[%dma_wait3A_378, %dma_wait3A_379] : memref<8x128xi32, #tpu.memory_space<vmem>> -> memref<1x128xi32, #tpu.memory_space<vmem>>
      %dma_wait3A_381 = tpu.memref_squeeze %dma_wait3A_380 : memref<1x128xi32, #tpu.memory_space<vmem>> -> memref<128xi32, #tpu.memory_space<vmem>>
      %dma_wait3A_382 = arith.constant 0 : i32
      %dma_wait3A_383 = arith.constant 0 : i32
      %dma_wait3A_384 = tpu.memref_slice %arg2[%dma_wait3A_382, %dma_wait3A_383] : memref<10240x64xf32, #tpu.memory_space<hbm>> -> memref<10240x64xf32, #tpu.memory_space<hbm>>
      tpu.wait_indirect_dma semaphore(%arg15 : memref<!tpu.dma_semaphore, #tpu.memory_space<semaphore_mem>>) src(%dma_wait3A_384 : memref<10240x64xf32, #tpu.memory_space<hbm>>) dst(%arg10 : memref<128x64xf32, #tpu.memory_space<vmem>>)
      %dma_start3A_385 = arith.constant 3 : i32
      %dma_start3A_386 = arith.constant 0 : i32
      %dma_start3A_387 = tpu.memref_slice %arg8[%dma_start3A_385, %dma_start3A_386] : memref<8x128xi32, #tpu.memory_space<vmem>> -> memref<1x128xi32, #tpu.memory_space<vmem>>
      %dma_start3A_388 = tpu.memref_squeeze %dma_start3A_387 : memref<1x128xi32, #tpu.memory_space<vmem>> -> memref<128xi32, #tpu.memory_space<vmem>>
      %dma_start3A_389 = arith.constant 0 : i32
      %dma_start3A_390 = arith.constant 0 : i32
      %dma_start3A_391 = tpu.memref_slice %arg11[%dma_start3A_389, %dma_start3A_390] : memref<10240x64xf32, #tpu.memory_space<vmem_shared>> -> memref<10240x64xf32, #tpu.memory_space<vmem_shared>>
      tpu.enqueue_indirect_dma source(%arg10 : memref<128x64xf32, #tpu.memory_space<vmem>>) target(%dma_start3A_391 : memref<10240x64xf32, #tpu.memory_space<vmem_shared>>) offsets(%dma_start3A_388 : memref<128xi32, #tpu.memory_space<vmem>>) semaphore(%arg17 : memref<!tpu.dma_semaphore, #tpu.memory_space<semaphore_mem>>) {add = true}
      %dma_wait3A_392 = arith.constant 3 : i32
      %dma_wait3A_393 = arith.constant 0 : i32
      %dma_wait3A_394 = tpu.memref_slice %arg8[%dma_wait3A_392, %dma_wait3A_393] : memref<8x128xi32, #tpu.memory_space<vmem>> -> memref<1x128xi32, #tpu.memory_space<vmem>>
      %dma_wait3A_395 = tpu.memref_squeeze %dma_wait3A_394 : memref<1x128xi32, #tpu.memory_space<vmem>> -> memref<128xi32, #tpu.memory_space<vmem>>
      %dma_wait3A_396 = arith.constant 0 : i32
      %dma_wait3A_397 = arith.constant 0 : i32
      %dma_wait3A_398 = tpu.memref_slice %arg11[%dma_wait3A_396, %dma_wait3A_397] : memref<10240x64xf32, #tpu.memory_space<vmem_shared>> -> memref<10240x64xf32, #tpu.memory_space<vmem_shared>>
      tpu.wait_indirect_dma semaphore(%arg17 : memref<!tpu.dma_semaphore, #tpu.memory_space<semaphore_mem>>) src(%arg10 : memref<128x64xf32, #tpu.memory_space<vmem>>) dst(%dma_wait3A_398 : memref<10240x64xf32, #tpu.memory_space<vmem_shared>>)
      %dma_start3A_399 = arith.constant 5 : i32
      %dma_start3A_400 = arith.constant 0 : i32
      %dma_start3A_401 = tpu.memref_slice %arg7[%dma_start3A_399, %dma_start3A_400] : memref<8x128xi32, #tpu.memory_space<vmem>> -> memref<1x128xi32, #tpu.memory_space<vmem>>
      %dma_start3A_402 = tpu.memref_squeeze %dma_start3A_401 : memref<1x128xi32, #tpu.memory_space<vmem>> -> memref<128xi32, #tpu.memory_space<vmem>>
      %dma_start3A_403 = arith.constant 0 : i32
      %dma_start3A_404 = arith.constant 0 : i32
      %dma_start3A_405 = tpu.memref_slice %arg2[%dma_start3A_403, %dma_start3A_404] : memref<10240x64xf32, #tpu.memory_space<hbm>> -> memref<10240x64xf32, #tpu.memory_space<hbm>>
      tpu.enqueue_indirect_dma source(%dma_start3A_405 : memref<10240x64xf32, #tpu.memory_space<hbm>>) target(%arg10 : memref<128x64xf32, #tpu.memory_space<vmem>>) offsets(%dma_start3A_402 : memref<128xi32, #tpu.memory_space<vmem>>) semaphore(%arg15 : memref<!tpu.dma_semaphore, #tpu.memory_space<semaphore_mem>>)
      %dma_wait3A_406 = arith.constant 4 : i32
      %dma_wait3A_407 = arith.constant 0 : i32
      %dma_wait3A_408 = tpu.memref_slice %arg7[%dma_wait3A_406, %dma_wait3A_407] : memref<8x128xi32, #tpu.memory_space<vmem>> -> memref<1x128xi32, #tpu.memory_space<vmem>>
      %dma_wait3A_409 = tpu.memref_squeeze %dma_wait3A_408 : memref<1x128xi32, #tpu.memory_space<vmem>> -> memref<128xi32, #tpu.memory_space<vmem>>
      %dma_wait3A_410 = arith.constant 0 : i32
      %dma_wait3A_411 = arith.constant 0 : i32
      %dma_wait3A_412 = tpu.memref_slice %arg2[%dma_wait3A_410, %dma_wait3A_411] : memref<10240x64xf32, #tpu.memory_space<hbm>> -> memref<10240x64xf32, #tpu.memory_space<hbm>>
      tpu.wait_indirect_dma semaphore(%arg14 : memref<!tpu.dma_semaphore, #tpu.memory_space<semaphore_mem>>) src(%dma_wait3A_412 : memref<10240x64xf32, #tpu.memory_space<hbm>>) dst(%arg9 : memref<128x64xf32, #tpu.memory_space<vmem>>)
      %dma_start3A_413 = arith.constant 4 : i32
      %dma_start3A_414 = arith.constant 0 : i32
      %dma_start3A_415 = tpu.memref_slice %arg8[%dma_start3A_413, %dma_start3A_414] : memref<8x128xi32, #tpu.memory_space<vmem>> -> memref<1x128xi32, #tpu.memory_space<vmem>>
      %dma_start3A_416 = tpu.memref_squeeze %dma_start3A_415 : memref<1x128xi32, #tpu.memory_space<vmem>> -> memref<128xi32, #tpu.memory_space<vmem>>
      %dma_start3A_417 = arith.constant 0 : i32
      %dma_start3A_418 = arith.constant 0 : i32
      %dma_start3A_419 = tpu.memref_slice %arg11[%dma_start3A_417, %dma_start3A_418] : memref<10240x64xf32, #tpu.memory_space<vmem_shared>> -> memref<10240x64xf32, #tpu.memory_space<vmem_shared>>
      tpu.enqueue_indirect_dma source(%arg9 : memref<128x64xf32, #tpu.memory_space<vmem>>) target(%dma_start3A_419 : memref<10240x64xf32, #tpu.memory_space<vmem_shared>>) offsets(%dma_start3A_416 : memref<128xi32, #tpu.memory_space<vmem>>) semaphore(%arg16 : memref<!tpu.dma_semaphore, #tpu.memory_space<semaphore_mem>>) {add = true}
      %dma_wait3A_420 = arith.constant 4 : i32
      %dma_wait3A_421 = arith.constant 0 : i32
      %dma_wait3A_422 = tpu.memref_slice %arg8[%dma_wait3A_420, %dma_wait3A_421] : memref<8x128xi32, #tpu.memory_space<vmem>> -> memref<1x128xi32, #tpu.memory_space<vmem>>
      %dma_wait3A_423 = tpu.memref_squeeze %dma_wait3A_422 : memref<1x128xi32, #tpu.memory_space<vmem>> -> memref<128xi32, #tpu.memory_space<vmem>>
      %dma_wait3A_424 = arith.constant 0 : i32
      %dma_wait3A_425 = arith.constant 0 : i32
      %dma_wait3A_426 = tpu.memref_slice %arg11[%dma_wait3A_424, %dma_wait3A_425] : memref<10240x64xf32, #tpu.memory_space<vmem_shared>> -> memref<10240x64xf32, #tpu.memory_space<vmem_shared>>
      tpu.wait_indirect_dma semaphore(%arg16 : memref<!tpu.dma_semaphore, #tpu.memory_space<semaphore_mem>>) src(%arg9 : memref<128x64xf32, #tpu.memory_space<vmem>>) dst(%dma_wait3A_426 : memref<10240x64xf32, #tpu.memory_space<vmem_shared>>)
      %dma_start3A_427 = arith.constant 6 : i32
      %dma_start3A_428 = arith.constant 0 : i32
      %dma_start3A_429 = tpu.memref_slice %arg7[%dma_start3A_427, %dma_start3A_428] : memref<8x128xi32, #tpu.memory_space<vmem>> -> memref<1x128xi32, #tpu.memory_space<vmem>>
      %dma_start3A_430 = tpu.memref_squeeze %dma_start3A_429 : memref<1x128xi32, #tpu.memory_space<vmem>> -> memref<128xi32, #tpu.memory_space<vmem>>
      %dma_start3A_431 = arith.constant 0 : i32
      %dma_start3A_432 = arith.constant 0 : i32
      %dma_start3A_433 = tpu.memref_slice %arg2[%dma_start3A_431, %dma_start3A_432] : memref<10240x64xf32, #tpu.memory_space<hbm>> -> memref<10240x64xf32, #tpu.memory_space<hbm>>
      tpu.enqueue_indirect_dma source(%dma_start3A_433 : memref<10240x64xf32, #tpu.memory_space<hbm>>) target(%arg9 : memref<128x64xf32, #tpu.memory_space<vmem>>) offsets(%dma_start3A_430 : memref<128xi32, #tpu.memory_space<vmem>>) semaphore(%arg14 : memref<!tpu.dma_semaphore, #tpu.memory_space<semaphore_mem>>)
      %dma_wait3A_434 = arith.constant 5 : i32
      %dma_wait3A_435 = arith.constant 0 : i32
      %dma_wait3A_436 = tpu.memref_slice %arg7[%dma_wait3A_434, %dma_wait3A_435] : memref<8x128xi32, #tpu.memory_space<vmem>> -> memref<1x128xi32, #tpu.memory_space<vmem>>
      %dma_wait3A_437 = tpu.memref_squeeze %dma_wait3A_436 : memref<1x128xi32, #tpu.memory_space<vmem>> -> memref<128xi32, #tpu.memory_space<vmem>>
      %dma_wait3A_438 = arith.constant 0 : i32
      %dma_wait3A_439 = arith.constant 0 : i32
      %dma_wait3A_440 = tpu.memref_slice %arg2[%dma_wait3A_438, %dma_wait3A_439] : memref<10240x64xf32, #tpu.memory_space<hbm>> -> memref<10240x64xf32, #tpu.memory_space<hbm>>
      tpu.wait_indirect_dma semaphore(%arg15 : memref<!tpu.dma_semaphore, #tpu.memory_space<semaphore_mem>>) src(%dma_wait3A_440 : memref<10240x64xf32, #tpu.memory_space<hbm>>) dst(%arg10 : memref<128x64xf32, #tpu.memory_space<vmem>>)
      %dma_start3A_441 = arith.constant 5 : i32
      %dma_start3A_442 = arith.constant 0 : i32
      %dma_start3A_443 = tpu.memref_slice %arg8[%dma_start3A_441, %dma_start3A_442] : memref<8x128xi32, #tpu.memory_space<vmem>> -> memref<1x128xi32, #tpu.memory_space<vmem>>
      %dma_start3A_444 = tpu.memref_squeeze %dma_start3A_443 : memref<1x128xi32, #tpu.memory_space<vmem>> -> memref<128xi32, #tpu.memory_space<vmem>>
      %dma_start3A_445 = arith.constant 0 : i32
      %dma_start3A_446 = arith.constant 0 : i32
      %dma_start3A_447 = tpu.memref_slice %arg11[%dma_start3A_445, %dma_start3A_446] : memref<10240x64xf32, #tpu.memory_space<vmem_shared>> -> memref<10240x64xf32, #tpu.memory_space<vmem_shared>>
      tpu.enqueue_indirect_dma source(%arg10 : memref<128x64xf32, #tpu.memory_space<vmem>>) target(%dma_start3A_447 : memref<10240x64xf32, #tpu.memory_space<vmem_shared>>) offsets(%dma_start3A_444 : memref<128xi32, #tpu.memory_space<vmem>>) semaphore(%arg17 : memref<!tpu.dma_semaphore, #tpu.memory_space<semaphore_mem>>) {add = true}
      %dma_wait3A_448 = arith.constant 5 : i32
      %dma_wait3A_449 = arith.constant 0 : i32
      %dma_wait3A_450 = tpu.memref_slice %arg8[%dma_wait3A_448, %dma_wait3A_449] : memref<8x128xi32, #tpu.memory_space<vmem>> -> memref<1x128xi32, #tpu.memory_space<vmem>>
      %dma_wait3A_451 = tpu.memref_squeeze %dma_wait3A_450 : memref<1x128xi32, #tpu.memory_space<vmem>> -> memref<128xi32, #tpu.memory_space<vmem>>
      %dma_wait3A_452 = arith.constant 0 : i32
      %dma_wait3A_453 = arith.constant 0 : i32
      %dma_wait3A_454 = tpu.memref_slice %arg11[%dma_wait3A_452, %dma_wait3A_453] : memref<10240x64xf32, #tpu.memory_space<vmem_shared>> -> memref<10240x64xf32, #tpu.memory_space<vmem_shared>>
      tpu.wait_indirect_dma semaphore(%arg17 : memref<!tpu.dma_semaphore, #tpu.memory_space<semaphore_mem>>) src(%arg10 : memref<128x64xf32, #tpu.memory_space<vmem>>) dst(%dma_wait3A_454 : memref<10240x64xf32, #tpu.memory_space<vmem_shared>>)
      %dma_start3A_455 = arith.constant 7 : i32
      %dma_start3A_456 = arith.constant 0 : i32
      %dma_start3A_457 = tpu.memref_slice %arg7[%dma_start3A_455, %dma_start3A_456] : memref<8x128xi32, #tpu.memory_space<vmem>> -> memref<1x128xi32, #tpu.memory_space<vmem>>
      %dma_start3A_458 = tpu.memref_squeeze %dma_start3A_457 : memref<1x128xi32, #tpu.memory_space<vmem>> -> memref<128xi32, #tpu.memory_space<vmem>>
      %dma_start3A_459 = arith.constant 0 : i32
      %dma_start3A_460 = arith.constant 0 : i32
      %dma_start3A_461 = tpu.memref_slice %arg2[%dma_start3A_459, %dma_start3A_460] : memref<10240x64xf32, #tpu.memory_space<hbm>> -> memref<10240x64xf32, #tpu.memory_space<hbm>>
      tpu.enqueue_indirect_dma source(%dma_start3A_461 : memref<10240x64xf32, #tpu.memory_space<hbm>>) target(%arg10 : memref<128x64xf32, #tpu.memory_space<vmem>>) offsets(%dma_start3A_458 : memref<128xi32, #tpu.memory_space<vmem>>) semaphore(%arg15 : memref<!tpu.dma_semaphore, #tpu.memory_space<semaphore_mem>>)
      %dma_wait3A_462 = arith.constant 6 : i32
      %dma_wait3A_463 = arith.constant 0 : i32
      %dma_wait3A_464 = tpu.memref_slice %arg7[%dma_wait3A_462, %dma_wait3A_463] : memref<8x128xi32, #tpu.memory_space<vmem>> -> memref<1x128xi32, #tpu.memory_space<vmem>>
      %dma_wait3A_465 = tpu.memref_squeeze %dma_wait3A_464 : memref<1x128xi32, #tpu.memory_space<vmem>> -> memref<128xi32, #tpu.memory_space<vmem>>
      %dma_wait3A_466 = arith.constant 0 : i32
      %dma_wait3A_467 = arith.constant 0 : i32
      %dma_wait3A_468 = tpu.memref_slice %arg2[%dma_wait3A_466, %dma_wait3A_467] : memref<10240x64xf32, #tpu.memory_space<hbm>> -> memref<10240x64xf32, #tpu.memory_space<hbm>>
      tpu.wait_indirect_dma semaphore(%arg14 : memref<!tpu.dma_semaphore, #tpu.memory_space<semaphore_mem>>) src(%dma_wait3A_468 : memref<10240x64xf32, #tpu.memory_space<hbm>>) dst(%arg9 : memref<128x64xf32, #tpu.memory_space<vmem>>)
      %dma_start3A_469 = arith.constant 6 : i32
      %dma_start3A_470 = arith.constant 0 : i32
      %dma_start3A_471 = tpu.memref_slice %arg8[%dma_start3A_469, %dma_start3A_470] : memref<8x128xi32, #tpu.memory_space<vmem>> -> memref<1x128xi32, #tpu.memory_space<vmem>>
      %dma_start3A_472 = tpu.memref_squeeze %dma_start3A_471 : memref<1x128xi32, #tpu.memory_space<vmem>> -> memref<128xi32, #tpu.memory_space<vmem>>
      %dma_start3A_473 = arith.constant 0 : i32
      %dma_start3A_474 = arith.constant 0 : i32
      %dma_start3A_475 = tpu.memref_slice %arg11[%dma_start3A_473, %dma_start3A_474] : memref<10240x64xf32, #tpu.memory_space<vmem_shared>> -> memref<10240x64xf32, #tpu.memory_space<vmem_shared>>
      tpu.enqueue_indirect_dma source(%arg9 : memref<128x64xf32, #tpu.memory_space<vmem>>) target(%dma_start3A_475 : memref<10240x64xf32, #tpu.memory_space<vmem_shared>>) offsets(%dma_start3A_472 : memref<128xi32, #tpu.memory_space<vmem>>) semaphore(%arg16 : memref<!tpu.dma_semaphore, #tpu.memory_space<semaphore_mem>>) {add = true}
      %dma_wait3A_476 = arith.constant 6 : i32
      %dma_wait3A_477 = arith.constant 0 : i32
      %dma_wait3A_478 = tpu.memref_slice %arg8[%dma_wait3A_476, %dma_wait3A_477] : memref<8x128xi32, #tpu.memory_space<vmem>> -> memref<1x128xi32, #tpu.memory_space<vmem>>
      %dma_wait3A_479 = tpu.memref_squeeze %dma_wait3A_478 : memref<1x128xi32, #tpu.memory_space<vmem>> -> memref<128xi32, #tpu.memory_space<vmem>>
      %dma_wait3A_480 = arith.constant 0 : i32
      %dma_wait3A_481 = arith.constant 0 : i32
      %dma_wait3A_482 = tpu.memref_slice %arg11[%dma_wait3A_480, %dma_wait3A_481] : memref<10240x64xf32, #tpu.memory_space<vmem_shared>> -> memref<10240x64xf32, #tpu.memory_space<vmem_shared>>
      tpu.wait_indirect_dma semaphore(%arg16 : memref<!tpu.dma_semaphore, #tpu.memory_space<semaphore_mem>>) src(%arg9 : memref<128x64xf32, #tpu.memory_space<vmem>>) dst(%dma_wait3A_482 : memref<10240x64xf32, #tpu.memory_space<vmem_shared>>)
      %add3A_483 = arith.constant 1 : i32
      %add3A_484 = arith.addi %add3A_286, %add3A_483 : i32
      %lt3A_485 = arith.constant 10 : i32
      %lt3A_486 = arith.cmpi slt, %add3A_484, %lt3A_485 : i32
      %convert_element_type3A_487 = arith.extui %lt3A_486 : i1 to i32
      %cond3A_488 = arith.constant 0 : i32
      %cond3A_489 = arith.cmpi ne, %convert_element_type3A_487, %cond3A_488 : i32
      scf.if %cond3A_489 {
        %add3A_505 = arith.constant 1 : i32
        %add3A_506 = arith.addi %add3A_286, %add3A_505 : i32
        %mul3A_507 = arith.constant 8 : i32
        %mul3A_508 = arith.muli %add3A_506, %mul3A_507 : i32
        %add3A_509 = arith.addi %mul3A_6, %mul3A_508 : i32
        %dma_wait3A_510 = arith.constant 0 : i32
        %dma_wait3A_511 = arith.constant 0 : i32
        %dma_wait3A_512 = arith.constant 0 : i32
        %dma_wait3A_513 = tpu.memref_slice %arg3[%dma_wait3A_510, %dma_wait3A_511, %dma_wait3A_512] : memref<2x2560x128xi32, #tpu.memory_space<hbm>> -> memref<1x2560x128xi32, #tpu.memory_space<hbm>>
        %dma_wait3A_514 = tpu.memref_squeeze %dma_wait3A_513 : memref<1x2560x128xi32, #tpu.memory_space<hbm>> -> memref<2560x128xi32, #tpu.memory_space<hbm>>
        %dma_wait3A_515 = arith.constant 0 : i32
        %dma_wait3A_516 = tpu.memref_slice %dma_wait3A_514[%add3A_509, %dma_wait3A_515] : memref<2560x128xi32, #tpu.memory_space<hbm>> -> memref<8x128xi32, #tpu.memory_space<hbm>>
        %dma_wait3A_517 = arith.constant 0 : i32
        %dma_wait3A_518 = arith.constant 0 : i32
        %dma_wait3A_519 = tpu.memref_slice %arg3[%dma_wait3A_510, %dma_wait3A_517, %dma_wait3A_518] : memref<2x2560x128xi32, #tpu.memory_space<hbm>> -> memref<1x2560x128xi32, #tpu.memory_space<hbm>>
        %dma_wait3A_520 = tpu.memref_squeeze %dma_wait3A_519 : memref<1x2560x128xi32, #tpu.memory_space<hbm>> -> memref<2560x128xi32, #tpu.memory_space<hbm>>
        %dma_wait3A_521 = arith.constant 0 : i32
        %dma_wait3A_522 = tpu.memref_slice %dma_wait3A_520[%add3A_509, %dma_wait3A_521] : memref<2560x128xi32, #tpu.memory_space<hbm>> -> memref<8x128xi32, #tpu.memory_space<hbm>>
        tpu.wait_dma2 semaphore(%arg12 : memref<!tpu.dma_semaphore, #tpu.memory_space<semaphore_mem>>) src(%dma_wait3A_522 : memref<8x128xi32, #tpu.memory_space<hbm>>) dst(%arg5 : memref<8x128xi32, #tpu.memory_space<vmem>>)
        %dma_wait3A_523 = arith.constant 1 : i32
        %dma_wait3A_524 = arith.constant 0 : i32
        %dma_wait3A_525 = arith.constant 0 : i32
        %dma_wait3A_526 = tpu.memref_slice %arg3[%dma_wait3A_523, %dma_wait3A_524, %dma_wait3A_525] : memref<2x2560x128xi32, #tpu.memory_space<hbm>> -> memref<1x2560x128xi32, #tpu.memory_space<hbm>>
        %dma_wait3A_527 = tpu.memref_squeeze %dma_wait3A_526 : memref<1x2560x128xi32, #tpu.memory_space<hbm>> -> memref<2560x128xi32, #tpu.memory_space<hbm>>
        %dma_wait3A_528 = arith.constant 0 : i32
        %dma_wait3A_529 = tpu.memref_slice %dma_wait3A_527[%add3A_509, %dma_wait3A_528] : memref<2560x128xi32, #tpu.memory_space<hbm>> -> memref<8x128xi32, #tpu.memory_space<hbm>>
        %dma_wait3A_530 = arith.constant 0 : i32
        %dma_wait3A_531 = arith.constant 0 : i32
        %dma_wait3A_532 = tpu.memref_slice %arg3[%dma_wait3A_523, %dma_wait3A_530, %dma_wait3A_531] : memref<2x2560x128xi32, #tpu.memory_space<hbm>> -> memref<1x2560x128xi32, #tpu.memory_space<hbm>>
        %dma_wait3A_533 = tpu.memref_squeeze %dma_wait3A_532 : memref<1x2560x128xi32, #tpu.memory_space<hbm>> -> memref<2560x128xi32, #tpu.memory_space<hbm>>
        %dma_wait3A_534 = arith.constant 0 : i32
        %dma_wait3A_535 = tpu.memref_slice %dma_wait3A_533[%add3A_509, %dma_wait3A_534] : memref<2560x128xi32, #tpu.memory_space<hbm>> -> memref<8x128xi32, #tpu.memory_space<hbm>>
        tpu.wait_dma2 semaphore(%arg12 : memref<!tpu.dma_semaphore, #tpu.memory_space<semaphore_mem>>) src(%dma_wait3A_535 : memref<8x128xi32, #tpu.memory_space<hbm>>) dst(%arg6 : memref<8x128xi32, #tpu.memory_space<vmem>>)
        %dma_start3A_536 = arith.constant 0 : i32
        %dma_start3A_537 = arith.constant 0 : i32
        %dma_start3A_538 = tpu.memref_slice %arg5[%dma_start3A_536, %dma_start3A_537] : memref<8x128xi32, #tpu.memory_space<vmem>> -> memref<1x128xi32, #tpu.memory_space<vmem>>
        %dma_start3A_539 = tpu.memref_squeeze %dma_start3A_538 : memref<1x128xi32, #tpu.memory_space<vmem>> -> memref<128xi32, #tpu.memory_space<vmem>>
        %dma_start3A_540 = arith.constant 0 : i32
        %dma_start3A_541 = arith.constant 0 : i32
        %dma_start3A_542 = tpu.memref_slice %arg2[%dma_start3A_540, %dma_start3A_541] : memref<10240x64xf32, #tpu.memory_space<hbm>> -> memref<10240x64xf32, #tpu.memory_space<hbm>>
        tpu.enqueue_indirect_dma source(%dma_start3A_542 : memref<10240x64xf32, #tpu.memory_space<hbm>>) target(%arg9 : memref<128x64xf32, #tpu.memory_space<vmem>>) offsets(%dma_start3A_539 : memref<128xi32, #tpu.memory_space<vmem>>) semaphore(%arg14 : memref<!tpu.dma_semaphore, #tpu.memory_space<semaphore_mem>>)
      } else {
      }
      %dma_wait3A_490 = arith.constant 7 : i32
      %dma_wait3A_491 = arith.constant 0 : i32
      %dma_wait3A_492 = tpu.memref_slice %arg7[%dma_wait3A_490, %dma_wait3A_491] : memref<8x128xi32, #tpu.memory_space<vmem>> -> memref<1x128xi32, #tpu.memory_space<vmem>>
      %dma_wait3A_493 = tpu.memref_squeeze %dma_wait3A_492 : memref<1x128xi32, #tpu.memory_space<vmem>> -> memref<128xi32, #tpu.memory_space<vmem>>
      %dma_wait3A_494 = arith.constant 0 : i32
      %dma_wait3A_495 = arith.constant 0 : i32
      %dma_wait3A_496 = tpu.memref_slice %arg2[%dma_wait3A_494, %dma_wait3A_495] : memref<10240x64xf32, #tpu.memory_space<hbm>> -> memref<10240x64xf32, #tpu.memory_space<hbm>>
      tpu.wait_indirect_dma semaphore(%arg15 : memref<!tpu.dma_semaphore, #tpu.memory_space<semaphore_mem>>) src(%dma_wait3A_496 : memref<10240x64xf32, #tpu.memory_space<hbm>>) dst(%arg10 : memref<128x64xf32, #tpu.memory_space<vmem>>)
      %run_scoped3A_497 = arith.constant 7 : i32
      "tpu.region"() ({
        %run_scoped3A_505 = tpu.sem_alloc : memref<!tpu.dma_semaphore, #tpu.memory_space<semaphore_mem>>
        %dma_start3A_506 = arith.constant 0 : i32
        %dma_start3A_507 = tpu.memref_slice %arg8[%run_scoped3A_497, %dma_start3A_506] : memref<8x128xi32, #tpu.memory_space<vmem>> -> memref<1x128xi32, #tpu.memory_space<vmem>>
        %dma_start3A_508 = tpu.memref_squeeze %dma_start3A_507 : memref<1x128xi32, #tpu.memory_space<vmem>> -> memref<128xi32, #tpu.memory_space<vmem>>
        %dma_start3A_509 = arith.constant 0 : i32
        %dma_start3A_510 = arith.constant 0 : i32
        %dma_start3A_511 = tpu.memref_slice %arg11[%dma_start3A_509, %dma_start3A_510] : memref<10240x64xf32, #tpu.memory_space<vmem_shared>> -> memref<10240x64xf32, #tpu.memory_space<vmem_shared>>
        tpu.enqueue_indirect_dma source(%arg10 : memref<128x64xf32, #tpu.memory_space<vmem>>) target(%dma_start3A_511 : memref<10240x64xf32, #tpu.memory_space<vmem_shared>>) offsets(%dma_start3A_508 : memref<128xi32, #tpu.memory_space<vmem>>) semaphore(%run_scoped3A_505 : memref<!tpu.dma_semaphore, #tpu.memory_space<semaphore_mem>>) {add = true}
        %dma_wait3A_512 = arith.constant 0 : i32
        %dma_wait3A_513 = tpu.memref_slice %arg8[%run_scoped3A_497, %dma_wait3A_512] : memref<8x128xi32, #tpu.memory_space<vmem>> -> memref<1x128xi32, #tpu.memory_space<vmem>>
        %dma_wait3A_514 = tpu.memref_squeeze %dma_wait3A_513 : memref<1x128xi32, #tpu.memory_space<vmem>> -> memref<128xi32, #tpu.memory_space<vmem>>
        %dma_wait3A_515 = arith.constant 0 : i32
        %dma_wait3A_516 = arith.constant 0 : i32
        %dma_wait3A_517 = tpu.memref_slice %arg11[%dma_wait3A_515, %dma_wait3A_516] : memref<10240x64xf32, #tpu.memory_space<vmem_shared>> -> memref<10240x64xf32, #tpu.memory_space<vmem_shared>>
        tpu.wait_indirect_dma semaphore(%run_scoped3A_505 : memref<!tpu.dma_semaphore, #tpu.memory_space<semaphore_mem>>) src(%arg10 : memref<128x64xf32, #tpu.memory_space<vmem>>) dst(%dma_wait3A_517 : memref<10240x64xf32, #tpu.memory_space<vmem_shared>>)
        tpu.yield
      }) : () -> ()
      %add3A_498 = arith.constant 2 : i32
      %add3A_499 = arith.addi %add3A_286, %add3A_498 : i32
      %lt3A_500 = arith.constant 10 : i32
      %lt3A_501 = arith.cmpi slt, %add3A_499, %lt3A_500 : i32
      %convert_element_type3A_502 = arith.extui %lt3A_501 : i1 to i32
      %cond3A_503 = arith.constant 0 : i32
      %cond3A_504 = arith.cmpi ne, %convert_element_type3A_502, %cond3A_503 : i32
      scf.if %cond3A_504 {
        %add3A_505 = arith.constant 2 : i32
        %add3A_506 = arith.addi %add3A_286, %add3A_505 : i32
        %mul3A_507 = arith.constant 8 : i32
        %mul3A_508 = arith.muli %add3A_506, %mul3A_507 : i32
        %add3A_509 = arith.addi %mul3A_6, %mul3A_508 : i32
        %dma_start3A_510 = arith.constant 0 : i32
        %dma_start3A_511 = arith.constant 0 : i32
        %dma_start3A_512 = arith.constant 0 : i32
        %dma_start3A_513 = tpu.memref_slice %arg3[%dma_start3A_510, %dma_start3A_511, %dma_start3A_512] : memref<2x2560x128xi32, #tpu.memory_space<hbm>> -> memref<1x2560x128xi32, #tpu.memory_space<hbm>>
        %dma_start3A_514 = tpu.memref_squeeze %dma_start3A_513 : memref<1x2560x128xi32, #tpu.memory_space<hbm>> -> memref<2560x128xi32, #tpu.memory_space<hbm>>
        %dma_start3A_515 = arith.constant 0 : i32
        %dma_start3A_516 = tpu.memref_slice %dma_start3A_514[%add3A_509, %dma_start3A_515] : memref<2560x128xi32, #tpu.memory_space<hbm>> -> memref<8x128xi32, #tpu.memory_space<hbm>>
        %dma_start3A_517 = arith.constant 0 : i32
        %dma_start3A_518 = arith.constant 0 : i32
        %dma_start3A_519 = tpu.memref_slice %arg3[%dma_start3A_510, %dma_start3A_517, %dma_start3A_518] : memref<2x2560x128xi32, #tpu.memory_space<hbm>> -> memref<1x2560x128xi32, #tpu.memory_space<hbm>>
        %dma_start3A_520 = tpu.memref_squeeze %dma_start3A_519 : memref<1x2560x128xi32, #tpu.memory_space<hbm>> -> memref<2560x128xi32, #tpu.memory_space<hbm>>
        %dma_start3A_521 = arith.constant 0 : i32
        %dma_start3A_522 = tpu.memref_slice %dma_start3A_520[%add3A_509, %dma_start3A_521] : memref<2560x128xi32, #tpu.memory_space<hbm>> -> memref<8x128xi32, #tpu.memory_space<hbm>>
        tpu.enqueue_dma source(%dma_start3A_522 : memref<8x128xi32, #tpu.memory_space<hbm>>) target(%arg7 : memref<8x128xi32, #tpu.memory_space<vmem>>) target_semaphore(%arg13 : memref<!tpu.dma_semaphore, #tpu.memory_space<semaphore_mem>>)
        %dma_start3A_523 = arith.constant 1 : i32
        %dma_start3A_524 = arith.constant 0 : i32
        %dma_start3A_525 = arith.constant 0 : i32
        %dma_start3A_526 = tpu.memref_slice %arg3[%dma_start3A_523, %dma_start3A_524, %dma_start3A_525] : memref<2x2560x128xi32, #tpu.memory_space<hbm>> -> memref<1x2560x128xi32, #tpu.memory_space<hbm>>
        %dma_start3A_527 = tpu.memref_squeeze %dma_start3A_526 : memref<1x2560x128xi32, #tpu.memory_space<hbm>> -> memref<2560x128xi32, #tpu.memory_space<hbm>>
        %dma_start3A_528 = arith.constant 0 : i32
        %dma_start3A_529 = tpu.memref_slice %dma_start3A_527[%add3A_509, %dma_start3A_528] : memref<2560x128xi32, #tpu.memory_space<hbm>> -> memref<8x128xi32, #tpu.memory_space<hbm>>
        %dma_start3A_530 = arith.constant 0 : i32
        %dma_start3A_531 = arith.constant 0 : i32
        %dma_start3A_532 = tpu.memref_slice %arg3[%dma_start3A_523, %dma_start3A_530, %dma_start3A_531] : memref<2x2560x128xi32, #tpu.memory_space<hbm>> -> memref<1x2560x128xi32, #tpu.memory_space<hbm>>
        %dma_start3A_533 = tpu.memref_squeeze %dma_start3A_532 : memref<1x2560x128xi32, #tpu.memory_space<hbm>> -> memref<2560x128xi32, #tpu.memory_space<hbm>>
        %dma_start3A_534 = arith.constant 0 : i32
        %dma_start3A_535 = tpu.memref_slice %dma_start3A_533[%add3A_509, %dma_start3A_534] : memref<2560x128xi32, #tpu.memory_space<hbm>> -> memref<8x128xi32, #tpu.memory_space<hbm>>
        tpu.enqueue_dma source(%dma_start3A_535 : memref<8x128xi32, #tpu.memory_space<hbm>>) target(%arg8 : memref<8x128xi32, #tpu.memory_space<vmem>>) target_semaphore(%arg13 : memref<!tpu.dma_semaphore, #tpu.memory_space<semaphore_mem>>)
      } else {
      }
    }
    %scan3A_62 = arith.constant 5 : i32
    %barrier3A_63 = arith.constant 0 : index
    tpu.barrier barrier_id(%barrier3A_63)
    "tpu.region"() ({
      %run_scoped3A_64 = tpu.sem_alloc : memref<!tpu.dma_semaphore, #tpu.memory_space<semaphore_mem>>
      %dma_start3A_65 = arith.constant 0 : i32
      %dma_start3A_66 = arith.constant 0 : i32
      %dma_start3A_67 = tpu.memref_slice %arg4[%arg0, %dma_start3A_65, %dma_start3A_66] : memref<2x10240x64xf32, #tpu.memory_space<hbm>> -> memref<1x10240x64xf32, #tpu.memory_space<hbm>>
      %dma_start3A_68 = tpu.memref_squeeze %dma_start3A_67 : memref<1x10240x64xf32, #tpu.memory_space<hbm>> -> memref<10240x64xf32, #tpu.memory_space<hbm>>
      %dma_start3A_69 = arith.constant 0 : i32
      %dma_start3A_70 = tpu.memref_slice %dma_start3A_68[%mul3A_0, %dma_start3A_69] : memref<10240x64xf32, #tpu.memory_space<hbm>> -> memref<640x64xf32, #tpu.memory_space<hbm>>
      %dma_start3A_71 = arith.constant 0 : i32
      %dma_start3A_72 = tpu.memref_slice %arg11[%mul3A_0, %dma_start3A_71] : memref<10240x64xf32, #tpu.memory_space<vmem_shared>> -> memref<640x64xf32, #tpu.memory_space<vmem_shared>>
      tpu.enqueue_dma source(%dma_start3A_72 : memref<640x64xf32, #tpu.memory_space<vmem_shared>>) target(%dma_start3A_70 : memref<640x64xf32, #tpu.memory_space<hbm>>) target_semaphore(%run_scoped3A_64 : memref<!tpu.dma_semaphore, #tpu.memory_space<semaphore_mem>>)
      %dma_wait3A = arith.constant 0 : i32
      %dma_wait3A_73 = arith.constant 0 : i32
      %dma_wait3A_74 = tpu.memref_slice %arg4[%arg0, %dma_wait3A, %dma_wait3A_73] : memref<2x10240x64xf32, #tpu.memory_space<hbm>> -> memref<1x10240x64xf32, #tpu.memory_space<hbm>>
      %dma_wait3A_75 = tpu.memref_squeeze %dma_wait3A_74 : memref<1x10240x64xf32, #tpu.memory_space<hbm>> -> memref<10240x64xf32, #tpu.memory_space<hbm>>
      %dma_wait3A_76 = arith.constant 0 : i32
      %dma_wait3A_77 = tpu.memref_slice %dma_wait3A_75[%mul3A_0, %dma_wait3A_76] : memref<10240x64xf32, #tpu.memory_space<hbm>> -> memref<640x64xf32, #tpu.memory_space<hbm>>
      %dma_wait3A_78 = arith.constant 0 : i32
      %dma_wait3A_79 = tpu.memref_slice %arg11[%mul3A_0, %dma_wait3A_78] : memref<10240x64xf32, #tpu.memory_space<vmem_shared>> -> memref<640x64xf32, #tpu.memory_space<vmem_shared>>
      tpu.wait_dma2 semaphore(%run_scoped3A_64 : memref<!tpu.dma_semaphore, #tpu.memory_space<semaphore_mem>>) src(%dma_wait3A_79 : memref<640x64xf32, #tpu.memory_space<vmem_shared>>) dst(%dma_wait3A_77 : memref<640x64xf32, #tpu.memory_space<hbm>>)
      tpu.yield
    }) : () -> ()
    return
  }
}

#map = affine_map<(d0, d1) -> (0, 0, 0)>
#map1 = affine_map<(d0, d1) -> (0, 0)>
module attributes {stable_mosaic.version = 14 : i64} {
  func.func @deg(%arg0: i32, %arg1: i32, %arg2: memref<2x2560x128xi32, #tpu.memory_space<hbm>>, %arg3: memref<32x10240xf32, #tpu.memory_space<hbm>>, %arg4: memref<8x128xi32, #tpu.memory_space<vmem>>, %arg5: memref<8x128xi32, #tpu.memory_space<vmem>>, %arg6: memref<10240xf32, #tpu.memory_space<vmem>>, %arg7: memref<!tpu.dma_semaphore, #tpu.memory_space<semaphore_mem>>, %arg8: memref<!tpu.dma_semaphore, #tpu.memory_space<semaphore_mem>>) attributes {dimension_semantics = [#tpu.dimension_semantics<core_parallel>, #tpu.dimension_semantics<subcore_parallel>], iteration_bounds = array<i64: 2, 16>, scalar_prefetch = 0 : i64, scratch_operands = 5 : i64, tpu.core_type = #tpu.core_type<sc_vector_subcore>, window_params = [{transform_indices = #map}, {transform_indices = #map1}]} {
    %mul3A = arith.constant 16 : i32
    %mul3A_0 = arith.muli %arg0, %mul3A : i32
    %add3A = arith.addi %mul3A_0, %arg1 : i32
    %mul3A_1 = arith.constant 10 : i32
    %mul3A_2 = arith.muli %add3A, %mul3A_1 : i32
    %mul3A_3 = arith.constant 8 : i32
    %mul3A_4 = arith.muli %mul3A_2, %mul3A_3 : i32
    %run_scoped3A = arith.constant 1 : i32
    "tpu.region"() ({
      %run_scoped3A_29 = tpu.sem_alloc : memref<!tpu.dma_semaphore, #tpu.memory_space<semaphore_mem>>
      %dma_start3A_30 = arith.constant 0 : i32
      %dma_start3A_31 = arith.constant 0 : i32
      %dma_start3A_32 = tpu.memref_slice %arg2[%run_scoped3A, %dma_start3A_30, %dma_start3A_31] : memref<2x2560x128xi32, #tpu.memory_space<hbm>> -> memref<1x2560x128xi32, #tpu.memory_space<hbm>>
      %dma_start3A_33 = tpu.memref_squeeze %dma_start3A_32 : memref<1x2560x128xi32, #tpu.memory_space<hbm>> -> memref<2560x128xi32, #tpu.memory_space<hbm>>
      %dma_start3A_34 = arith.constant 0 : i32
      %dma_start3A_35 = tpu.memref_slice %dma_start3A_33[%mul3A_4, %dma_start3A_34] : memref<2560x128xi32, #tpu.memory_space<hbm>> -> memref<8x128xi32, #tpu.memory_space<hbm>>
      %dma_start3A_36 = arith.constant 0 : i32
      %dma_start3A_37 = arith.constant 0 : i32
      %dma_start3A_38 = tpu.memref_slice %arg2[%run_scoped3A, %dma_start3A_36, %dma_start3A_37] : memref<2x2560x128xi32, #tpu.memory_space<hbm>> -> memref<1x2560x128xi32, #tpu.memory_space<hbm>>
      %dma_start3A_39 = tpu.memref_squeeze %dma_start3A_38 : memref<1x2560x128xi32, #tpu.memory_space<hbm>> -> memref<2560x128xi32, #tpu.memory_space<hbm>>
      %dma_start3A_40 = arith.constant 0 : i32
      %dma_start3A_41 = tpu.memref_slice %dma_start3A_39[%mul3A_4, %dma_start3A_40] : memref<2560x128xi32, #tpu.memory_space<hbm>> -> memref<8x128xi32, #tpu.memory_space<hbm>>
      tpu.enqueue_dma source(%dma_start3A_41 : memref<8x128xi32, #tpu.memory_space<hbm>>) target(%arg4 : memref<8x128xi32, #tpu.memory_space<vmem>>) target_semaphore(%run_scoped3A_29 : memref<!tpu.dma_semaphore, #tpu.memory_space<semaphore_mem>>)
      %dma_wait3A = arith.constant 0 : i32
      %dma_wait3A_42 = arith.constant 0 : i32
      %dma_wait3A_43 = tpu.memref_slice %arg2[%run_scoped3A, %dma_wait3A, %dma_wait3A_42] : memref<2x2560x128xi32, #tpu.memory_space<hbm>> -> memref<1x2560x128xi32, #tpu.memory_space<hbm>>
      %dma_wait3A_44 = tpu.memref_squeeze %dma_wait3A_43 : memref<1x2560x128xi32, #tpu.memory_space<hbm>> -> memref<2560x128xi32, #tpu.memory_space<hbm>>
      %dma_wait3A_45 = arith.constant 0 : i32
      %dma_wait3A_46 = tpu.memref_slice %dma_wait3A_44[%mul3A_4, %dma_wait3A_45] : memref<2560x128xi32, #tpu.memory_space<hbm>> -> memref<8x128xi32, #tpu.memory_space<hbm>>
      %dma_wait3A_47 = arith.constant 0 : i32
      %dma_wait3A_48 = arith.constant 0 : i32
      %dma_wait3A_49 = tpu.memref_slice %arg2[%run_scoped3A, %dma_wait3A_47, %dma_wait3A_48] : memref<2x2560x128xi32, #tpu.memory_space<hbm>> -> memref<1x2560x128xi32, #tpu.memory_space<hbm>>
      %dma_wait3A_50 = tpu.memref_squeeze %dma_wait3A_49 : memref<1x2560x128xi32, #tpu.memory_space<hbm>> -> memref<2560x128xi32, #tpu.memory_space<hbm>>
      %dma_wait3A_51 = arith.constant 0 : i32
      %dma_wait3A_52 = tpu.memref_slice %dma_wait3A_50[%mul3A_4, %dma_wait3A_51] : memref<2560x128xi32, #tpu.memory_space<hbm>> -> memref<8x128xi32, #tpu.memory_space<hbm>>
      tpu.wait_dma2 semaphore(%run_scoped3A_29 : memref<!tpu.dma_semaphore, #tpu.memory_space<semaphore_mem>>) src(%dma_wait3A_52 : memref<8x128xi32, #tpu.memory_space<hbm>>) dst(%arg4 : memref<8x128xi32, #tpu.memory_space<vmem>>)
      tpu.yield
    }) : () -> ()
    %add3A_5 = arith.constant 8 : i32
    %add3A_6 = arith.addi %mul3A_4, %add3A_5 : i32
    %dma_start3A = arith.constant 1 : i32
    %dma_start3A_7 = arith.constant 0 : i32
    %dma_start3A_8 = arith.constant 0 : i32
    %dma_start3A_9 = tpu.memref_slice %arg2[%dma_start3A, %dma_start3A_7, %dma_start3A_8] : memref<2x2560x128xi32, #tpu.memory_space<hbm>> -> memref<1x2560x128xi32, #tpu.memory_space<hbm>>
    %dma_start3A_10 = tpu.memref_squeeze %dma_start3A_9 : memref<1x2560x128xi32, #tpu.memory_space<hbm>> -> memref<2560x128xi32, #tpu.memory_space<hbm>>
    %dma_start3A_11 = arith.constant 0 : i32
    %dma_start3A_12 = tpu.memref_slice %dma_start3A_10[%add3A_6, %dma_start3A_11] : memref<2560x128xi32, #tpu.memory_space<hbm>> -> memref<8x128xi32, #tpu.memory_space<hbm>>
    %dma_start3A_13 = arith.constant 0 : i32
    %dma_start3A_14 = arith.constant 0 : i32
    %dma_start3A_15 = tpu.memref_slice %arg2[%dma_start3A, %dma_start3A_13, %dma_start3A_14] : memref<2x2560x128xi32, #tpu.memory_space<hbm>> -> memref<1x2560x128xi32, #tpu.memory_space<hbm>>
    %dma_start3A_16 = tpu.memref_squeeze %dma_start3A_15 : memref<1x2560x128xi32, #tpu.memory_space<hbm>> -> memref<2560x128xi32, #tpu.memory_space<hbm>>
    %dma_start3A_17 = arith.constant 0 : i32
    %dma_start3A_18 = tpu.memref_slice %dma_start3A_16[%add3A_6, %dma_start3A_17] : memref<2560x128xi32, #tpu.memory_space<hbm>> -> memref<8x128xi32, #tpu.memory_space<hbm>>
    tpu.enqueue_dma source(%dma_start3A_18 : memref<8x128xi32, #tpu.memory_space<hbm>>) target(%arg5 : memref<8x128xi32, #tpu.memory_space<vmem>>) target_semaphore(%arg8 : memref<!tpu.dma_semaphore, #tpu.memory_space<semaphore_mem>>)
    %scan3A = arith.constant 0 : i32
    %scan3A_19 = arith.constant 640 : i32
    %scan3A_20 = arith.addi %scan3A, %scan3A_19 : i32
    %scan3A_21 = arith.constant 1 : i32
    scf.for %scan3A_29 = %scan3A to %scan3A_20 step %scan3A_21  : i32 {
      %mul3A_30 = arith.constant 1 : i32
      %mul3A_31 = arith.muli %scan3A_29, %mul3A_30 : i32
      %add3A_32 = arith.constant 0 : i32
      %add3A_33 = arith.addi %add3A_32, %mul3A_31 : i32
      %broadcast_in_dim3A_34 = arith.constant 0.000000e+00 : f32
      %broadcast_in_dim3A_35 = vector.broadcast %broadcast_in_dim3A_34 : f32 to vector<16xf32>
      %mul3A_36 = arith.constant 16 : i32
      %mul3A_37 = arith.muli %add3A_33, %mul3A_36 : i32
      %swap3A = arith.index_cast %mul3A_37 : i32 to index
      %swap3A_38 = tpu.vector_load %arg6[%swap3A] {strides = array<i32>} : memref<10240xf32, #tpu.memory_space<vmem>>, vector<16xf32>,
      tpu.vector_store %arg6[%swap3A], %broadcast_in_dim3A_35 {strides = array<i32>} : memref<10240xf32, #tpu.memory_space<vmem>>, vector<16xf32>,
    }
    %scan3A_22 = arith.constant 640 : i32
    %broadcast_in_dim3A = arith.constant 1.000000e+00 : f32
    %broadcast_in_dim3A_23 = vector.broadcast %broadcast_in_dim3A : f32 to vector<16xf32>
    %scan3A_24 = arith.constant 0 : i32
    %scan3A_25 = arith.constant 5 : i32
    %scan3A_26 = arith.addi %scan3A_24, %scan3A_25 : i32
    %scan3A_27 = arith.constant 1 : i32
    scf.for %scan3A_29 = %scan3A_24 to %scan3A_26 step %scan3A_27  : i32 {
      %mul3A_30 = arith.constant 2 : i32
      %mul3A_31 = arith.muli %scan3A_29, %mul3A_30 : i32
      %add3A_32 = arith.constant 0 : i32
      %add3A_33 = arith.addi %add3A_32, %mul3A_31 : i32
      %add3A_34 = arith.constant 0 : i32
      %add3A_35 = arith.addi %add3A_33, %add3A_34 : i32
      %gt3A = arith.constant 0 : i32
      %gt3A_36 = arith.cmpi sgt, %add3A_35, %gt3A : i32
      %convert_element_type3A = arith.extui %gt3A_36 : i1 to i32
      %cond3A = arith.constant 0 : i32
      %cond3A_37 = arith.cmpi ne, %convert_element_type3A, %cond3A : i32
      scf.if %cond3A_37 {
        %mul3A_569 = arith.constant 8 : i32
        %mul3A_570 = arith.muli %add3A_35, %mul3A_569 : i32
        %add3A_571 = arith.addi %mul3A_4, %mul3A_570 : i32
        %dma_wait3A = arith.constant 1 : i32
        %dma_wait3A_572 = arith.constant 0 : i32
        %dma_wait3A_573 = arith.constant 0 : i32
        %dma_wait3A_574 = tpu.memref_slice %arg2[%dma_wait3A, %dma_wait3A_572, %dma_wait3A_573] : memref<2x2560x128xi32, #tpu.memory_space<hbm>> -> memref<1x2560x128xi32, #tpu.memory_space<hbm>>
        %dma_wait3A_575 = tpu.memref_squeeze %dma_wait3A_574 : memref<1x2560x128xi32, #tpu.memory_space<hbm>> -> memref<2560x128xi32, #tpu.memory_space<hbm>>
        %dma_wait3A_576 = arith.constant 0 : i32
        %dma_wait3A_577 = tpu.memref_slice %dma_wait3A_575[%add3A_571, %dma_wait3A_576] : memref<2560x128xi32, #tpu.memory_space<hbm>> -> memref<8x128xi32, #tpu.memory_space<hbm>>
        %dma_wait3A_578 = arith.constant 0 : i32
        %dma_wait3A_579 = arith.constant 0 : i32
        %dma_wait3A_580 = tpu.memref_slice %arg2[%dma_wait3A, %dma_wait3A_578, %dma_wait3A_579] : memref<2x2560x128xi32, #tpu.memory_space<hbm>> -> memref<1x2560x128xi32, #tpu.memory_space<hbm>>
        %dma_wait3A_581 = tpu.memref_squeeze %dma_wait3A_580 : memref<1x2560x128xi32, #tpu.memory_space<hbm>> -> memref<2560x128xi32, #tpu.memory_space<hbm>>
        %dma_wait3A_582 = arith.constant 0 : i32
        %dma_wait3A_583 = tpu.memref_slice %dma_wait3A_581[%add3A_571, %dma_wait3A_582] : memref<2560x128xi32, #tpu.memory_space<hbm>> -> memref<8x128xi32, #tpu.memory_space<hbm>>
        tpu.wait_dma2 semaphore(%arg7 : memref<!tpu.dma_semaphore, #tpu.memory_space<semaphore_mem>>) src(%dma_wait3A_583 : memref<8x128xi32, #tpu.memory_space<hbm>>) dst(%arg4 : memref<8x128xi32, #tpu.memory_space<vmem>>)
      } else {
      }
      %get3A = arith.constant 0 : i32
      %get3A_38 = arith.index_cast %get3A : i32 to index
      %get3A_39 = arith.constant 0 : index
      %get3A_40 = tpu.vector_load %arg4[%get3A_38, %get3A_39] {strides = array<i32>} : memref<8x128xi32, #tpu.memory_space<vmem>>, vector<16xi32>,
      tpu.vector_store_idx %arg6[%get3A_40], %broadcast_in_dim3A_23 {add = true} : memref<10240xf32, #tpu.memory_space<vmem>>[vector<16xi32>], vector<16xf32>,
      %get3A_41 = arith.constant 0 : i32
      %get3A_42 = arith.index_cast %get3A_41 : i32 to index
      %get3A_43 = arith.constant 16 : index
      %get3A_44 = tpu.vector_load %arg4[%get3A_42, %get3A_43] {strides = array<i32>} : memref<8x128xi32, #tpu.memory_space<vmem>>, vector<16xi32>,
      tpu.vector_store_idx %arg6[%get3A_44], %broadcast_in_dim3A_23 {add = true} : memref<10240xf32, #tpu.memory_space<vmem>>[vector<16xi32>], vector<16xf32>,
      %get3A_45 = arith.constant 0 : i32
      %get3A_46 = arith.index_cast %get3A_45 : i32 to index
      %get3A_47 = arith.constant 32 : index
      %get3A_48 = tpu.vector_load %arg4[%get3A_46, %get3A_47] {strides = array<i32>} : memref<8x128xi32, #tpu.memory_space<vmem>>, vector<16xi32>,
      tpu.vector_store_idx %arg6[%get3A_48], %broadcast_in_dim3A_23 {add = true} : memref<10240xf32, #tpu.memory_space<vmem>>[vector<16xi32>], vector<16xf32>,
      %get3A_49 = arith.constant 0 : i32
      %get3A_50 = arith.index_cast %get3A_49 : i32 to index
      %get3A_51 = arith.constant 48 : index
      %get3A_52 = tpu.vector_load %arg4[%get3A_50, %get3A_51] {strides = array<i32>} : memref<8x128xi32, #tpu.memory_space<vmem>>, vector<16xi32>,
      tpu.vector_store_idx %arg6[%get3A_52], %broadcast_in_dim3A_23 {add = true} : memref<10240xf32, #tpu.memory_space<vmem>>[vector<16xi32>], vector<16xf32>,
      %get3A_53 = arith.constant 0 : i32
      %get3A_54 = arith.index_cast %get3A_53 : i32 to index
      %get3A_55 = arith.constant 64 : index
      %get3A_56 = tpu.vector_load %arg4[%get3A_54, %get3A_55] {strides = array<i32>} : memref<8x128xi32, #tpu.memory_space<vmem>>, vector<16xi32>,
      tpu.vector_store_idx %arg6[%get3A_56], %broadcast_in_dim3A_23 {add = true} : memref<10240xf32, #tpu.memory_space<vmem>>[vector<16xi32>], vector<16xf32>,
      %get3A_57 = arith.constant 0 : i32
      %get3A_58 = arith.index_cast %get3A_57 : i32 to index
      %get3A_59 = arith.constant 80 : index
      %get3A_60 = tpu.vector_load %arg4[%get3A_58, %get3A_59] {strides = array<i32>} : memref<8x128xi32, #tpu.memory_space<vmem>>, vector<16xi32>,
      tpu.vector_store_idx %arg6[%get3A_60], %broadcast_in_dim3A_23 {add = true} : memref<10240xf32, #tpu.memory_space<vmem>>[vector<16xi32>], vector<16xf32>,
      %get3A_61 = arith.constant 0 : i32
      %get3A_62 = arith.index_cast %get3A_61 : i32 to index
      %get3A_63 = arith.constant 96 : index
      %get3A_64 = tpu.vector_load %arg4[%get3A_62, %get3A_63] {strides = array<i32>} : memref<8x128xi32, #tpu.memory_space<vmem>>, vector<16xi32>,
      tpu.vector_store_idx %arg6[%get3A_64], %broadcast_in_dim3A_23 {add = true} : memref<10240xf32, #tpu.memory_space<vmem>>[vector<16xi32>], vector<16xf32>,
      %get3A_65 = arith.constant 0 : i32
      %get3A_66 = arith.index_cast %get3A_65 : i32 to index
      %get3A_67 = arith.constant 112 : index
      %get3A_68 = tpu.vector_load %arg4[%get3A_66, %get3A_67] {strides = array<i32>} : memref<8x128xi32, #tpu.memory_space<vmem>>, vector<16xi32>,
      tpu.vector_store_idx %arg6[%get3A_68], %broadcast_in_dim3A_23 {add = true} : memref<10240xf32, #tpu.memory_space<vmem>>[vector<16xi32>], vector<16xf32>,
      %get3A_69 = arith.constant 1 : i32
      %get3A_70 = arith.index_cast %get3A_69 : i32 to index
      %get3A_71 = arith.constant 0 : index
      %get3A_72 = tpu.vector_load %arg4[%get3A_70, %get3A_71] {strides = array<i32>} : memref<8x128xi32, #tpu.memory_space<vmem>>, vector<16xi32>,
      tpu.vector_store_idx %arg6[%get3A_72], %broadcast_in_dim3A_23 {add = true} : memref<10240xf32, #tpu.memory_space<vmem>>[vector<16xi32>], vector<16xf32>,
      %get3A_73 = arith.constant 1 : i32
      %get3A_74 = arith.index_cast %get3A_73 : i32 to index
      %get3A_75 = arith.constant 16 : index
      %get3A_76 = tpu.vector_load %arg4[%get3A_74, %get3A_75] {strides = array<i32>} : memref<8x128xi32, #tpu.memory_space<vmem>>, vector<16xi32>,
      tpu.vector_store_idx %arg6[%get3A_76], %broadcast_in_dim3A_23 {add = true} : memref<10240xf32, #tpu.memory_space<vmem>>[vector<16xi32>], vector<16xf32>,
      %get3A_77 = arith.constant 1 : i32
      %get3A_78 = arith.index_cast %get3A_77 : i32 to index
      %get3A_79 = arith.constant 32 : index
      %get3A_80 = tpu.vector_load %arg4[%get3A_78, %get3A_79] {strides = array<i32>} : memref<8x128xi32, #tpu.memory_space<vmem>>, vector<16xi32>,
      tpu.vector_store_idx %arg6[%get3A_80], %broadcast_in_dim3A_23 {add = true} : memref<10240xf32, #tpu.memory_space<vmem>>[vector<16xi32>], vector<16xf32>,
      %get3A_81 = arith.constant 1 : i32
      %get3A_82 = arith.index_cast %get3A_81 : i32 to index
      %get3A_83 = arith.constant 48 : index
      %get3A_84 = tpu.vector_load %arg4[%get3A_82, %get3A_83] {strides = array<i32>} : memref<8x128xi32, #tpu.memory_space<vmem>>, vector<16xi32>,
      tpu.vector_store_idx %arg6[%get3A_84], %broadcast_in_dim3A_23 {add = true} : memref<10240xf32, #tpu.memory_space<vmem>>[vector<16xi32>], vector<16xf32>,
      %get3A_85 = arith.constant 1 : i32
      %get3A_86 = arith.index_cast %get3A_85 : i32 to index
      %get3A_87 = arith.constant 64 : index
      %get3A_88 = tpu.vector_load %arg4[%get3A_86, %get3A_87] {strides = array<i32>} : memref<8x128xi32, #tpu.memory_space<vmem>>, vector<16xi32>,
      tpu.vector_store_idx %arg6[%get3A_88], %broadcast_in_dim3A_23 {add = true} : memref<10240xf32, #tpu.memory_space<vmem>>[vector<16xi32>], vector<16xf32>,
      %get3A_89 = arith.constant 1 : i32
      %get3A_90 = arith.index_cast %get3A_89 : i32 to index
      %get3A_91 = arith.constant 80 : index
      %get3A_92 = tpu.vector_load %arg4[%get3A_90, %get3A_91] {strides = array<i32>} : memref<8x128xi32, #tpu.memory_space<vmem>>, vector<16xi32>,
      tpu.vector_store_idx %arg6[%get3A_92], %broadcast_in_dim3A_23 {add = true} : memref<10240xf32, #tpu.memory_space<vmem>>[vector<16xi32>], vector<16xf32>,
      %get3A_93 = arith.constant 1 : i32
      %get3A_94 = arith.index_cast %get3A_93 : i32 to index
      %get3A_95 = arith.constant 96 : index
      %get3A_96 = tpu.vector_load %arg4[%get3A_94, %get3A_95] {strides = array<i32>} : memref<8x128xi32, #tpu.memory_space<vmem>>, vector<16xi32>,
      tpu.vector_store_idx %arg6[%get3A_96], %broadcast_in_dim3A_23 {add = true} : memref<10240xf32, #tpu.memory_space<vmem>>[vector<16xi32>], vector<16xf32>,
      %get3A_97 = arith.constant 1 : i32
      %get3A_98 = arith.index_cast %get3A_97 : i32 to index
      %get3A_99 = arith.constant 112 : index
      %get3A_100 = tpu.vector_load %arg4[%get3A_98, %get3A_99] {strides = array<i32>} : memref<8x128xi32, #tpu.memory_space<vmem>>, vector<16xi32>,
      tpu.vector_store_idx %arg6[%get3A_100], %broadcast_in_dim3A_23 {add = true} : memref<10240xf32, #tpu.memory_space<vmem>>[vector<16xi32>], vector<16xf32>,
      %get3A_101 = arith.constant 2 : i32
      %get3A_102 = arith.index_cast %get3A_101 : i32 to index
      %get3A_103 = arith.constant 0 : index
      %get3A_104 = tpu.vector_load %arg4[%get3A_102, %get3A_103] {strides = array<i32>} : memref<8x128xi32, #tpu.memory_space<vmem>>, vector<16xi32>,
      tpu.vector_store_idx %arg6[%get3A_104], %broadcast_in_dim3A_23 {add = true} : memref<10240xf32, #tpu.memory_space<vmem>>[vector<16xi32>], vector<16xf32>,
      %get3A_105 = arith.constant 2 : i32
      %get3A_106 = arith.index_cast %get3A_105 : i32 to index
      %get3A_107 = arith.constant 16 : index
      %get3A_108 = tpu.vector_load %arg4[%get3A_106, %get3A_107] {strides = array<i32>} : memref<8x128xi32, #tpu.memory_space<vmem>>, vector<16xi32>,
      tpu.vector_store_idx %arg6[%get3A_108], %broadcast_in_dim3A_23 {add = true} : memref<10240xf32, #tpu.memory_space<vmem>>[vector<16xi32>], vector<16xf32>,
      %get3A_109 = arith.constant 2 : i32
      %get3A_110 = arith.index_cast %get3A_109 : i32 to index
      %get3A_111 = arith.constant 32 : index
      %get3A_112 = tpu.vector_load %arg4[%get3A_110, %get3A_111] {strides = array<i32>} : memref<8x128xi32, #tpu.memory_space<vmem>>, vector<16xi32>,
      tpu.vector_store_idx %arg6[%get3A_112], %broadcast_in_dim3A_23 {add = true} : memref<10240xf32, #tpu.memory_space<vmem>>[vector<16xi32>], vector<16xf32>,
      %get3A_113 = arith.constant 2 : i32
      %get3A_114 = arith.index_cast %get3A_113 : i32 to index
      %get3A_115 = arith.constant 48 : index
      %get3A_116 = tpu.vector_load %arg4[%get3A_114, %get3A_115] {strides = array<i32>} : memref<8x128xi32, #tpu.memory_space<vmem>>, vector<16xi32>,
      tpu.vector_store_idx %arg6[%get3A_116], %broadcast_in_dim3A_23 {add = true} : memref<10240xf32, #tpu.memory_space<vmem>>[vector<16xi32>], vector<16xf32>,
      %get3A_117 = arith.constant 2 : i32
      %get3A_118 = arith.index_cast %get3A_117 : i32 to index
      %get3A_119 = arith.constant 64 : index
      %get3A_120 = tpu.vector_load %arg4[%get3A_118, %get3A_119] {strides = array<i32>} : memref<8x128xi32, #tpu.memory_space<vmem>>, vector<16xi32>,
      tpu.vector_store_idx %arg6[%get3A_120], %broadcast_in_dim3A_23 {add = true} : memref<10240xf32, #tpu.memory_space<vmem>>[vector<16xi32>], vector<16xf32>,
      %get3A_121 = arith.constant 2 : i32
      %get3A_122 = arith.index_cast %get3A_121 : i32 to index
      %get3A_123 = arith.constant 80 : index
      %get3A_124 = tpu.vector_load %arg4[%get3A_122, %get3A_123] {strides = array<i32>} : memref<8x128xi32, #tpu.memory_space<vmem>>, vector<16xi32>,
      tpu.vector_store_idx %arg6[%get3A_124], %broadcast_in_dim3A_23 {add = true} : memref<10240xf32, #tpu.memory_space<vmem>>[vector<16xi32>], vector<16xf32>,
      %get3A_125 = arith.constant 2 : i32
      %get3A_126 = arith.index_cast %get3A_125 : i32 to index
      %get3A_127 = arith.constant 96 : index
      %get3A_128 = tpu.vector_load %arg4[%get3A_126, %get3A_127] {strides = array<i32>} : memref<8x128xi32, #tpu.memory_space<vmem>>, vector<16xi32>,
      tpu.vector_store_idx %arg6[%get3A_128], %broadcast_in_dim3A_23 {add = true} : memref<10240xf32, #tpu.memory_space<vmem>>[vector<16xi32>], vector<16xf32>,
      %get3A_129 = arith.constant 2 : i32
      %get3A_130 = arith.index_cast %get3A_129 : i32 to index
      %get3A_131 = arith.constant 112 : index
      %get3A_132 = tpu.vector_load %arg4[%get3A_130, %get3A_131] {strides = array<i32>} : memref<8x128xi32, #tpu.memory_space<vmem>>, vector<16xi32>,
      tpu.vector_store_idx %arg6[%get3A_132], %broadcast_in_dim3A_23 {add = true} : memref<10240xf32, #tpu.memory_space<vmem>>[vector<16xi32>], vector<16xf32>,
      %get3A_133 = arith.constant 3 : i32
      %get3A_134 = arith.index_cast %get3A_133 : i32 to index
      %get3A_135 = arith.constant 0 : index
      %get3A_136 = tpu.vector_load %arg4[%get3A_134, %get3A_135] {strides = array<i32>} : memref<8x128xi32, #tpu.memory_space<vmem>>, vector<16xi32>,
      tpu.vector_store_idx %arg6[%get3A_136], %broadcast_in_dim3A_23 {add = true} : memref<10240xf32, #tpu.memory_space<vmem>>[vector<16xi32>], vector<16xf32>,
      %get3A_137 = arith.constant 3 : i32
      %get3A_138 = arith.index_cast %get3A_137 : i32 to index
      %get3A_139 = arith.constant 16 : index
      %get3A_140 = tpu.vector_load %arg4[%get3A_138, %get3A_139] {strides = array<i32>} : memref<8x128xi32, #tpu.memory_space<vmem>>, vector<16xi32>,
      tpu.vector_store_idx %arg6[%get3A_140], %broadcast_in_dim3A_23 {add = true} : memref<10240xf32, #tpu.memory_space<vmem>>[vector<16xi32>], vector<16xf32>,
      %get3A_141 = arith.constant 3 : i32
      %get3A_142 = arith.index_cast %get3A_141 : i32 to index
      %get3A_143 = arith.constant 32 : index
      %get3A_144 = tpu.vector_load %arg4[%get3A_142, %get3A_143] {strides = array<i32>} : memref<8x128xi32, #tpu.memory_space<vmem>>, vector<16xi32>,
      tpu.vector_store_idx %arg6[%get3A_144], %broadcast_in_dim3A_23 {add = true} : memref<10240xf32, #tpu.memory_space<vmem>>[vector<16xi32>], vector<16xf32>,
      %get3A_145 = arith.constant 3 : i32
      %get3A_146 = arith.index_cast %get3A_145 : i32 to index
      %get3A_147 = arith.constant 48 : index
      %get3A_148 = tpu.vector_load %arg4[%get3A_146, %get3A_147] {strides = array<i32>} : memref<8x128xi32, #tpu.memory_space<vmem>>, vector<16xi32>,
      tpu.vector_store_idx %arg6[%get3A_148], %broadcast_in_dim3A_23 {add = true} : memref<10240xf32, #tpu.memory_space<vmem>>[vector<16xi32>], vector<16xf32>,
      %get3A_149 = arith.constant 3 : i32
      %get3A_150 = arith.index_cast %get3A_149 : i32 to index
      %get3A_151 = arith.constant 64 : index
      %get3A_152 = tpu.vector_load %arg4[%get3A_150, %get3A_151] {strides = array<i32>} : memref<8x128xi32, #tpu.memory_space<vmem>>, vector<16xi32>,
      tpu.vector_store_idx %arg6[%get3A_152], %broadcast_in_dim3A_23 {add = true} : memref<10240xf32, #tpu.memory_space<vmem>>[vector<16xi32>], vector<16xf32>,
      %get3A_153 = arith.constant 3 : i32
      %get3A_154 = arith.index_cast %get3A_153 : i32 to index
      %get3A_155 = arith.constant 80 : index
      %get3A_156 = tpu.vector_load %arg4[%get3A_154, %get3A_155] {strides = array<i32>} : memref<8x128xi32, #tpu.memory_space<vmem>>, vector<16xi32>,
      tpu.vector_store_idx %arg6[%get3A_156], %broadcast_in_dim3A_23 {add = true} : memref<10240xf32, #tpu.memory_space<vmem>>[vector<16xi32>], vector<16xf32>,
      %get3A_157 = arith.constant 3 : i32
      %get3A_158 = arith.index_cast %get3A_157 : i32 to index
      %get3A_159 = arith.constant 96 : index
      %get3A_160 = tpu.vector_load %arg4[%get3A_158, %get3A_159] {strides = array<i32>} : memref<8x128xi32, #tpu.memory_space<vmem>>, vector<16xi32>,
      tpu.vector_store_idx %arg6[%get3A_160], %broadcast_in_dim3A_23 {add = true} : memref<10240xf32, #tpu.memory_space<vmem>>[vector<16xi32>], vector<16xf32>,
      %get3A_161 = arith.constant 3 : i32
      %get3A_162 = arith.index_cast %get3A_161 : i32 to index
      %get3A_163 = arith.constant 112 : index
      %get3A_164 = tpu.vector_load %arg4[%get3A_162, %get3A_163] {strides = array<i32>} : memref<8x128xi32, #tpu.memory_space<vmem>>, vector<16xi32>,
      tpu.vector_store_idx %arg6[%get3A_164], %broadcast_in_dim3A_23 {add = true} : memref<10240xf32, #tpu.memory_space<vmem>>[vector<16xi32>], vector<16xf32>,
      %get3A_165 = arith.constant 4 : i32
      %get3A_166 = arith.index_cast %get3A_165 : i32 to index
      %get3A_167 = arith.constant 0 : index
      %get3A_168 = tpu.vector_load %arg4[%get3A_166, %get3A_167] {strides = array<i32>} : memref<8x128xi32, #tpu.memory_space<vmem>>, vector<16xi32>,
      tpu.vector_store_idx %arg6[%get3A_168], %broadcast_in_dim3A_23 {add = true} : memref<10240xf32, #tpu.memory_space<vmem>>[vector<16xi32>], vector<16xf32>,
      %get3A_169 = arith.constant 4 : i32
      %get3A_170 = arith.index_cast %get3A_169 : i32 to index
      %get3A_171 = arith.constant 16 : index
      %get3A_172 = tpu.vector_load %arg4[%get3A_170, %get3A_171] {strides = array<i32>} : memref<8x128xi32, #tpu.memory_space<vmem>>, vector<16xi32>,
      tpu.vector_store_idx %arg6[%get3A_172], %broadcast_in_dim3A_23 {add = true} : memref<10240xf32, #tpu.memory_space<vmem>>[vector<16xi32>], vector<16xf32>,
      %get3A_173 = arith.constant 4 : i32
      %get3A_174 = arith.index_cast %get3A_173 : i32 to index
      %get3A_175 = arith.constant 32 : index
      %get3A_176 = tpu.vector_load %arg4[%get3A_174, %get3A_175] {strides = array<i32>} : memref<8x128xi32, #tpu.memory_space<vmem>>, vector<16xi32>,
      tpu.vector_store_idx %arg6[%get3A_176], %broadcast_in_dim3A_23 {add = true} : memref<10240xf32, #tpu.memory_space<vmem>>[vector<16xi32>], vector<16xf32>,
      %get3A_177 = arith.constant 4 : i32
      %get3A_178 = arith.index_cast %get3A_177 : i32 to index
      %get3A_179 = arith.constant 48 : index
      %get3A_180 = tpu.vector_load %arg4[%get3A_178, %get3A_179] {strides = array<i32>} : memref<8x128xi32, #tpu.memory_space<vmem>>, vector<16xi32>,
      tpu.vector_store_idx %arg6[%get3A_180], %broadcast_in_dim3A_23 {add = true} : memref<10240xf32, #tpu.memory_space<vmem>>[vector<16xi32>], vector<16xf32>,
      %get3A_181 = arith.constant 4 : i32
      %get3A_182 = arith.index_cast %get3A_181 : i32 to index
      %get3A_183 = arith.constant 64 : index
      %get3A_184 = tpu.vector_load %arg4[%get3A_182, %get3A_183] {strides = array<i32>} : memref<8x128xi32, #tpu.memory_space<vmem>>, vector<16xi32>,
      tpu.vector_store_idx %arg6[%get3A_184], %broadcast_in_dim3A_23 {add = true} : memref<10240xf32, #tpu.memory_space<vmem>>[vector<16xi32>], vector<16xf32>,
      %get3A_185 = arith.constant 4 : i32
      %get3A_186 = arith.index_cast %get3A_185 : i32 to index
      %get3A_187 = arith.constant 80 : index
      %get3A_188 = tpu.vector_load %arg4[%get3A_186, %get3A_187] {strides = array<i32>} : memref<8x128xi32, #tpu.memory_space<vmem>>, vector<16xi32>,
      tpu.vector_store_idx %arg6[%get3A_188], %broadcast_in_dim3A_23 {add = true} : memref<10240xf32, #tpu.memory_space<vmem>>[vector<16xi32>], vector<16xf32>,
      %get3A_189 = arith.constant 4 : i32
      %get3A_190 = arith.index_cast %get3A_189 : i32 to index
      %get3A_191 = arith.constant 96 : index
      %get3A_192 = tpu.vector_load %arg4[%get3A_190, %get3A_191] {strides = array<i32>} : memref<8x128xi32, #tpu.memory_space<vmem>>, vector<16xi32>,
      tpu.vector_store_idx %arg6[%get3A_192], %broadcast_in_dim3A_23 {add = true} : memref<10240xf32, #tpu.memory_space<vmem>>[vector<16xi32>], vector<16xf32>,
      %get3A_193 = arith.constant 4 : i32
      %get3A_194 = arith.index_cast %get3A_193 : i32 to index
      %get3A_195 = arith.constant 112 : index
      %get3A_196 = tpu.vector_load %arg4[%get3A_194, %get3A_195] {strides = array<i32>} : memref<8x128xi32, #tpu.memory_space<vmem>>, vector<16xi32>,
      tpu.vector_store_idx %arg6[%get3A_196], %broadcast_in_dim3A_23 {add = true} : memref<10240xf32, #tpu.memory_space<vmem>>[vector<16xi32>], vector<16xf32>,
      %get3A_197 = arith.constant 5 : i32
      %get3A_198 = arith.index_cast %get3A_197 : i32 to index
      %get3A_199 = arith.constant 0 : index
      %get3A_200 = tpu.vector_load %arg4[%get3A_198, %get3A_199] {strides = array<i32>} : memref<8x128xi32, #tpu.memory_space<vmem>>, vector<16xi32>,
      tpu.vector_store_idx %arg6[%get3A_200], %broadcast_in_dim3A_23 {add = true} : memref<10240xf32, #tpu.memory_space<vmem>>[vector<16xi32>], vector<16xf32>,
      %get3A_201 = arith.constant 5 : i32
      %get3A_202 = arith.index_cast %get3A_201 : i32 to index
      %get3A_203 = arith.constant 16 : index
      %get3A_204 = tpu.vector_load %arg4[%get3A_202, %get3A_203] {strides = array<i32>} : memref<8x128xi32, #tpu.memory_space<vmem>>, vector<16xi32>,
      tpu.vector_store_idx %arg6[%get3A_204], %broadcast_in_dim3A_23 {add = true} : memref<10240xf32, #tpu.memory_space<vmem>>[vector<16xi32>], vector<16xf32>,
      %get3A_205 = arith.constant 5 : i32
      %get3A_206 = arith.index_cast %get3A_205 : i32 to index
      %get3A_207 = arith.constant 32 : index
      %get3A_208 = tpu.vector_load %arg4[%get3A_206, %get3A_207] {strides = array<i32>} : memref<8x128xi32, #tpu.memory_space<vmem>>, vector<16xi32>,
      tpu.vector_store_idx %arg6[%get3A_208], %broadcast_in_dim3A_23 {add = true} : memref<10240xf32, #tpu.memory_space<vmem>>[vector<16xi32>], vector<16xf32>,
      %get3A_209 = arith.constant 5 : i32
      %get3A_210 = arith.index_cast %get3A_209 : i32 to index
      %get3A_211 = arith.constant 48 : index
      %get3A_212 = tpu.vector_load %arg4[%get3A_210, %get3A_211] {strides = array<i32>} : memref<8x128xi32, #tpu.memory_space<vmem>>, vector<16xi32>,
      tpu.vector_store_idx %arg6[%get3A_212], %broadcast_in_dim3A_23 {add = true} : memref<10240xf32, #tpu.memory_space<vmem>>[vector<16xi32>], vector<16xf32>,
      %get3A_213 = arith.constant 5 : i32
      %get3A_214 = arith.index_cast %get3A_213 : i32 to index
      %get3A_215 = arith.constant 64 : index
      %get3A_216 = tpu.vector_load %arg4[%get3A_214, %get3A_215] {strides = array<i32>} : memref<8x128xi32, #tpu.memory_space<vmem>>, vector<16xi32>,
      tpu.vector_store_idx %arg6[%get3A_216], %broadcast_in_dim3A_23 {add = true} : memref<10240xf32, #tpu.memory_space<vmem>>[vector<16xi32>], vector<16xf32>,
      %get3A_217 = arith.constant 5 : i32
      %get3A_218 = arith.index_cast %get3A_217 : i32 to index
      %get3A_219 = arith.constant 80 : index
      %get3A_220 = tpu.vector_load %arg4[%get3A_218, %get3A_219] {strides = array<i32>} : memref<8x128xi32, #tpu.memory_space<vmem>>, vector<16xi32>,
      tpu.vector_store_idx %arg6[%get3A_220], %broadcast_in_dim3A_23 {add = true} : memref<10240xf32, #tpu.memory_space<vmem>>[vector<16xi32>], vector<16xf32>,
      %get3A_221 = arith.constant 5 : i32
      %get3A_222 = arith.index_cast %get3A_221 : i32 to index
      %get3A_223 = arith.constant 96 : index
      %get3A_224 = tpu.vector_load %arg4[%get3A_222, %get3A_223] {strides = array<i32>} : memref<8x128xi32, #tpu.memory_space<vmem>>, vector<16xi32>,
      tpu.vector_store_idx %arg6[%get3A_224], %broadcast_in_dim3A_23 {add = true} : memref<10240xf32, #tpu.memory_space<vmem>>[vector<16xi32>], vector<16xf32>,
      %get3A_225 = arith.constant 5 : i32
      %get3A_226 = arith.index_cast %get3A_225 : i32 to index
      %get3A_227 = arith.constant 112 : index
      %get3A_228 = tpu.vector_load %arg4[%get3A_226, %get3A_227] {strides = array<i32>} : memref<8x128xi32, #tpu.memory_space<vmem>>, vector<16xi32>,
      tpu.vector_store_idx %arg6[%get3A_228], %broadcast_in_dim3A_23 {add = true} : memref<10240xf32, #tpu.memory_space<vmem>>[vector<16xi32>], vector<16xf32>,
      %get3A_229 = arith.constant 6 : i32
      %get3A_230 = arith.index_cast %get3A_229 : i32 to index
      %get3A_231 = arith.constant 0 : index
      %get3A_232 = tpu.vector_load %arg4[%get3A_230, %get3A_231] {strides = array<i32>} : memref<8x128xi32, #tpu.memory_space<vmem>>, vector<16xi32>,
      tpu.vector_store_idx %arg6[%get3A_232], %broadcast_in_dim3A_23 {add = true} : memref<10240xf32, #tpu.memory_space<vmem>>[vector<16xi32>], vector<16xf32>,
      %get3A_233 = arith.constant 6 : i32
      %get3A_234 = arith.index_cast %get3A_233 : i32 to index
      %get3A_235 = arith.constant 16 : index
      %get3A_236 = tpu.vector_load %arg4[%get3A_234, %get3A_235] {strides = array<i32>} : memref<8x128xi32, #tpu.memory_space<vmem>>, vector<16xi32>,
      tpu.vector_store_idx %arg6[%get3A_236], %broadcast_in_dim3A_23 {add = true} : memref<10240xf32, #tpu.memory_space<vmem>>[vector<16xi32>], vector<16xf32>,
      %get3A_237 = arith.constant 6 : i32
      %get3A_238 = arith.index_cast %get3A_237 : i32 to index
      %get3A_239 = arith.constant 32 : index
      %get3A_240 = tpu.vector_load %arg4[%get3A_238, %get3A_239] {strides = array<i32>} : memref<8x128xi32, #tpu.memory_space<vmem>>, vector<16xi32>,
      tpu.vector_store_idx %arg6[%get3A_240], %broadcast_in_dim3A_23 {add = true} : memref<10240xf32, #tpu.memory_space<vmem>>[vector<16xi32>], vector<16xf32>,
      %get3A_241 = arith.constant 6 : i32
      %get3A_242 = arith.index_cast %get3A_241 : i32 to index
      %get3A_243 = arith.constant 48 : index
      %get3A_244 = tpu.vector_load %arg4[%get3A_242, %get3A_243] {strides = array<i32>} : memref<8x128xi32, #tpu.memory_space<vmem>>, vector<16xi32>,
      tpu.vector_store_idx %arg6[%get3A_244], %broadcast_in_dim3A_23 {add = true} : memref<10240xf32, #tpu.memory_space<vmem>>[vector<16xi32>], vector<16xf32>,
      %get3A_245 = arith.constant 6 : i32
      %get3A_246 = arith.index_cast %get3A_245 : i32 to index
      %get3A_247 = arith.constant 64 : index
      %get3A_248 = tpu.vector_load %arg4[%get3A_246, %get3A_247] {strides = array<i32>} : memref<8x128xi32, #tpu.memory_space<vmem>>, vector<16xi32>,
      tpu.vector_store_idx %arg6[%get3A_248], %broadcast_in_dim3A_23 {add = true} : memref<10240xf32, #tpu.memory_space<vmem>>[vector<16xi32>], vector<16xf32>,
      %get3A_249 = arith.constant 6 : i32
      %get3A_250 = arith.index_cast %get3A_249 : i32 to index
      %get3A_251 = arith.constant 80 : index
      %get3A_252 = tpu.vector_load %arg4[%get3A_250, %get3A_251] {strides = array<i32>} : memref<8x128xi32, #tpu.memory_space<vmem>>, vector<16xi32>,
      tpu.vector_store_idx %arg6[%get3A_252], %broadcast_in_dim3A_23 {add = true} : memref<10240xf32, #tpu.memory_space<vmem>>[vector<16xi32>], vector<16xf32>,
      %get3A_253 = arith.constant 6 : i32
      %get3A_254 = arith.index_cast %get3A_253 : i32 to index
      %get3A_255 = arith.constant 96 : index
      %get3A_256 = tpu.vector_load %arg4[%get3A_254, %get3A_255] {strides = array<i32>} : memref<8x128xi32, #tpu.memory_space<vmem>>, vector<16xi32>,
      tpu.vector_store_idx %arg6[%get3A_256], %broadcast_in_dim3A_23 {add = true} : memref<10240xf32, #tpu.memory_space<vmem>>[vector<16xi32>], vector<16xf32>,
      %get3A_257 = arith.constant 6 : i32
      %get3A_258 = arith.index_cast %get3A_257 : i32 to index
      %get3A_259 = arith.constant 112 : index
      %get3A_260 = tpu.vector_load %arg4[%get3A_258, %get3A_259] {strides = array<i32>} : memref<8x128xi32, #tpu.memory_space<vmem>>, vector<16xi32>,
      tpu.vector_store_idx %arg6[%get3A_260], %broadcast_in_dim3A_23 {add = true} : memref<10240xf32, #tpu.memory_space<vmem>>[vector<16xi32>], vector<16xf32>,
      %get3A_261 = arith.constant 7 : i32
      %get3A_262 = arith.index_cast %get3A_261 : i32 to index
      %get3A_263 = arith.constant 0 : index
      %get3A_264 = tpu.vector_load %arg4[%get3A_262, %get3A_263] {strides = array<i32>} : memref<8x128xi32, #tpu.memory_space<vmem>>, vector<16xi32>,
      tpu.vector_store_idx %arg6[%get3A_264], %broadcast_in_dim3A_23 {add = true} : memref<10240xf32, #tpu.memory_space<vmem>>[vector<16xi32>], vector<16xf32>,
      %get3A_265 = arith.constant 7 : i32
      %get3A_266 = arith.index_cast %get3A_265 : i32 to index
      %get3A_267 = arith.constant 16 : index
      %get3A_268 = tpu.vector_load %arg4[%get3A_266, %get3A_267] {strides = array<i32>} : memref<8x128xi32, #tpu.memory_space<vmem>>, vector<16xi32>,
      tpu.vector_store_idx %arg6[%get3A_268], %broadcast_in_dim3A_23 {add = true} : memref<10240xf32, #tpu.memory_space<vmem>>[vector<16xi32>], vector<16xf32>,
      %get3A_269 = arith.constant 7 : i32
      %get3A_270 = arith.index_cast %get3A_269 : i32 to index
      %get3A_271 = arith.constant 32 : index
      %get3A_272 = tpu.vector_load %arg4[%get3A_270, %get3A_271] {strides = array<i32>} : memref<8x128xi32, #tpu.memory_space<vmem>>, vector<16xi32>,
      tpu.vector_store_idx %arg6[%get3A_272], %broadcast_in_dim3A_23 {add = true} : memref<10240xf32, #tpu.memory_space<vmem>>[vector<16xi32>], vector<16xf32>,
      %get3A_273 = arith.constant 7 : i32
      %get3A_274 = arith.index_cast %get3A_273 : i32 to index
      %get3A_275 = arith.constant 48 : index
      %get3A_276 = tpu.vector_load %arg4[%get3A_274, %get3A_275] {strides = array<i32>} : memref<8x128xi32, #tpu.memory_space<vmem>>, vector<16xi32>,
      tpu.vector_store_idx %arg6[%get3A_276], %broadcast_in_dim3A_23 {add = true} : memref<10240xf32, #tpu.memory_space<vmem>>[vector<16xi32>], vector<16xf32>,
      %get3A_277 = arith.constant 7 : i32
      %get3A_278 = arith.index_cast %get3A_277 : i32 to index
      %get3A_279 = arith.constant 64 : index
      %get3A_280 = tpu.vector_load %arg4[%get3A_278, %get3A_279] {strides = array<i32>} : memref<8x128xi32, #tpu.memory_space<vmem>>, vector<16xi32>,
      tpu.vector_store_idx %arg6[%get3A_280], %broadcast_in_dim3A_23 {add = true} : memref<10240xf32, #tpu.memory_space<vmem>>[vector<16xi32>], vector<16xf32>,
      %get3A_281 = arith.constant 7 : i32
      %get3A_282 = arith.index_cast %get3A_281 : i32 to index
      %get3A_283 = arith.constant 80 : index
      %get3A_284 = tpu.vector_load %arg4[%get3A_282, %get3A_283] {strides = array<i32>} : memref<8x128xi32, #tpu.memory_space<vmem>>, vector<16xi32>,
      tpu.vector_store_idx %arg6[%get3A_284], %broadcast_in_dim3A_23 {add = true} : memref<10240xf32, #tpu.memory_space<vmem>>[vector<16xi32>], vector<16xf32>,
      %get3A_285 = arith.constant 7 : i32
      %get3A_286 = arith.index_cast %get3A_285 : i32 to index
      %get3A_287 = arith.constant 96 : index
      %get3A_288 = tpu.vector_load %arg4[%get3A_286, %get3A_287] {strides = array<i32>} : memref<8x128xi32, #tpu.memory_space<vmem>>, vector<16xi32>,
      tpu.vector_store_idx %arg6[%get3A_288], %broadcast_in_dim3A_23 {add = true} : memref<10240xf32, #tpu.memory_space<vmem>>[vector<16xi32>], vector<16xf32>,
      %get3A_289 = arith.constant 7 : i32
      %get3A_290 = arith.index_cast %get3A_289 : i32 to index
      %get3A_291 = arith.constant 112 : index
      %get3A_292 = tpu.vector_load %arg4[%get3A_290, %get3A_291] {strides = array<i32>} : memref<8x128xi32, #tpu.memory_space<vmem>>, vector<16xi32>,
      tpu.vector_store_idx %arg6[%get3A_292], %broadcast_in_dim3A_23 {add = true} : memref<10240xf32, #tpu.memory_space<vmem>>[vector<16xi32>], vector<16xf32>,
      %add3A_293 = arith.constant 2 : i32
      %add3A_294 = arith.addi %add3A_35, %add3A_293 : i32
      %lt3A = arith.constant 10 : i32
      %lt3A_295 = arith.cmpi slt, %add3A_294, %lt3A : i32
      %convert_element_type3A_296 = arith.extui %lt3A_295 : i1 to i32
      %cond3A_297 = arith.constant 0 : i32
      %cond3A_298 = arith.cmpi ne, %convert_element_type3A_296, %cond3A_297 : i32
      scf.if %cond3A_298 {
        %add3A_569 = arith.constant 2 : i32
        %add3A_570 = arith.addi %add3A_35, %add3A_569 : i32
        %mul3A_571 = arith.constant 8 : i32
        %mul3A_572 = arith.muli %add3A_570, %mul3A_571 : i32
        %add3A_573 = arith.addi %mul3A_4, %mul3A_572 : i32
        %dma_start3A_574 = arith.constant 1 : i32
        %dma_start3A_575 = arith.constant 0 : i32
        %dma_start3A_576 = arith.constant 0 : i32
        %dma_start3A_577 = tpu.memref_slice %arg2[%dma_start3A_574, %dma_start3A_575, %dma_start3A_576] : memref<2x2560x128xi32, #tpu.memory_space<hbm>> -> memref<1x2560x128xi32, #tpu.memory_space<hbm>>
        %dma_start3A_578 = tpu.memref_squeeze %dma_start3A_577 : memref<1x2560x128xi32, #tpu.memory_space<hbm>> -> memref<2560x128xi32, #tpu.memory_space<hbm>>
        %dma_start3A_579 = arith.constant 0 : i32
        %dma_start3A_580 = tpu.memref_slice %dma_start3A_578[%add3A_573, %dma_start3A_579] : memref<2560x128xi32, #tpu.memory_space<hbm>> -> memref<8x128xi32, #tpu.memory_space<hbm>>
        %dma_start3A_581 = arith.constant 0 : i32
        %dma_start3A_582 = arith.constant 0 : i32
        %dma_start3A_583 = tpu.memref_slice %arg2[%dma_start3A_574, %dma_start3A_581, %dma_start3A_582] : memref<2x2560x128xi32, #tpu.memory_space<hbm>> -> memref<1x2560x128xi32, #tpu.memory_space<hbm>>
        %dma_start3A_584 = tpu.memref_squeeze %dma_start3A_583 : memref<1x2560x128xi32, #tpu.memory_space<hbm>> -> memref<2560x128xi32, #tpu.memory_space<hbm>>
        %dma_start3A_585 = arith.constant 0 : i32
        %dma_start3A_586 = tpu.memref_slice %dma_start3A_584[%add3A_573, %dma_start3A_585] : memref<2560x128xi32, #tpu.memory_space<hbm>> -> memref<8x128xi32, #tpu.memory_space<hbm>>
        tpu.enqueue_dma source(%dma_start3A_586 : memref<8x128xi32, #tpu.memory_space<hbm>>) target(%arg4 : memref<8x128xi32, #tpu.memory_space<vmem>>) target_semaphore(%arg7 : memref<!tpu.dma_semaphore, #tpu.memory_space<semaphore_mem>>)
      } else {
      }
      %add3A_299 = arith.constant 1 : i32
      %add3A_300 = arith.addi %add3A_33, %add3A_299 : i32
      %gt3A_301 = arith.constant 0 : i32
      %gt3A_302 = arith.cmpi sgt, %add3A_300, %gt3A_301 : i32
      %convert_element_type3A_303 = arith.extui %gt3A_302 : i1 to i32
      %cond3A_304 = arith.constant 0 : i32
      %cond3A_305 = arith.cmpi ne, %convert_element_type3A_303, %cond3A_304 : i32
      scf.if %cond3A_305 {
        %mul3A_569 = arith.constant 8 : i32
        %mul3A_570 = arith.muli %add3A_300, %mul3A_569 : i32
        %add3A_571 = arith.addi %mul3A_4, %mul3A_570 : i32
        %dma_wait3A = arith.constant 1 : i32
        %dma_wait3A_572 = arith.constant 0 : i32
        %dma_wait3A_573 = arith.constant 0 : i32
        %dma_wait3A_574 = tpu.memref_slice %arg2[%dma_wait3A, %dma_wait3A_572, %dma_wait3A_573] : memref<2x2560x128xi32, #tpu.memory_space<hbm>> -> memref<1x2560x128xi32, #tpu.memory_space<hbm>>
        %dma_wait3A_575 = tpu.memref_squeeze %dma_wait3A_574 : memref<1x2560x128xi32, #tpu.memory_space<hbm>> -> memref<2560x128xi32, #tpu.memory_space<hbm>>
        %dma_wait3A_576 = arith.constant 0 : i32
        %dma_wait3A_577 = tpu.memref_slice %dma_wait3A_575[%add3A_571, %dma_wait3A_576] : memref<2560x128xi32, #tpu.memory_space<hbm>> -> memref<8x128xi32, #tpu.memory_space<hbm>>
        %dma_wait3A_578 = arith.constant 0 : i32
        %dma_wait3A_579 = arith.constant 0 : i32
        %dma_wait3A_580 = tpu.memref_slice %arg2[%dma_wait3A, %dma_wait3A_578, %dma_wait3A_579] : memref<2x2560x128xi32, #tpu.memory_space<hbm>> -> memref<1x2560x128xi32, #tpu.memory_space<hbm>>
        %dma_wait3A_581 = tpu.memref_squeeze %dma_wait3A_580 : memref<1x2560x128xi32, #tpu.memory_space<hbm>> -> memref<2560x128xi32, #tpu.memory_space<hbm>>
        %dma_wait3A_582 = arith.constant 0 : i32
        %dma_wait3A_583 = tpu.memref_slice %dma_wait3A_581[%add3A_571, %dma_wait3A_582] : memref<2560x128xi32, #tpu.memory_space<hbm>> -> memref<8x128xi32, #tpu.memory_space<hbm>>
        tpu.wait_dma2 semaphore(%arg8 : memref<!tpu.dma_semaphore, #tpu.memory_space<semaphore_mem>>) src(%dma_wait3A_583 : memref<8x128xi32, #tpu.memory_space<hbm>>) dst(%arg5 : memref<8x128xi32, #tpu.memory_space<vmem>>)
      } else {
      }
      %get3A_306 = arith.constant 0 : i32
      %get3A_307 = arith.index_cast %get3A_306 : i32 to index
      %get3A_308 = arith.constant 0 : index
      %get3A_309 = tpu.vector_load %arg5[%get3A_307, %get3A_308] {strides = array<i32>} : memref<8x128xi32, #tpu.memory_space<vmem>>, vector<16xi32>,
      tpu.vector_store_idx %arg6[%get3A_309], %broadcast_in_dim3A_23 {add = true} : memref<10240xf32, #tpu.memory_space<vmem>>[vector<16xi32>], vector<16xf32>,
      %get3A_310 = arith.constant 0 : i32
      %get3A_311 = arith.index_cast %get3A_310 : i32 to index
      %get3A_312 = arith.constant 16 : index
      %get3A_313 = tpu.vector_load %arg5[%get3A_311, %get3A_312] {strides = array<i32>} : memref<8x128xi32, #tpu.memory_space<vmem>>, vector<16xi32>,
      tpu.vector_store_idx %arg6[%get3A_313], %broadcast_in_dim3A_23 {add = true} : memref<10240xf32, #tpu.memory_space<vmem>>[vector<16xi32>], vector<16xf32>,
      %get3A_314 = arith.constant 0 : i32
      %get3A_315 = arith.index_cast %get3A_314 : i32 to index
      %get3A_316 = arith.constant 32 : index
      %get3A_317 = tpu.vector_load %arg5[%get3A_315, %get3A_316] {strides = array<i32>} : memref<8x128xi32, #tpu.memory_space<vmem>>, vector<16xi32>,
      tpu.vector_store_idx %arg6[%get3A_317], %broadcast_in_dim3A_23 {add = true} : memref<10240xf32, #tpu.memory_space<vmem>>[vector<16xi32>], vector<16xf32>,
      %get3A_318 = arith.constant 0 : i32
      %get3A_319 = arith.index_cast %get3A_318 : i32 to index
      %get3A_320 = arith.constant 48 : index
      %get3A_321 = tpu.vector_load %arg5[%get3A_319, %get3A_320] {strides = array<i32>} : memref<8x128xi32, #tpu.memory_space<vmem>>, vector<16xi32>,
      tpu.vector_store_idx %arg6[%get3A_321], %broadcast_in_dim3A_23 {add = true} : memref<10240xf32, #tpu.memory_space<vmem>>[vector<16xi32>], vector<16xf32>,
      %get3A_322 = arith.constant 0 : i32
      %get3A_323 = arith.index_cast %get3A_322 : i32 to index
      %get3A_324 = arith.constant 64 : index
      %get3A_325 = tpu.vector_load %arg5[%get3A_323, %get3A_324] {strides = array<i32>} : memref<8x128xi32, #tpu.memory_space<vmem>>, vector<16xi32>,
      tpu.vector_store_idx %arg6[%get3A_325], %broadcast_in_dim3A_23 {add = true} : memref<10240xf32, #tpu.memory_space<vmem>>[vector<16xi32>], vector<16xf32>,
      %get3A_326 = arith.constant 0 : i32
      %get3A_327 = arith.index_cast %get3A_326 : i32 to index
      %get3A_328 = arith.constant 80 : index
      %get3A_329 = tpu.vector_load %arg5[%get3A_327, %get3A_328] {strides = array<i32>} : memref<8x128xi32, #tpu.memory_space<vmem>>, vector<16xi32>,
      tpu.vector_store_idx %arg6[%get3A_329], %broadcast_in_dim3A_23 {add = true} : memref<10240xf32, #tpu.memory_space<vmem>>[vector<16xi32>], vector<16xf32>,
      %get3A_330 = arith.constant 0 : i32
      %get3A_331 = arith.index_cast %get3A_330 : i32 to index
      %get3A_332 = arith.constant 96 : index
      %get3A_333 = tpu.vector_load %arg5[%get3A_331, %get3A_332] {strides = array<i32>} : memref<8x128xi32, #tpu.memory_space<vmem>>, vector<16xi32>,
      tpu.vector_store_idx %arg6[%get3A_333], %broadcast_in_dim3A_23 {add = true} : memref<10240xf32, #tpu.memory_space<vmem>>[vector<16xi32>], vector<16xf32>,
      %get3A_334 = arith.constant 0 : i32
      %get3A_335 = arith.index_cast %get3A_334 : i32 to index
      %get3A_336 = arith.constant 112 : index
      %get3A_337 = tpu.vector_load %arg5[%get3A_335, %get3A_336] {strides = array<i32>} : memref<8x128xi32, #tpu.memory_space<vmem>>, vector<16xi32>,
      tpu.vector_store_idx %arg6[%get3A_337], %broadcast_in_dim3A_23 {add = true} : memref<10240xf32, #tpu.memory_space<vmem>>[vector<16xi32>], vector<16xf32>,
      %get3A_338 = arith.constant 1 : i32
      %get3A_339 = arith.index_cast %get3A_338 : i32 to index
      %get3A_340 = arith.constant 0 : index
      %get3A_341 = tpu.vector_load %arg5[%get3A_339, %get3A_340] {strides = array<i32>} : memref<8x128xi32, #tpu.memory_space<vmem>>, vector<16xi32>,
      tpu.vector_store_idx %arg6[%get3A_341], %broadcast_in_dim3A_23 {add = true} : memref<10240xf32, #tpu.memory_space<vmem>>[vector<16xi32>], vector<16xf32>,
      %get3A_342 = arith.constant 1 : i32
      %get3A_343 = arith.index_cast %get3A_342 : i32 to index
      %get3A_344 = arith.constant 16 : index
      %get3A_345 = tpu.vector_load %arg5[%get3A_343, %get3A_344] {strides = array<i32>} : memref<8x128xi32, #tpu.memory_space<vmem>>, vector<16xi32>,
      tpu.vector_store_idx %arg6[%get3A_345], %broadcast_in_dim3A_23 {add = true} : memref<10240xf32, #tpu.memory_space<vmem>>[vector<16xi32>], vector<16xf32>,
      %get3A_346 = arith.constant 1 : i32
      %get3A_347 = arith.index_cast %get3A_346 : i32 to index
      %get3A_348 = arith.constant 32 : index
      %get3A_349 = tpu.vector_load %arg5[%get3A_347, %get3A_348] {strides = array<i32>} : memref<8x128xi32, #tpu.memory_space<vmem>>, vector<16xi32>,
      tpu.vector_store_idx %arg6[%get3A_349], %broadcast_in_dim3A_23 {add = true} : memref<10240xf32, #tpu.memory_space<vmem>>[vector<16xi32>], vector<16xf32>,
      %get3A_350 = arith.constant 1 : i32
      %get3A_351 = arith.index_cast %get3A_350 : i32 to index
      %get3A_352 = arith.constant 48 : index
      %get3A_353 = tpu.vector_load %arg5[%get3A_351, %get3A_352] {strides = array<i32>} : memref<8x128xi32, #tpu.memory_space<vmem>>, vector<16xi32>,
      tpu.vector_store_idx %arg6[%get3A_353], %broadcast_in_dim3A_23 {add = true} : memref<10240xf32, #tpu.memory_space<vmem>>[vector<16xi32>], vector<16xf32>,
      %get3A_354 = arith.constant 1 : i32
      %get3A_355 = arith.index_cast %get3A_354 : i32 to index
      %get3A_356 = arith.constant 64 : index
      %get3A_357 = tpu.vector_load %arg5[%get3A_355, %get3A_356] {strides = array<i32>} : memref<8x128xi32, #tpu.memory_space<vmem>>, vector<16xi32>,
      tpu.vector_store_idx %arg6[%get3A_357], %broadcast_in_dim3A_23 {add = true} : memref<10240xf32, #tpu.memory_space<vmem>>[vector<16xi32>], vector<16xf32>,
      %get3A_358 = arith.constant 1 : i32
      %get3A_359 = arith.index_cast %get3A_358 : i32 to index
      %get3A_360 = arith.constant 80 : index
      %get3A_361 = tpu.vector_load %arg5[%get3A_359, %get3A_360] {strides = array<i32>} : memref<8x128xi32, #tpu.memory_space<vmem>>, vector<16xi32>,
      tpu.vector_store_idx %arg6[%get3A_361], %broadcast_in_dim3A_23 {add = true} : memref<10240xf32, #tpu.memory_space<vmem>>[vector<16xi32>], vector<16xf32>,
      %get3A_362 = arith.constant 1 : i32
      %get3A_363 = arith.index_cast %get3A_362 : i32 to index
      %get3A_364 = arith.constant 96 : index
      %get3A_365 = tpu.vector_load %arg5[%get3A_363, %get3A_364] {strides = array<i32>} : memref<8x128xi32, #tpu.memory_space<vmem>>, vector<16xi32>,
      tpu.vector_store_idx %arg6[%get3A_365], %broadcast_in_dim3A_23 {add = true} : memref<10240xf32, #tpu.memory_space<vmem>>[vector<16xi32>], vector<16xf32>,
      %get3A_366 = arith.constant 1 : i32
      %get3A_367 = arith.index_cast %get3A_366 : i32 to index
      %get3A_368 = arith.constant 112 : index
      %get3A_369 = tpu.vector_load %arg5[%get3A_367, %get3A_368] {strides = array<i32>} : memref<8x128xi32, #tpu.memory_space<vmem>>, vector<16xi32>,
      tpu.vector_store_idx %arg6[%get3A_369], %broadcast_in_dim3A_23 {add = true} : memref<10240xf32, #tpu.memory_space<vmem>>[vector<16xi32>], vector<16xf32>,
      %get3A_370 = arith.constant 2 : i32
      %get3A_371 = arith.index_cast %get3A_370 : i32 to index
      %get3A_372 = arith.constant 0 : index
      %get3A_373 = tpu.vector_load %arg5[%get3A_371, %get3A_372] {strides = array<i32>} : memref<8x128xi32, #tpu.memory_space<vmem>>, vector<16xi32>,
      tpu.vector_store_idx %arg6[%get3A_373], %broadcast_in_dim3A_23 {add = true} : memref<10240xf32, #tpu.memory_space<vmem>>[vector<16xi32>], vector<16xf32>,
      %get3A_374 = arith.constant 2 : i32
      %get3A_375 = arith.index_cast %get3A_374 : i32 to index
      %get3A_376 = arith.constant 16 : index
      %get3A_377 = tpu.vector_load %arg5[%get3A_375, %get3A_376] {strides = array<i32>} : memref<8x128xi32, #tpu.memory_space<vmem>>, vector<16xi32>,
      tpu.vector_store_idx %arg6[%get3A_377], %broadcast_in_dim3A_23 {add = true} : memref<10240xf32, #tpu.memory_space<vmem>>[vector<16xi32>], vector<16xf32>,
      %get3A_378 = arith.constant 2 : i32
      %get3A_379 = arith.index_cast %get3A_378 : i32 to index
      %get3A_380 = arith.constant 32 : index
      %get3A_381 = tpu.vector_load %arg5[%get3A_379, %get3A_380] {strides = array<i32>} : memref<8x128xi32, #tpu.memory_space<vmem>>, vector<16xi32>,
      tpu.vector_store_idx %arg6[%get3A_381], %broadcast_in_dim3A_23 {add = true} : memref<10240xf32, #tpu.memory_space<vmem>>[vector<16xi32>], vector<16xf32>,
      %get3A_382 = arith.constant 2 : i32
      %get3A_383 = arith.index_cast %get3A_382 : i32 to index
      %get3A_384 = arith.constant 48 : index
      %get3A_385 = tpu.vector_load %arg5[%get3A_383, %get3A_384] {strides = array<i32>} : memref<8x128xi32, #tpu.memory_space<vmem>>, vector<16xi32>,
      tpu.vector_store_idx %arg6[%get3A_385], %broadcast_in_dim3A_23 {add = true} : memref<10240xf32, #tpu.memory_space<vmem>>[vector<16xi32>], vector<16xf32>,
      %get3A_386 = arith.constant 2 : i32
      %get3A_387 = arith.index_cast %get3A_386 : i32 to index
      %get3A_388 = arith.constant 64 : index
      %get3A_389 = tpu.vector_load %arg5[%get3A_387, %get3A_388] {strides = array<i32>} : memref<8x128xi32, #tpu.memory_space<vmem>>, vector<16xi32>,
      tpu.vector_store_idx %arg6[%get3A_389], %broadcast_in_dim3A_23 {add = true} : memref<10240xf32, #tpu.memory_space<vmem>>[vector<16xi32>], vector<16xf32>,
      %get3A_390 = arith.constant 2 : i32
      %get3A_391 = arith.index_cast %get3A_390 : i32 to index
      %get3A_392 = arith.constant 80 : index
      %get3A_393 = tpu.vector_load %arg5[%get3A_391, %get3A_392] {strides = array<i32>} : memref<8x128xi32, #tpu.memory_space<vmem>>, vector<16xi32>,
      tpu.vector_store_idx %arg6[%get3A_393], %broadcast_in_dim3A_23 {add = true} : memref<10240xf32, #tpu.memory_space<vmem>>[vector<16xi32>], vector<16xf32>,
      %get3A_394 = arith.constant 2 : i32
      %get3A_395 = arith.index_cast %get3A_394 : i32 to index
      %get3A_396 = arith.constant 96 : index
      %get3A_397 = tpu.vector_load %arg5[%get3A_395, %get3A_396] {strides = array<i32>} : memref<8x128xi32, #tpu.memory_space<vmem>>, vector<16xi32>,
      tpu.vector_store_idx %arg6[%get3A_397], %broadcast_in_dim3A_23 {add = true} : memref<10240xf32, #tpu.memory_space<vmem>>[vector<16xi32>], vector<16xf32>,
      %get3A_398 = arith.constant 2 : i32
      %get3A_399 = arith.index_cast %get3A_398 : i32 to index
      %get3A_400 = arith.constant 112 : index
      %get3A_401 = tpu.vector_load %arg5[%get3A_399, %get3A_400] {strides = array<i32>} : memref<8x128xi32, #tpu.memory_space<vmem>>, vector<16xi32>,
      tpu.vector_store_idx %arg6[%get3A_401], %broadcast_in_dim3A_23 {add = true} : memref<10240xf32, #tpu.memory_space<vmem>>[vector<16xi32>], vector<16xf32>,
      %get3A_402 = arith.constant 3 : i32
      %get3A_403 = arith.index_cast %get3A_402 : i32 to index
      %get3A_404 = arith.constant 0 : index
      %get3A_405 = tpu.vector_load %arg5[%get3A_403, %get3A_404] {strides = array<i32>} : memref<8x128xi32, #tpu.memory_space<vmem>>, vector<16xi32>,
      tpu.vector_store_idx %arg6[%get3A_405], %broadcast_in_dim3A_23 {add = true} : memref<10240xf32, #tpu.memory_space<vmem>>[vector<16xi32>], vector<16xf32>,
      %get3A_406 = arith.constant 3 : i32
      %get3A_407 = arith.index_cast %get3A_406 : i32 to index
      %get3A_408 = arith.constant 16 : index
      %get3A_409 = tpu.vector_load %arg5[%get3A_407, %get3A_408] {strides = array<i32>} : memref<8x128xi32, #tpu.memory_space<vmem>>, vector<16xi32>,
      tpu.vector_store_idx %arg6[%get3A_409], %broadcast_in_dim3A_23 {add = true} : memref<10240xf32, #tpu.memory_space<vmem>>[vector<16xi32>], vector<16xf32>,
      %get3A_410 = arith.constant 3 : i32
      %get3A_411 = arith.index_cast %get3A_410 : i32 to index
      %get3A_412 = arith.constant 32 : index
      %get3A_413 = tpu.vector_load %arg5[%get3A_411, %get3A_412] {strides = array<i32>} : memref<8x128xi32, #tpu.memory_space<vmem>>, vector<16xi32>,
      tpu.vector_store_idx %arg6[%get3A_413], %broadcast_in_dim3A_23 {add = true} : memref<10240xf32, #tpu.memory_space<vmem>>[vector<16xi32>], vector<16xf32>,
      %get3A_414 = arith.constant 3 : i32
      %get3A_415 = arith.index_cast %get3A_414 : i32 to index
      %get3A_416 = arith.constant 48 : index
      %get3A_417 = tpu.vector_load %arg5[%get3A_415, %get3A_416] {strides = array<i32>} : memref<8x128xi32, #tpu.memory_space<vmem>>, vector<16xi32>,
      tpu.vector_store_idx %arg6[%get3A_417], %broadcast_in_dim3A_23 {add = true} : memref<10240xf32, #tpu.memory_space<vmem>>[vector<16xi32>], vector<16xf32>,
      %get3A_418 = arith.constant 3 : i32
      %get3A_419 = arith.index_cast %get3A_418 : i32 to index
      %get3A_420 = arith.constant 64 : index
      %get3A_421 = tpu.vector_load %arg5[%get3A_419, %get3A_420] {strides = array<i32>} : memref<8x128xi32, #tpu.memory_space<vmem>>, vector<16xi32>,
      tpu.vector_store_idx %arg6[%get3A_421], %broadcast_in_dim3A_23 {add = true} : memref<10240xf32, #tpu.memory_space<vmem>>[vector<16xi32>], vector<16xf32>,
      %get3A_422 = arith.constant 3 : i32
      %get3A_423 = arith.index_cast %get3A_422 : i32 to index
      %get3A_424 = arith.constant 80 : index
      %get3A_425 = tpu.vector_load %arg5[%get3A_423, %get3A_424] {strides = array<i32>} : memref<8x128xi32, #tpu.memory_space<vmem>>, vector<16xi32>,
      tpu.vector_store_idx %arg6[%get3A_425], %broadcast_in_dim3A_23 {add = true} : memref<10240xf32, #tpu.memory_space<vmem>>[vector<16xi32>], vector<16xf32>,
      %get3A_426 = arith.constant 3 : i32
      %get3A_427 = arith.index_cast %get3A_426 : i32 to index
      %get3A_428 = arith.constant 96 : index
      %get3A_429 = tpu.vector_load %arg5[%get3A_427, %get3A_428] {strides = array<i32>} : memref<8x128xi32, #tpu.memory_space<vmem>>, vector<16xi32>,
      tpu.vector_store_idx %arg6[%get3A_429], %broadcast_in_dim3A_23 {add = true} : memref<10240xf32, #tpu.memory_space<vmem>>[vector<16xi32>], vector<16xf32>,
      %get3A_430 = arith.constant 3 : i32
      %get3A_431 = arith.index_cast %get3A_430 : i32 to index
      %get3A_432 = arith.constant 112 : index
      %get3A_433 = tpu.vector_load %arg5[%get3A_431, %get3A_432] {strides = array<i32>} : memref<8x128xi32, #tpu.memory_space<vmem>>, vector<16xi32>,
      tpu.vector_store_idx %arg6[%get3A_433], %broadcast_in_dim3A_23 {add = true} : memref<10240xf32, #tpu.memory_space<vmem>>[vector<16xi32>], vector<16xf32>,
      %get3A_434 = arith.constant 4 : i32
      %get3A_435 = arith.index_cast %get3A_434 : i32 to index
      %get3A_436 = arith.constant 0 : index
      %get3A_437 = tpu.vector_load %arg5[%get3A_435, %get3A_436] {strides = array<i32>} : memref<8x128xi32, #tpu.memory_space<vmem>>, vector<16xi32>,
      tpu.vector_store_idx %arg6[%get3A_437], %broadcast_in_dim3A_23 {add = true} : memref<10240xf32, #tpu.memory_space<vmem>>[vector<16xi32>], vector<16xf32>,
      %get3A_438 = arith.constant 4 : i32
      %get3A_439 = arith.index_cast %get3A_438 : i32 to index
      %get3A_440 = arith.constant 16 : index
      %get3A_441 = tpu.vector_load %arg5[%get3A_439, %get3A_440] {strides = array<i32>} : memref<8x128xi32, #tpu.memory_space<vmem>>, vector<16xi32>,
      tpu.vector_store_idx %arg6[%get3A_441], %broadcast_in_dim3A_23 {add = true} : memref<10240xf32, #tpu.memory_space<vmem>>[vector<16xi32>], vector<16xf32>,
      %get3A_442 = arith.constant 4 : i32
      %get3A_443 = arith.index_cast %get3A_442 : i32 to index
      %get3A_444 = arith.constant 32 : index
      %get3A_445 = tpu.vector_load %arg5[%get3A_443, %get3A_444] {strides = array<i32>} : memref<8x128xi32, #tpu.memory_space<vmem>>, vector<16xi32>,
      tpu.vector_store_idx %arg6[%get3A_445], %broadcast_in_dim3A_23 {add = true} : memref<10240xf32, #tpu.memory_space<vmem>>[vector<16xi32>], vector<16xf32>,
      %get3A_446 = arith.constant 4 : i32
      %get3A_447 = arith.index_cast %get3A_446 : i32 to index
      %get3A_448 = arith.constant 48 : index
      %get3A_449 = tpu.vector_load %arg5[%get3A_447, %get3A_448] {strides = array<i32>} : memref<8x128xi32, #tpu.memory_space<vmem>>, vector<16xi32>,
      tpu.vector_store_idx %arg6[%get3A_449], %broadcast_in_dim3A_23 {add = true} : memref<10240xf32, #tpu.memory_space<vmem>>[vector<16xi32>], vector<16xf32>,
      %get3A_450 = arith.constant 4 : i32
      %get3A_451 = arith.index_cast %get3A_450 : i32 to index
      %get3A_452 = arith.constant 64 : index
      %get3A_453 = tpu.vector_load %arg5[%get3A_451, %get3A_452] {strides = array<i32>} : memref<8x128xi32, #tpu.memory_space<vmem>>, vector<16xi32>,
      tpu.vector_store_idx %arg6[%get3A_453], %broadcast_in_dim3A_23 {add = true} : memref<10240xf32, #tpu.memory_space<vmem>>[vector<16xi32>], vector<16xf32>,
      %get3A_454 = arith.constant 4 : i32
      %get3A_455 = arith.index_cast %get3A_454 : i32 to index
      %get3A_456 = arith.constant 80 : index
      %get3A_457 = tpu.vector_load %arg5[%get3A_455, %get3A_456] {strides = array<i32>} : memref<8x128xi32, #tpu.memory_space<vmem>>, vector<16xi32>,
      tpu.vector_store_idx %arg6[%get3A_457], %broadcast_in_dim3A_23 {add = true} : memref<10240xf32, #tpu.memory_space<vmem>>[vector<16xi32>], vector<16xf32>,
      %get3A_458 = arith.constant 4 : i32
      %get3A_459 = arith.index_cast %get3A_458 : i32 to index
      %get3A_460 = arith.constant 96 : index
      %get3A_461 = tpu.vector_load %arg5[%get3A_459, %get3A_460] {strides = array<i32>} : memref<8x128xi32, #tpu.memory_space<vmem>>, vector<16xi32>,
      tpu.vector_store_idx %arg6[%get3A_461], %broadcast_in_dim3A_23 {add = true} : memref<10240xf32, #tpu.memory_space<vmem>>[vector<16xi32>], vector<16xf32>,
      %get3A_462 = arith.constant 4 : i32
      %get3A_463 = arith.index_cast %get3A_462 : i32 to index
      %get3A_464 = arith.constant 112 : index
      %get3A_465 = tpu.vector_load %arg5[%get3A_463, %get3A_464] {strides = array<i32>} : memref<8x128xi32, #tpu.memory_space<vmem>>, vector<16xi32>,
      tpu.vector_store_idx %arg6[%get3A_465], %broadcast_in_dim3A_23 {add = true} : memref<10240xf32, #tpu.memory_space<vmem>>[vector<16xi32>], vector<16xf32>,
      %get3A_466 = arith.constant 5 : i32
      %get3A_467 = arith.index_cast %get3A_466 : i32 to index
      %get3A_468 = arith.constant 0 : index
      %get3A_469 = tpu.vector_load %arg5[%get3A_467, %get3A_468] {strides = array<i32>} : memref<8x128xi32, #tpu.memory_space<vmem>>, vector<16xi32>,
      tpu.vector_store_idx %arg6[%get3A_469], %broadcast_in_dim3A_23 {add = true} : memref<10240xf32, #tpu.memory_space<vmem>>[vector<16xi32>], vector<16xf32>,
      %get3A_470 = arith.constant 5 : i32
      %get3A_471 = arith.index_cast %get3A_470 : i32 to index
      %get3A_472 = arith.constant 16 : index
      %get3A_473 = tpu.vector_load %arg5[%get3A_471, %get3A_472] {strides = array<i32>} : memref<8x128xi32, #tpu.memory_space<vmem>>, vector<16xi32>,
      tpu.vector_store_idx %arg6[%get3A_473], %broadcast_in_dim3A_23 {add = true} : memref<10240xf32, #tpu.memory_space<vmem>>[vector<16xi32>], vector<16xf32>,
      %get3A_474 = arith.constant 5 : i32
      %get3A_475 = arith.index_cast %get3A_474 : i32 to index
      %get3A_476 = arith.constant 32 : index
      %get3A_477 = tpu.vector_load %arg5[%get3A_475, %get3A_476] {strides = array<i32>} : memref<8x128xi32, #tpu.memory_space<vmem>>, vector<16xi32>,
      tpu.vector_store_idx %arg6[%get3A_477], %broadcast_in_dim3A_23 {add = true} : memref<10240xf32, #tpu.memory_space<vmem>>[vector<16xi32>], vector<16xf32>,
      %get3A_478 = arith.constant 5 : i32
      %get3A_479 = arith.index_cast %get3A_478 : i32 to index
      %get3A_480 = arith.constant 48 : index
      %get3A_481 = tpu.vector_load %arg5[%get3A_479, %get3A_480] {strides = array<i32>} : memref<8x128xi32, #tpu.memory_space<vmem>>, vector<16xi32>,
      tpu.vector_store_idx %arg6[%get3A_481], %broadcast_in_dim3A_23 {add = true} : memref<10240xf32, #tpu.memory_space<vmem>>[vector<16xi32>], vector<16xf32>,
      %get3A_482 = arith.constant 5 : i32
      %get3A_483 = arith.index_cast %get3A_482 : i32 to index
      %get3A_484 = arith.constant 64 : index
      %get3A_485 = tpu.vector_load %arg5[%get3A_483, %get3A_484] {strides = array<i32>} : memref<8x128xi32, #tpu.memory_space<vmem>>, vector<16xi32>,
      tpu.vector_store_idx %arg6[%get3A_485], %broadcast_in_dim3A_23 {add = true} : memref<10240xf32, #tpu.memory_space<vmem>>[vector<16xi32>], vector<16xf32>,
      %get3A_486 = arith.constant 5 : i32
      %get3A_487 = arith.index_cast %get3A_486 : i32 to index
      %get3A_488 = arith.constant 80 : index
      %get3A_489 = tpu.vector_load %arg5[%get3A_487, %get3A_488] {strides = array<i32>} : memref<8x128xi32, #tpu.memory_space<vmem>>, vector<16xi32>,
      tpu.vector_store_idx %arg6[%get3A_489], %broadcast_in_dim3A_23 {add = true} : memref<10240xf32, #tpu.memory_space<vmem>>[vector<16xi32>], vector<16xf32>,
      %get3A_490 = arith.constant 5 : i32
      %get3A_491 = arith.index_cast %get3A_490 : i32 to index
      %get3A_492 = arith.constant 96 : index
      %get3A_493 = tpu.vector_load %arg5[%get3A_491, %get3A_492] {strides = array<i32>} : memref<8x128xi32, #tpu.memory_space<vmem>>, vector<16xi32>,
      tpu.vector_store_idx %arg6[%get3A_493], %broadcast_in_dim3A_23 {add = true} : memref<10240xf32, #tpu.memory_space<vmem>>[vector<16xi32>], vector<16xf32>,
      %get3A_494 = arith.constant 5 : i32
      %get3A_495 = arith.index_cast %get3A_494 : i32 to index
      %get3A_496 = arith.constant 112 : index
      %get3A_497 = tpu.vector_load %arg5[%get3A_495, %get3A_496] {strides = array<i32>} : memref<8x128xi32, #tpu.memory_space<vmem>>, vector<16xi32>,
      tpu.vector_store_idx %arg6[%get3A_497], %broadcast_in_dim3A_23 {add = true} : memref<10240xf32, #tpu.memory_space<vmem>>[vector<16xi32>], vector<16xf32>,
      %get3A_498 = arith.constant 6 : i32
      %get3A_499 = arith.index_cast %get3A_498 : i32 to index
      %get3A_500 = arith.constant 0 : index
      %get3A_501 = tpu.vector_load %arg5[%get3A_499, %get3A_500] {strides = array<i32>} : memref<8x128xi32, #tpu.memory_space<vmem>>, vector<16xi32>,
      tpu.vector_store_idx %arg6[%get3A_501], %broadcast_in_dim3A_23 {add = true} : memref<10240xf32, #tpu.memory_space<vmem>>[vector<16xi32>], vector<16xf32>,
      %get3A_502 = arith.constant 6 : i32
      %get3A_503 = arith.index_cast %get3A_502 : i32 to index
      %get3A_504 = arith.constant 16 : index
      %get3A_505 = tpu.vector_load %arg5[%get3A_503, %get3A_504] {strides = array<i32>} : memref<8x128xi32, #tpu.memory_space<vmem>>, vector<16xi32>,
      tpu.vector_store_idx %arg6[%get3A_505], %broadcast_in_dim3A_23 {add = true} : memref<10240xf32, #tpu.memory_space<vmem>>[vector<16xi32>], vector<16xf32>,
      %get3A_506 = arith.constant 6 : i32
      %get3A_507 = arith.index_cast %get3A_506 : i32 to index
      %get3A_508 = arith.constant 32 : index
      %get3A_509 = tpu.vector_load %arg5[%get3A_507, %get3A_508] {strides = array<i32>} : memref<8x128xi32, #tpu.memory_space<vmem>>, vector<16xi32>,
      tpu.vector_store_idx %arg6[%get3A_509], %broadcast_in_dim3A_23 {add = true} : memref<10240xf32, #tpu.memory_space<vmem>>[vector<16xi32>], vector<16xf32>,
      %get3A_510 = arith.constant 6 : i32
      %get3A_511 = arith.index_cast %get3A_510 : i32 to index
      %get3A_512 = arith.constant 48 : index
      %get3A_513 = tpu.vector_load %arg5[%get3A_511, %get3A_512] {strides = array<i32>} : memref<8x128xi32, #tpu.memory_space<vmem>>, vector<16xi32>,
      tpu.vector_store_idx %arg6[%get3A_513], %broadcast_in_dim3A_23 {add = true} : memref<10240xf32, #tpu.memory_space<vmem>>[vector<16xi32>], vector<16xf32>,
      %get3A_514 = arith.constant 6 : i32
      %get3A_515 = arith.index_cast %get3A_514 : i32 to index
      %get3A_516 = arith.constant 64 : index
      %get3A_517 = tpu.vector_load %arg5[%get3A_515, %get3A_516] {strides = array<i32>} : memref<8x128xi32, #tpu.memory_space<vmem>>, vector<16xi32>,
      tpu.vector_store_idx %arg6[%get3A_517], %broadcast_in_dim3A_23 {add = true} : memref<10240xf32, #tpu.memory_space<vmem>>[vector<16xi32>], vector<16xf32>,
      %get3A_518 = arith.constant 6 : i32
      %get3A_519 = arith.index_cast %get3A_518 : i32 to index
      %get3A_520 = arith.constant 80 : index
      %get3A_521 = tpu.vector_load %arg5[%get3A_519, %get3A_520] {strides = array<i32>} : memref<8x128xi32, #tpu.memory_space<vmem>>, vector<16xi32>,
      tpu.vector_store_idx %arg6[%get3A_521], %broadcast_in_dim3A_23 {add = true} : memref<10240xf32, #tpu.memory_space<vmem>>[vector<16xi32>], vector<16xf32>,
      %get3A_522 = arith.constant 6 : i32
      %get3A_523 = arith.index_cast %get3A_522 : i32 to index
      %get3A_524 = arith.constant 96 : index
      %get3A_525 = tpu.vector_load %arg5[%get3A_523, %get3A_524] {strides = array<i32>} : memref<8x128xi32, #tpu.memory_space<vmem>>, vector<16xi32>,
      tpu.vector_store_idx %arg6[%get3A_525], %broadcast_in_dim3A_23 {add = true} : memref<10240xf32, #tpu.memory_space<vmem>>[vector<16xi32>], vector<16xf32>,
      %get3A_526 = arith.constant 6 : i32
      %get3A_527 = arith.index_cast %get3A_526 : i32 to index
      %get3A_528 = arith.constant 112 : index
      %get3A_529 = tpu.vector_load %arg5[%get3A_527, %get3A_528] {strides = array<i32>} : memref<8x128xi32, #tpu.memory_space<vmem>>, vector<16xi32>,
      tpu.vector_store_idx %arg6[%get3A_529], %broadcast_in_dim3A_23 {add = true} : memref<10240xf32, #tpu.memory_space<vmem>>[vector<16xi32>], vector<16xf32>,
      %get3A_530 = arith.constant 7 : i32
      %get3A_531 = arith.index_cast %get3A_530 : i32 to index
      %get3A_532 = arith.constant 0 : index
      %get3A_533 = tpu.vector_load %arg5[%get3A_531, %get3A_532] {strides = array<i32>} : memref<8x128xi32, #tpu.memory_space<vmem>>, vector<16xi32>,
      tpu.vector_store_idx %arg6[%get3A_533], %broadcast_in_dim3A_23 {add = true} : memref<10240xf32, #tpu.memory_space<vmem>>[vector<16xi32>], vector<16xf32>,
      %get3A_534 = arith.constant 7 : i32
      %get3A_535 = arith.index_cast %get3A_534 : i32 to index
      %get3A_536 = arith.constant 16 : index
      %get3A_537 = tpu.vector_load %arg5[%get3A_535, %get3A_536] {strides = array<i32>} : memref<8x128xi32, #tpu.memory_space<vmem>>, vector<16xi32>,
      tpu.vector_store_idx %arg6[%get3A_537], %broadcast_in_dim3A_23 {add = true} : memref<10240xf32, #tpu.memory_space<vmem>>[vector<16xi32>], vector<16xf32>,
      %get3A_538 = arith.constant 7 : i32
      %get3A_539 = arith.index_cast %get3A_538 : i32 to index
      %get3A_540 = arith.constant 32 : index
      %get3A_541 = tpu.vector_load %arg5[%get3A_539, %get3A_540] {strides = array<i32>} : memref<8x128xi32, #tpu.memory_space<vmem>>, vector<16xi32>,
      tpu.vector_store_idx %arg6[%get3A_541], %broadcast_in_dim3A_23 {add = true} : memref<10240xf32, #tpu.memory_space<vmem>>[vector<16xi32>], vector<16xf32>,
      %get3A_542 = arith.constant 7 : i32
      %get3A_543 = arith.index_cast %get3A_542 : i32 to index
      %get3A_544 = arith.constant 48 : index
      %get3A_545 = tpu.vector_load %arg5[%get3A_543, %get3A_544] {strides = array<i32>} : memref<8x128xi32, #tpu.memory_space<vmem>>, vector<16xi32>,
      tpu.vector_store_idx %arg6[%get3A_545], %broadcast_in_dim3A_23 {add = true} : memref<10240xf32, #tpu.memory_space<vmem>>[vector<16xi32>], vector<16xf32>,
      %get3A_546 = arith.constant 7 : i32
      %get3A_547 = arith.index_cast %get3A_546 : i32 to index
      %get3A_548 = arith.constant 64 : index
      %get3A_549 = tpu.vector_load %arg5[%get3A_547, %get3A_548] {strides = array<i32>} : memref<8x128xi32, #tpu.memory_space<vmem>>, vector<16xi32>,
      tpu.vector_store_idx %arg6[%get3A_549], %broadcast_in_dim3A_23 {add = true} : memref<10240xf32, #tpu.memory_space<vmem>>[vector<16xi32>], vector<16xf32>,
      %get3A_550 = arith.constant 7 : i32
      %get3A_551 = arith.index_cast %get3A_550 : i32 to index
      %get3A_552 = arith.constant 80 : index
      %get3A_553 = tpu.vector_load %arg5[%get3A_551, %get3A_552] {strides = array<i32>} : memref<8x128xi32, #tpu.memory_space<vmem>>, vector<16xi32>,
      tpu.vector_store_idx %arg6[%get3A_553], %broadcast_in_dim3A_23 {add = true} : memref<10240xf32, #tpu.memory_space<vmem>>[vector<16xi32>], vector<16xf32>,
      %get3A_554 = arith.constant 7 : i32
      %get3A_555 = arith.index_cast %get3A_554 : i32 to index
      %get3A_556 = arith.constant 96 : index
      %get3A_557 = tpu.vector_load %arg5[%get3A_555, %get3A_556] {strides = array<i32>} : memref<8x128xi32, #tpu.memory_space<vmem>>, vector<16xi32>,
      tpu.vector_store_idx %arg6[%get3A_557], %broadcast_in_dim3A_23 {add = true} : memref<10240xf32, #tpu.memory_space<vmem>>[vector<16xi32>], vector<16xf32>,
      %get3A_558 = arith.constant 7 : i32
      %get3A_559 = arith.index_cast %get3A_558 : i32 to index
      %get3A_560 = arith.constant 112 : index
      %get3A_561 = tpu.vector_load %arg5[%get3A_559, %get3A_560] {strides = array<i32>} : memref<8x128xi32, #tpu.memory_space<vmem>>, vector<16xi32>,
      tpu.vector_store_idx %arg6[%get3A_561], %broadcast_in_dim3A_23 {add = true} : memref<10240xf32, #tpu.memory_space<vmem>>[vector<16xi32>], vector<16xf32>,
      %add3A_562 = arith.constant 2 : i32
      %add3A_563 = arith.addi %add3A_300, %add3A_562 : i32
      %lt3A_564 = arith.constant 10 : i32
      %lt3A_565 = arith.cmpi slt, %add3A_563, %lt3A_564 : i32
      %convert_element_type3A_566 = arith.extui %lt3A_565 : i1 to i32
      %cond3A_567 = arith.constant 0 : i32
      %cond3A_568 = arith.cmpi ne, %convert_element_type3A_566, %cond3A_567 : i32
      scf.if %cond3A_568 {
        %add3A_569 = arith.constant 2 : i32
        %add3A_570 = arith.addi %add3A_300, %add3A_569 : i32
        %mul3A_571 = arith.constant 8 : i32
        %mul3A_572 = arith.muli %add3A_570, %mul3A_571 : i32
        %add3A_573 = arith.addi %mul3A_4, %mul3A_572 : i32
        %dma_start3A_574 = arith.constant 1 : i32
        %dma_start3A_575 = arith.constant 0 : i32
        %dma_start3A_576 = arith.constant 0 : i32
        %dma_start3A_577 = tpu.memref_slice %arg2[%dma_start3A_574, %dma_start3A_575, %dma_start3A_576] : memref<2x2560x128xi32, #tpu.memory_space<hbm>> -> memref<1x2560x128xi32, #tpu.memory_space<hbm>>
        %dma_start3A_578 = tpu.memref_squeeze %dma_start3A_577 : memref<1x2560x128xi32, #tpu.memory_space<hbm>> -> memref<2560x128xi32, #tpu.memory_space<hbm>>
        %dma_start3A_579 = arith.constant 0 : i32
        %dma_start3A_580 = tpu.memref_slice %dma_start3A_578[%add3A_573, %dma_start3A_579] : memref<2560x128xi32, #tpu.memory_space<hbm>> -> memref<8x128xi32, #tpu.memory_space<hbm>>
        %dma_start3A_581 = arith.constant 0 : i32
        %dma_start3A_582 = arith.constant 0 : i32
        %dma_start3A_583 = tpu.memref_slice %arg2[%dma_start3A_574, %dma_start3A_581, %dma_start3A_582] : memref<2x2560x128xi32, #tpu.memory_space<hbm>> -> memref<1x2560x128xi32, #tpu.memory_space<hbm>>
        %dma_start3A_584 = tpu.memref_squeeze %dma_start3A_583 : memref<1x2560x128xi32, #tpu.memory_space<hbm>> -> memref<2560x128xi32, #tpu.memory_space<hbm>>
        %dma_start3A_585 = arith.constant 0 : i32
        %dma_start3A_586 = tpu.memref_slice %dma_start3A_584[%add3A_573, %dma_start3A_585] : memref<2560x128xi32, #tpu.memory_space<hbm>> -> memref<8x128xi32, #tpu.memory_space<hbm>>
        tpu.enqueue_dma source(%dma_start3A_586 : memref<8x128xi32, #tpu.memory_space<hbm>>) target(%arg5 : memref<8x128xi32, #tpu.memory_space<vmem>>) target_semaphore(%arg8 : memref<!tpu.dma_semaphore, #tpu.memory_space<semaphore_mem>>)
      } else {
      }
    }
    %scan3A_28 = arith.constant 5 : i32
    "tpu.region"() ({
      %run_scoped3A_29 = tpu.sem_alloc : memref<!tpu.dma_semaphore, #tpu.memory_space<semaphore_mem>>
      %dma_start3A_30 = arith.constant 0 : i32
      %dma_start3A_31 = tpu.memref_slice %arg3[%add3A, %dma_start3A_30] : memref<32x10240xf32, #tpu.memory_space<hbm>> -> memref<1x10240xf32, #tpu.memory_space<hbm>>
      %dma_start3A_32 = tpu.memref_squeeze %dma_start3A_31 : memref<1x10240xf32, #tpu.memory_space<hbm>> -> memref<10240xf32, #tpu.memory_space<hbm>>
      %dma_start3A_33 = arith.constant 0 : i32
      %dma_start3A_34 = tpu.memref_slice %arg3[%add3A, %dma_start3A_33] : memref<32x10240xf32, #tpu.memory_space<hbm>> -> memref<1x10240xf32, #tpu.memory_space<hbm>>
      %dma_start3A_35 = tpu.memref_squeeze %dma_start3A_34 : memref<1x10240xf32, #tpu.memory_space<hbm>> -> memref<10240xf32, #tpu.memory_space<hbm>>
      tpu.enqueue_dma source(%arg6 : memref<10240xf32, #tpu.memory_space<vmem>>) target(%dma_start3A_35 : memref<10240xf32, #tpu.memory_space<hbm>>) target_semaphore(%run_scoped3A_29 : memref<!tpu.dma_semaphore, #tpu.memory_space<semaphore_mem>>)
      %dma_wait3A = arith.constant 0 : i32
      %dma_wait3A_36 = tpu.memref_slice %arg3[%add3A, %dma_wait3A] : memref<32x10240xf32, #tpu.memory_space<hbm>> -> memref<1x10240xf32, #tpu.memory_space<hbm>>
      %dma_wait3A_37 = tpu.memref_squeeze %dma_wait3A_36 : memref<1x10240xf32, #tpu.memory_space<hbm>> -> memref<10240xf32, #tpu.memory_space<hbm>>
      %dma_wait3A_38 = arith.constant 0 : i32
      %dma_wait3A_39 = tpu.memref_slice %arg3[%add3A, %dma_wait3A_38] : memref<32x10240xf32, #tpu.memory_space<hbm>> -> memref<1x10240xf32, #tpu.memory_space<hbm>>
      %dma_wait3A_40 = tpu.memref_squeeze %dma_wait3A_39 : memref<1x10240xf32, #tpu.memory_space<hbm>> -> memref<10240xf32, #tpu.memory_space<hbm>>
      tpu.wait_dma2 semaphore(%run_scoped3A_29 : memref<!tpu.dma_semaphore, #tpu.memory_space<semaphore_mem>>) src(%arg6 : memref<10240xf32, #tpu.memory_space<vmem>>) dst(%dma_wait3A_40 : memref<10240xf32, #tpu.memory_space<hbm>>)
      tpu.yield
    }) : () -> ()
    return
  }
}

#map = affine_map<(d0, d1) -> (0, 0)>
#map1 = affine_map<(d0, d1) -> (0, 0, 0)>
module attributes {stable_mosaic.version = 14 : i64} {
  func.func @agg(%arg0: i32, %arg1: i32, %arg2: memref<10240x128xf32, #tpu.memory_space<hbm>>, %arg3: memref<2x2560x128xi32, #tpu.memory_space<hbm>>, %arg4: memref<2x10240x128xf32, #tpu.memory_space<hbm>>, %arg5: memref<8x128xi32, #tpu.memory_space<vmem>>, %arg6: memref<8x128xi32, #tpu.memory_space<vmem>>, %arg7: memref<8x128xi32, #tpu.memory_space<vmem>>, %arg8: memref<8x128xi32, #tpu.memory_space<vmem>>, %arg9: memref<128x128xf32, #tpu.memory_space<vmem>>, %arg10: memref<128x128xf32, #tpu.memory_space<vmem>>, %arg11: memref<10240x128xf32, #tpu.memory_space<vmem_shared>>, %arg12: memref<!tpu.dma_semaphore, #tpu.memory_space<semaphore_mem>>, %arg13: memref<!tpu.dma_semaphore, #tpu.memory_space<semaphore_mem>>, %arg14: memref<!tpu.dma_semaphore, #tpu.memory_space<semaphore_mem>>, %arg15: memref<!tpu.dma_semaphore, #tpu.memory_space<semaphore_mem>>, %arg16: memref<!tpu.dma_semaphore, #tpu.memory_space<semaphore_mem>>, %arg17: memref<!tpu.dma_semaphore, #tpu.memory_space<semaphore_mem>>) attributes {dimension_semantics = [#tpu.dimension_semantics<core_parallel>, #tpu.dimension_semantics<subcore_parallel>], iteration_bounds = array<i64: 2, 16>, scalar_prefetch = 0 : i64, scratch_operands = 13 : i64, tpu.core_type = #tpu.core_type<sc_vector_subcore>, window_params = [{transform_indices = #map}, {transform_indices = #map1}, {transform_indices = #map1}]} {
    %mul3A = arith.constant 640 : i32
    %mul3A_0 = arith.muli %arg1, %mul3A : i32
    %mul3A_1 = arith.constant 16 : i32
    %mul3A_2 = arith.muli %arg0, %mul3A_1 : i32
    %add3A = arith.addi %mul3A_2, %arg1 : i32
    %mul3A_3 = arith.constant 10 : i32
    %mul3A_4 = arith.muli %add3A, %mul3A_3 : i32
    %mul3A_5 = arith.constant 8 : i32
    %mul3A_6 = arith.muli %mul3A_4, %mul3A_5 : i32
    %scan3A = arith.constant 0 : i32
    %scan3A_7 = arith.constant 128 : i32
    %scan3A_8 = arith.addi %scan3A, %scan3A_7 : i32
    %scan3A_9 = arith.constant 1 : i32
    scf.for %scan3A_64 = %scan3A to %scan3A_8 step %scan3A_9  : i32 {
      %mul3A_65 = arith.constant 1 : i32
      %mul3A_66 = arith.muli %scan3A_64, %mul3A_65 : i32
      %add3A_67 = arith.constant 0 : i32
      %add3A_68 = arith.addi %add3A_67, %mul3A_66 : i32
      %broadcast_in_dim3A = arith.constant 0.000000e+00 : f32
      %broadcast_in_dim3A_69 = vector.broadcast %broadcast_in_dim3A : f32 to vector<16xf32>
      %swap3A = arith.index_cast %add3A_68 : i32 to index
      %swap3A_70 = arith.constant 0 : index
      %swap3A_71 = tpu.vector_load %arg9[%swap3A, %swap3A_70] {strides = array<i32>} : memref<128x128xf32, #tpu.memory_space<vmem>>, vector<1x16xf32>,
      %swap3A_72 = vector.shape_cast %swap3A_71 : vector<1x16xf32> to vector<16xf32>
      %swap3A_73 = vector.shape_cast %broadcast_in_dim3A_69 : vector<16xf32> to vector<1x16xf32>
      tpu.vector_store %arg9[%swap3A, %swap3A_70], %swap3A_73 {strides = array<i32>} : memref<128x128xf32, #tpu.memory_space<vmem>>, vector<1x16xf32>,
      %broadcast_in_dim3A_74 = arith.constant 0.000000e+00 : f32
      %broadcast_in_dim3A_75 = vector.broadcast %broadcast_in_dim3A_74 : f32 to vector<16xf32>
      %swap3A_76 = arith.index_cast %add3A_68 : i32 to index
      %swap3A_77 = arith.constant 16 : index
      %swap3A_78 = tpu.vector_load %arg9[%swap3A_76, %swap3A_77] {strides = array<i32>} : memref<128x128xf32, #tpu.memory_space<vmem>>, vector<1x16xf32>,
      %swap3A_79 = vector.shape_cast %swap3A_78 : vector<1x16xf32> to vector<16xf32>
      %swap3A_80 = vector.shape_cast %broadcast_in_dim3A_75 : vector<16xf32> to vector<1x16xf32>
      tpu.vector_store %arg9[%swap3A_76, %swap3A_77], %swap3A_80 {strides = array<i32>} : memref<128x128xf32, #tpu.memory_space<vmem>>, vector<1x16xf32>,
      %broadcast_in_dim3A_81 = arith.constant 0.000000e+00 : f32
      %broadcast_in_dim3A_82 = vector.broadcast %broadcast_in_dim3A_81 : f32 to vector<16xf32>
      %swap3A_83 = arith.index_cast %add3A_68 : i32 to index
      %swap3A_84 = arith.constant 32 : index
      %swap3A_85 = tpu.vector_load %arg9[%swap3A_83, %swap3A_84] {strides = array<i32>} : memref<128x128xf32, #tpu.memory_space<vmem>>, vector<1x16xf32>,
      %swap3A_86 = vector.shape_cast %swap3A_85 : vector<1x16xf32> to vector<16xf32>
      %swap3A_87 = vector.shape_cast %broadcast_in_dim3A_82 : vector<16xf32> to vector<1x16xf32>
      tpu.vector_store %arg9[%swap3A_83, %swap3A_84], %swap3A_87 {strides = array<i32>} : memref<128x128xf32, #tpu.memory_space<vmem>>, vector<1x16xf32>,
      %broadcast_in_dim3A_88 = arith.constant 0.000000e+00 : f32
      %broadcast_in_dim3A_89 = vector.broadcast %broadcast_in_dim3A_88 : f32 to vector<16xf32>
      %swap3A_90 = arith.index_cast %add3A_68 : i32 to index
      %swap3A_91 = arith.constant 48 : index
      %swap3A_92 = tpu.vector_load %arg9[%swap3A_90, %swap3A_91] {strides = array<i32>} : memref<128x128xf32, #tpu.memory_space<vmem>>, vector<1x16xf32>,
      %swap3A_93 = vector.shape_cast %swap3A_92 : vector<1x16xf32> to vector<16xf32>
      %swap3A_94 = vector.shape_cast %broadcast_in_dim3A_89 : vector<16xf32> to vector<1x16xf32>
      tpu.vector_store %arg9[%swap3A_90, %swap3A_91], %swap3A_94 {strides = array<i32>} : memref<128x128xf32, #tpu.memory_space<vmem>>, vector<1x16xf32>,
      %broadcast_in_dim3A_95 = arith.constant 0.000000e+00 : f32
      %broadcast_in_dim3A_96 = vector.broadcast %broadcast_in_dim3A_95 : f32 to vector<16xf32>
      %swap3A_97 = arith.index_cast %add3A_68 : i32 to index
      %swap3A_98 = arith.constant 64 : index
      %swap3A_99 = tpu.vector_load %arg9[%swap3A_97, %swap3A_98] {strides = array<i32>} : memref<128x128xf32, #tpu.memory_space<vmem>>, vector<1x16xf32>,
      %swap3A_100 = vector.shape_cast %swap3A_99 : vector<1x16xf32> to vector<16xf32>
      %swap3A_101 = vector.shape_cast %broadcast_in_dim3A_96 : vector<16xf32> to vector<1x16xf32>
      tpu.vector_store %arg9[%swap3A_97, %swap3A_98], %swap3A_101 {strides = array<i32>} : memref<128x128xf32, #tpu.memory_space<vmem>>, vector<1x16xf32>,
      %broadcast_in_dim3A_102 = arith.constant 0.000000e+00 : f32
      %broadcast_in_dim3A_103 = vector.broadcast %broadcast_in_dim3A_102 : f32 to vector<16xf32>
      %swap3A_104 = arith.index_cast %add3A_68 : i32 to index
      %swap3A_105 = arith.constant 80 : index
      %swap3A_106 = tpu.vector_load %arg9[%swap3A_104, %swap3A_105] {strides = array<i32>} : memref<128x128xf32, #tpu.memory_space<vmem>>, vector<1x16xf32>,
      %swap3A_107 = vector.shape_cast %swap3A_106 : vector<1x16xf32> to vector<16xf32>
      %swap3A_108 = vector.shape_cast %broadcast_in_dim3A_103 : vector<16xf32> to vector<1x16xf32>
      tpu.vector_store %arg9[%swap3A_104, %swap3A_105], %swap3A_108 {strides = array<i32>} : memref<128x128xf32, #tpu.memory_space<vmem>>, vector<1x16xf32>,
      %broadcast_in_dim3A_109 = arith.constant 0.000000e+00 : f32
      %broadcast_in_dim3A_110 = vector.broadcast %broadcast_in_dim3A_109 : f32 to vector<16xf32>
      %swap3A_111 = arith.index_cast %add3A_68 : i32 to index
      %swap3A_112 = arith.constant 96 : index
      %swap3A_113 = tpu.vector_load %arg9[%swap3A_111, %swap3A_112] {strides = array<i32>} : memref<128x128xf32, #tpu.memory_space<vmem>>, vector<1x16xf32>,
      %swap3A_114 = vector.shape_cast %swap3A_113 : vector<1x16xf32> to vector<16xf32>
      %swap3A_115 = vector.shape_cast %broadcast_in_dim3A_110 : vector<16xf32> to vector<1x16xf32>
      tpu.vector_store %arg9[%swap3A_111, %swap3A_112], %swap3A_115 {strides = array<i32>} : memref<128x128xf32, #tpu.memory_space<vmem>>, vector<1x16xf32>,
      %broadcast_in_dim3A_116 = arith.constant 0.000000e+00 : f32
      %broadcast_in_dim3A_117 = vector.broadcast %broadcast_in_dim3A_116 : f32 to vector<16xf32>
      %swap3A_118 = arith.index_cast %add3A_68 : i32 to index
      %swap3A_119 = arith.constant 112 : index
      %swap3A_120 = tpu.vector_load %arg9[%swap3A_118, %swap3A_119] {strides = array<i32>} : memref<128x128xf32, #tpu.memory_space<vmem>>, vector<1x16xf32>,
      %swap3A_121 = vector.shape_cast %swap3A_120 : vector<1x16xf32> to vector<16xf32>
      %swap3A_122 = vector.shape_cast %broadcast_in_dim3A_117 : vector<16xf32> to vector<1x16xf32>
      tpu.vector_store %arg9[%swap3A_118, %swap3A_119], %swap3A_122 {strides = array<i32>} : memref<128x128xf32, #tpu.memory_space<vmem>>, vector<1x16xf32>,
    }
    %scan3A_10 = arith.constant 128 : i32
    %add3A_11 = arith.constant 0 : i32
    %add3A_12 = arith.addi %mul3A_0, %add3A_11 : i32
    "tpu.region"() ({
      %run_scoped3A_64 = tpu.sem_alloc : memref<!tpu.dma_semaphore, #tpu.memory_space<semaphore_mem>>
      %dma_start3A_65 = arith.constant 0 : i32
      %dma_start3A_66 = tpu.memref_slice %arg11[%add3A_12, %dma_start3A_65] : memref<10240x128xf32, #tpu.memory_space<vmem_shared>> -> memref<128x128xf32, #tpu.memory_space<vmem_shared>>
      %dma_start3A_67 = arith.constant 0 : i32
      %dma_start3A_68 = tpu.memref_slice %arg11[%add3A_12, %dma_start3A_67] : memref<10240x128xf32, #tpu.memory_space<vmem_shared>> -> memref<128x128xf32, #tpu.memory_space<vmem_shared>>
      tpu.enqueue_dma source(%arg9 : memref<128x128xf32, #tpu.memory_space<vmem>>) target(%dma_start3A_68 : memref<128x128xf32, #tpu.memory_space<vmem_shared>>) target_semaphore(%run_scoped3A_64 : memref<!tpu.dma_semaphore, #tpu.memory_space<semaphore_mem>>)
      %dma_wait3A = arith.constant 0 : i32
      %dma_wait3A_69 = tpu.memref_slice %arg11[%add3A_12, %dma_wait3A] : memref<10240x128xf32, #tpu.memory_space<vmem_shared>> -> memref<128x128xf32, #tpu.memory_space<vmem_shared>>
      %dma_wait3A_70 = arith.constant 0 : i32
      %dma_wait3A_71 = tpu.memref_slice %arg11[%add3A_12, %dma_wait3A_70] : memref<10240x128xf32, #tpu.memory_space<vmem_shared>> -> memref<128x128xf32, #tpu.memory_space<vmem_shared>>
      tpu.wait_dma2 semaphore(%run_scoped3A_64 : memref<!tpu.dma_semaphore, #tpu.memory_space<semaphore_mem>>) src(%arg9 : memref<128x128xf32, #tpu.memory_space<vmem>>) dst(%dma_wait3A_71 : memref<128x128xf32, #tpu.memory_space<vmem_shared>>)
      tpu.yield
    }) : () -> ()
    %add3A_13 = arith.constant 128 : i32
    %add3A_14 = arith.addi %mul3A_0, %add3A_13 : i32
    "tpu.region"() ({
      %run_scoped3A_64 = tpu.sem_alloc : memref<!tpu.dma_semaphore, #tpu.memory_space<semaphore_mem>>
      %dma_start3A_65 = arith.constant 0 : i32
      %dma_start3A_66 = tpu.memref_slice %arg11[%add3A_14, %dma_start3A_65] : memref<10240x128xf32, #tpu.memory_space<vmem_shared>> -> memref<128x128xf32, #tpu.memory_space<vmem_shared>>
      %dma_start3A_67 = arith.constant 0 : i32
      %dma_start3A_68 = tpu.memref_slice %arg11[%add3A_14, %dma_start3A_67] : memref<10240x128xf32, #tpu.memory_space<vmem_shared>> -> memref<128x128xf32, #tpu.memory_space<vmem_shared>>
      tpu.enqueue_dma source(%arg9 : memref<128x128xf32, #tpu.memory_space<vmem>>) target(%dma_start3A_68 : memref<128x128xf32, #tpu.memory_space<vmem_shared>>) target_semaphore(%run_scoped3A_64 : memref<!tpu.dma_semaphore, #tpu.memory_space<semaphore_mem>>)
      %dma_wait3A = arith.constant 0 : i32
      %dma_wait3A_69 = tpu.memref_slice %arg11[%add3A_14, %dma_wait3A] : memref<10240x128xf32, #tpu.memory_space<vmem_shared>> -> memref<128x128xf32, #tpu.memory_space<vmem_shared>>
      %dma_wait3A_70 = arith.constant 0 : i32
      %dma_wait3A_71 = tpu.memref_slice %arg11[%add3A_14, %dma_wait3A_70] : memref<10240x128xf32, #tpu.memory_space<vmem_shared>> -> memref<128x128xf32, #tpu.memory_space<vmem_shared>>
      tpu.wait_dma2 semaphore(%run_scoped3A_64 : memref<!tpu.dma_semaphore, #tpu.memory_space<semaphore_mem>>) src(%arg9 : memref<128x128xf32, #tpu.memory_space<vmem>>) dst(%dma_wait3A_71 : memref<128x128xf32, #tpu.memory_space<vmem_shared>>)
      tpu.yield
    }) : () -> ()
    %add3A_15 = arith.constant 256 : i32
    %add3A_16 = arith.addi %mul3A_0, %add3A_15 : i32
    "tpu.region"() ({
      %run_scoped3A_64 = tpu.sem_alloc : memref<!tpu.dma_semaphore, #tpu.memory_space<semaphore_mem>>
      %dma_start3A_65 = arith.constant 0 : i32
      %dma_start3A_66 = tpu.memref_slice %arg11[%add3A_16, %dma_start3A_65] : memref<10240x128xf32, #tpu.memory_space<vmem_shared>> -> memref<128x128xf32, #tpu.memory_space<vmem_shared>>
      %dma_start3A_67 = arith.constant 0 : i32
      %dma_start3A_68 = tpu.memref_slice %arg11[%add3A_16, %dma_start3A_67] : memref<10240x128xf32, #tpu.memory_space<vmem_shared>> -> memref<128x128xf32, #tpu.memory_space<vmem_shared>>
      tpu.enqueue_dma source(%arg9 : memref<128x128xf32, #tpu.memory_space<vmem>>) target(%dma_start3A_68 : memref<128x128xf32, #tpu.memory_space<vmem_shared>>) target_semaphore(%run_scoped3A_64 : memref<!tpu.dma_semaphore, #tpu.memory_space<semaphore_mem>>)
      %dma_wait3A = arith.constant 0 : i32
      %dma_wait3A_69 = tpu.memref_slice %arg11[%add3A_16, %dma_wait3A] : memref<10240x128xf32, #tpu.memory_space<vmem_shared>> -> memref<128x128xf32, #tpu.memory_space<vmem_shared>>
      %dma_wait3A_70 = arith.constant 0 : i32
      %dma_wait3A_71 = tpu.memref_slice %arg11[%add3A_16, %dma_wait3A_70] : memref<10240x128xf32, #tpu.memory_space<vmem_shared>> -> memref<128x128xf32, #tpu.memory_space<vmem_shared>>
      tpu.wait_dma2 semaphore(%run_scoped3A_64 : memref<!tpu.dma_semaphore, #tpu.memory_space<semaphore_mem>>) src(%arg9 : memref<128x128xf32, #tpu.memory_space<vmem>>) dst(%dma_wait3A_71 : memref<128x128xf32, #tpu.memory_space<vmem_shared>>)
      tpu.yield
    }) : () -> ()
    %add3A_17 = arith.constant 384 : i32
    %add3A_18 = arith.addi %mul3A_0, %add3A_17 : i32
    "tpu.region"() ({
      %run_scoped3A_64 = tpu.sem_alloc : memref<!tpu.dma_semaphore, #tpu.memory_space<semaphore_mem>>
      %dma_start3A_65 = arith.constant 0 : i32
      %dma_start3A_66 = tpu.memref_slice %arg11[%add3A_18, %dma_start3A_65] : memref<10240x128xf32, #tpu.memory_space<vmem_shared>> -> memref<128x128xf32, #tpu.memory_space<vmem_shared>>
      %dma_start3A_67 = arith.constant 0 : i32
      %dma_start3A_68 = tpu.memref_slice %arg11[%add3A_18, %dma_start3A_67] : memref<10240x128xf32, #tpu.memory_space<vmem_shared>> -> memref<128x128xf32, #tpu.memory_space<vmem_shared>>
      tpu.enqueue_dma source(%arg9 : memref<128x128xf32, #tpu.memory_space<vmem>>) target(%dma_start3A_68 : memref<128x128xf32, #tpu.memory_space<vmem_shared>>) target_semaphore(%run_scoped3A_64 : memref<!tpu.dma_semaphore, #tpu.memory_space<semaphore_mem>>)
      %dma_wait3A = arith.constant 0 : i32
      %dma_wait3A_69 = tpu.memref_slice %arg11[%add3A_18, %dma_wait3A] : memref<10240x128xf32, #tpu.memory_space<vmem_shared>> -> memref<128x128xf32, #tpu.memory_space<vmem_shared>>
      %dma_wait3A_70 = arith.constant 0 : i32
      %dma_wait3A_71 = tpu.memref_slice %arg11[%add3A_18, %dma_wait3A_70] : memref<10240x128xf32, #tpu.memory_space<vmem_shared>> -> memref<128x128xf32, #tpu.memory_space<vmem_shared>>
      tpu.wait_dma2 semaphore(%run_scoped3A_64 : memref<!tpu.dma_semaphore, #tpu.memory_space<semaphore_mem>>) src(%arg9 : memref<128x128xf32, #tpu.memory_space<vmem>>) dst(%dma_wait3A_71 : memref<128x128xf32, #tpu.memory_space<vmem_shared>>)
      tpu.yield
    }) : () -> ()
    %add3A_19 = arith.constant 512 : i32
    %add3A_20 = arith.addi %mul3A_0, %add3A_19 : i32
    "tpu.region"() ({
      %run_scoped3A_64 = tpu.sem_alloc : memref<!tpu.dma_semaphore, #tpu.memory_space<semaphore_mem>>
      %dma_start3A_65 = arith.constant 0 : i32
      %dma_start3A_66 = tpu.memref_slice %arg11[%add3A_20, %dma_start3A_65] : memref<10240x128xf32, #tpu.memory_space<vmem_shared>> -> memref<128x128xf32, #tpu.memory_space<vmem_shared>>
      %dma_start3A_67 = arith.constant 0 : i32
      %dma_start3A_68 = tpu.memref_slice %arg11[%add3A_20, %dma_start3A_67] : memref<10240x128xf32, #tpu.memory_space<vmem_shared>> -> memref<128x128xf32, #tpu.memory_space<vmem_shared>>
      tpu.enqueue_dma source(%arg9 : memref<128x128xf32, #tpu.memory_space<vmem>>) target(%dma_start3A_68 : memref<128x128xf32, #tpu.memory_space<vmem_shared>>) target_semaphore(%run_scoped3A_64 : memref<!tpu.dma_semaphore, #tpu.memory_space<semaphore_mem>>)
      %dma_wait3A = arith.constant 0 : i32
      %dma_wait3A_69 = tpu.memref_slice %arg11[%add3A_20, %dma_wait3A] : memref<10240x128xf32, #tpu.memory_space<vmem_shared>> -> memref<128x128xf32, #tpu.memory_space<vmem_shared>>
      %dma_wait3A_70 = arith.constant 0 : i32
      %dma_wait3A_71 = tpu.memref_slice %arg11[%add3A_20, %dma_wait3A_70] : memref<10240x128xf32, #tpu.memory_space<vmem_shared>> -> memref<128x128xf32, #tpu.memory_space<vmem_shared>>
      tpu.wait_dma2 semaphore(%run_scoped3A_64 : memref<!tpu.dma_semaphore, #tpu.memory_space<semaphore_mem>>) src(%arg9 : memref<128x128xf32, #tpu.memory_space<vmem>>) dst(%dma_wait3A_71 : memref<128x128xf32, #tpu.memory_space<vmem_shared>>)
      tpu.yield
    }) : () -> ()
    %run_scoped3A = arith.constant 0 : i32
    "tpu.region"() ({
      %run_scoped3A_64 = tpu.sem_alloc : memref<!tpu.dma_semaphore, #tpu.memory_space<semaphore_mem>>
      %dma_start3A_65 = arith.constant 0 : i32
      %dma_start3A_66 = arith.constant 0 : i32
      %dma_start3A_67 = tpu.memref_slice %arg3[%run_scoped3A, %dma_start3A_65, %dma_start3A_66] : memref<2x2560x128xi32, #tpu.memory_space<hbm>> -> memref<1x2560x128xi32, #tpu.memory_space<hbm>>
      %dma_start3A_68 = tpu.memref_squeeze %dma_start3A_67 : memref<1x2560x128xi32, #tpu.memory_space<hbm>> -> memref<2560x128xi32, #tpu.memory_space<hbm>>
      %dma_start3A_69 = arith.constant 0 : i32
      %dma_start3A_70 = tpu.memref_slice %dma_start3A_68[%mul3A_6, %dma_start3A_69] : memref<2560x128xi32, #tpu.memory_space<hbm>> -> memref<8x128xi32, #tpu.memory_space<hbm>>
      %dma_start3A_71 = arith.constant 0 : i32
      %dma_start3A_72 = arith.constant 0 : i32
      %dma_start3A_73 = tpu.memref_slice %arg3[%run_scoped3A, %dma_start3A_71, %dma_start3A_72] : memref<2x2560x128xi32, #tpu.memory_space<hbm>> -> memref<1x2560x128xi32, #tpu.memory_space<hbm>>
      %dma_start3A_74 = tpu.memref_squeeze %dma_start3A_73 : memref<1x2560x128xi32, #tpu.memory_space<hbm>> -> memref<2560x128xi32, #tpu.memory_space<hbm>>
      %dma_start3A_75 = arith.constant 0 : i32
      %dma_start3A_76 = tpu.memref_slice %dma_start3A_74[%mul3A_6, %dma_start3A_75] : memref<2560x128xi32, #tpu.memory_space<hbm>> -> memref<8x128xi32, #tpu.memory_space<hbm>>
      tpu.enqueue_dma source(%dma_start3A_76 : memref<8x128xi32, #tpu.memory_space<hbm>>) target(%arg5 : memref<8x128xi32, #tpu.memory_space<vmem>>) target_semaphore(%run_scoped3A_64 : memref<!tpu.dma_semaphore, #tpu.memory_space<semaphore_mem>>)
      %dma_wait3A = arith.constant 0 : i32
      %dma_wait3A_77 = arith.constant 0 : i32
      %dma_wait3A_78 = tpu.memref_slice %arg3[%run_scoped3A, %dma_wait3A, %dma_wait3A_77] : memref<2x2560x128xi32, #tpu.memory_space<hbm>> -> memref<1x2560x128xi32, #tpu.memory_space<hbm>>
      %dma_wait3A_79 = tpu.memref_squeeze %dma_wait3A_78 : memref<1x2560x128xi32, #tpu.memory_space<hbm>> -> memref<2560x128xi32, #tpu.memory_space<hbm>>
      %dma_wait3A_80 = arith.constant 0 : i32
      %dma_wait3A_81 = tpu.memref_slice %dma_wait3A_79[%mul3A_6, %dma_wait3A_80] : memref<2560x128xi32, #tpu.memory_space<hbm>> -> memref<8x128xi32, #tpu.memory_space<hbm>>
      %dma_wait3A_82 = arith.constant 0 : i32
      %dma_wait3A_83 = arith.constant 0 : i32
      %dma_wait3A_84 = tpu.memref_slice %arg3[%run_scoped3A, %dma_wait3A_82, %dma_wait3A_83] : memref<2x2560x128xi32, #tpu.memory_space<hbm>> -> memref<1x2560x128xi32, #tpu.memory_space<hbm>>
      %dma_wait3A_85 = tpu.memref_squeeze %dma_wait3A_84 : memref<1x2560x128xi32, #tpu.memory_space<hbm>> -> memref<2560x128xi32, #tpu.memory_space<hbm>>
      %dma_wait3A_86 = arith.constant 0 : i32
      %dma_wait3A_87 = tpu.memref_slice %dma_wait3A_85[%mul3A_6, %dma_wait3A_86] : memref<2560x128xi32, #tpu.memory_space<hbm>> -> memref<8x128xi32, #tpu.memory_space<hbm>>
      tpu.wait_dma2 semaphore(%run_scoped3A_64 : memref<!tpu.dma_semaphore, #tpu.memory_space<semaphore_mem>>) src(%dma_wait3A_87 : memref<8x128xi32, #tpu.memory_space<hbm>>) dst(%arg5 : memref<8x128xi32, #tpu.memory_space<vmem>>)
      tpu.yield
    }) : () -> ()
    %run_scoped3A_21 = arith.constant 1 : i32
    "tpu.region"() ({
      %run_scoped3A_64 = tpu.sem_alloc : memref<!tpu.dma_semaphore, #tpu.memory_space<semaphore_mem>>
      %dma_start3A_65 = arith.constant 0 : i32
      %dma_start3A_66 = arith.constant 0 : i32
      %dma_start3A_67 = tpu.memref_slice %arg3[%run_scoped3A_21, %dma_start3A_65, %dma_start3A_66] : memref<2x2560x128xi32, #tpu.memory_space<hbm>> -> memref<1x2560x128xi32, #tpu.memory_space<hbm>>
      %dma_start3A_68 = tpu.memref_squeeze %dma_start3A_67 : memref<1x2560x128xi32, #tpu.memory_space<hbm>> -> memref<2560x128xi32, #tpu.memory_space<hbm>>
      %dma_start3A_69 = arith.constant 0 : i32
      %dma_start3A_70 = tpu.memref_slice %dma_start3A_68[%mul3A_6, %dma_start3A_69] : memref<2560x128xi32, #tpu.memory_space<hbm>> -> memref<8x128xi32, #tpu.memory_space<hbm>>
      %dma_start3A_71 = arith.constant 0 : i32
      %dma_start3A_72 = arith.constant 0 : i32
      %dma_start3A_73 = tpu.memref_slice %arg3[%run_scoped3A_21, %dma_start3A_71, %dma_start3A_72] : memref<2x2560x128xi32, #tpu.memory_space<hbm>> -> memref<1x2560x128xi32, #tpu.memory_space<hbm>>
      %dma_start3A_74 = tpu.memref_squeeze %dma_start3A_73 : memref<1x2560x128xi32, #tpu.memory_space<hbm>> -> memref<2560x128xi32, #tpu.memory_space<hbm>>
      %dma_start3A_75 = arith.constant 0 : i32
      %dma_start3A_76 = tpu.memref_slice %dma_start3A_74[%mul3A_6, %dma_start3A_75] : memref<2560x128xi32, #tpu.memory_space<hbm>> -> memref<8x128xi32, #tpu.memory_space<hbm>>
      tpu.enqueue_dma source(%dma_start3A_76 : memref<8x128xi32, #tpu.memory_space<hbm>>) target(%arg6 : memref<8x128xi32, #tpu.memory_space<vmem>>) target_semaphore(%run_scoped3A_64 : memref<!tpu.dma_semaphore, #tpu.memory_space<semaphore_mem>>)
      %dma_wait3A = arith.constant 0 : i32
      %dma_wait3A_77 = arith.constant 0 : i32
      %dma_wait3A_78 = tpu.memref_slice %arg3[%run_scoped3A_21, %dma_wait3A, %dma_wait3A_77] : memref<2x2560x128xi32, #tpu.memory_space<hbm>> -> memref<1x2560x128xi32, #tpu.memory_space<hbm>>
      %dma_wait3A_79 = tpu.memref_squeeze %dma_wait3A_78 : memref<1x2560x128xi32, #tpu.memory_space<hbm>> -> memref<2560x128xi32, #tpu.memory_space<hbm>>
      %dma_wait3A_80 = arith.constant 0 : i32
      %dma_wait3A_81 = tpu.memref_slice %dma_wait3A_79[%mul3A_6, %dma_wait3A_80] : memref<2560x128xi32, #tpu.memory_space<hbm>> -> memref<8x128xi32, #tpu.memory_space<hbm>>
      %dma_wait3A_82 = arith.constant 0 : i32
      %dma_wait3A_83 = arith.constant 0 : i32
      %dma_wait3A_84 = tpu.memref_slice %arg3[%run_scoped3A_21, %dma_wait3A_82, %dma_wait3A_83] : memref<2x2560x128xi32, #tpu.memory_space<hbm>> -> memref<1x2560x128xi32, #tpu.memory_space<hbm>>
      %dma_wait3A_85 = tpu.memref_squeeze %dma_wait3A_84 : memref<1x2560x128xi32, #tpu.memory_space<hbm>> -> memref<2560x128xi32, #tpu.memory_space<hbm>>
      %dma_wait3A_86 = arith.constant 0 : i32
      %dma_wait3A_87 = tpu.memref_slice %dma_wait3A_85[%mul3A_6, %dma_wait3A_86] : memref<2560x128xi32, #tpu.memory_space<hbm>> -> memref<8x128xi32, #tpu.memory_space<hbm>>
      tpu.wait_dma2 semaphore(%run_scoped3A_64 : memref<!tpu.dma_semaphore, #tpu.memory_space<semaphore_mem>>) src(%dma_wait3A_87 : memref<8x128xi32, #tpu.memory_space<hbm>>) dst(%arg6 : memref<8x128xi32, #tpu.memory_space<vmem>>)
      tpu.yield
    }) : () -> ()
    %dma_start3A = arith.constant 0 : i32
    %dma_start3A_22 = arith.constant 0 : i32
    %dma_start3A_23 = tpu.memref_slice %arg5[%dma_start3A, %dma_start3A_22] : memref<8x128xi32, #tpu.memory_space<vmem>> -> memref<1x128xi32, #tpu.memory_space<vmem>>
    %dma_start3A_24 = tpu.memref_squeeze %dma_start3A_23 : memref<1x128xi32, #tpu.memory_space<vmem>> -> memref<128xi32, #tpu.memory_space<vmem>>
    %dma_start3A_25 = arith.constant 0 : i32
    %dma_start3A_26 = arith.constant 0 : i32
    %dma_start3A_27 = tpu.memref_slice %arg2[%dma_start3A_25, %dma_start3A_26] : memref<10240x128xf32, #tpu.memory_space<hbm>> -> memref<10240x128xf32, #tpu.memory_space<hbm>>
    tpu.enqueue_indirect_dma source(%dma_start3A_27 : memref<10240x128xf32, #tpu.memory_space<hbm>>) target(%arg9 : memref<128x128xf32, #tpu.memory_space<vmem>>) offsets(%dma_start3A_24 : memref<128xi32, #tpu.memory_space<vmem>>) semaphore(%arg14 : memref<!tpu.dma_semaphore, #tpu.memory_space<semaphore_mem>>)
    %add3A_28 = arith.constant 8 : i32
    %add3A_29 = arith.addi %mul3A_6, %add3A_28 : i32
    %dma_start3A_30 = arith.constant 0 : i32
    %dma_start3A_31 = arith.constant 0 : i32
    %dma_start3A_32 = arith.constant 0 : i32
    %dma_start3A_33 = tpu.memref_slice %arg3[%dma_start3A_30, %dma_start3A_31, %dma_start3A_32] : memref<2x2560x128xi32, #tpu.memory_space<hbm>> -> memref<1x2560x128xi32, #tpu.memory_space<hbm>>
    %dma_start3A_34 = tpu.memref_squeeze %dma_start3A_33 : memref<1x2560x128xi32, #tpu.memory_space<hbm>> -> memref<2560x128xi32, #tpu.memory_space<hbm>>
    %dma_start3A_35 = arith.constant 0 : i32
    %dma_start3A_36 = tpu.memref_slice %dma_start3A_34[%add3A_29, %dma_start3A_35] : memref<2560x128xi32, #tpu.memory_space<hbm>> -> memref<8x128xi32, #tpu.memory_space<hbm>>
    %dma_start3A_37 = arith.constant 0 : i32
    %dma_start3A_38 = arith.constant 0 : i32
    %dma_start3A_39 = tpu.memref_slice %arg3[%dma_start3A_30, %dma_start3A_37, %dma_start3A_38] : memref<2x2560x128xi32, #tpu.memory_space<hbm>> -> memref<1x2560x128xi32, #tpu.memory_space<hbm>>
    %dma_start3A_40 = tpu.memref_squeeze %dma_start3A_39 : memref<1x2560x128xi32, #tpu.memory_space<hbm>> -> memref<2560x128xi32, #tpu.memory_space<hbm>>
    %dma_start3A_41 = arith.constant 0 : i32
    %dma_start3A_42 = tpu.memref_slice %dma_start3A_40[%add3A_29, %dma_start3A_41] : memref<2560x128xi32, #tpu.memory_space<hbm>> -> memref<8x128xi32, #tpu.memory_space<hbm>>
    tpu.enqueue_dma source(%dma_start3A_42 : memref<8x128xi32, #tpu.memory_space<hbm>>) target(%arg7 : memref<8x128xi32, #tpu.memory_space<vmem>>) target_semaphore(%arg13 : memref<!tpu.dma_semaphore, #tpu.memory_space<semaphore_mem>>)
    %add3A_43 = arith.constant 8 : i32
    %add3A_44 = arith.addi %mul3A_6, %add3A_43 : i32
    %dma_start3A_45 = arith.constant 1 : i32
    %dma_start3A_46 = arith.constant 0 : i32
    %dma_start3A_47 = arith.constant 0 : i32
    %dma_start3A_48 = tpu.memref_slice %arg3[%dma_start3A_45, %dma_start3A_46, %dma_start3A_47] : memref<2x2560x128xi32, #tpu.memory_space<hbm>> -> memref<1x2560x128xi32, #tpu.memory_space<hbm>>
    %dma_start3A_49 = tpu.memref_squeeze %dma_start3A_48 : memref<1x2560x128xi32, #tpu.memory_space<hbm>> -> memref<2560x128xi32, #tpu.memory_space<hbm>>
    %dma_start3A_50 = arith.constant 0 : i32
    %dma_start3A_51 = tpu.memref_slice %dma_start3A_49[%add3A_44, %dma_start3A_50] : memref<2560x128xi32, #tpu.memory_space<hbm>> -> memref<8x128xi32, #tpu.memory_space<hbm>>
    %dma_start3A_52 = arith.constant 0 : i32
    %dma_start3A_53 = arith.constant 0 : i32
    %dma_start3A_54 = tpu.memref_slice %arg3[%dma_start3A_45, %dma_start3A_52, %dma_start3A_53] : memref<2x2560x128xi32, #tpu.memory_space<hbm>> -> memref<1x2560x128xi32, #tpu.memory_space<hbm>>
    %dma_start3A_55 = tpu.memref_squeeze %dma_start3A_54 : memref<1x2560x128xi32, #tpu.memory_space<hbm>> -> memref<2560x128xi32, #tpu.memory_space<hbm>>
    %dma_start3A_56 = arith.constant 0 : i32
    %dma_start3A_57 = tpu.memref_slice %dma_start3A_55[%add3A_44, %dma_start3A_56] : memref<2560x128xi32, #tpu.memory_space<hbm>> -> memref<8x128xi32, #tpu.memory_space<hbm>>
    tpu.enqueue_dma source(%dma_start3A_57 : memref<8x128xi32, #tpu.memory_space<hbm>>) target(%arg8 : memref<8x128xi32, #tpu.memory_space<vmem>>) target_semaphore(%arg13 : memref<!tpu.dma_semaphore, #tpu.memory_space<semaphore_mem>>)
    %barrier3A = arith.constant 0 : index
    tpu.barrier barrier_id(%barrier3A)
    %scan3A_58 = arith.constant 0 : i32
    %scan3A_59 = arith.constant 5 : i32
    %scan3A_60 = arith.addi %scan3A_58, %scan3A_59 : i32
    %scan3A_61 = arith.constant 1 : i32
    scf.for %scan3A_64 = %scan3A_58 to %scan3A_60 step %scan3A_61  : i32 {
      %mul3A_65 = arith.constant 2 : i32
      %mul3A_66 = arith.muli %scan3A_64, %mul3A_65 : i32
      %add3A_67 = arith.constant 0 : i32
      %add3A_68 = arith.addi %add3A_67, %mul3A_66 : i32
      %add3A_69 = arith.constant 0 : i32
      %add3A_70 = arith.addi %add3A_68, %add3A_69 : i32
      %dma_start3A_71 = arith.constant 1 : i32
      %dma_start3A_72 = arith.constant 0 : i32
      %dma_start3A_73 = tpu.memref_slice %arg5[%dma_start3A_71, %dma_start3A_72] : memref<8x128xi32, #tpu.memory_space<vmem>> -> memref<1x128xi32, #tpu.memory_space<vmem>>
      %dma_start3A_74 = tpu.memref_squeeze %dma_start3A_73 : memref<1x128xi32, #tpu.memory_space<vmem>> -> memref<128xi32, #tpu.memory_space<vmem>>
      %dma_start3A_75 = arith.constant 0 : i32
      %dma_start3A_76 = arith.constant 0 : i32
      %dma_start3A_77 = tpu.memref_slice %arg2[%dma_start3A_75, %dma_start3A_76] : memref<10240x128xf32, #tpu.memory_space<hbm>> -> memref<10240x128xf32, #tpu.memory_space<hbm>>
      tpu.enqueue_indirect_dma source(%dma_start3A_77 : memref<10240x128xf32, #tpu.memory_space<hbm>>) target(%arg10 : memref<128x128xf32, #tpu.memory_space<vmem>>) offsets(%dma_start3A_74 : memref<128xi32, #tpu.memory_space<vmem>>) semaphore(%arg15 : memref<!tpu.dma_semaphore, #tpu.memory_space<semaphore_mem>>)
      %dma_wait3A = arith.constant 0 : i32
      %dma_wait3A_78 = arith.constant 0 : i32
      %dma_wait3A_79 = tpu.memref_slice %arg5[%dma_wait3A, %dma_wait3A_78] : memref<8x128xi32, #tpu.memory_space<vmem>> -> memref<1x128xi32, #tpu.memory_space<vmem>>
      %dma_wait3A_80 = tpu.memref_squeeze %dma_wait3A_79 : memref<1x128xi32, #tpu.memory_space<vmem>> -> memref<128xi32, #tpu.memory_space<vmem>>
      %dma_wait3A_81 = arith.constant 0 : i32
      %dma_wait3A_82 = arith.constant 0 : i32
      %dma_wait3A_83 = tpu.memref_slice %arg2[%dma_wait3A_81, %dma_wait3A_82] : memref<10240x128xf32, #tpu.memory_space<hbm>> -> memref<10240x128xf32, #tpu.memory_space<hbm>>
      tpu.wait_indirect_dma semaphore(%arg14 : memref<!tpu.dma_semaphore, #tpu.memory_space<semaphore_mem>>) src(%dma_wait3A_83 : memref<10240x128xf32, #tpu.memory_space<hbm>>) dst(%arg9 : memref<128x128xf32, #tpu.memory_space<vmem>>)
      %dma_start3A_84 = arith.constant 0 : i32
      %dma_start3A_85 = arith.constant 0 : i32
      %dma_start3A_86 = tpu.memref_slice %arg6[%dma_start3A_84, %dma_start3A_85] : memref<8x128xi32, #tpu.memory_space<vmem>> -> memref<1x128xi32, #tpu.memory_space<vmem>>
      %dma_start3A_87 = tpu.memref_squeeze %dma_start3A_86 : memref<1x128xi32, #tpu.memory_space<vmem>> -> memref<128xi32, #tpu.memory_space<vmem>>
      %dma_start3A_88 = arith.constant 0 : i32
      %dma_start3A_89 = arith.constant 0 : i32
      %dma_start3A_90 = tpu.memref_slice %arg11[%dma_start3A_88, %dma_start3A_89] : memref<10240x128xf32, #tpu.memory_space<vmem_shared>> -> memref<10240x128xf32, #tpu.memory_space<vmem_shared>>
      tpu.enqueue_indirect_dma source(%arg9 : memref<128x128xf32, #tpu.memory_space<vmem>>) target(%dma_start3A_90 : memref<10240x128xf32, #tpu.memory_space<vmem_shared>>) offsets(%dma_start3A_87 : memref<128xi32, #tpu.memory_space<vmem>>) semaphore(%arg16 : memref<!tpu.dma_semaphore, #tpu.memory_space<semaphore_mem>>) {add = true}
      %dma_wait3A_91 = arith.constant 0 : i32
      %dma_wait3A_92 = arith.constant 0 : i32
      %dma_wait3A_93 = tpu.memref_slice %arg6[%dma_wait3A_91, %dma_wait3A_92] : memref<8x128xi32, #tpu.memory_space<vmem>> -> memref<1x128xi32, #tpu.memory_space<vmem>>
      %dma_wait3A_94 = tpu.memref_squeeze %dma_wait3A_93 : memref<1x128xi32, #tpu.memory_space<vmem>> -> memref<128xi32, #tpu.memory_space<vmem>>
      %dma_wait3A_95 = arith.constant 0 : i32
      %dma_wait3A_96 = arith.constant 0 : i32
      %dma_wait3A_97 = tpu.memref_slice %arg11[%dma_wait3A_95, %dma_wait3A_96] : memref<10240x128xf32, #tpu.memory_space<vmem_shared>> -> memref<10240x128xf32, #tpu.memory_space<vmem_shared>>
      tpu.wait_indirect_dma semaphore(%arg16 : memref<!tpu.dma_semaphore, #tpu.memory_space<semaphore_mem>>) src(%arg9 : memref<128x128xf32, #tpu.memory_space<vmem>>) dst(%dma_wait3A_97 : memref<10240x128xf32, #tpu.memory_space<vmem_shared>>)
      %dma_start3A_98 = arith.constant 2 : i32
      %dma_start3A_99 = arith.constant 0 : i32
      %dma_start3A_100 = tpu.memref_slice %arg5[%dma_start3A_98, %dma_start3A_99] : memref<8x128xi32, #tpu.memory_space<vmem>> -> memref<1x128xi32, #tpu.memory_space<vmem>>
      %dma_start3A_101 = tpu.memref_squeeze %dma_start3A_100 : memref<1x128xi32, #tpu.memory_space<vmem>> -> memref<128xi32, #tpu.memory_space<vmem>>
      %dma_start3A_102 = arith.constant 0 : i32
      %dma_start3A_103 = arith.constant 0 : i32
      %dma_start3A_104 = tpu.memref_slice %arg2[%dma_start3A_102, %dma_start3A_103] : memref<10240x128xf32, #tpu.memory_space<hbm>> -> memref<10240x128xf32, #tpu.memory_space<hbm>>
      tpu.enqueue_indirect_dma source(%dma_start3A_104 : memref<10240x128xf32, #tpu.memory_space<hbm>>) target(%arg9 : memref<128x128xf32, #tpu.memory_space<vmem>>) offsets(%dma_start3A_101 : memref<128xi32, #tpu.memory_space<vmem>>) semaphore(%arg14 : memref<!tpu.dma_semaphore, #tpu.memory_space<semaphore_mem>>)
      %dma_wait3A_105 = arith.constant 1 : i32
      %dma_wait3A_106 = arith.constant 0 : i32
      %dma_wait3A_107 = tpu.memref_slice %arg5[%dma_wait3A_105, %dma_wait3A_106] : memref<8x128xi32, #tpu.memory_space<vmem>> -> memref<1x128xi32, #tpu.memory_space<vmem>>
      %dma_wait3A_108 = tpu.memref_squeeze %dma_wait3A_107 : memref<1x128xi32, #tpu.memory_space<vmem>> -> memref<128xi32, #tpu.memory_space<vmem>>
      %dma_wait3A_109 = arith.constant 0 : i32
      %dma_wait3A_110 = arith.constant 0 : i32
      %dma_wait3A_111 = tpu.memref_slice %arg2[%dma_wait3A_109, %dma_wait3A_110] : memref<10240x128xf32, #tpu.memory_space<hbm>> -> memref<10240x128xf32, #tpu.memory_space<hbm>>
      tpu.wait_indirect_dma semaphore(%arg15 : memref<!tpu.dma_semaphore, #tpu.memory_space<semaphore_mem>>) src(%dma_wait3A_111 : memref<10240x128xf32, #tpu.memory_space<hbm>>) dst(%arg10 : memref<128x128xf32, #tpu.memory_space<vmem>>)
      %dma_start3A_112 = arith.constant 1 : i32
      %dma_start3A_113 = arith.constant 0 : i32
      %dma_start3A_114 = tpu.memref_slice %arg6[%dma_start3A_112, %dma_start3A_113] : memref<8x128xi32, #tpu.memory_space<vmem>> -> memref<1x128xi32, #tpu.memory_space<vmem>>
      %dma_start3A_115 = tpu.memref_squeeze %dma_start3A_114 : memref<1x128xi32, #tpu.memory_space<vmem>> -> memref<128xi32, #tpu.memory_space<vmem>>
      %dma_start3A_116 = arith.constant 0 : i32
      %dma_start3A_117 = arith.constant 0 : i32
      %dma_start3A_118 = tpu.memref_slice %arg11[%dma_start3A_116, %dma_start3A_117] : memref<10240x128xf32, #tpu.memory_space<vmem_shared>> -> memref<10240x128xf32, #tpu.memory_space<vmem_shared>>
      tpu.enqueue_indirect_dma source(%arg10 : memref<128x128xf32, #tpu.memory_space<vmem>>) target(%dma_start3A_118 : memref<10240x128xf32, #tpu.memory_space<vmem_shared>>) offsets(%dma_start3A_115 : memref<128xi32, #tpu.memory_space<vmem>>) semaphore(%arg17 : memref<!tpu.dma_semaphore, #tpu.memory_space<semaphore_mem>>) {add = true}
      %dma_wait3A_119 = arith.constant 1 : i32
      %dma_wait3A_120 = arith.constant 0 : i32
      %dma_wait3A_121 = tpu.memref_slice %arg6[%dma_wait3A_119, %dma_wait3A_120] : memref<8x128xi32, #tpu.memory_space<vmem>> -> memref<1x128xi32, #tpu.memory_space<vmem>>
      %dma_wait3A_122 = tpu.memref_squeeze %dma_wait3A_121 : memref<1x128xi32, #tpu.memory_space<vmem>> -> memref<128xi32, #tpu.memory_space<vmem>>
      %dma_wait3A_123 = arith.constant 0 : i32
      %dma_wait3A_124 = arith.constant 0 : i32
      %dma_wait3A_125 = tpu.memref_slice %arg11[%dma_wait3A_123, %dma_wait3A_124] : memref<10240x128xf32, #tpu.memory_space<vmem_shared>> -> memref<10240x128xf32, #tpu.memory_space<vmem_shared>>
      tpu.wait_indirect_dma semaphore(%arg17 : memref<!tpu.dma_semaphore, #tpu.memory_space<semaphore_mem>>) src(%arg10 : memref<128x128xf32, #tpu.memory_space<vmem>>) dst(%dma_wait3A_125 : memref<10240x128xf32, #tpu.memory_space<vmem_shared>>)
      %dma_start3A_126 = arith.constant 3 : i32
      %dma_start3A_127 = arith.constant 0 : i32
      %dma_start3A_128 = tpu.memref_slice %arg5[%dma_start3A_126, %dma_start3A_127] : memref<8x128xi32, #tpu.memory_space<vmem>> -> memref<1x128xi32, #tpu.memory_space<vmem>>
      %dma_start3A_129 = tpu.memref_squeeze %dma_start3A_128 : memref<1x128xi32, #tpu.memory_space<vmem>> -> memref<128xi32, #tpu.memory_space<vmem>>
      %dma_start3A_130 = arith.constant 0 : i32
      %dma_start3A_131 = arith.constant 0 : i32
      %dma_start3A_132 = tpu.memref_slice %arg2[%dma_start3A_130, %dma_start3A_131] : memref<10240x128xf32, #tpu.memory_space<hbm>> -> memref<10240x128xf32, #tpu.memory_space<hbm>>
      tpu.enqueue_indirect_dma source(%dma_start3A_132 : memref<10240x128xf32, #tpu.memory_space<hbm>>) target(%arg10 : memref<128x128xf32, #tpu.memory_space<vmem>>) offsets(%dma_start3A_129 : memref<128xi32, #tpu.memory_space<vmem>>) semaphore(%arg15 : memref<!tpu.dma_semaphore, #tpu.memory_space<semaphore_mem>>)
      %dma_wait3A_133 = arith.constant 2 : i32
      %dma_wait3A_134 = arith.constant 0 : i32
      %dma_wait3A_135 = tpu.memref_slice %arg5[%dma_wait3A_133, %dma_wait3A_134] : memref<8x128xi32, #tpu.memory_space<vmem>> -> memref<1x128xi32, #tpu.memory_space<vmem>>
      %dma_wait3A_136 = tpu.memref_squeeze %dma_wait3A_135 : memref<1x128xi32, #tpu.memory_space<vmem>> -> memref<128xi32, #tpu.memory_space<vmem>>
      %dma_wait3A_137 = arith.constant 0 : i32
      %dma_wait3A_138 = arith.constant 0 : i32
      %dma_wait3A_139 = tpu.memref_slice %arg2[%dma_wait3A_137, %dma_wait3A_138] : memref<10240x128xf32, #tpu.memory_space<hbm>> -> memref<10240x128xf32, #tpu.memory_space<hbm>>
      tpu.wait_indirect_dma semaphore(%arg14 : memref<!tpu.dma_semaphore, #tpu.memory_space<semaphore_mem>>) src(%dma_wait3A_139 : memref<10240x128xf32, #tpu.memory_space<hbm>>) dst(%arg9 : memref<128x128xf32, #tpu.memory_space<vmem>>)
      %dma_start3A_140 = arith.constant 2 : i32
      %dma_start3A_141 = arith.constant 0 : i32
      %dma_start3A_142 = tpu.memref_slice %arg6[%dma_start3A_140, %dma_start3A_141] : memref<8x128xi32, #tpu.memory_space<vmem>> -> memref<1x128xi32, #tpu.memory_space<vmem>>
      %dma_start3A_143 = tpu.memref_squeeze %dma_start3A_142 : memref<1x128xi32, #tpu.memory_space<vmem>> -> memref<128xi32, #tpu.memory_space<vmem>>
      %dma_start3A_144 = arith.constant 0 : i32
      %dma_start3A_145 = arith.constant 0 : i32
      %dma_start3A_146 = tpu.memref_slice %arg11[%dma_start3A_144, %dma_start3A_145] : memref<10240x128xf32, #tpu.memory_space<vmem_shared>> -> memref<10240x128xf32, #tpu.memory_space<vmem_shared>>
      tpu.enqueue_indirect_dma source(%arg9 : memref<128x128xf32, #tpu.memory_space<vmem>>) target(%dma_start3A_146 : memref<10240x128xf32, #tpu.memory_space<vmem_shared>>) offsets(%dma_start3A_143 : memref<128xi32, #tpu.memory_space<vmem>>) semaphore(%arg16 : memref<!tpu.dma_semaphore, #tpu.memory_space<semaphore_mem>>) {add = true}
      %dma_wait3A_147 = arith.constant 2 : i32
      %dma_wait3A_148 = arith.constant 0 : i32
      %dma_wait3A_149 = tpu.memref_slice %arg6[%dma_wait3A_147, %dma_wait3A_148] : memref<8x128xi32, #tpu.memory_space<vmem>> -> memref<1x128xi32, #tpu.memory_space<vmem>>
      %dma_wait3A_150 = tpu.memref_squeeze %dma_wait3A_149 : memref<1x128xi32, #tpu.memory_space<vmem>> -> memref<128xi32, #tpu.memory_space<vmem>>
      %dma_wait3A_151 = arith.constant 0 : i32
      %dma_wait3A_152 = arith.constant 0 : i32
      %dma_wait3A_153 = tpu.memref_slice %arg11[%dma_wait3A_151, %dma_wait3A_152] : memref<10240x128xf32, #tpu.memory_space<vmem_shared>> -> memref<10240x128xf32, #tpu.memory_space<vmem_shared>>
      tpu.wait_indirect_dma semaphore(%arg16 : memref<!tpu.dma_semaphore, #tpu.memory_space<semaphore_mem>>) src(%arg9 : memref<128x128xf32, #tpu.memory_space<vmem>>) dst(%dma_wait3A_153 : memref<10240x128xf32, #tpu.memory_space<vmem_shared>>)
      %dma_start3A_154 = arith.constant 4 : i32
      %dma_start3A_155 = arith.constant 0 : i32
      %dma_start3A_156 = tpu.memref_slice %arg5[%dma_start3A_154, %dma_start3A_155] : memref<8x128xi32, #tpu.memory_space<vmem>> -> memref<1x128xi32, #tpu.memory_space<vmem>>
      %dma_start3A_157 = tpu.memref_squeeze %dma_start3A_156 : memref<1x128xi32, #tpu.memory_space<vmem>> -> memref<128xi32, #tpu.memory_space<vmem>>
      %dma_start3A_158 = arith.constant 0 : i32
      %dma_start3A_159 = arith.constant 0 : i32
      %dma_start3A_160 = tpu.memref_slice %arg2[%dma_start3A_158, %dma_start3A_159] : memref<10240x128xf32, #tpu.memory_space<hbm>> -> memref<10240x128xf32, #tpu.memory_space<hbm>>
      tpu.enqueue_indirect_dma source(%dma_start3A_160 : memref<10240x128xf32, #tpu.memory_space<hbm>>) target(%arg9 : memref<128x128xf32, #tpu.memory_space<vmem>>) offsets(%dma_start3A_157 : memref<128xi32, #tpu.memory_space<vmem>>) semaphore(%arg14 : memref<!tpu.dma_semaphore, #tpu.memory_space<semaphore_mem>>)
      %dma_wait3A_161 = arith.constant 3 : i32
      %dma_wait3A_162 = arith.constant 0 : i32
      %dma_wait3A_163 = tpu.memref_slice %arg5[%dma_wait3A_161, %dma_wait3A_162] : memref<8x128xi32, #tpu.memory_space<vmem>> -> memref<1x128xi32, #tpu.memory_space<vmem>>
      %dma_wait3A_164 = tpu.memref_squeeze %dma_wait3A_163 : memref<1x128xi32, #tpu.memory_space<vmem>> -> memref<128xi32, #tpu.memory_space<vmem>>
      %dma_wait3A_165 = arith.constant 0 : i32
      %dma_wait3A_166 = arith.constant 0 : i32
      %dma_wait3A_167 = tpu.memref_slice %arg2[%dma_wait3A_165, %dma_wait3A_166] : memref<10240x128xf32, #tpu.memory_space<hbm>> -> memref<10240x128xf32, #tpu.memory_space<hbm>>
      tpu.wait_indirect_dma semaphore(%arg15 : memref<!tpu.dma_semaphore, #tpu.memory_space<semaphore_mem>>) src(%dma_wait3A_167 : memref<10240x128xf32, #tpu.memory_space<hbm>>) dst(%arg10 : memref<128x128xf32, #tpu.memory_space<vmem>>)
      %dma_start3A_168 = arith.constant 3 : i32
      %dma_start3A_169 = arith.constant 0 : i32
      %dma_start3A_170 = tpu.memref_slice %arg6[%dma_start3A_168, %dma_start3A_169] : memref<8x128xi32, #tpu.memory_space<vmem>> -> memref<1x128xi32, #tpu.memory_space<vmem>>
      %dma_start3A_171 = tpu.memref_squeeze %dma_start3A_170 : memref<1x128xi32, #tpu.memory_space<vmem>> -> memref<128xi32, #tpu.memory_space<vmem>>
      %dma_start3A_172 = arith.constant 0 : i32
      %dma_start3A_173 = arith.constant 0 : i32
      %dma_start3A_174 = tpu.memref_slice %arg11[%dma_start3A_172, %dma_start3A_173] : memref<10240x128xf32, #tpu.memory_space<vmem_shared>> -> memref<10240x128xf32, #tpu.memory_space<vmem_shared>>
      tpu.enqueue_indirect_dma source(%arg10 : memref<128x128xf32, #tpu.memory_space<vmem>>) target(%dma_start3A_174 : memref<10240x128xf32, #tpu.memory_space<vmem_shared>>) offsets(%dma_start3A_171 : memref<128xi32, #tpu.memory_space<vmem>>) semaphore(%arg17 : memref<!tpu.dma_semaphore, #tpu.memory_space<semaphore_mem>>) {add = true}
      %dma_wait3A_175 = arith.constant 3 : i32
      %dma_wait3A_176 = arith.constant 0 : i32
      %dma_wait3A_177 = tpu.memref_slice %arg6[%dma_wait3A_175, %dma_wait3A_176] : memref<8x128xi32, #tpu.memory_space<vmem>> -> memref<1x128xi32, #tpu.memory_space<vmem>>
      %dma_wait3A_178 = tpu.memref_squeeze %dma_wait3A_177 : memref<1x128xi32, #tpu.memory_space<vmem>> -> memref<128xi32, #tpu.memory_space<vmem>>
      %dma_wait3A_179 = arith.constant 0 : i32
      %dma_wait3A_180 = arith.constant 0 : i32
      %dma_wait3A_181 = tpu.memref_slice %arg11[%dma_wait3A_179, %dma_wait3A_180] : memref<10240x128xf32, #tpu.memory_space<vmem_shared>> -> memref<10240x128xf32, #tpu.memory_space<vmem_shared>>
      tpu.wait_indirect_dma semaphore(%arg17 : memref<!tpu.dma_semaphore, #tpu.memory_space<semaphore_mem>>) src(%arg10 : memref<128x128xf32, #tpu.memory_space<vmem>>) dst(%dma_wait3A_181 : memref<10240x128xf32, #tpu.memory_space<vmem_shared>>)
      %dma_start3A_182 = arith.constant 5 : i32
      %dma_start3A_183 = arith.constant 0 : i32
      %dma_start3A_184 = tpu.memref_slice %arg5[%dma_start3A_182, %dma_start3A_183] : memref<8x128xi32, #tpu.memory_space<vmem>> -> memref<1x128xi32, #tpu.memory_space<vmem>>
      %dma_start3A_185 = tpu.memref_squeeze %dma_start3A_184 : memref<1x128xi32, #tpu.memory_space<vmem>> -> memref<128xi32, #tpu.memory_space<vmem>>
      %dma_start3A_186 = arith.constant 0 : i32
      %dma_start3A_187 = arith.constant 0 : i32
      %dma_start3A_188 = tpu.memref_slice %arg2[%dma_start3A_186, %dma_start3A_187] : memref<10240x128xf32, #tpu.memory_space<hbm>> -> memref<10240x128xf32, #tpu.memory_space<hbm>>
      tpu.enqueue_indirect_dma source(%dma_start3A_188 : memref<10240x128xf32, #tpu.memory_space<hbm>>) target(%arg10 : memref<128x128xf32, #tpu.memory_space<vmem>>) offsets(%dma_start3A_185 : memref<128xi32, #tpu.memory_space<vmem>>) semaphore(%arg15 : memref<!tpu.dma_semaphore, #tpu.memory_space<semaphore_mem>>)
      %dma_wait3A_189 = arith.constant 4 : i32
      %dma_wait3A_190 = arith.constant 0 : i32
      %dma_wait3A_191 = tpu.memref_slice %arg5[%dma_wait3A_189, %dma_wait3A_190] : memref<8x128xi32, #tpu.memory_space<vmem>> -> memref<1x128xi32, #tpu.memory_space<vmem>>
      %dma_wait3A_192 = tpu.memref_squeeze %dma_wait3A_191 : memref<1x128xi32, #tpu.memory_space<vmem>> -> memref<128xi32, #tpu.memory_space<vmem>>
      %dma_wait3A_193 = arith.constant 0 : i32
      %dma_wait3A_194 = arith.constant 0 : i32
      %dma_wait3A_195 = tpu.memref_slice %arg2[%dma_wait3A_193, %dma_wait3A_194] : memref<10240x128xf32, #tpu.memory_space<hbm>> -> memref<10240x128xf32, #tpu.memory_space<hbm>>
      tpu.wait_indirect_dma semaphore(%arg14 : memref<!tpu.dma_semaphore, #tpu.memory_space<semaphore_mem>>) src(%dma_wait3A_195 : memref<10240x128xf32, #tpu.memory_space<hbm>>) dst(%arg9 : memref<128x128xf32, #tpu.memory_space<vmem>>)
      %dma_start3A_196 = arith.constant 4 : i32
      %dma_start3A_197 = arith.constant 0 : i32
      %dma_start3A_198 = tpu.memref_slice %arg6[%dma_start3A_196, %dma_start3A_197] : memref<8x128xi32, #tpu.memory_space<vmem>> -> memref<1x128xi32, #tpu.memory_space<vmem>>
      %dma_start3A_199 = tpu.memref_squeeze %dma_start3A_198 : memref<1x128xi32, #tpu.memory_space<vmem>> -> memref<128xi32, #tpu.memory_space<vmem>>
      %dma_start3A_200 = arith.constant 0 : i32
      %dma_start3A_201 = arith.constant 0 : i32
      %dma_start3A_202 = tpu.memref_slice %arg11[%dma_start3A_200, %dma_start3A_201] : memref<10240x128xf32, #tpu.memory_space<vmem_shared>> -> memref<10240x128xf32, #tpu.memory_space<vmem_shared>>
      tpu.enqueue_indirect_dma source(%arg9 : memref<128x128xf32, #tpu.memory_space<vmem>>) target(%dma_start3A_202 : memref<10240x128xf32, #tpu.memory_space<vmem_shared>>) offsets(%dma_start3A_199 : memref<128xi32, #tpu.memory_space<vmem>>) semaphore(%arg16 : memref<!tpu.dma_semaphore, #tpu.memory_space<semaphore_mem>>) {add = true}
      %dma_wait3A_203 = arith.constant 4 : i32
      %dma_wait3A_204 = arith.constant 0 : i32
      %dma_wait3A_205 = tpu.memref_slice %arg6[%dma_wait3A_203, %dma_wait3A_204] : memref<8x128xi32, #tpu.memory_space<vmem>> -> memref<1x128xi32, #tpu.memory_space<vmem>>
      %dma_wait3A_206 = tpu.memref_squeeze %dma_wait3A_205 : memref<1x128xi32, #tpu.memory_space<vmem>> -> memref<128xi32, #tpu.memory_space<vmem>>
      %dma_wait3A_207 = arith.constant 0 : i32
      %dma_wait3A_208 = arith.constant 0 : i32
      %dma_wait3A_209 = tpu.memref_slice %arg11[%dma_wait3A_207, %dma_wait3A_208] : memref<10240x128xf32, #tpu.memory_space<vmem_shared>> -> memref<10240x128xf32, #tpu.memory_space<vmem_shared>>
      tpu.wait_indirect_dma semaphore(%arg16 : memref<!tpu.dma_semaphore, #tpu.memory_space<semaphore_mem>>) src(%arg9 : memref<128x128xf32, #tpu.memory_space<vmem>>) dst(%dma_wait3A_209 : memref<10240x128xf32, #tpu.memory_space<vmem_shared>>)
      %dma_start3A_210 = arith.constant 6 : i32
      %dma_start3A_211 = arith.constant 0 : i32
      %dma_start3A_212 = tpu.memref_slice %arg5[%dma_start3A_210, %dma_start3A_211] : memref<8x128xi32, #tpu.memory_space<vmem>> -> memref<1x128xi32, #tpu.memory_space<vmem>>
      %dma_start3A_213 = tpu.memref_squeeze %dma_start3A_212 : memref<1x128xi32, #tpu.memory_space<vmem>> -> memref<128xi32, #tpu.memory_space<vmem>>
      %dma_start3A_214 = arith.constant 0 : i32
      %dma_start3A_215 = arith.constant 0 : i32
      %dma_start3A_216 = tpu.memref_slice %arg2[%dma_start3A_214, %dma_start3A_215] : memref<10240x128xf32, #tpu.memory_space<hbm>> -> memref<10240x128xf32, #tpu.memory_space<hbm>>
      tpu.enqueue_indirect_dma source(%dma_start3A_216 : memref<10240x128xf32, #tpu.memory_space<hbm>>) target(%arg9 : memref<128x128xf32, #tpu.memory_space<vmem>>) offsets(%dma_start3A_213 : memref<128xi32, #tpu.memory_space<vmem>>) semaphore(%arg14 : memref<!tpu.dma_semaphore, #tpu.memory_space<semaphore_mem>>)
      %dma_wait3A_217 = arith.constant 5 : i32
      %dma_wait3A_218 = arith.constant 0 : i32
      %dma_wait3A_219 = tpu.memref_slice %arg5[%dma_wait3A_217, %dma_wait3A_218] : memref<8x128xi32, #tpu.memory_space<vmem>> -> memref<1x128xi32, #tpu.memory_space<vmem>>
      %dma_wait3A_220 = tpu.memref_squeeze %dma_wait3A_219 : memref<1x128xi32, #tpu.memory_space<vmem>> -> memref<128xi32, #tpu.memory_space<vmem>>
      %dma_wait3A_221 = arith.constant 0 : i32
      %dma_wait3A_222 = arith.constant 0 : i32
      %dma_wait3A_223 = tpu.memref_slice %arg2[%dma_wait3A_221, %dma_wait3A_222] : memref<10240x128xf32, #tpu.memory_space<hbm>> -> memref<10240x128xf32, #tpu.memory_space<hbm>>
      tpu.wait_indirect_dma semaphore(%arg15 : memref<!tpu.dma_semaphore, #tpu.memory_space<semaphore_mem>>) src(%dma_wait3A_223 : memref<10240x128xf32, #tpu.memory_space<hbm>>) dst(%arg10 : memref<128x128xf32, #tpu.memory_space<vmem>>)
      %dma_start3A_224 = arith.constant 5 : i32
      %dma_start3A_225 = arith.constant 0 : i32
      %dma_start3A_226 = tpu.memref_slice %arg6[%dma_start3A_224, %dma_start3A_225] : memref<8x128xi32, #tpu.memory_space<vmem>> -> memref<1x128xi32, #tpu.memory_space<vmem>>
      %dma_start3A_227 = tpu.memref_squeeze %dma_start3A_226 : memref<1x128xi32, #tpu.memory_space<vmem>> -> memref<128xi32, #tpu.memory_space<vmem>>
      %dma_start3A_228 = arith.constant 0 : i32
      %dma_start3A_229 = arith.constant 0 : i32
      %dma_start3A_230 = tpu.memref_slice %arg11[%dma_start3A_228, %dma_start3A_229] : memref<10240x128xf32, #tpu.memory_space<vmem_shared>> -> memref<10240x128xf32, #tpu.memory_space<vmem_shared>>
      tpu.enqueue_indirect_dma source(%arg10 : memref<128x128xf32, #tpu.memory_space<vmem>>) target(%dma_start3A_230 : memref<10240x128xf32, #tpu.memory_space<vmem_shared>>) offsets(%dma_start3A_227 : memref<128xi32, #tpu.memory_space<vmem>>) semaphore(%arg17 : memref<!tpu.dma_semaphore, #tpu.memory_space<semaphore_mem>>) {add = true}
      %dma_wait3A_231 = arith.constant 5 : i32
      %dma_wait3A_232 = arith.constant 0 : i32
      %dma_wait3A_233 = tpu.memref_slice %arg6[%dma_wait3A_231, %dma_wait3A_232] : memref<8x128xi32, #tpu.memory_space<vmem>> -> memref<1x128xi32, #tpu.memory_space<vmem>>
      %dma_wait3A_234 = tpu.memref_squeeze %dma_wait3A_233 : memref<1x128xi32, #tpu.memory_space<vmem>> -> memref<128xi32, #tpu.memory_space<vmem>>
      %dma_wait3A_235 = arith.constant 0 : i32
      %dma_wait3A_236 = arith.constant 0 : i32
      %dma_wait3A_237 = tpu.memref_slice %arg11[%dma_wait3A_235, %dma_wait3A_236] : memref<10240x128xf32, #tpu.memory_space<vmem_shared>> -> memref<10240x128xf32, #tpu.memory_space<vmem_shared>>
      tpu.wait_indirect_dma semaphore(%arg17 : memref<!tpu.dma_semaphore, #tpu.memory_space<semaphore_mem>>) src(%arg10 : memref<128x128xf32, #tpu.memory_space<vmem>>) dst(%dma_wait3A_237 : memref<10240x128xf32, #tpu.memory_space<vmem_shared>>)
      %dma_start3A_238 = arith.constant 7 : i32
      %dma_start3A_239 = arith.constant 0 : i32
      %dma_start3A_240 = tpu.memref_slice %arg5[%dma_start3A_238, %dma_start3A_239] : memref<8x128xi32, #tpu.memory_space<vmem>> -> memref<1x128xi32, #tpu.memory_space<vmem>>
      %dma_start3A_241 = tpu.memref_squeeze %dma_start3A_240 : memref<1x128xi32, #tpu.memory_space<vmem>> -> memref<128xi32, #tpu.memory_space<vmem>>
      %dma_start3A_242 = arith.constant 0 : i32
      %dma_start3A_243 = arith.constant 0 : i32
      %dma_start3A_244 = tpu.memref_slice %arg2[%dma_start3A_242, %dma_start3A_243] : memref<10240x128xf32, #tpu.memory_space<hbm>> -> memref<10240x128xf32, #tpu.memory_space<hbm>>
      tpu.enqueue_indirect_dma source(%dma_start3A_244 : memref<10240x128xf32, #tpu.memory_space<hbm>>) target(%arg10 : memref<128x128xf32, #tpu.memory_space<vmem>>) offsets(%dma_start3A_241 : memref<128xi32, #tpu.memory_space<vmem>>) semaphore(%arg15 : memref<!tpu.dma_semaphore, #tpu.memory_space<semaphore_mem>>)
      %dma_wait3A_245 = arith.constant 6 : i32
      %dma_wait3A_246 = arith.constant 0 : i32
      %dma_wait3A_247 = tpu.memref_slice %arg5[%dma_wait3A_245, %dma_wait3A_246] : memref<8x128xi32, #tpu.memory_space<vmem>> -> memref<1x128xi32, #tpu.memory_space<vmem>>
      %dma_wait3A_248 = tpu.memref_squeeze %dma_wait3A_247 : memref<1x128xi32, #tpu.memory_space<vmem>> -> memref<128xi32, #tpu.memory_space<vmem>>
      %dma_wait3A_249 = arith.constant 0 : i32
      %dma_wait3A_250 = arith.constant 0 : i32
      %dma_wait3A_251 = tpu.memref_slice %arg2[%dma_wait3A_249, %dma_wait3A_250] : memref<10240x128xf32, #tpu.memory_space<hbm>> -> memref<10240x128xf32, #tpu.memory_space<hbm>>
      tpu.wait_indirect_dma semaphore(%arg14 : memref<!tpu.dma_semaphore, #tpu.memory_space<semaphore_mem>>) src(%dma_wait3A_251 : memref<10240x128xf32, #tpu.memory_space<hbm>>) dst(%arg9 : memref<128x128xf32, #tpu.memory_space<vmem>>)
      %dma_start3A_252 = arith.constant 6 : i32
      %dma_start3A_253 = arith.constant 0 : i32
      %dma_start3A_254 = tpu.memref_slice %arg6[%dma_start3A_252, %dma_start3A_253] : memref<8x128xi32, #tpu.memory_space<vmem>> -> memref<1x128xi32, #tpu.memory_space<vmem>>
      %dma_start3A_255 = tpu.memref_squeeze %dma_start3A_254 : memref<1x128xi32, #tpu.memory_space<vmem>> -> memref<128xi32, #tpu.memory_space<vmem>>
      %dma_start3A_256 = arith.constant 0 : i32
      %dma_start3A_257 = arith.constant 0 : i32
      %dma_start3A_258 = tpu.memref_slice %arg11[%dma_start3A_256, %dma_start3A_257] : memref<10240x128xf32, #tpu.memory_space<vmem_shared>> -> memref<10240x128xf32, #tpu.memory_space<vmem_shared>>
      tpu.enqueue_indirect_dma source(%arg9 : memref<128x128xf32, #tpu.memory_space<vmem>>) target(%dma_start3A_258 : memref<10240x128xf32, #tpu.memory_space<vmem_shared>>) offsets(%dma_start3A_255 : memref<128xi32, #tpu.memory_space<vmem>>) semaphore(%arg16 : memref<!tpu.dma_semaphore, #tpu.memory_space<semaphore_mem>>) {add = true}
      %dma_wait3A_259 = arith.constant 6 : i32
      %dma_wait3A_260 = arith.constant 0 : i32
      %dma_wait3A_261 = tpu.memref_slice %arg6[%dma_wait3A_259, %dma_wait3A_260] : memref<8x128xi32, #tpu.memory_space<vmem>> -> memref<1x128xi32, #tpu.memory_space<vmem>>
      %dma_wait3A_262 = tpu.memref_squeeze %dma_wait3A_261 : memref<1x128xi32, #tpu.memory_space<vmem>> -> memref<128xi32, #tpu.memory_space<vmem>>
      %dma_wait3A_263 = arith.constant 0 : i32
      %dma_wait3A_264 = arith.constant 0 : i32
      %dma_wait3A_265 = tpu.memref_slice %arg11[%dma_wait3A_263, %dma_wait3A_264] : memref<10240x128xf32, #tpu.memory_space<vmem_shared>> -> memref<10240x128xf32, #tpu.memory_space<vmem_shared>>
      tpu.wait_indirect_dma semaphore(%arg16 : memref<!tpu.dma_semaphore, #tpu.memory_space<semaphore_mem>>) src(%arg9 : memref<128x128xf32, #tpu.memory_space<vmem>>) dst(%dma_wait3A_265 : memref<10240x128xf32, #tpu.memory_space<vmem_shared>>)
      %add3A_266 = arith.constant 1 : i32
      %add3A_267 = arith.addi %add3A_70, %add3A_266 : i32
      %lt3A = arith.constant 10 : i32
      %lt3A_268 = arith.cmpi slt, %add3A_267, %lt3A : i32
      %convert_element_type3A = arith.extui %lt3A_268 : i1 to i32
      %cond3A = arith.constant 0 : i32
      %cond3A_269 = arith.cmpi ne, %convert_element_type3A, %cond3A : i32
      scf.if %cond3A_269 {
        %add3A_505 = arith.constant 1 : i32
        %add3A_506 = arith.addi %add3A_70, %add3A_505 : i32
        %mul3A_507 = arith.constant 8 : i32
        %mul3A_508 = arith.muli %add3A_506, %mul3A_507 : i32
        %add3A_509 = arith.addi %mul3A_6, %mul3A_508 : i32
        %dma_wait3A_510 = arith.constant 0 : i32
        %dma_wait3A_511 = arith.constant 0 : i32
        %dma_wait3A_512 = arith.constant 0 : i32
        %dma_wait3A_513 = tpu.memref_slice %arg3[%dma_wait3A_510, %dma_wait3A_511, %dma_wait3A_512] : memref<2x2560x128xi32, #tpu.memory_space<hbm>> -> memref<1x2560x128xi32, #tpu.memory_space<hbm>>
        %dma_wait3A_514 = tpu.memref_squeeze %dma_wait3A_513 : memref<1x2560x128xi32, #tpu.memory_space<hbm>> -> memref<2560x128xi32, #tpu.memory_space<hbm>>
        %dma_wait3A_515 = arith.constant 0 : i32
        %dma_wait3A_516 = tpu.memref_slice %dma_wait3A_514[%add3A_509, %dma_wait3A_515] : memref<2560x128xi32, #tpu.memory_space<hbm>> -> memref<8x128xi32, #tpu.memory_space<hbm>>
        %dma_wait3A_517 = arith.constant 0 : i32
        %dma_wait3A_518 = arith.constant 0 : i32
        %dma_wait3A_519 = tpu.memref_slice %arg3[%dma_wait3A_510, %dma_wait3A_517, %dma_wait3A_518] : memref<2x2560x128xi32, #tpu.memory_space<hbm>> -> memref<1x2560x128xi32, #tpu.memory_space<hbm>>
        %dma_wait3A_520 = tpu.memref_squeeze %dma_wait3A_519 : memref<1x2560x128xi32, #tpu.memory_space<hbm>> -> memref<2560x128xi32, #tpu.memory_space<hbm>>
        %dma_wait3A_521 = arith.constant 0 : i32
        %dma_wait3A_522 = tpu.memref_slice %dma_wait3A_520[%add3A_509, %dma_wait3A_521] : memref<2560x128xi32, #tpu.memory_space<hbm>> -> memref<8x128xi32, #tpu.memory_space<hbm>>
        tpu.wait_dma2 semaphore(%arg13 : memref<!tpu.dma_semaphore, #tpu.memory_space<semaphore_mem>>) src(%dma_wait3A_522 : memref<8x128xi32, #tpu.memory_space<hbm>>) dst(%arg7 : memref<8x128xi32, #tpu.memory_space<vmem>>)
        %dma_wait3A_523 = arith.constant 1 : i32
        %dma_wait3A_524 = arith.constant 0 : i32
        %dma_wait3A_525 = arith.constant 0 : i32
        %dma_wait3A_526 = tpu.memref_slice %arg3[%dma_wait3A_523, %dma_wait3A_524, %dma_wait3A_525] : memref<2x2560x128xi32, #tpu.memory_space<hbm>> -> memref<1x2560x128xi32, #tpu.memory_space<hbm>>
        %dma_wait3A_527 = tpu.memref_squeeze %dma_wait3A_526 : memref<1x2560x128xi32, #tpu.memory_space<hbm>> -> memref<2560x128xi32, #tpu.memory_space<hbm>>
        %dma_wait3A_528 = arith.constant 0 : i32
        %dma_wait3A_529 = tpu.memref_slice %dma_wait3A_527[%add3A_509, %dma_wait3A_528] : memref<2560x128xi32, #tpu.memory_space<hbm>> -> memref<8x128xi32, #tpu.memory_space<hbm>>
        %dma_wait3A_530 = arith.constant 0 : i32
        %dma_wait3A_531 = arith.constant 0 : i32
        %dma_wait3A_532 = tpu.memref_slice %arg3[%dma_wait3A_523, %dma_wait3A_530, %dma_wait3A_531] : memref<2x2560x128xi32, #tpu.memory_space<hbm>> -> memref<1x2560x128xi32, #tpu.memory_space<hbm>>
        %dma_wait3A_533 = tpu.memref_squeeze %dma_wait3A_532 : memref<1x2560x128xi32, #tpu.memory_space<hbm>> -> memref<2560x128xi32, #tpu.memory_space<hbm>>
        %dma_wait3A_534 = arith.constant 0 : i32
        %dma_wait3A_535 = tpu.memref_slice %dma_wait3A_533[%add3A_509, %dma_wait3A_534] : memref<2560x128xi32, #tpu.memory_space<hbm>> -> memref<8x128xi32, #tpu.memory_space<hbm>>
        tpu.wait_dma2 semaphore(%arg13 : memref<!tpu.dma_semaphore, #tpu.memory_space<semaphore_mem>>) src(%dma_wait3A_535 : memref<8x128xi32, #tpu.memory_space<hbm>>) dst(%arg8 : memref<8x128xi32, #tpu.memory_space<vmem>>)
        %dma_start3A_536 = arith.constant 0 : i32
        %dma_start3A_537 = arith.constant 0 : i32
        %dma_start3A_538 = tpu.memref_slice %arg7[%dma_start3A_536, %dma_start3A_537] : memref<8x128xi32, #tpu.memory_space<vmem>> -> memref<1x128xi32, #tpu.memory_space<vmem>>
        %dma_start3A_539 = tpu.memref_squeeze %dma_start3A_538 : memref<1x128xi32, #tpu.memory_space<vmem>> -> memref<128xi32, #tpu.memory_space<vmem>>
        %dma_start3A_540 = arith.constant 0 : i32
        %dma_start3A_541 = arith.constant 0 : i32
        %dma_start3A_542 = tpu.memref_slice %arg2[%dma_start3A_540, %dma_start3A_541] : memref<10240x128xf32, #tpu.memory_space<hbm>> -> memref<10240x128xf32, #tpu.memory_space<hbm>>
        tpu.enqueue_indirect_dma source(%dma_start3A_542 : memref<10240x128xf32, #tpu.memory_space<hbm>>) target(%arg9 : memref<128x128xf32, #tpu.memory_space<vmem>>) offsets(%dma_start3A_539 : memref<128xi32, #tpu.memory_space<vmem>>) semaphore(%arg14 : memref<!tpu.dma_semaphore, #tpu.memory_space<semaphore_mem>>)
      } else {
      }
      %dma_wait3A_270 = arith.constant 7 : i32
      %dma_wait3A_271 = arith.constant 0 : i32
      %dma_wait3A_272 = tpu.memref_slice %arg5[%dma_wait3A_270, %dma_wait3A_271] : memref<8x128xi32, #tpu.memory_space<vmem>> -> memref<1x128xi32, #tpu.memory_space<vmem>>
      %dma_wait3A_273 = tpu.memref_squeeze %dma_wait3A_272 : memref<1x128xi32, #tpu.memory_space<vmem>> -> memref<128xi32, #tpu.memory_space<vmem>>
      %dma_wait3A_274 = arith.constant 0 : i32
      %dma_wait3A_275 = arith.constant 0 : i32
      %dma_wait3A_276 = tpu.memref_slice %arg2[%dma_wait3A_274, %dma_wait3A_275] : memref<10240x128xf32, #tpu.memory_space<hbm>> -> memref<10240x128xf32, #tpu.memory_space<hbm>>
      tpu.wait_indirect_dma semaphore(%arg15 : memref<!tpu.dma_semaphore, #tpu.memory_space<semaphore_mem>>) src(%dma_wait3A_276 : memref<10240x128xf32, #tpu.memory_space<hbm>>) dst(%arg10 : memref<128x128xf32, #tpu.memory_space<vmem>>)
      %run_scoped3A_277 = arith.constant 7 : i32
      "tpu.region"() ({
        %run_scoped3A_505 = tpu.sem_alloc : memref<!tpu.dma_semaphore, #tpu.memory_space<semaphore_mem>>
        %dma_start3A_506 = arith.constant 0 : i32
        %dma_start3A_507 = tpu.memref_slice %arg6[%run_scoped3A_277, %dma_start3A_506] : memref<8x128xi32, #tpu.memory_space<vmem>> -> memref<1x128xi32, #tpu.memory_space<vmem>>
        %dma_start3A_508 = tpu.memref_squeeze %dma_start3A_507 : memref<1x128xi32, #tpu.memory_space<vmem>> -> memref<128xi32, #tpu.memory_space<vmem>>
        %dma_start3A_509 = arith.constant 0 : i32
        %dma_start3A_510 = arith.constant 0 : i32
        %dma_start3A_511 = tpu.memref_slice %arg11[%dma_start3A_509, %dma_start3A_510] : memref<10240x128xf32, #tpu.memory_space<vmem_shared>> -> memref<10240x128xf32, #tpu.memory_space<vmem_shared>>
        tpu.enqueue_indirect_dma source(%arg10 : memref<128x128xf32, #tpu.memory_space<vmem>>) target(%dma_start3A_511 : memref<10240x128xf32, #tpu.memory_space<vmem_shared>>) offsets(%dma_start3A_508 : memref<128xi32, #tpu.memory_space<vmem>>) semaphore(%run_scoped3A_505 : memref<!tpu.dma_semaphore, #tpu.memory_space<semaphore_mem>>) {add = true}
        %dma_wait3A_512 = arith.constant 0 : i32
        %dma_wait3A_513 = tpu.memref_slice %arg6[%run_scoped3A_277, %dma_wait3A_512] : memref<8x128xi32, #tpu.memory_space<vmem>> -> memref<1x128xi32, #tpu.memory_space<vmem>>
        %dma_wait3A_514 = tpu.memref_squeeze %dma_wait3A_513 : memref<1x128xi32, #tpu.memory_space<vmem>> -> memref<128xi32, #tpu.memory_space<vmem>>
        %dma_wait3A_515 = arith.constant 0 : i32
        %dma_wait3A_516 = arith.constant 0 : i32
        %dma_wait3A_517 = tpu.memref_slice %arg11[%dma_wait3A_515, %dma_wait3A_516] : memref<10240x128xf32, #tpu.memory_space<vmem_shared>> -> memref<10240x128xf32, #tpu.memory_space<vmem_shared>>
        tpu.wait_indirect_dma semaphore(%run_scoped3A_505 : memref<!tpu.dma_semaphore, #tpu.memory_space<semaphore_mem>>) src(%arg10 : memref<128x128xf32, #tpu.memory_space<vmem>>) dst(%dma_wait3A_517 : memref<10240x128xf32, #tpu.memory_space<vmem_shared>>)
        tpu.yield
      }) : () -> ()
      %add3A_278 = arith.constant 2 : i32
      %add3A_279 = arith.addi %add3A_70, %add3A_278 : i32
      %lt3A_280 = arith.constant 10 : i32
      %lt3A_281 = arith.cmpi slt, %add3A_279, %lt3A_280 : i32
      %convert_element_type3A_282 = arith.extui %lt3A_281 : i1 to i32
      %cond3A_283 = arith.constant 0 : i32
      %cond3A_284 = arith.cmpi ne, %convert_element_type3A_282, %cond3A_283 : i32
      scf.if %cond3A_284 {
        %add3A_505 = arith.constant 2 : i32
        %add3A_506 = arith.addi %add3A_70, %add3A_505 : i32
        %mul3A_507 = arith.constant 8 : i32
        %mul3A_508 = arith.muli %add3A_506, %mul3A_507 : i32
        %add3A_509 = arith.addi %mul3A_6, %mul3A_508 : i32
        %dma_start3A_510 = arith.constant 0 : i32
        %dma_start3A_511 = arith.constant 0 : i32
        %dma_start3A_512 = arith.constant 0 : i32
        %dma_start3A_513 = tpu.memref_slice %arg3[%dma_start3A_510, %dma_start3A_511, %dma_start3A_512] : memref<2x2560x128xi32, #tpu.memory_space<hbm>> -> memref<1x2560x128xi32, #tpu.memory_space<hbm>>
        %dma_start3A_514 = tpu.memref_squeeze %dma_start3A_513 : memref<1x2560x128xi32, #tpu.memory_space<hbm>> -> memref<2560x128xi32, #tpu.memory_space<hbm>>
        %dma_start3A_515 = arith.constant 0 : i32
        %dma_start3A_516 = tpu.memref_slice %dma_start3A_514[%add3A_509, %dma_start3A_515] : memref<2560x128xi32, #tpu.memory_space<hbm>> -> memref<8x128xi32, #tpu.memory_space<hbm>>
        %dma_start3A_517 = arith.constant 0 : i32
        %dma_start3A_518 = arith.constant 0 : i32
        %dma_start3A_519 = tpu.memref_slice %arg3[%dma_start3A_510, %dma_start3A_517, %dma_start3A_518] : memref<2x2560x128xi32, #tpu.memory_space<hbm>> -> memref<1x2560x128xi32, #tpu.memory_space<hbm>>
        %dma_start3A_520 = tpu.memref_squeeze %dma_start3A_519 : memref<1x2560x128xi32, #tpu.memory_space<hbm>> -> memref<2560x128xi32, #tpu.memory_space<hbm>>
        %dma_start3A_521 = arith.constant 0 : i32
        %dma_start3A_522 = tpu.memref_slice %dma_start3A_520[%add3A_509, %dma_start3A_521] : memref<2560x128xi32, #tpu.memory_space<hbm>> -> memref<8x128xi32, #tpu.memory_space<hbm>>
        tpu.enqueue_dma source(%dma_start3A_522 : memref<8x128xi32, #tpu.memory_space<hbm>>) target(%arg5 : memref<8x128xi32, #tpu.memory_space<vmem>>) target_semaphore(%arg12 : memref<!tpu.dma_semaphore, #tpu.memory_space<semaphore_mem>>)
        %dma_start3A_523 = arith.constant 1 : i32
        %dma_start3A_524 = arith.constant 0 : i32
        %dma_start3A_525 = arith.constant 0 : i32
        %dma_start3A_526 = tpu.memref_slice %arg3[%dma_start3A_523, %dma_start3A_524, %dma_start3A_525] : memref<2x2560x128xi32, #tpu.memory_space<hbm>> -> memref<1x2560x128xi32, #tpu.memory_space<hbm>>
        %dma_start3A_527 = tpu.memref_squeeze %dma_start3A_526 : memref<1x2560x128xi32, #tpu.memory_space<hbm>> -> memref<2560x128xi32, #tpu.memory_space<hbm>>
        %dma_start3A_528 = arith.constant 0 : i32
        %dma_start3A_529 = tpu.memref_slice %dma_start3A_527[%add3A_509, %dma_start3A_528] : memref<2560x128xi32, #tpu.memory_space<hbm>> -> memref<8x128xi32, #tpu.memory_space<hbm>>
        %dma_start3A_530 = arith.constant 0 : i32
        %dma_start3A_531 = arith.constant 0 : i32
        %dma_start3A_532 = tpu.memref_slice %arg3[%dma_start3A_523, %dma_start3A_530, %dma_start3A_531] : memref<2x2560x128xi32, #tpu.memory_space<hbm>> -> memref<1x2560x128xi32, #tpu.memory_space<hbm>>
        %dma_start3A_533 = tpu.memref_squeeze %dma_start3A_532 : memref<1x2560x128xi32, #tpu.memory_space<hbm>> -> memref<2560x128xi32, #tpu.memory_space<hbm>>
        %dma_start3A_534 = arith.constant 0 : i32
        %dma_start3A_535 = tpu.memref_slice %dma_start3A_533[%add3A_509, %dma_start3A_534] : memref<2560x128xi32, #tpu.memory_space<hbm>> -> memref<8x128xi32, #tpu.memory_space<hbm>>
        tpu.enqueue_dma source(%dma_start3A_535 : memref<8x128xi32, #tpu.memory_space<hbm>>) target(%arg6 : memref<8x128xi32, #tpu.memory_space<vmem>>) target_semaphore(%arg12 : memref<!tpu.dma_semaphore, #tpu.memory_space<semaphore_mem>>)
      } else {
      }
      %add3A_285 = arith.constant 1 : i32
      %add3A_286 = arith.addi %add3A_68, %add3A_285 : i32
      %dma_start3A_287 = arith.constant 1 : i32
      %dma_start3A_288 = arith.constant 0 : i32
      %dma_start3A_289 = tpu.memref_slice %arg7[%dma_start3A_287, %dma_start3A_288] : memref<8x128xi32, #tpu.memory_space<vmem>> -> memref<1x128xi32, #tpu.memory_space<vmem>>
      %dma_start3A_290 = tpu.memref_squeeze %dma_start3A_289 : memref<1x128xi32, #tpu.memory_space<vmem>> -> memref<128xi32, #tpu.memory_space<vmem>>
      %dma_start3A_291 = arith.constant 0 : i32
      %dma_start3A_292 = arith.constant 0 : i32
      %dma_start3A_293 = tpu.memref_slice %arg2[%dma_start3A_291, %dma_start3A_292] : memref<10240x128xf32, #tpu.memory_space<hbm>> -> memref<10240x128xf32, #tpu.memory_space<hbm>>
      tpu.enqueue_indirect_dma source(%dma_start3A_293 : memref<10240x128xf32, #tpu.memory_space<hbm>>) target(%arg10 : memref<128x128xf32, #tpu.memory_space<vmem>>) offsets(%dma_start3A_290 : memref<128xi32, #tpu.memory_space<vmem>>) semaphore(%arg15 : memref<!tpu.dma_semaphore, #tpu.memory_space<semaphore_mem>>)
      %dma_wait3A_294 = arith.constant 0 : i32
      %dma_wait3A_295 = arith.constant 0 : i32
      %dma_wait3A_296 = tpu.memref_slice %arg7[%dma_wait3A_294, %dma_wait3A_295] : memref<8x128xi32, #tpu.memory_space<vmem>> -> memref<1x128xi32, #tpu.memory_space<vmem>>
      %dma_wait3A_297 = tpu.memref_squeeze %dma_wait3A_296 : memref<1x128xi32, #tpu.memory_space<vmem>> -> memref<128xi32, #tpu.memory_space<vmem>>
      %dma_wait3A_298 = arith.constant 0 : i32
      %dma_wait3A_299 = arith.constant 0 : i32
      %dma_wait3A_300 = tpu.memref_slice %arg2[%dma_wait3A_298, %dma_wait3A_299] : memref<10240x128xf32, #tpu.memory_space<hbm>> -> memref<10240x128xf32, #tpu.memory_space<hbm>>
      tpu.wait_indirect_dma semaphore(%arg14 : memref<!tpu.dma_semaphore, #tpu.memory_space<semaphore_mem>>) src(%dma_wait3A_300 : memref<10240x128xf32, #tpu.memory_space<hbm>>) dst(%arg9 : memref<128x128xf32, #tpu.memory_space<vmem>>)
      %dma_start3A_301 = arith.constant 0 : i32
      %dma_start3A_302 = arith.constant 0 : i32
      %dma_start3A_303 = tpu.memref_slice %arg8[%dma_start3A_301, %dma_start3A_302] : memref<8x128xi32, #tpu.memory_space<vmem>> -> memref<1x128xi32, #tpu.memory_space<vmem>>
      %dma_start3A_304 = tpu.memref_squeeze %dma_start3A_303 : memref<1x128xi32, #tpu.memory_space<vmem>> -> memref<128xi32, #tpu.memory_space<vmem>>
      %dma_start3A_305 = arith.constant 0 : i32
      %dma_start3A_306 = arith.constant 0 : i32
      %dma_start3A_307 = tpu.memref_slice %arg11[%dma_start3A_305, %dma_start3A_306] : memref<10240x128xf32, #tpu.memory_space<vmem_shared>> -> memref<10240x128xf32, #tpu.memory_space<vmem_shared>>
      tpu.enqueue_indirect_dma source(%arg9 : memref<128x128xf32, #tpu.memory_space<vmem>>) target(%dma_start3A_307 : memref<10240x128xf32, #tpu.memory_space<vmem_shared>>) offsets(%dma_start3A_304 : memref<128xi32, #tpu.memory_space<vmem>>) semaphore(%arg16 : memref<!tpu.dma_semaphore, #tpu.memory_space<semaphore_mem>>) {add = true}
      %dma_wait3A_308 = arith.constant 0 : i32
      %dma_wait3A_309 = arith.constant 0 : i32
      %dma_wait3A_310 = tpu.memref_slice %arg8[%dma_wait3A_308, %dma_wait3A_309] : memref<8x128xi32, #tpu.memory_space<vmem>> -> memref<1x128xi32, #tpu.memory_space<vmem>>
      %dma_wait3A_311 = tpu.memref_squeeze %dma_wait3A_310 : memref<1x128xi32, #tpu.memory_space<vmem>> -> memref<128xi32, #tpu.memory_space<vmem>>
      %dma_wait3A_312 = arith.constant 0 : i32
      %dma_wait3A_313 = arith.constant 0 : i32
      %dma_wait3A_314 = tpu.memref_slice %arg11[%dma_wait3A_312, %dma_wait3A_313] : memref<10240x128xf32, #tpu.memory_space<vmem_shared>> -> memref<10240x128xf32, #tpu.memory_space<vmem_shared>>
      tpu.wait_indirect_dma semaphore(%arg16 : memref<!tpu.dma_semaphore, #tpu.memory_space<semaphore_mem>>) src(%arg9 : memref<128x128xf32, #tpu.memory_space<vmem>>) dst(%dma_wait3A_314 : memref<10240x128xf32, #tpu.memory_space<vmem_shared>>)
      %dma_start3A_315 = arith.constant 2 : i32
      %dma_start3A_316 = arith.constant 0 : i32
      %dma_start3A_317 = tpu.memref_slice %arg7[%dma_start3A_315, %dma_start3A_316] : memref<8x128xi32, #tpu.memory_space<vmem>> -> memref<1x128xi32, #tpu.memory_space<vmem>>
      %dma_start3A_318 = tpu.memref_squeeze %dma_start3A_317 : memref<1x128xi32, #tpu.memory_space<vmem>> -> memref<128xi32, #tpu.memory_space<vmem>>
      %dma_start3A_319 = arith.constant 0 : i32
      %dma_start3A_320 = arith.constant 0 : i32
      %dma_start3A_321 = tpu.memref_slice %arg2[%dma_start3A_319, %dma_start3A_320] : memref<10240x128xf32, #tpu.memory_space<hbm>> -> memref<10240x128xf32, #tpu.memory_space<hbm>>
      tpu.enqueue_indirect_dma source(%dma_start3A_321 : memref<10240x128xf32, #tpu.memory_space<hbm>>) target(%arg9 : memref<128x128xf32, #tpu.memory_space<vmem>>) offsets(%dma_start3A_318 : memref<128xi32, #tpu.memory_space<vmem>>) semaphore(%arg14 : memref<!tpu.dma_semaphore, #tpu.memory_space<semaphore_mem>>)
      %dma_wait3A_322 = arith.constant 1 : i32
      %dma_wait3A_323 = arith.constant 0 : i32
      %dma_wait3A_324 = tpu.memref_slice %arg7[%dma_wait3A_322, %dma_wait3A_323] : memref<8x128xi32, #tpu.memory_space<vmem>> -> memref<1x128xi32, #tpu.memory_space<vmem>>
      %dma_wait3A_325 = tpu.memref_squeeze %dma_wait3A_324 : memref<1x128xi32, #tpu.memory_space<vmem>> -> memref<128xi32, #tpu.memory_space<vmem>>
      %dma_wait3A_326 = arith.constant 0 : i32
      %dma_wait3A_327 = arith.constant 0 : i32
      %dma_wait3A_328 = tpu.memref_slice %arg2[%dma_wait3A_326, %dma_wait3A_327] : memref<10240x128xf32, #tpu.memory_space<hbm>> -> memref<10240x128xf32, #tpu.memory_space<hbm>>
      tpu.wait_indirect_dma semaphore(%arg15 : memref<!tpu.dma_semaphore, #tpu.memory_space<semaphore_mem>>) src(%dma_wait3A_328 : memref<10240x128xf32, #tpu.memory_space<hbm>>) dst(%arg10 : memref<128x128xf32, #tpu.memory_space<vmem>>)
      %dma_start3A_329 = arith.constant 1 : i32
      %dma_start3A_330 = arith.constant 0 : i32
      %dma_start3A_331 = tpu.memref_slice %arg8[%dma_start3A_329, %dma_start3A_330] : memref<8x128xi32, #tpu.memory_space<vmem>> -> memref<1x128xi32, #tpu.memory_space<vmem>>
      %dma_start3A_332 = tpu.memref_squeeze %dma_start3A_331 : memref<1x128xi32, #tpu.memory_space<vmem>> -> memref<128xi32, #tpu.memory_space<vmem>>
      %dma_start3A_333 = arith.constant 0 : i32
      %dma_start3A_334 = arith.constant 0 : i32
      %dma_start3A_335 = tpu.memref_slice %arg11[%dma_start3A_333, %dma_start3A_334] : memref<10240x128xf32, #tpu.memory_space<vmem_shared>> -> memref<10240x128xf32, #tpu.memory_space<vmem_shared>>
      tpu.enqueue_indirect_dma source(%arg10 : memref<128x128xf32, #tpu.memory_space<vmem>>) target(%dma_start3A_335 : memref<10240x128xf32, #tpu.memory_space<vmem_shared>>) offsets(%dma_start3A_332 : memref<128xi32, #tpu.memory_space<vmem>>) semaphore(%arg17 : memref<!tpu.dma_semaphore, #tpu.memory_space<semaphore_mem>>) {add = true}
      %dma_wait3A_336 = arith.constant 1 : i32
      %dma_wait3A_337 = arith.constant 0 : i32
      %dma_wait3A_338 = tpu.memref_slice %arg8[%dma_wait3A_336, %dma_wait3A_337] : memref<8x128xi32, #tpu.memory_space<vmem>> -> memref<1x128xi32, #tpu.memory_space<vmem>>
      %dma_wait3A_339 = tpu.memref_squeeze %dma_wait3A_338 : memref<1x128xi32, #tpu.memory_space<vmem>> -> memref<128xi32, #tpu.memory_space<vmem>>
      %dma_wait3A_340 = arith.constant 0 : i32
      %dma_wait3A_341 = arith.constant 0 : i32
      %dma_wait3A_342 = tpu.memref_slice %arg11[%dma_wait3A_340, %dma_wait3A_341] : memref<10240x128xf32, #tpu.memory_space<vmem_shared>> -> memref<10240x128xf32, #tpu.memory_space<vmem_shared>>
      tpu.wait_indirect_dma semaphore(%arg17 : memref<!tpu.dma_semaphore, #tpu.memory_space<semaphore_mem>>) src(%arg10 : memref<128x128xf32, #tpu.memory_space<vmem>>) dst(%dma_wait3A_342 : memref<10240x128xf32, #tpu.memory_space<vmem_shared>>)
      %dma_start3A_343 = arith.constant 3 : i32
      %dma_start3A_344 = arith.constant 0 : i32
      %dma_start3A_345 = tpu.memref_slice %arg7[%dma_start3A_343, %dma_start3A_344] : memref<8x128xi32, #tpu.memory_space<vmem>> -> memref<1x128xi32, #tpu.memory_space<vmem>>
      %dma_start3A_346 = tpu.memref_squeeze %dma_start3A_345 : memref<1x128xi32, #tpu.memory_space<vmem>> -> memref<128xi32, #tpu.memory_space<vmem>>
      %dma_start3A_347 = arith.constant 0 : i32
      %dma_start3A_348 = arith.constant 0 : i32
      %dma_start3A_349 = tpu.memref_slice %arg2[%dma_start3A_347, %dma_start3A_348] : memref<10240x128xf32, #tpu.memory_space<hbm>> -> memref<10240x128xf32, #tpu.memory_space<hbm>>
      tpu.enqueue_indirect_dma source(%dma_start3A_349 : memref<10240x128xf32, #tpu.memory_space<hbm>>) target(%arg10 : memref<128x128xf32, #tpu.memory_space<vmem>>) offsets(%dma_start3A_346 : memref<128xi32, #tpu.memory_space<vmem>>) semaphore(%arg15 : memref<!tpu.dma_semaphore, #tpu.memory_space<semaphore_mem>>)
      %dma_wait3A_350 = arith.constant 2 : i32
      %dma_wait3A_351 = arith.constant 0 : i32
      %dma_wait3A_352 = tpu.memref_slice %arg7[%dma_wait3A_350, %dma_wait3A_351] : memref<8x128xi32, #tpu.memory_space<vmem>> -> memref<1x128xi32, #tpu.memory_space<vmem>>
      %dma_wait3A_353 = tpu.memref_squeeze %dma_wait3A_352 : memref<1x128xi32, #tpu.memory_space<vmem>> -> memref<128xi32, #tpu.memory_space<vmem>>
      %dma_wait3A_354 = arith.constant 0 : i32
      %dma_wait3A_355 = arith.constant 0 : i32
      %dma_wait3A_356 = tpu.memref_slice %arg2[%dma_wait3A_354, %dma_wait3A_355] : memref<10240x128xf32, #tpu.memory_space<hbm>> -> memref<10240x128xf32, #tpu.memory_space<hbm>>
      tpu.wait_indirect_dma semaphore(%arg14 : memref<!tpu.dma_semaphore, #tpu.memory_space<semaphore_mem>>) src(%dma_wait3A_356 : memref<10240x128xf32, #tpu.memory_space<hbm>>) dst(%arg9 : memref<128x128xf32, #tpu.memory_space<vmem>>)
      %dma_start3A_357 = arith.constant 2 : i32
      %dma_start3A_358 = arith.constant 0 : i32
      %dma_start3A_359 = tpu.memref_slice %arg8[%dma_start3A_357, %dma_start3A_358] : memref<8x128xi32, #tpu.memory_space<vmem>> -> memref<1x128xi32, #tpu.memory_space<vmem>>
      %dma_start3A_360 = tpu.memref_squeeze %dma_start3A_359 : memref<1x128xi32, #tpu.memory_space<vmem>> -> memref<128xi32, #tpu.memory_space<vmem>>
      %dma_start3A_361 = arith.constant 0 : i32
      %dma_start3A_362 = arith.constant 0 : i32
      %dma_start3A_363 = tpu.memref_slice %arg11[%dma_start3A_361, %dma_start3A_362] : memref<10240x128xf32, #tpu.memory_space<vmem_shared>> -> memref<10240x128xf32, #tpu.memory_space<vmem_shared>>
      tpu.enqueue_indirect_dma source(%arg9 : memref<128x128xf32, #tpu.memory_space<vmem>>) target(%dma_start3A_363 : memref<10240x128xf32, #tpu.memory_space<vmem_shared>>) offsets(%dma_start3A_360 : memref<128xi32, #tpu.memory_space<vmem>>) semaphore(%arg16 : memref<!tpu.dma_semaphore, #tpu.memory_space<semaphore_mem>>) {add = true}
      %dma_wait3A_364 = arith.constant 2 : i32
      %dma_wait3A_365 = arith.constant 0 : i32
      %dma_wait3A_366 = tpu.memref_slice %arg8[%dma_wait3A_364, %dma_wait3A_365] : memref<8x128xi32, #tpu.memory_space<vmem>> -> memref<1x128xi32, #tpu.memory_space<vmem>>
      %dma_wait3A_367 = tpu.memref_squeeze %dma_wait3A_366 : memref<1x128xi32, #tpu.memory_space<vmem>> -> memref<128xi32, #tpu.memory_space<vmem>>
      %dma_wait3A_368 = arith.constant 0 : i32
      %dma_wait3A_369 = arith.constant 0 : i32
      %dma_wait3A_370 = tpu.memref_slice %arg11[%dma_wait3A_368, %dma_wait3A_369] : memref<10240x128xf32, #tpu.memory_space<vmem_shared>> -> memref<10240x128xf32, #tpu.memory_space<vmem_shared>>
      tpu.wait_indirect_dma semaphore(%arg16 : memref<!tpu.dma_semaphore, #tpu.memory_space<semaphore_mem>>) src(%arg9 : memref<128x128xf32, #tpu.memory_space<vmem>>) dst(%dma_wait3A_370 : memref<10240x128xf32, #tpu.memory_space<vmem_shared>>)
      %dma_start3A_371 = arith.constant 4 : i32
      %dma_start3A_372 = arith.constant 0 : i32
      %dma_start3A_373 = tpu.memref_slice %arg7[%dma_start3A_371, %dma_start3A_372] : memref<8x128xi32, #tpu.memory_space<vmem>> -> memref<1x128xi32, #tpu.memory_space<vmem>>
      %dma_start3A_374 = tpu.memref_squeeze %dma_start3A_373 : memref<1x128xi32, #tpu.memory_space<vmem>> -> memref<128xi32, #tpu.memory_space<vmem>>
      %dma_start3A_375 = arith.constant 0 : i32
      %dma_start3A_376 = arith.constant 0 : i32
      %dma_start3A_377 = tpu.memref_slice %arg2[%dma_start3A_375, %dma_start3A_376] : memref<10240x128xf32, #tpu.memory_space<hbm>> -> memref<10240x128xf32, #tpu.memory_space<hbm>>
      tpu.enqueue_indirect_dma source(%dma_start3A_377 : memref<10240x128xf32, #tpu.memory_space<hbm>>) target(%arg9 : memref<128x128xf32, #tpu.memory_space<vmem>>) offsets(%dma_start3A_374 : memref<128xi32, #tpu.memory_space<vmem>>) semaphore(%arg14 : memref<!tpu.dma_semaphore, #tpu.memory_space<semaphore_mem>>)
      %dma_wait3A_378 = arith.constant 3 : i32
      %dma_wait3A_379 = arith.constant 0 : i32
      %dma_wait3A_380 = tpu.memref_slice %arg7[%dma_wait3A_378, %dma_wait3A_379] : memref<8x128xi32, #tpu.memory_space<vmem>> -> memref<1x128xi32, #tpu.memory_space<vmem>>
      %dma_wait3A_381 = tpu.memref_squeeze %dma_wait3A_380 : memref<1x128xi32, #tpu.memory_space<vmem>> -> memref<128xi32, #tpu.memory_space<vmem>>
      %dma_wait3A_382 = arith.constant 0 : i32
      %dma_wait3A_383 = arith.constant 0 : i32
      %dma_wait3A_384 = tpu.memref_slice %arg2[%dma_wait3A_382, %dma_wait3A_383] : memref<10240x128xf32, #tpu.memory_space<hbm>> -> memref<10240x128xf32, #tpu.memory_space<hbm>>
      tpu.wait_indirect_dma semaphore(%arg15 : memref<!tpu.dma_semaphore, #tpu.memory_space<semaphore_mem>>) src(%dma_wait3A_384 : memref<10240x128xf32, #tpu.memory_space<hbm>>) dst(%arg10 : memref<128x128xf32, #tpu.memory_space<vmem>>)
      %dma_start3A_385 = arith.constant 3 : i32
      %dma_start3A_386 = arith.constant 0 : i32
      %dma_start3A_387 = tpu.memref_slice %arg8[%dma_start3A_385, %dma_start3A_386] : memref<8x128xi32, #tpu.memory_space<vmem>> -> memref<1x128xi32, #tpu.memory_space<vmem>>
      %dma_start3A_388 = tpu.memref_squeeze %dma_start3A_387 : memref<1x128xi32, #tpu.memory_space<vmem>> -> memref<128xi32, #tpu.memory_space<vmem>>
      %dma_start3A_389 = arith.constant 0 : i32
      %dma_start3A_390 = arith.constant 0 : i32
      %dma_start3A_391 = tpu.memref_slice %arg11[%dma_start3A_389, %dma_start3A_390] : memref<10240x128xf32, #tpu.memory_space<vmem_shared>> -> memref<10240x128xf32, #tpu.memory_space<vmem_shared>>
      tpu.enqueue_indirect_dma source(%arg10 : memref<128x128xf32, #tpu.memory_space<vmem>>) target(%dma_start3A_391 : memref<10240x128xf32, #tpu.memory_space<vmem_shared>>) offsets(%dma_start3A_388 : memref<128xi32, #tpu.memory_space<vmem>>) semaphore(%arg17 : memref<!tpu.dma_semaphore, #tpu.memory_space<semaphore_mem>>) {add = true}
      %dma_wait3A_392 = arith.constant 3 : i32
      %dma_wait3A_393 = arith.constant 0 : i32
      %dma_wait3A_394 = tpu.memref_slice %arg8[%dma_wait3A_392, %dma_wait3A_393] : memref<8x128xi32, #tpu.memory_space<vmem>> -> memref<1x128xi32, #tpu.memory_space<vmem>>
      %dma_wait3A_395 = tpu.memref_squeeze %dma_wait3A_394 : memref<1x128xi32, #tpu.memory_space<vmem>> -> memref<128xi32, #tpu.memory_space<vmem>>
      %dma_wait3A_396 = arith.constant 0 : i32
      %dma_wait3A_397 = arith.constant 0 : i32
      %dma_wait3A_398 = tpu.memref_slice %arg11[%dma_wait3A_396, %dma_wait3A_397] : memref<10240x128xf32, #tpu.memory_space<vmem_shared>> -> memref<10240x128xf32, #tpu.memory_space<vmem_shared>>
      tpu.wait_indirect_dma semaphore(%arg17 : memref<!tpu.dma_semaphore, #tpu.memory_space<semaphore_mem>>) src(%arg10 : memref<128x128xf32, #tpu.memory_space<vmem>>) dst(%dma_wait3A_398 : memref<10240x128xf32, #tpu.memory_space<vmem_shared>>)
      %dma_start3A_399 = arith.constant 5 : i32
      %dma_start3A_400 = arith.constant 0 : i32
      %dma_start3A_401 = tpu.memref_slice %arg7[%dma_start3A_399, %dma_start3A_400] : memref<8x128xi32, #tpu.memory_space<vmem>> -> memref<1x128xi32, #tpu.memory_space<vmem>>
      %dma_start3A_402 = tpu.memref_squeeze %dma_start3A_401 : memref<1x128xi32, #tpu.memory_space<vmem>> -> memref<128xi32, #tpu.memory_space<vmem>>
      %dma_start3A_403 = arith.constant 0 : i32
      %dma_start3A_404 = arith.constant 0 : i32
      %dma_start3A_405 = tpu.memref_slice %arg2[%dma_start3A_403, %dma_start3A_404] : memref<10240x128xf32, #tpu.memory_space<hbm>> -> memref<10240x128xf32, #tpu.memory_space<hbm>>
      tpu.enqueue_indirect_dma source(%dma_start3A_405 : memref<10240x128xf32, #tpu.memory_space<hbm>>) target(%arg10 : memref<128x128xf32, #tpu.memory_space<vmem>>) offsets(%dma_start3A_402 : memref<128xi32, #tpu.memory_space<vmem>>) semaphore(%arg15 : memref<!tpu.dma_semaphore, #tpu.memory_space<semaphore_mem>>)
      %dma_wait3A_406 = arith.constant 4 : i32
      %dma_wait3A_407 = arith.constant 0 : i32
      %dma_wait3A_408 = tpu.memref_slice %arg7[%dma_wait3A_406, %dma_wait3A_407] : memref<8x128xi32, #tpu.memory_space<vmem>> -> memref<1x128xi32, #tpu.memory_space<vmem>>
      %dma_wait3A_409 = tpu.memref_squeeze %dma_wait3A_408 : memref<1x128xi32, #tpu.memory_space<vmem>> -> memref<128xi32, #tpu.memory_space<vmem>>
      %dma_wait3A_410 = arith.constant 0 : i32
      %dma_wait3A_411 = arith.constant 0 : i32
      %dma_wait3A_412 = tpu.memref_slice %arg2[%dma_wait3A_410, %dma_wait3A_411] : memref<10240x128xf32, #tpu.memory_space<hbm>> -> memref<10240x128xf32, #tpu.memory_space<hbm>>
      tpu.wait_indirect_dma semaphore(%arg14 : memref<!tpu.dma_semaphore, #tpu.memory_space<semaphore_mem>>) src(%dma_wait3A_412 : memref<10240x128xf32, #tpu.memory_space<hbm>>) dst(%arg9 : memref<128x128xf32, #tpu.memory_space<vmem>>)
      %dma_start3A_413 = arith.constant 4 : i32
      %dma_start3A_414 = arith.constant 0 : i32
      %dma_start3A_415 = tpu.memref_slice %arg8[%dma_start3A_413, %dma_start3A_414] : memref<8x128xi32, #tpu.memory_space<vmem>> -> memref<1x128xi32, #tpu.memory_space<vmem>>
      %dma_start3A_416 = tpu.memref_squeeze %dma_start3A_415 : memref<1x128xi32, #tpu.memory_space<vmem>> -> memref<128xi32, #tpu.memory_space<vmem>>
      %dma_start3A_417 = arith.constant 0 : i32
      %dma_start3A_418 = arith.constant 0 : i32
      %dma_start3A_419 = tpu.memref_slice %arg11[%dma_start3A_417, %dma_start3A_418] : memref<10240x128xf32, #tpu.memory_space<vmem_shared>> -> memref<10240x128xf32, #tpu.memory_space<vmem_shared>>
      tpu.enqueue_indirect_dma source(%arg9 : memref<128x128xf32, #tpu.memory_space<vmem>>) target(%dma_start3A_419 : memref<10240x128xf32, #tpu.memory_space<vmem_shared>>) offsets(%dma_start3A_416 : memref<128xi32, #tpu.memory_space<vmem>>) semaphore(%arg16 : memref<!tpu.dma_semaphore, #tpu.memory_space<semaphore_mem>>) {add = true}
      %dma_wait3A_420 = arith.constant 4 : i32
      %dma_wait3A_421 = arith.constant 0 : i32
      %dma_wait3A_422 = tpu.memref_slice %arg8[%dma_wait3A_420, %dma_wait3A_421] : memref<8x128xi32, #tpu.memory_space<vmem>> -> memref<1x128xi32, #tpu.memory_space<vmem>>
      %dma_wait3A_423 = tpu.memref_squeeze %dma_wait3A_422 : memref<1x128xi32, #tpu.memory_space<vmem>> -> memref<128xi32, #tpu.memory_space<vmem>>
      %dma_wait3A_424 = arith.constant 0 : i32
      %dma_wait3A_425 = arith.constant 0 : i32
      %dma_wait3A_426 = tpu.memref_slice %arg11[%dma_wait3A_424, %dma_wait3A_425] : memref<10240x128xf32, #tpu.memory_space<vmem_shared>> -> memref<10240x128xf32, #tpu.memory_space<vmem_shared>>
      tpu.wait_indirect_dma semaphore(%arg16 : memref<!tpu.dma_semaphore, #tpu.memory_space<semaphore_mem>>) src(%arg9 : memref<128x128xf32, #tpu.memory_space<vmem>>) dst(%dma_wait3A_426 : memref<10240x128xf32, #tpu.memory_space<vmem_shared>>)
      %dma_start3A_427 = arith.constant 6 : i32
      %dma_start3A_428 = arith.constant 0 : i32
      %dma_start3A_429 = tpu.memref_slice %arg7[%dma_start3A_427, %dma_start3A_428] : memref<8x128xi32, #tpu.memory_space<vmem>> -> memref<1x128xi32, #tpu.memory_space<vmem>>
      %dma_start3A_430 = tpu.memref_squeeze %dma_start3A_429 : memref<1x128xi32, #tpu.memory_space<vmem>> -> memref<128xi32, #tpu.memory_space<vmem>>
      %dma_start3A_431 = arith.constant 0 : i32
      %dma_start3A_432 = arith.constant 0 : i32
      %dma_start3A_433 = tpu.memref_slice %arg2[%dma_start3A_431, %dma_start3A_432] : memref<10240x128xf32, #tpu.memory_space<hbm>> -> memref<10240x128xf32, #tpu.memory_space<hbm>>
      tpu.enqueue_indirect_dma source(%dma_start3A_433 : memref<10240x128xf32, #tpu.memory_space<hbm>>) target(%arg9 : memref<128x128xf32, #tpu.memory_space<vmem>>) offsets(%dma_start3A_430 : memref<128xi32, #tpu.memory_space<vmem>>) semaphore(%arg14 : memref<!tpu.dma_semaphore, #tpu.memory_space<semaphore_mem>>)
      %dma_wait3A_434 = arith.constant 5 : i32
      %dma_wait3A_435 = arith.constant 0 : i32
      %dma_wait3A_436 = tpu.memref_slice %arg7[%dma_wait3A_434, %dma_wait3A_435] : memref<8x128xi32, #tpu.memory_space<vmem>> -> memref<1x128xi32, #tpu.memory_space<vmem>>
      %dma_wait3A_437 = tpu.memref_squeeze %dma_wait3A_436 : memref<1x128xi32, #tpu.memory_space<vmem>> -> memref<128xi32, #tpu.memory_space<vmem>>
      %dma_wait3A_438 = arith.constant 0 : i32
      %dma_wait3A_439 = arith.constant 0 : i32
      %dma_wait3A_440 = tpu.memref_slice %arg2[%dma_wait3A_438, %dma_wait3A_439] : memref<10240x128xf32, #tpu.memory_space<hbm>> -> memref<10240x128xf32, #tpu.memory_space<hbm>>
      tpu.wait_indirect_dma semaphore(%arg15 : memref<!tpu.dma_semaphore, #tpu.memory_space<semaphore_mem>>) src(%dma_wait3A_440 : memref<10240x128xf32, #tpu.memory_space<hbm>>) dst(%arg10 : memref<128x128xf32, #tpu.memory_space<vmem>>)
      %dma_start3A_441 = arith.constant 5 : i32
      %dma_start3A_442 = arith.constant 0 : i32
      %dma_start3A_443 = tpu.memref_slice %arg8[%dma_start3A_441, %dma_start3A_442] : memref<8x128xi32, #tpu.memory_space<vmem>> -> memref<1x128xi32, #tpu.memory_space<vmem>>
      %dma_start3A_444 = tpu.memref_squeeze %dma_start3A_443 : memref<1x128xi32, #tpu.memory_space<vmem>> -> memref<128xi32, #tpu.memory_space<vmem>>
      %dma_start3A_445 = arith.constant 0 : i32
      %dma_start3A_446 = arith.constant 0 : i32
      %dma_start3A_447 = tpu.memref_slice %arg11[%dma_start3A_445, %dma_start3A_446] : memref<10240x128xf32, #tpu.memory_space<vmem_shared>> -> memref<10240x128xf32, #tpu.memory_space<vmem_shared>>
      tpu.enqueue_indirect_dma source(%arg10 : memref<128x128xf32, #tpu.memory_space<vmem>>) target(%dma_start3A_447 : memref<10240x128xf32, #tpu.memory_space<vmem_shared>>) offsets(%dma_start3A_444 : memref<128xi32, #tpu.memory_space<vmem>>) semaphore(%arg17 : memref<!tpu.dma_semaphore, #tpu.memory_space<semaphore_mem>>) {add = true}
      %dma_wait3A_448 = arith.constant 5 : i32
      %dma_wait3A_449 = arith.constant 0 : i32
      %dma_wait3A_450 = tpu.memref_slice %arg8[%dma_wait3A_448, %dma_wait3A_449] : memref<8x128xi32, #tpu.memory_space<vmem>> -> memref<1x128xi32, #tpu.memory_space<vmem>>
      %dma_wait3A_451 = tpu.memref_squeeze %dma_wait3A_450 : memref<1x128xi32, #tpu.memory_space<vmem>> -> memref<128xi32, #tpu.memory_space<vmem>>
      %dma_wait3A_452 = arith.constant 0 : i32
      %dma_wait3A_453 = arith.constant 0 : i32
      %dma_wait3A_454 = tpu.memref_slice %arg11[%dma_wait3A_452, %dma_wait3A_453] : memref<10240x128xf32, #tpu.memory_space<vmem_shared>> -> memref<10240x128xf32, #tpu.memory_space<vmem_shared>>
      tpu.wait_indirect_dma semaphore(%arg17 : memref<!tpu.dma_semaphore, #tpu.memory_space<semaphore_mem>>) src(%arg10 : memref<128x128xf32, #tpu.memory_space<vmem>>) dst(%dma_wait3A_454 : memref<10240x128xf32, #tpu.memory_space<vmem_shared>>)
      %dma_start3A_455 = arith.constant 7 : i32
      %dma_start3A_456 = arith.constant 0 : i32
      %dma_start3A_457 = tpu.memref_slice %arg7[%dma_start3A_455, %dma_start3A_456] : memref<8x128xi32, #tpu.memory_space<vmem>> -> memref<1x128xi32, #tpu.memory_space<vmem>>
      %dma_start3A_458 = tpu.memref_squeeze %dma_start3A_457 : memref<1x128xi32, #tpu.memory_space<vmem>> -> memref<128xi32, #tpu.memory_space<vmem>>
      %dma_start3A_459 = arith.constant 0 : i32
      %dma_start3A_460 = arith.constant 0 : i32
      %dma_start3A_461 = tpu.memref_slice %arg2[%dma_start3A_459, %dma_start3A_460] : memref<10240x128xf32, #tpu.memory_space<hbm>> -> memref<10240x128xf32, #tpu.memory_space<hbm>>
      tpu.enqueue_indirect_dma source(%dma_start3A_461 : memref<10240x128xf32, #tpu.memory_space<hbm>>) target(%arg10 : memref<128x128xf32, #tpu.memory_space<vmem>>) offsets(%dma_start3A_458 : memref<128xi32, #tpu.memory_space<vmem>>) semaphore(%arg15 : memref<!tpu.dma_semaphore, #tpu.memory_space<semaphore_mem>>)
      %dma_wait3A_462 = arith.constant 6 : i32
      %dma_wait3A_463 = arith.constant 0 : i32
      %dma_wait3A_464 = tpu.memref_slice %arg7[%dma_wait3A_462, %dma_wait3A_463] : memref<8x128xi32, #tpu.memory_space<vmem>> -> memref<1x128xi32, #tpu.memory_space<vmem>>
      %dma_wait3A_465 = tpu.memref_squeeze %dma_wait3A_464 : memref<1x128xi32, #tpu.memory_space<vmem>> -> memref<128xi32, #tpu.memory_space<vmem>>
      %dma_wait3A_466 = arith.constant 0 : i32
      %dma_wait3A_467 = arith.constant 0 : i32
      %dma_wait3A_468 = tpu.memref_slice %arg2[%dma_wait3A_466, %dma_wait3A_467] : memref<10240x128xf32, #tpu.memory_space<hbm>> -> memref<10240x128xf32, #tpu.memory_space<hbm>>
      tpu.wait_indirect_dma semaphore(%arg14 : memref<!tpu.dma_semaphore, #tpu.memory_space<semaphore_mem>>) src(%dma_wait3A_468 : memref<10240x128xf32, #tpu.memory_space<hbm>>) dst(%arg9 : memref<128x128xf32, #tpu.memory_space<vmem>>)
      %dma_start3A_469 = arith.constant 6 : i32
      %dma_start3A_470 = arith.constant 0 : i32
      %dma_start3A_471 = tpu.memref_slice %arg8[%dma_start3A_469, %dma_start3A_470] : memref<8x128xi32, #tpu.memory_space<vmem>> -> memref<1x128xi32, #tpu.memory_space<vmem>>
      %dma_start3A_472 = tpu.memref_squeeze %dma_start3A_471 : memref<1x128xi32, #tpu.memory_space<vmem>> -> memref<128xi32, #tpu.memory_space<vmem>>
      %dma_start3A_473 = arith.constant 0 : i32
      %dma_start3A_474 = arith.constant 0 : i32
      %dma_start3A_475 = tpu.memref_slice %arg11[%dma_start3A_473, %dma_start3A_474] : memref<10240x128xf32, #tpu.memory_space<vmem_shared>> -> memref<10240x128xf32, #tpu.memory_space<vmem_shared>>
      tpu.enqueue_indirect_dma source(%arg9 : memref<128x128xf32, #tpu.memory_space<vmem>>) target(%dma_start3A_475 : memref<10240x128xf32, #tpu.memory_space<vmem_shared>>) offsets(%dma_start3A_472 : memref<128xi32, #tpu.memory_space<vmem>>) semaphore(%arg16 : memref<!tpu.dma_semaphore, #tpu.memory_space<semaphore_mem>>) {add = true}
      %dma_wait3A_476 = arith.constant 6 : i32
      %dma_wait3A_477 = arith.constant 0 : i32
      %dma_wait3A_478 = tpu.memref_slice %arg8[%dma_wait3A_476, %dma_wait3A_477] : memref<8x128xi32, #tpu.memory_space<vmem>> -> memref<1x128xi32, #tpu.memory_space<vmem>>
      %dma_wait3A_479 = tpu.memref_squeeze %dma_wait3A_478 : memref<1x128xi32, #tpu.memory_space<vmem>> -> memref<128xi32, #tpu.memory_space<vmem>>
      %dma_wait3A_480 = arith.constant 0 : i32
      %dma_wait3A_481 = arith.constant 0 : i32
      %dma_wait3A_482 = tpu.memref_slice %arg11[%dma_wait3A_480, %dma_wait3A_481] : memref<10240x128xf32, #tpu.memory_space<vmem_shared>> -> memref<10240x128xf32, #tpu.memory_space<vmem_shared>>
      tpu.wait_indirect_dma semaphore(%arg16 : memref<!tpu.dma_semaphore, #tpu.memory_space<semaphore_mem>>) src(%arg9 : memref<128x128xf32, #tpu.memory_space<vmem>>) dst(%dma_wait3A_482 : memref<10240x128xf32, #tpu.memory_space<vmem_shared>>)
      %add3A_483 = arith.constant 1 : i32
      %add3A_484 = arith.addi %add3A_286, %add3A_483 : i32
      %lt3A_485 = arith.constant 10 : i32
      %lt3A_486 = arith.cmpi slt, %add3A_484, %lt3A_485 : i32
      %convert_element_type3A_487 = arith.extui %lt3A_486 : i1 to i32
      %cond3A_488 = arith.constant 0 : i32
      %cond3A_489 = arith.cmpi ne, %convert_element_type3A_487, %cond3A_488 : i32
      scf.if %cond3A_489 {
        %add3A_505 = arith.constant 1 : i32
        %add3A_506 = arith.addi %add3A_286, %add3A_505 : i32
        %mul3A_507 = arith.constant 8 : i32
        %mul3A_508 = arith.muli %add3A_506, %mul3A_507 : i32
        %add3A_509 = arith.addi %mul3A_6, %mul3A_508 : i32
        %dma_wait3A_510 = arith.constant 0 : i32
        %dma_wait3A_511 = arith.constant 0 : i32
        %dma_wait3A_512 = arith.constant 0 : i32
        %dma_wait3A_513 = tpu.memref_slice %arg3[%dma_wait3A_510, %dma_wait3A_511, %dma_wait3A_512] : memref<2x2560x128xi32, #tpu.memory_space<hbm>> -> memref<1x2560x128xi32, #tpu.memory_space<hbm>>
        %dma_wait3A_514 = tpu.memref_squeeze %dma_wait3A_513 : memref<1x2560x128xi32, #tpu.memory_space<hbm>> -> memref<2560x128xi32, #tpu.memory_space<hbm>>
        %dma_wait3A_515 = arith.constant 0 : i32
        %dma_wait3A_516 = tpu.memref_slice %dma_wait3A_514[%add3A_509, %dma_wait3A_515] : memref<2560x128xi32, #tpu.memory_space<hbm>> -> memref<8x128xi32, #tpu.memory_space<hbm>>
        %dma_wait3A_517 = arith.constant 0 : i32
        %dma_wait3A_518 = arith.constant 0 : i32
        %dma_wait3A_519 = tpu.memref_slice %arg3[%dma_wait3A_510, %dma_wait3A_517, %dma_wait3A_518] : memref<2x2560x128xi32, #tpu.memory_space<hbm>> -> memref<1x2560x128xi32, #tpu.memory_space<hbm>>
        %dma_wait3A_520 = tpu.memref_squeeze %dma_wait3A_519 : memref<1x2560x128xi32, #tpu.memory_space<hbm>> -> memref<2560x128xi32, #tpu.memory_space<hbm>>
        %dma_wait3A_521 = arith.constant 0 : i32
        %dma_wait3A_522 = tpu.memref_slice %dma_wait3A_520[%add3A_509, %dma_wait3A_521] : memref<2560x128xi32, #tpu.memory_space<hbm>> -> memref<8x128xi32, #tpu.memory_space<hbm>>
        tpu.wait_dma2 semaphore(%arg12 : memref<!tpu.dma_semaphore, #tpu.memory_space<semaphore_mem>>) src(%dma_wait3A_522 : memref<8x128xi32, #tpu.memory_space<hbm>>) dst(%arg5 : memref<8x128xi32, #tpu.memory_space<vmem>>)
        %dma_wait3A_523 = arith.constant 1 : i32
        %dma_wait3A_524 = arith.constant 0 : i32
        %dma_wait3A_525 = arith.constant 0 : i32
        %dma_wait3A_526 = tpu.memref_slice %arg3[%dma_wait3A_523, %dma_wait3A_524, %dma_wait3A_525] : memref<2x2560x128xi32, #tpu.memory_space<hbm>> -> memref<1x2560x128xi32, #tpu.memory_space<hbm>>
        %dma_wait3A_527 = tpu.memref_squeeze %dma_wait3A_526 : memref<1x2560x128xi32, #tpu.memory_space<hbm>> -> memref<2560x128xi32, #tpu.memory_space<hbm>>
        %dma_wait3A_528 = arith.constant 0 : i32
        %dma_wait3A_529 = tpu.memref_slice %dma_wait3A_527[%add3A_509, %dma_wait3A_528] : memref<2560x128xi32, #tpu.memory_space<hbm>> -> memref<8x128xi32, #tpu.memory_space<hbm>>
        %dma_wait3A_530 = arith.constant 0 : i32
        %dma_wait3A_531 = arith.constant 0 : i32
        %dma_wait3A_532 = tpu.memref_slice %arg3[%dma_wait3A_523, %dma_wait3A_530, %dma_wait3A_531] : memref<2x2560x128xi32, #tpu.memory_space<hbm>> -> memref<1x2560x128xi32, #tpu.memory_space<hbm>>
        %dma_wait3A_533 = tpu.memref_squeeze %dma_wait3A_532 : memref<1x2560x128xi32, #tpu.memory_space<hbm>> -> memref<2560x128xi32, #tpu.memory_space<hbm>>
        %dma_wait3A_534 = arith.constant 0 : i32
        %dma_wait3A_535 = tpu.memref_slice %dma_wait3A_533[%add3A_509, %dma_wait3A_534] : memref<2560x128xi32, #tpu.memory_space<hbm>> -> memref<8x128xi32, #tpu.memory_space<hbm>>
        tpu.wait_dma2 semaphore(%arg12 : memref<!tpu.dma_semaphore, #tpu.memory_space<semaphore_mem>>) src(%dma_wait3A_535 : memref<8x128xi32, #tpu.memory_space<hbm>>) dst(%arg6 : memref<8x128xi32, #tpu.memory_space<vmem>>)
        %dma_start3A_536 = arith.constant 0 : i32
        %dma_start3A_537 = arith.constant 0 : i32
        %dma_start3A_538 = tpu.memref_slice %arg5[%dma_start3A_536, %dma_start3A_537] : memref<8x128xi32, #tpu.memory_space<vmem>> -> memref<1x128xi32, #tpu.memory_space<vmem>>
        %dma_start3A_539 = tpu.memref_squeeze %dma_start3A_538 : memref<1x128xi32, #tpu.memory_space<vmem>> -> memref<128xi32, #tpu.memory_space<vmem>>
        %dma_start3A_540 = arith.constant 0 : i32
        %dma_start3A_541 = arith.constant 0 : i32
        %dma_start3A_542 = tpu.memref_slice %arg2[%dma_start3A_540, %dma_start3A_541] : memref<10240x128xf32, #tpu.memory_space<hbm>> -> memref<10240x128xf32, #tpu.memory_space<hbm>>
        tpu.enqueue_indirect_dma source(%dma_start3A_542 : memref<10240x128xf32, #tpu.memory_space<hbm>>) target(%arg9 : memref<128x128xf32, #tpu.memory_space<vmem>>) offsets(%dma_start3A_539 : memref<128xi32, #tpu.memory_space<vmem>>) semaphore(%arg14 : memref<!tpu.dma_semaphore, #tpu.memory_space<semaphore_mem>>)
      } else {
      }
      %dma_wait3A_490 = arith.constant 7 : i32
      %dma_wait3A_491 = arith.constant 0 : i32
      %dma_wait3A_492 = tpu.memref_slice %arg7[%dma_wait3A_490, %dma_wait3A_491] : memref<8x128xi32, #tpu.memory_space<vmem>> -> memref<1x128xi32, #tpu.memory_space<vmem>>
      %dma_wait3A_493 = tpu.memref_squeeze %dma_wait3A_492 : memref<1x128xi32, #tpu.memory_space<vmem>> -> memref<128xi32, #tpu.memory_space<vmem>>
      %dma_wait3A_494 = arith.constant 0 : i32
      %dma_wait3A_495 = arith.constant 0 : i32
      %dma_wait3A_496 = tpu.memref_slice %arg2[%dma_wait3A_494, %dma_wait3A_495] : memref<10240x128xf32, #tpu.memory_space<hbm>> -> memref<10240x128xf32, #tpu.memory_space<hbm>>
      tpu.wait_indirect_dma semaphore(%arg15 : memref<!tpu.dma_semaphore, #tpu.memory_space<semaphore_mem>>) src(%dma_wait3A_496 : memref<10240x128xf32, #tpu.memory_space<hbm>>) dst(%arg10 : memref<128x128xf32, #tpu.memory_space<vmem>>)
      %run_scoped3A_497 = arith.constant 7 : i32
      "tpu.region"() ({
        %run_scoped3A_505 = tpu.sem_alloc : memref<!tpu.dma_semaphore, #tpu.memory_space<semaphore_mem>>
        %dma_start3A_506 = arith.constant 0 : i32
        %dma_start3A_507 = tpu.memref_slice %arg8[%run_scoped3A_497, %dma_start3A_506] : memref<8x128xi32, #tpu.memory_space<vmem>> -> memref<1x128xi32, #tpu.memory_space<vmem>>
        %dma_start3A_508 = tpu.memref_squeeze %dma_start3A_507 : memref<1x128xi32, #tpu.memory_space<vmem>> -> memref<128xi32, #tpu.memory_space<vmem>>
        %dma_start3A_509 = arith.constant 0 : i32
        %dma_start3A_510 = arith.constant 0 : i32
        %dma_start3A_511 = tpu.memref_slice %arg11[%dma_start3A_509, %dma_start3A_510] : memref<10240x128xf32, #tpu.memory_space<vmem_shared>> -> memref<10240x128xf32, #tpu.memory_space<vmem_shared>>
        tpu.enqueue_indirect_dma source(%arg10 : memref<128x128xf32, #tpu.memory_space<vmem>>) target(%dma_start3A_511 : memref<10240x128xf32, #tpu.memory_space<vmem_shared>>) offsets(%dma_start3A_508 : memref<128xi32, #tpu.memory_space<vmem>>) semaphore(%run_scoped3A_505 : memref<!tpu.dma_semaphore, #tpu.memory_space<semaphore_mem>>) {add = true}
        %dma_wait3A_512 = arith.constant 0 : i32
        %dma_wait3A_513 = tpu.memref_slice %arg8[%run_scoped3A_497, %dma_wait3A_512] : memref<8x128xi32, #tpu.memory_space<vmem>> -> memref<1x128xi32, #tpu.memory_space<vmem>>
        %dma_wait3A_514 = tpu.memref_squeeze %dma_wait3A_513 : memref<1x128xi32, #tpu.memory_space<vmem>> -> memref<128xi32, #tpu.memory_space<vmem>>
        %dma_wait3A_515 = arith.constant 0 : i32
        %dma_wait3A_516 = arith.constant 0 : i32
        %dma_wait3A_517 = tpu.memref_slice %arg11[%dma_wait3A_515, %dma_wait3A_516] : memref<10240x128xf32, #tpu.memory_space<vmem_shared>> -> memref<10240x128xf32, #tpu.memory_space<vmem_shared>>
        tpu.wait_indirect_dma semaphore(%run_scoped3A_505 : memref<!tpu.dma_semaphore, #tpu.memory_space<semaphore_mem>>) src(%arg10 : memref<128x128xf32, #tpu.memory_space<vmem>>) dst(%dma_wait3A_517 : memref<10240x128xf32, #tpu.memory_space<vmem_shared>>)
        tpu.yield
      }) : () -> ()
      %add3A_498 = arith.constant 2 : i32
      %add3A_499 = arith.addi %add3A_286, %add3A_498 : i32
      %lt3A_500 = arith.constant 10 : i32
      %lt3A_501 = arith.cmpi slt, %add3A_499, %lt3A_500 : i32
      %convert_element_type3A_502 = arith.extui %lt3A_501 : i1 to i32
      %cond3A_503 = arith.constant 0 : i32
      %cond3A_504 = arith.cmpi ne, %convert_element_type3A_502, %cond3A_503 : i32
      scf.if %cond3A_504 {
        %add3A_505 = arith.constant 2 : i32
        %add3A_506 = arith.addi %add3A_286, %add3A_505 : i32
        %mul3A_507 = arith.constant 8 : i32
        %mul3A_508 = arith.muli %add3A_506, %mul3A_507 : i32
        %add3A_509 = arith.addi %mul3A_6, %mul3A_508 : i32
        %dma_start3A_510 = arith.constant 0 : i32
        %dma_start3A_511 = arith.constant 0 : i32
        %dma_start3A_512 = arith.constant 0 : i32
        %dma_start3A_513 = tpu.memref_slice %arg3[%dma_start3A_510, %dma_start3A_511, %dma_start3A_512] : memref<2x2560x128xi32, #tpu.memory_space<hbm>> -> memref<1x2560x128xi32, #tpu.memory_space<hbm>>
        %dma_start3A_514 = tpu.memref_squeeze %dma_start3A_513 : memref<1x2560x128xi32, #tpu.memory_space<hbm>> -> memref<2560x128xi32, #tpu.memory_space<hbm>>
        %dma_start3A_515 = arith.constant 0 : i32
        %dma_start3A_516 = tpu.memref_slice %dma_start3A_514[%add3A_509, %dma_start3A_515] : memref<2560x128xi32, #tpu.memory_space<hbm>> -> memref<8x128xi32, #tpu.memory_space<hbm>>
        %dma_start3A_517 = arith.constant 0 : i32
        %dma_start3A_518 = arith.constant 0 : i32
        %dma_start3A_519 = tpu.memref_slice %arg3[%dma_start3A_510, %dma_start3A_517, %dma_start3A_518] : memref<2x2560x128xi32, #tpu.memory_space<hbm>> -> memref<1x2560x128xi32, #tpu.memory_space<hbm>>
        %dma_start3A_520 = tpu.memref_squeeze %dma_start3A_519 : memref<1x2560x128xi32, #tpu.memory_space<hbm>> -> memref<2560x128xi32, #tpu.memory_space<hbm>>
        %dma_start3A_521 = arith.constant 0 : i32
        %dma_start3A_522 = tpu.memref_slice %dma_start3A_520[%add3A_509, %dma_start3A_521] : memref<2560x128xi32, #tpu.memory_space<hbm>> -> memref<8x128xi32, #tpu.memory_space<hbm>>
        tpu.enqueue_dma source(%dma_start3A_522 : memref<8x128xi32, #tpu.memory_space<hbm>>) target(%arg7 : memref<8x128xi32, #tpu.memory_space<vmem>>) target_semaphore(%arg13 : memref<!tpu.dma_semaphore, #tpu.memory_space<semaphore_mem>>)
        %dma_start3A_523 = arith.constant 1 : i32
        %dma_start3A_524 = arith.constant 0 : i32
        %dma_start3A_525 = arith.constant 0 : i32
        %dma_start3A_526 = tpu.memref_slice %arg3[%dma_start3A_523, %dma_start3A_524, %dma_start3A_525] : memref<2x2560x128xi32, #tpu.memory_space<hbm>> -> memref<1x2560x128xi32, #tpu.memory_space<hbm>>
        %dma_start3A_527 = tpu.memref_squeeze %dma_start3A_526 : memref<1x2560x128xi32, #tpu.memory_space<hbm>> -> memref<2560x128xi32, #tpu.memory_space<hbm>>
        %dma_start3A_528 = arith.constant 0 : i32
        %dma_start3A_529 = tpu.memref_slice %dma_start3A_527[%add3A_509, %dma_start3A_528] : memref<2560x128xi32, #tpu.memory_space<hbm>> -> memref<8x128xi32, #tpu.memory_space<hbm>>
        %dma_start3A_530 = arith.constant 0 : i32
        %dma_start3A_531 = arith.constant 0 : i32
        %dma_start3A_532 = tpu.memref_slice %arg3[%dma_start3A_523, %dma_start3A_530, %dma_start3A_531] : memref<2x2560x128xi32, #tpu.memory_space<hbm>> -> memref<1x2560x128xi32, #tpu.memory_space<hbm>>
        %dma_start3A_533 = tpu.memref_squeeze %dma_start3A_532 : memref<1x2560x128xi32, #tpu.memory_space<hbm>> -> memref<2560x128xi32, #tpu.memory_space<hbm>>
        %dma_start3A_534 = arith.constant 0 : i32
        %dma_start3A_535 = tpu.memref_slice %dma_start3A_533[%add3A_509, %dma_start3A_534] : memref<2560x128xi32, #tpu.memory_space<hbm>> -> memref<8x128xi32, #tpu.memory_space<hbm>>
        tpu.enqueue_dma source(%dma_start3A_535 : memref<8x128xi32, #tpu.memory_space<hbm>>) target(%arg8 : memref<8x128xi32, #tpu.memory_space<vmem>>) target_semaphore(%arg13 : memref<!tpu.dma_semaphore, #tpu.memory_space<semaphore_mem>>)
      } else {
      }
    }
    %scan3A_62 = arith.constant 5 : i32
    %barrier3A_63 = arith.constant 0 : index
    tpu.barrier barrier_id(%barrier3A_63)
    "tpu.region"() ({
      %run_scoped3A_64 = tpu.sem_alloc : memref<!tpu.dma_semaphore, #tpu.memory_space<semaphore_mem>>
      %dma_start3A_65 = arith.constant 0 : i32
      %dma_start3A_66 = arith.constant 0 : i32
      %dma_start3A_67 = tpu.memref_slice %arg4[%arg0, %dma_start3A_65, %dma_start3A_66] : memref<2x10240x128xf32, #tpu.memory_space<hbm>> -> memref<1x10240x128xf32, #tpu.memory_space<hbm>>
      %dma_start3A_68 = tpu.memref_squeeze %dma_start3A_67 : memref<1x10240x128xf32, #tpu.memory_space<hbm>> -> memref<10240x128xf32, #tpu.memory_space<hbm>>
      %dma_start3A_69 = arith.constant 0 : i32
      %dma_start3A_70 = tpu.memref_slice %dma_start3A_68[%mul3A_0, %dma_start3A_69] : memref<10240x128xf32, #tpu.memory_space<hbm>> -> memref<640x128xf32, #tpu.memory_space<hbm>>
      %dma_start3A_71 = arith.constant 0 : i32
      %dma_start3A_72 = tpu.memref_slice %arg11[%mul3A_0, %dma_start3A_71] : memref<10240x128xf32, #tpu.memory_space<vmem_shared>> -> memref<640x128xf32, #tpu.memory_space<vmem_shared>>
      tpu.enqueue_dma source(%dma_start3A_72 : memref<640x128xf32, #tpu.memory_space<vmem_shared>>) target(%dma_start3A_70 : memref<640x128xf32, #tpu.memory_space<hbm>>) target_semaphore(%run_scoped3A_64 : memref<!tpu.dma_semaphore, #tpu.memory_space<semaphore_mem>>)
      %dma_wait3A = arith.constant 0 : i32
      %dma_wait3A_73 = arith.constant 0 : i32
      %dma_wait3A_74 = tpu.memref_slice %arg4[%arg0, %dma_wait3A, %dma_wait3A_73] : memref<2x10240x128xf32, #tpu.memory_space<hbm>> -> memref<1x10240x128xf32, #tpu.memory_space<hbm>>
      %dma_wait3A_75 = tpu.memref_squeeze %dma_wait3A_74 : memref<1x10240x128xf32, #tpu.memory_space<hbm>> -> memref<10240x128xf32, #tpu.memory_space<hbm>>
      %dma_wait3A_76 = arith.constant 0 : i32
      %dma_wait3A_77 = tpu.memref_slice %dma_wait3A_75[%mul3A_0, %dma_wait3A_76] : memref<10240x128xf32, #tpu.memory_space<hbm>> -> memref<640x128xf32, #tpu.memory_space<hbm>>
      %dma_wait3A_78 = arith.constant 0 : i32
      %dma_wait3A_79 = tpu.memref_slice %arg11[%mul3A_0, %dma_wait3A_78] : memref<10240x128xf32, #tpu.memory_space<vmem_shared>> -> memref<640x128xf32, #tpu.memory_space<vmem_shared>>
      tpu.wait_dma2 semaphore(%run_scoped3A_64 : memref<!tpu.dma_semaphore, #tpu.memory_space<semaphore_mem>>) src(%dma_wait3A_79 : memref<640x128xf32, #tpu.memory_space<vmem_shared>>) dst(%dma_wait3A_77 : memref<640x128xf32, #tpu.memory_space<hbm>>)
      tpu.yield
    }) : () -> ()
    return
  }
}

module attributes {stable_mosaic.version = 14 : i64} {
  func.func @_tc1_body(%arg0: i32, %arg1: memref<2048x32xf32, #tpu.memory_space<vmem>>, %arg2: memref<2048x128xf32, #tpu.memory_space<vmem>>, %arg3: memref<128x128xf32, #tpu.memory_space<vmem>>, %arg4: memref<2048x128xf32, #tpu.memory_space<vmem>>, %arg5: memref<2048x1xf32, #tpu.memory_space<vmem>>) attributes {dimension_semantics = [#tpu.dimension_semantics<arbitrary>], iteration_bounds = array<i64: 5>, scalar_prefetch = 0 : i64, scratch_operands = 0 : i64, tpu.core_type = #tpu.core_type<tc>, window_params = [{transform_indices = @transform_0, window_bounds = array<i64: 2048, 32>}, {transform_indices = @transform_1, window_bounds = array<i64: 2048, 128>}, {pipeline_mode = #tpu.pipeline_mode<synchronous>, transform_indices = @transform_2, window_bounds = array<i64: 128, 128>}, {transform_indices = @transform_3, window_bounds = array<i64: 2048, 128>}, {transform_indices = @transform_4, window_bounds = array<i64: 2048, 1>}]} {
    %get3A = arith.constant 0 : index
    %get3A_0 = arith.constant 0 : index
    %get3A_1 = vector.load %arg1[%get3A, %get3A_0] : memref<2048x32xf32, #tpu.memory_space<vmem>>, vector<2048x32xf32>
    %reduce_sum3A = arith.constant dense<0.000000e+00> : vector<2048xf32>
    %reduce_sum3A_2 = vector.multi_reduction <add>, %get3A_1, %reduce_sum3A [1] : vector<2048x32xf32> to vector<2048xf32>
    %broadcast_in_dim3A = vector.shape_cast %reduce_sum3A_2 : vector<2048xf32> to vector<2048x1xf32>
    %add3A = arith.constant 1.000000e+00 : f32
    %add3A_3 = vector.broadcast %add3A : f32 to vector<2048x1xf32>
    %add3A_4 = arith.addf %broadcast_in_dim3A, %add3A_3 : vector<2048x1xf32>
    %rsqrt3A = math.rsqrt %add3A_4 : vector<2048x1xf32>
    %get3A_5 = arith.constant 0 : index
    %get3A_6 = arith.constant 0 : index
    %get3A_7 = vector.load %arg2[%get3A_5, %get3A_6] : memref<2048x128xf32, #tpu.memory_space<vmem>>, vector<2048x128xf32>
    %get3A_8 = arith.constant 0 : index
    %get3A_9 = arith.constant 0 : index
    %get3A_10 = vector.load %arg3[%get3A_8, %get3A_9] : memref<128x128xf32, #tpu.memory_space<vmem>>, vector<128x128xf32>
    %dot_general3A = arith.constant dense<0.000000e+00> : vector<2048x128xf32>
    %dot_general3A_11 = tpu.matmul %get3A_7, %get3A_10, %dot_general3A {dimension_numbers = #tpu.dot_dimension_numbers<[1], [0], [0], [1], [0, 0, 1, 1], [], []>, transpose_lhs_hint = false} : vector<2048x128xf32>, vector<128x128xf32>, vector<2048x128xf32> -> vector<2048x128xf32>
    %mul3A = vector.broadcast %rsqrt3A : vector<2048x1xf32> to vector<2048x128xf32>
    %mul3A_12 = arith.mulf %dot_general3A_11, %mul3A : vector<2048x128xf32>
    %swap3A = arith.constant 0 : index
    %swap3A_13 = arith.constant 0 : index
    %swap3A_14 = vector.load %arg4[%swap3A, %swap3A_13] : memref<2048x128xf32, #tpu.memory_space<vmem>>, vector<2048x128xf32>
    tpu.vector_store %arg4[%swap3A, %swap3A_13], %mul3A_12 {strides = array<i32>} : memref<2048x128xf32, #tpu.memory_space<vmem>>, vector<2048x128xf32>,
    %swap3A_15 = arith.constant 0 : index
    %swap3A_16 = arith.constant 0 : index
    %swap3A_17 = vector.load %arg5[%swap3A_15, %swap3A_16] : memref<2048x1xf32, #tpu.memory_space<vmem>>, vector<2048x1xf32>
    tpu.vector_store %arg5[%swap3A_15, %swap3A_16], %rsqrt3A {strides = array<i32>} : memref<2048x1xf32, #tpu.memory_space<vmem>>, vector<2048x1xf32>,
    return
  }
  func.func @transform_0(%arg0: i32) -> (i32, i32) {
    %c0_i32 = arith.constant 0 : i32
    %c0_i32_0 = arith.constant 0 : i32
    return %arg0, %c0_i32 : i32, i32
  }
  func.func @transform_1(%arg0: i32) -> (i32, i32) {
    %c0_i32 = arith.constant 0 : i32
    %c0_i32_0 = arith.constant 0 : i32
    return %arg0, %c0_i32 : i32, i32
  }
  func.func @transform_2(%arg0: i32) -> (i32, i32) {
    %c0_i32 = arith.constant 0 : i32
    %c0_i32_0 = arith.constant 0 : i32
    %c0_i32_1 = arith.constant 0 : i32
    return %c0_i32, %c0_i32_0 : i32, i32
  }
  func.func @transform_3(%arg0: i32) -> (i32, i32) {
    %c0_i32 = arith.constant 0 : i32
    %c0_i32_0 = arith.constant 0 : i32
    return %arg0, %c0_i32 : i32, i32
  }
  func.func @transform_4(%arg0: i32) -> (i32, i32) {
    %c0_i32 = arith.constant 0 : i32
    %c0_i32_0 = arith.constant 0 : i32
    return %arg0, %c0_i32 : i32, i32
  }
}

module attributes {stable_mosaic.version = 14 : i64} {
  func.func @_tc2_body(%arg0: i32, %arg1: memref<2x2048x128xf32, #tpu.memory_space<vmem>>, %arg2: memref<2048x128xf32, #tpu.memory_space<vmem>>, %arg3: memref<2048x1xf32, #tpu.memory_space<vmem>>, %arg4: memref<1x128xf32, #tpu.memory_space<vmem>>, %arg5: memref<128x64xf32, #tpu.memory_space<vmem>>, %arg6: memref<2048x64xf32, #tpu.memory_space<vmem>>) attributes {dimension_semantics = [#tpu.dimension_semantics<arbitrary>], iteration_bounds = array<i64: 5>, scalar_prefetch = 0 : i64, scratch_operands = 0 : i64, tpu.core_type = #tpu.core_type<tc>, window_params = [{transform_indices = @transform_0, window_bounds = array<i64: 2, 2048, 128>}, {transform_indices = @transform_1, window_bounds = array<i64: 2048, 128>}, {transform_indices = @transform_2, window_bounds = array<i64: 2048, 1>}, {pipeline_mode = #tpu.pipeline_mode<synchronous>, transform_indices = @transform_3, window_bounds = array<i64: 1, 128>}, {pipeline_mode = #tpu.pipeline_mode<synchronous>, transform_indices = @transform_4, window_bounds = array<i64: 128, 64>}, {transform_indices = @transform_5, window_bounds = array<i64: 2048, 64>}]} {
    %get3A = arith.constant 0 : index
    %get3A_0 = arith.constant 0 : index
    %get3A_1 = vector.load %arg3[%get3A, %get3A_0] : memref<2048x1xf32, #tpu.memory_space<vmem>>, vector<2048x1xf32>
    %get3A_2 = arith.constant 0 : index
    %get3A_3 = arith.constant 0 : index
    %get3A_4 = arith.constant 0 : index
    %get3A_5 = vector.load %arg1[%get3A_2, %get3A_3, %get3A_4] : memref<2x2048x128xf32, #tpu.memory_space<vmem>>, vector<1x2048x128xf32>
    %get3A_6 = vector.shape_cast %get3A_5 : vector<1x2048x128xf32> to vector<2048x128xf32>
    %get3A_7 = arith.constant 1 : index
    %get3A_8 = arith.constant 0 : index
    %get3A_9 = arith.constant 0 : index
    %get3A_10 = vector.load %arg1[%get3A_7, %get3A_8, %get3A_9] : memref<2x2048x128xf32, #tpu.memory_space<vmem>>, vector<1x2048x128xf32>
    %get3A_11 = vector.shape_cast %get3A_10 : vector<1x2048x128xf32> to vector<2048x128xf32>
    %add3A = arith.addf %get3A_6, %get3A_11 : vector<2048x128xf32>
    %get3A_12 = arith.constant 0 : index
    %get3A_13 = arith.constant 0 : index
    %get3A_14 = vector.load %arg2[%get3A_12, %get3A_13] : memref<2048x128xf32, #tpu.memory_space<vmem>>, vector<2048x128xf32>
    %add3A_15 = arith.addf %add3A, %get3A_14 : vector<2048x128xf32>
    %mul3A = vector.broadcast %get3A_1 : vector<2048x1xf32> to vector<2048x128xf32>
    %mul3A_16 = arith.mulf %add3A_15, %mul3A : vector<2048x128xf32>
    %get3A_17 = arith.constant 0 : index
    %get3A_18 = arith.constant 0 : index
    %get3A_19 = vector.load %arg4[%get3A_17, %get3A_18] : memref<1x128xf32, #tpu.memory_space<vmem>>, vector<1x128xf32>
    %add3A_20 = vector.broadcast %get3A_19 : vector<1x128xf32> to vector<2048x128xf32>
    %add3A_21 = arith.addf %mul3A_16, %add3A_20 : vector<2048x128xf32>
    %gt3A = arith.constant 0.000000e+00 : f32
    %gt3A_22 = vector.broadcast %gt3A : f32 to vector<2048x128xf32>
    %gt3A_23 = arith.cmpf ogt, %add3A_21, %gt3A_22 : vector<2048x128xf32>
    %exp3A = math.exp %add3A_21 : vector<2048x128xf32>
    %sub3A = arith.constant 1.000000e+00 : f32
    %sub3A_24 = vector.broadcast %sub3A : f32 to vector<2048x128xf32>
    %sub3A_25 = arith.subf %exp3A, %sub3A_24 : vector<2048x128xf32>
    %select_n3A = arith.select %gt3A_23, %add3A_21, %sub3A_25 : vector<2048x128xi1>, vector<2048x128xf32>
    %get3A_26 = arith.constant 0 : index
    %get3A_27 = arith.constant 0 : index
    %get3A_28 = vector.load %arg5[%get3A_26, %get3A_27] : memref<128x64xf32, #tpu.memory_space<vmem>>, vector<128x64xf32>
    %dot_general3A = arith.constant dense<0.000000e+00> : vector<2048x64xf32>
    %dot_general3A_29 = tpu.matmul %select_n3A, %get3A_28, %dot_general3A {dimension_numbers = #tpu.dot_dimension_numbers<[1], [0], [0], [1], [0, 0, 1, 1], [], []>, transpose_lhs_hint = false} : vector<2048x128xf32>, vector<128x64xf32>, vector<2048x64xf32> -> vector<2048x64xf32>
    %mul3A_30 = vector.broadcast %get3A_1 : vector<2048x1xf32> to vector<2048x64xf32>
    %mul3A_31 = arith.mulf %dot_general3A_29, %mul3A_30 : vector<2048x64xf32>
    %swap3A = arith.constant 0 : index
    %swap3A_32 = arith.constant 0 : index
    %swap3A_33 = vector.load %arg6[%swap3A, %swap3A_32] : memref<2048x64xf32, #tpu.memory_space<vmem>>, vector<2048x64xf32>
    tpu.vector_store %arg6[%swap3A, %swap3A_32], %mul3A_31 {strides = array<i32>} : memref<2048x64xf32, #tpu.memory_space<vmem>>, vector<2048x64xf32>,
    return
  }
  func.func @transform_0(%arg0: i32) -> (i32, i32, i32) {
    %c0_i32 = arith.constant 0 : i32
    %c0_i32_0 = arith.constant 0 : i32
    %c0_i32_1 = arith.constant 0 : i32
    return %c0_i32, %arg0, %c0_i32_0 : i32, i32, i32
  }
  func.func @transform_1(%arg0: i32) -> (i32, i32) {
    %c0_i32 = arith.constant 0 : i32
    %c0_i32_0 = arith.constant 0 : i32
    return %arg0, %c0_i32 : i32, i32
  }
  func.func @transform_2(%arg0: i32) -> (i32, i32) {
    %c0_i32 = arith.constant 0 : i32
    %c0_i32_0 = arith.constant 0 : i32
    return %arg0, %c0_i32 : i32, i32
  }
  func.func @transform_3(%arg0: i32) -> (i32, i32) {
    %c0_i32 = arith.constant 0 : i32
    %c0_i32_0 = arith.constant 0 : i32
    %c0_i32_1 = arith.constant 0 : i32
    return %c0_i32, %c0_i32_0 : i32, i32
  }
  func.func @transform_4(%arg0: i32) -> (i32, i32) {
    %c0_i32 = arith.constant 0 : i32
    %c0_i32_0 = arith.constant 0 : i32
    %c0_i32_1 = arith.constant 0 : i32
    return %c0_i32, %c0_i32_0 : i32, i32
  }
  func.func @transform_5(%arg0: i32) -> (i32, i32) {
    %c0_i32 = arith.constant 0 : i32
    %c0_i32_0 = arith.constant 0 : i32
    return %arg0, %c0_i32 : i32, i32
  }
}

module attributes {stable_mosaic.version = 14 : i64} {
  func.func @_tc3_body(%arg0: i32, %arg1: memref<2x2048x64xf32, #tpu.memory_space<vmem>>, %arg2: memref<2048x64xf32, #tpu.memory_space<vmem>>, %arg3: memref<2048x1xf32, #tpu.memory_space<vmem>>, %arg4: memref<1x64xf32, #tpu.memory_space<vmem>>, %arg5: memref<2048x64xf32, #tpu.memory_space<vmem>>) attributes {dimension_semantics = [#tpu.dimension_semantics<arbitrary>], iteration_bounds = array<i64: 5>, scalar_prefetch = 0 : i64, scratch_operands = 0 : i64, tpu.core_type = #tpu.core_type<tc>, window_params = [{transform_indices = @transform_0, window_bounds = array<i64: 2, 2048, 64>}, {transform_indices = @transform_1, window_bounds = array<i64: 2048, 64>}, {transform_indices = @transform_2, window_bounds = array<i64: 2048, 1>}, {pipeline_mode = #tpu.pipeline_mode<synchronous>, transform_indices = @transform_3, window_bounds = array<i64: 1, 64>}, {transform_indices = @transform_4, window_bounds = array<i64: 2048, 64>}]} {
    %get3A = arith.constant 0 : index
    %get3A_0 = arith.constant 0 : index
    %get3A_1 = arith.constant 0 : index
    %get3A_2 = vector.load %arg1[%get3A, %get3A_0, %get3A_1] : memref<2x2048x64xf32, #tpu.memory_space<vmem>>, vector<1x2048x64xf32>
    %get3A_3 = vector.shape_cast %get3A_2 : vector<1x2048x64xf32> to vector<2048x64xf32>
    %get3A_4 = arith.constant 1 : index
    %get3A_5 = arith.constant 0 : index
    %get3A_6 = arith.constant 0 : index
    %get3A_7 = vector.load %arg1[%get3A_4, %get3A_5, %get3A_6] : memref<2x2048x64xf32, #tpu.memory_space<vmem>>, vector<1x2048x64xf32>
    %get3A_8 = vector.shape_cast %get3A_7 : vector<1x2048x64xf32> to vector<2048x64xf32>
    %add3A = arith.addf %get3A_3, %get3A_8 : vector<2048x64xf32>
    %get3A_9 = arith.constant 0 : index
    %get3A_10 = arith.constant 0 : index
    %get3A_11 = vector.load %arg2[%get3A_9, %get3A_10] : memref<2048x64xf32, #tpu.memory_space<vmem>>, vector<2048x64xf32>
    %add3A_12 = arith.addf %add3A, %get3A_11 : vector<2048x64xf32>
    %get3A_13 = arith.constant 0 : index
    %get3A_14 = arith.constant 0 : index
    %get3A_15 = vector.load %arg3[%get3A_13, %get3A_14] : memref<2048x1xf32, #tpu.memory_space<vmem>>, vector<2048x1xf32>
    %mul3A = vector.broadcast %get3A_15 : vector<2048x1xf32> to vector<2048x64xf32>
    %mul3A_16 = arith.mulf %add3A_12, %mul3A : vector<2048x64xf32>
    %get3A_17 = arith.constant 0 : index
    %get3A_18 = arith.constant 0 : index
    %get3A_19 = vector.load %arg4[%get3A_17, %get3A_18] : memref<1x64xf32, #tpu.memory_space<vmem>>, vector<1x64xf32>
    %add3A_20 = vector.broadcast %get3A_19 : vector<1x64xf32> to vector<2048x64xf32>
    %add3A_21 = arith.addf %mul3A_16, %add3A_20 : vector<2048x64xf32>
    %swap3A = arith.constant 0 : index
    %swap3A_22 = arith.constant 0 : index
    %swap3A_23 = vector.load %arg5[%swap3A, %swap3A_22] : memref<2048x64xf32, #tpu.memory_space<vmem>>, vector<2048x64xf32>
    tpu.vector_store %arg5[%swap3A, %swap3A_22], %add3A_21 {strides = array<i32>} : memref<2048x64xf32, #tpu.memory_space<vmem>>, vector<2048x64xf32>,
    return
  }
  func.func @transform_0(%arg0: i32) -> (i32, i32, i32) {
    %c0_i32 = arith.constant 0 : i32
    %c0_i32_0 = arith.constant 0 : i32
    %c0_i32_1 = arith.constant 0 : i32
    return %c0_i32, %arg0, %c0_i32_0 : i32, i32, i32
  }
  func.func @transform_1(%arg0: i32) -> (i32, i32) {
    %c0_i32 = arith.constant 0 : i32
    %c0_i32_0 = arith.constant 0 : i32
    return %arg0, %c0_i32 : i32, i32
  }
  func.func @transform_2(%arg0: i32) -> (i32, i32) {
    %c0_i32 = arith.constant 0 : i32
    %c0_i32_0 = arith.constant 0 : i32
    return %arg0, %c0_i32 : i32, i32
  }
  func.func @transform_3(%arg0: i32) -> (i32, i32) {
    %c0_i32 = arith.constant 0 : i32
    %c0_i32_0 = arith.constant 0 : i32
    %c0_i32_1 = arith.constant 0 : i32
    return %c0_i32, %c0_i32_0 : i32, i32
  }
  func.func @transform_4(%arg0: i32) -> (i32, i32) {
    %c0_i32 = arith.constant 0 : i32
    %c0_i32_0 = arith.constant 0 : i32
    return %arg0, %c0_i32 : i32, i32
  }
}

</mosaic_0001>

<sc_bundles>
// kernel: kernel.11.cloned.1.call-start
scs
__scs_entry_jumppad:
0x0: {  	(pc) =	sbr.rel $0x88, $3  }
0x1: {  	(tag) =	ssettag $0x0;
	lr =	simm.s32 $0x1  }
0x2: {  	[smem:$0x3F9B] =	sst lr;
	_ =	strace $0xD0000000  }
0x3: {  	_ = 	snop  }
0x4: {  	_ = 	snop  }
0x5: {  	_ = 	snop  }
0x6: {  	_ = 	snop  }
0x7: {  	_ = 	snop  }
__scs_overlays_trampoline_lowered:
0x8: {  	[smem:$0x3FAA] =	sst s0  }
0x9: {  	[smem:$0x3FAB] =	sst s1  }
0xa: {  	[smem:$0x3FAC] =	sst s2  }
0xb: {  	[smem:$0x3FAD] =	sst s3  }
0xc: {  	[smem:$0x3FAE] =	sst s4  }
0xd: {  	[smem:$0x3FAF] =	sst s5  }
0xe: {  	[smem:$0x3FB0] =	sst s6  }
0xf: {  	[smem:$0x3FB1] =	sst s7  }
0x10: {  	[smem:$0x3FB2] =	sst s8  }
0x11: {  	[smem:$0x3FB3] =	sst s9;
	s0 =	simm.s32 @!p0 $0x0  }
0x12: {  	s1 =	sld [smem:$0x3F99];
	s0 =	simm.s32 @p0 $0x1  }
0x13: {  	[smem:$0x3FB4] =	sst s0;
	s0 =	simm.s32 @!p1 $0x0  }
0x14: {  	s2 =	sld [smem:$0x3F98];
	s0 =	simm.s32 @p1 $0x1  }
0x15: {  	[smem:$0x3FB5] =	sst s0;
	s0 =	simm.s32 @!p2 $0x0  }
0x16: {  	s3 =	sld [smem:$0x3FDB];
	s0 =	simm.s32 @p2 $0x1  }
0x17: {  	s4 =	simm.s32 $0x1BF5;
	[smem:$0x3FB7] =	sst s0  }
0x18: {  	s0 =	sld [smem:$0x3F9A];
	_ =	swait.ge [sflag:s4], $0x0  }
0x19: {  	s7 =	sld [smem:$0x3F9B]  }
0x1a: {  	s8 =	sadd.s32 $0xFFFFE003, lr  }
0x1b: {  	s9 =	sadd.s32 $0xFFFFFEF7, lr;
	s5 =	simm.s32 $0xFFFFFFFF;
	p2 =	slt.u32 s8, $0xFFFFF086  }
0x1c: {  	p1 =	slt.u32 s9, $0xF7A;
	s5 =	simm.s32 @!p2 $0x0  }
0x1d: {  	s5 =	simm.s32 @p1 $0x1;
	p0 =	seq.s32 s7, s2  }
0x1e: {  	s7 =	smul.u32 @!p0 $0xF7A, s2;
	p2 =	seq.s32 @!p0 s5, $0x0  }
0x1f: {  	s9 =	smul.u32 $0xF7A, s1;
	s8 =	simm.s32 @!p0 $0x1BF5;
	p2 =	por !p2, p0  }
0x20: {  	[sflag:s8] =	ssyncset.s32 @!p0 $0xFFFFF086;
	s6 =	sadd.s32 @!p0 s3, s7;
	s7 =	simm.s32 @!p0 $0x108  }
0x21: {  	s3 =	sadd.s32 s3, s9;
	s6 =	sadd.s32 @!p0 $0x88, s6;
	s7 =	simm.s32 @p2 $0x1082  }
0x22: {  	[simem:s7], [sflag:s8] =	dma.local @!p0 [hbm:s6], $0xF7A  }
0x23: {  	s9 =	sor.u32 $0xD0000000, s2;
	s6 =	simm.s32 $0x108;
	_ =	swait.ge @!p0 [sflag:s8], $0x0  }
0x24: {  	s3 =	sadd.s32 $0x88, s3;
	s6 =	simm.s32 @!p1 $0x1082;
	[sflag:s4] =	ssyncset.s32 $0xFFFFF086  }
0x25: {  	[simem:s6], [sflag:s4] =	dma.local [hbm:s3], $0xF7A  }
0x26: {  	[smem:$0x3F9B] =	sst s1;
	(tag) =	ssettag s2;
	_ =	strace s9  }
0x27: {  	s1 =	sld [smem:$0x3FAB]  }
0x28: {  	s2 =	sld [smem:$0x3FAC]  }
0x29: {  	s4 =	sld [smem:$0x3FAE]  }
0x2a: {  	p0 =	seq.s32 s5, $0x0;
	s5 =	sld [smem:$0x3FAF]  }
0x2b: {  	s6 =	sld [smem:$0x3FB0]  }
0x2c: {  	s7 =	sld [smem:$0x3FB1]  }
0x2d: {  	s3 =	simm.s32 $0x108;
	s8 =	sld [smem:$0x3FB2]  }
0x2e: {  	s3 =	simm.s32 @!p0 $0x1082;
	s9 =	sld [smem:$0x3FB3]  }
0x2f: {  	lr =	sadd.s32 s0, s3;
	s0 =	sld [smem:$0x3FAA]  }
0x30: {  	s3 =	sld [smem:$0x3FAD]  }
0x31: {  	[smem:$0x3FB6] =	sst s10  }
0x32: {  	s10 =	sld [smem:$0x3FB4];
	_ =	sdelay $0x3  }
0x33: {  	p0 =	seq.s32 s10, $0x1;
	s10 =	sld [smem:$0x3FB6];
	_ =	sdelay $0x3  }
0x34: {  	[smem:$0x3FB6] =	sst s10  }
0x35: {  	s10 =	sld [smem:$0x3FB5];
	_ =	sdelay $0x3  }
0x36: {  	p1 =	seq.s32 s10, $0x1;
	s10 =	sld [smem:$0x3FB6];
	_ =	sdelay $0x3  }
0x37: {  	[smem:$0x3FB6] =	sst s10  }
0x38: {  	s10 =	sld [smem:$0x3FB7]  }
0x39: {  	_ = 	snop;
	(pc) =	sbr.ind lr, $3  }
0x3a: {  	_ = 	snop  }
0x3b: {  	_ = 	snop  }
0x3c: {  	p2 =	seq.s32 s10, $0x1;
	s10 =	sld [smem:$0x3FB6]  }
0x3d: {  	_ =	shalt  }
0x3e: {  	_ =	shalt  }
0x3f: {  	_ =	shalt  }
0x40: {  	_ =	shalt  }
0x41: {  	_ =	shalt  }
0x42: {  	_ =	shalt  }
0x43: {  	_ =	shalt  }
0x44: {  	_ =	shalt  }
0x45: {  	_ =	shalt  }
0x46: {  	_ =	shalt  }
0x47: {  	_ =	shalt  }
0x48: {  	_ =	shalt  }
0x49: {  	_ =	shalt  }
0x4a: {  	_ =	shalt  }
0x4b: {  	_ =	shalt  }
0x4c: {  	_ =	shalt  }
0x4d: {  	_ =	shalt  }
0x4e: {  	_ =	shalt  }
0x4f: {  	_ =	shalt  }
0x50: {  	_ =	shalt  }
0x51: {  	_ =	shalt  }
0x52: {  	_ =	shalt  }
0x53: {  	_ =	shalt  }
0x54: {  	_ =	shalt  }
0x55: {  	_ =	shalt  }
0x56: {  	_ =	shalt  }
0x57: {  	_ =	shalt  }
0x58: {  	_ =	shalt  }
0x59: {  	_ =	shalt  }
0x5a: {  	_ =	shalt  }
0x5b: {  	_ =	shalt  }
0x5c: {  	_ =	shalt  }
0x5d: {  	_ =	shalt  }
0x5e: {  	_ =	shalt  }
0x5f: {  	_ =	shalt  }
0x60: {  	_ =	shalt  }
0x61: {  	_ =	shalt  }
0x62: {  	_ =	shalt  }
0x63: {  	_ =	shalt  }
0x64: {  	_ =	shalt  }
0x65: {  	_ =	shalt  }
0x66: {  	_ =	shalt  }
0x67: {  	_ =	shalt  }
0x68: {  	_ =	shalt  }
0x69: {  	_ =	shalt  }
0x6a: {  	_ =	shalt  }
0x6b: {  	_ =	shalt  }
0x6c: {  	_ =	shalt  }
0x6d: {  	_ =	shalt  }
0x6e: {  	_ =	shalt  }
0x6f: {  	_ =	shalt  }
0x70: {  	_ =	shalt  }
0x71: {  	_ =	shalt  }
0x72: {  	_ =	shalt  }
0x73: {  	_ =	shalt  }
0x74: {  	_ =	shalt  }
0x75: {  	_ =	shalt  }
0x76: {  	_ =	shalt  }
0x77: {  	_ =	shalt  }
0x78: {  	_ =	shalt  }
0x79: {  	_ =	shalt  }
0x7a: {  	_ =	shalt  }
0x7b: {  	_ =	shalt  }
0x7c: {  	_ =	shalt  }
0x7d: {  	_ =	shalt  }
0x7e: {  	_ =	shalt  }
0x7f: {  	_ =	shalt  }
0x80: {  	_ =	shalt  }
0x81: {  	_ =	shalt  }
0x82: {  	_ =	shalt  }
0x83: {  	_ =	shalt  }
0x84: {  	_ =	shalt  }
0x85: {  	_ =	shalt  }
0x86: {  	_ =	shalt  }
0x87: {  	_ =	shalt  }
.Lfunc_end0:
.L_simem_size_0:
called_computation.1_lowered:
.L_overlay_start_0:
0x88: {  	s2 =	sld [smem:$0x3FD9]  }
0x89: {  	s3 =	sld [smem:$0x3FFE];
	_ =	sdelay $0x1  }
0x8a: {  	s1 =	srdreg.scid  }
0x8b: {  	s0 =	sand.u32 $0x1, s1  }
0x8c: {  	s16 =	sshll.u32 s0, $0xA;
	s2 =	sadd.s32 s3, s2  }
0x8d: {  	s2 =	sadd.s32 s2, s16  }
0x8e: {  	[smem:$0x3FC2] =	sst s2  }
0x8f: {  	_ = 	snop  }
0x90: {  	(tm) =	ssettm $0x1  }
0x91: {  	s17 =	sld [smem:$0x3FFB];
	_ =	sdelay $0x3  }
0x92: {  	_ =	strace s17  }
0x93: {  	s2 =	sld [smem:$0x3FFC];
	_ =	sdelay $0x3  }
0x94: {  	_ =	strace s2  }
0x95: {  	s2 =	sld [smem:$0x3FFD];
	_ =	sdelay $0x3  }
0x96: {  	_ =	strace s2  }
0x97: {  	_ =	strace $0x8FFFFFFF  }
0x98: {  	s18 =	sld [smem:$0x3FDB];
	_ =	sdelay $0x1  }
0x99: {  	s19 =	simm.s32 $_scs_section_size  }
0x9a: {  	s4 =	simm.s32 $_size__tile_overlayer_lowered;
	s5 =	simm.s32 $_tile_overlayer_lowered  }
0x9b: {  	s22 =	simm.s32 $0x1BFF;
	s21 =	sshll.u32 s5, $0x1;
	s2 =	sadd.s32 s19, s18  }
0x9c: {  	s6 =	simm.s32 $0x0;
	s20 =	sshll.u32 s4, $0x1;
	s4 =	sadd.s32 s21, s2  }
0x9d: {  	[timem:s6], [sflag:s22] =	dma.local [hbm:s4], s20  }
0x9e: {  	_ =	swait.ge [sflag:s22], s20  }
0x9f: {  	s3 =	ssub.s32 $0x0, s20;
	[sflag:s22] =	ssyncset.done $0x0  }
0xa0: {  	[sflag:s22] =	ssyncadd.s32 s3;
	_ =	sdelay $0x1  }
0xa1: {  	s23 =	simm.s32 $0x1B8B  }
0xa2: {  	_ =	swait.ge [sflag:s23], $0x1  }
0xa3: {  	[sflag:s23] =	ssyncset.done $0x0  }
0xa4: {  	s25 =	simm.s32 $0x1B8E;
	s24 =	sld [smem:$0x3FFE];
	[sflag:s23] =	ssyncadd.s32 $0xFFFFFFFF  }
0xa5: {  	s26 =	simm.s32 $execute0_lowered;
	[smem:$0x3FD2] =	sst s25  }
0xa6: {  	s4 =	sshll.u32 s26, $0x1;
	_ =	strace $0x80000049;
	[dreg:$0x1] =	wrdreg $0xFFFFFFFF  }
0xa7: {  	s28 =	simm.s32 $_size_execute0_lowered;
	s2 =	sadd.s32 s2, s4;
	[dreg:$0x0] =	wrdreg $0x0  }
0xa8: {  	s4 =	sshll.u32 s28, $0x1;
	[dreg:$0x2] =	wrdreg s2  }
0xa9: {  	[dreg:$0x3] =	wrdreg s4  }
0xaa: {  	[dreg:$0x4] =	wrdreg $0xC0  }
0xab: {  	_ =	task [dreg:s6], $0x5FFFF  }
0xac: {  	[dreg:$0x1] =	wrdreg $0xFFFFFFFF  }
0xad: {  	[dreg:$0x0] =	wrdreg $0x60  }
0xae: {  	[dreg:$0x2] =	wrdreg s24  }
0xaf: {  	[dreg:$0x3] =	wrdreg $0x90000  }
0xb0: {  	[dreg:$0x4] =	wrdreg $0x9  }
0xb1: {  	_ =	task.clear_ibuf [dreg:s6], $0x5FFFF;
	_ =	strace $0x90000049  }
0xb2: {  	s29 =	simm.s32 $0x9;
	_ =	strace $0x8000004B  }
0xb3: {  	_ =	swait.ge [sflag:s29], $0x1  }
0xb4: {  	[sflag:s29] =	ssyncadd.s32 $0xFFFFFFFF  }
0xb5: {  	_ =	strace $0x9000004B  }
0xb6: {  	_ =	sfence  }
0xb7: {  	s30 =	sld [smem:$0x0];
	_ =	sdelay $0x2  }
0xb8: {  	s31 =	sshll.u32 s1, $0xD;
	s1 =	sshrl.u32 s1, $0x2  }
0xb9: {  	s3 =	sand.u32 $0x4000, s31;
	s1 =	sadd.s32 s1, s30  }
0xba: {  	s0 =	sor.u32 s3, s0;
	s1 =	sshll.u32 s1, $0x11  }
0xbb: {  	s0 =	sor.u32 s1, s0  }
0xbc: {  	s0 =	sadd.s32 $0x8F2B, s0  }
0xbd: {  	[sflag:s0] =	ssyncadd.remote.s32 $0x1  }
0xbe: {  	_ =	sfence.sel $0xFFFF  }
0xbf: {  	[dreg:$0x0] =	wrdreg $0xFFFFFFFF;
	(pc) =	sbr.abs _section_cstart, $3  }
0xc0: {  	[dreg:$0x1] =	wrdreg $0xFFFFFFFF  }
0xc1: {  	_ =	task.clear_ibuf [dreg:s6], $0x2FFFF;
	_ =	strace $0x9FFFFFFF  }
0xc2: {  	(tm) =	ssettm $0x7FFFFFFF  }
0xc3: {  	_ =	shalt  }
tec
execute0_lowered:
.L_overlay_start_1:
0x0: {  	(tag) =	ssettag $0x1  }
0x1: {  	s0 =	rddreg [dreg:$0x0];
	s11 =	stileid.u32  }
0x2: {  	s1 =	rddreg [dreg:$0x1];
	s2 =	simm.s32 $0x0;
	s8 =	smul.u32 $0x50000, s11  }
0x3: {  	s3 =	srdreg.scid;
	s28 =	simm.s32 $0x5000;
	s17 =	smul.u32 $0xA, s11  }
0x4: {  	s29 =	simm.s32 $0x3;
	s30 =	simm.s32 $0x5;
	s19 =	smul.u32 $0x500, s11  }
0x5: {  	[smem:$0x7FF] =	sst s2;
	s3 =	sand.u32 $0x1, s3;
	s25 =	smul.u32 $0x2800, s11  }
0x6: {  	s4 =	sadd.s32 $0x16400, s0;
	s6 =	sadd.s32 $0x2400, s0;
	s5 =	smul.u32 $0x28000, s3  }
0x7: {  	_ =	strace $0x8000004A;
	s7 =	sshll.u32 s3, $0x4;
	s26 =	smul.u32 $0x5000, s3  }
0x8: {  	s9 =	ssub.s32 $0x2, s3;
	s3 =	smul.u32 $0xA0, s3;
	s7 =	sor.u32 s11, s7  }
0x9: {  	s10 =	sshrl.u32 s9, $0x1;
	s8 =	sshrl.u32 s8, $0x2;
	s11 =	simm.s32 $0xA80  }
0xa: {  	s5 =	sadd.s32 s5, s0;
	s12 =	smul.u32 $0x500, s7;
	s23 =	ssub.s32 s9, s10  }
0xb: {  	s31 =	sadd.s32 s8, s1;
	s0 =	sadd.s32 $0xC400, s0;
	s21 =	sadd.s32 s17, s3  }
0xc: {  	s24 =	sadd.s32 s19, s26;
	s10 =	simm.s32 $0xD80;
	[dreg:$0xb] =	wrdreg s0  }
0xd: {  	s17 =	simm.s32 $0xB80;
	s13 =	sadd.s32 $0x4000, s31;
	[dreg:$0x4] =	wrdreg s31  }
0xe: {  	s8 =	simm.s32 $0x0;
	s14 =	sadd.s32 $0x8000, s31;
	[dreg:$0x5] =	wrdreg s13  }
0xf: {  	s15 =	sadd.s32 $0xC000, s31;
	s16 =	sadd.s32 $0x10000, s31;
	[dreg:$0x6] =	wrdreg s14  }
0x10: {  	s22 =	sadd.s32 $0x3E400, s5;
	s0 =	sshll.u32 s21, $0x7;
	[dreg:$0x7] =	wrdreg s15  }
0x11: {  	s5 =	sadd.s32 $0x180, s24;
	s7 =	smax.u32 s23, $0x1;
	[dreg:$0x8] =	wrdreg s16  }
0x12: {  	s21 =	simm.s32 $0x7;
	s23 =	simm.s32 $0x80;
	[dreg:$0x3] =	wrdreg s12  }
0x13: {  	s24 =	simm.s32 $0xF00;
	s18 =	sadd.s32 s6, s12;
	[dreg:$0xf] =	wrdreg s7  }
0x14: {  	s12 =	sor.u32 $0x80, s12;
	s0 =	sadd.s32 $0x100, s0;
	[dreg:$0xd] =	wrdreg s5  }
0x15: {  	s26 =	sadd.s32 s25, s22;
	s25 =	simm.s32 $0x800;
	s7 =	simm.s32 $0x6  }
0x16: {  	s16 =	simm.s32 $0x2;
	s14 =	simm.s32 $0xE00;
	[dreg:$0x9] =	wrdreg s18  }
.Ltmp0:
0x17: {  	s15 =	simm.s32 $0xF80;
	[dreg:$0xa] =	wrdreg s12;
	(pc) =	sbr.rel .LBB2_1-.Ltmp0, $4  }
0x18: {  	s20 =	sadd.s32 s6, s12;
	s18 =	sadd.s32 s6, s5;
	[dreg:$0xe] =	wrdreg s0  }
0x19: {  	s19 =	sadd.s32 s0, s6;
	[dreg:$0x10] =	wrdreg s26;
	s26 =	simm.s32 $0xC00  }
0x1a: {  	s0 =	simm.s32 $0x4;
	s5 =	simm.s32 $0xB00;
	s12 =	simm.s32 $0xE80  }
0x1b: {  	v0 =	vimm.f32 $0.0e+00;
	s6 =	simm.s32 $0x1;
	[dreg:$0xc] =	wrdreg s20;
	s20 =	simm.s32 $0x1000  }
.LBB2_6:
0x1c: {  	_ =	swait.ge [sflag:s0], $0x4000  }
0x1d: {  	[sflag:s0] =	ssyncset.done $0x0  }
0x1e: {  	[sflag:s0] =	ssyncadd.s32 $0xFFFFC000  }
0x1f: {  	[spmem:s1] =	stream.indirect.scatter.add.f32 [tilespmem:s28], [sflag:$0x7], $0x80, s15, s23, $0xb8;
	[tilespmem:$0x1D000] =	vst v63  }
0x20: {  	_ =	swait.ge [sflag:s21], $0x4000  }
0x21: {  	[sflag:s21] =	ssyncset.done $0x0  }
0x22: {  	[sflag:s21] =	ssyncadd.s32 $0xFFFFC000  }
0x23: {  	s3 =	stileid.u32;
	[bflag:$0x0] =	sbarrier.arrive $0xFFFF  }
0x24: {  	s3 =	sshll.u32 s3, $0x6;
	s31 =	rddreg [dreg:$0x4]  }
0x25: {  	s3 =	sor.u32 $0x1C07, s3;
	s9 =	rddreg [dreg:$0x10];
	s8 =	sshrl.u32 s31, $0x3  }
0x26: {  	[hbm:s9], [sflag:s3] =	dma.local [spmem:s8], $0x2800  }
0x27: {  	_ =	swait.ge [sflag:s21], $0x2800  }
0x28: {  	s13 =	rddreg [dreg:$0x11]  }
0x29: {  	s22 =	rddreg [dreg:$0xf];
	s8 =	sadd.s32 $0x1, s13  }
0x2a: {  	p0 =	sne.s32 s8, s22  }
.Ltmp1:
0x2b: {  	_ = 	snop;
	(pc) =	sbr.rel @!p0 .LBB2_7-.Ltmp1, $3  }
0x2c: {  	_ =	sdelay $0x1  }
0x2d: {  	[sflag:s21] =	ssyncset.done $0x0  }
0x2e: {  	[sflag:s21] =	ssyncadd.s32 $0xFFFFD800  }
.LBB2_1:
0x2f: {  	[dreg:$0x11] =	wrdreg s8;
	s13 =	simm.s32 $0x0;
	s22 =	simm.s32 $0x200  }
.LBB2_2:
0x30: {  	p0 =	sne.s32 s22, $0xFE00;
	[tilespmem:s13+$0x1070] =	vst v0  }
0x31: {  	[tilespmem:s13+$0x1000] =	vst v0  }
0x32: {  	[tilespmem:s13+$0x1010] =	vst v0  }
.Ltmp2:
0x33: {  	[tilespmem:s13+$0x1020] =	vst v0;
	(pc) =	sbr.rel @p0 .LBB2_2-.Ltmp2, $4  }
0x34: {  	[tilespmem:s13+$0x1030] =	vst v0  }
0x35: {  	[tilespmem:s13+$0x1040] =	vst v0  }
0x36: {  	[tilespmem:s13+$0x1050] =	vst v0  }
0x37: {  	[tilespmem:s13+$0x1060] =	vst v0;
	s13 =	sshra.s32 s22, $0x2;
	s22 =	sadd.s32 $0x200, s22  }
0x38: {  	[tilespmem:s13+$0x1070] =	vst v0  }
0x39: {  	[tilespmem:s13+$0x1000] =	vst v0  }
0x3a: {  	[tilespmem:s13+$0x1010] =	vst v0  }
0x3b: {  	[tilespmem:s13+$0x1020] =	vst v0  }
0x3c: {  	[tilespmem:s13+$0x1030] =	vst v0  }
0x3d: {  	[tilespmem:s13+$0x1040] =	vst v0  }
0x3e: {  	[tilespmem:s13+$0x1050] =	vst v0  }
0x3f: {  	[tilespmem:s13+$0x1060] =	vst v0  }
0x40: {  	[spmem:s31] =	stream.linear.scatter [tilespmem:s20], [sflag:$0x7], $0x4000, $0x38;
	[tilespmem:$0x1D000] =	vst v63  }
0x41: {  	_ =	swait.ge [sflag:s21], $0x4000  }
0x42: {  	[sflag:s21] =	ssyncset.done $0x0  }
0x43: {  	s3 =	rddreg [dreg:$0x5];
	[sflag:s21] =	ssyncadd.s32 $0xFFFFC000  }
0x44: {  	[spmem:s3] =	stream.linear.scatter [tilespmem:s20], [sflag:$0x7], $0x4000, $0x38;
	[tilespmem:$0x1D000] =	vst v63  }
0x45: {  	_ =	swait.ge [sflag:s21], $0x4000  }
0x46: {  	[sflag:s21] =	ssyncset.done $0x0  }
0x47: {  	s13 =	rddreg [dreg:$0x6];
	[sflag:s21] =	ssyncadd.s32 $0xFFFFC000  }
0x48: {  	[spmem:s13] =	stream.linear.scatter [tilespmem:s20], [sflag:$0x7], $0x4000, $0x38;
	[tilespmem:$0x1D000] =	vst v63  }
0x49: {  	_ =	swait.ge [sflag:s21], $0x4000  }
0x4a: {  	[sflag:s21] =	ssyncset.done $0x0  }
0x4b: {  	s22 =	rddreg [dreg:$0x7];
	[sflag:s21] =	ssyncadd.s32 $0xFFFFC000  }
0x4c: {  	[spmem:s22] =	stream.linear.scatter [tilespmem:s20], [sflag:$0x7], $0x4000, $0x38;
	[tilespmem:$0x1D000] =	vst v63  }
0x4d: {  	_ =	swait.ge [sflag:s21], $0x4000  }
0x4e: {  	[sflag:s21] =	ssyncset.done $0x0  }
0x4f: {  	s8 =	rddreg [dreg:$0x8];
	[sflag:s21] =	ssyncadd.s32 $0xFFFFC000  }
0x50: {  	[spmem:s8] =	stream.linear.scatter [tilespmem:s20], [sflag:$0x7], $0x4000, $0x38;
	[tilespmem:$0x1D000] =	vst v63  }
0x51: {  	_ =	swait.ge [sflag:s21], $0x4000  }
0x52: {  	[sflag:s21] =	ssyncset.done $0x0  }
0x53: {  	s13 =	simm.s32 $0x0;
	s9 =	rddreg [dreg:$0x9];
	[sflag:s21] =	ssyncadd.s32 $0xFFFFC000  }
0x54: {  	[tilespmem:s13], [sflag:$0x7] =	stream.linear.gather [hbm4b:s9+s13], $0x400, $0x38;
	[tilespmem:$0x1D000] =	vst v63  }
0x55: {  	_ =	swait.ge [sflag:s21], $0x400  }
0x56: {  	s22 =	rddreg [dreg:$0x3]  }
0x57: {  	[sflag:s21] =	ssyncset.done $0x0;
	s8 =	rddreg [dreg:$0xb]  }
0x58: {  	s9 =	simm.s32 $0x400;
	[sflag:s21] =	ssyncadd.s32 $0xFFFFFC00;
	s22 =	sadd.s32 s22, s8  }
0x59: {  	[tilespmem:s9], [sflag:$0x7] =	stream.linear.gather [hbm4b:s22+s13], $0x400, $0x38;
	[tilespmem:$0x1D000] =	vst v63  }
0x5a: {  	_ =	swait.ge [sflag:s21], $0x400  }
0x5b: {  	[sflag:s21] =	ssyncset.done $0x0  }
0x5c: {  	s9 =	rddreg [dreg:$0xc];
	[sflag:s21] =	ssyncadd.s32 $0xFFFFFC00  }
0x5d: {  	[tilespmem:s20], [sflag:$0x3] =	stream.indirect.gather [hbm4b:s4+s23], $0x80, s13, s23, $0xb8;
	[tilespmem:$0x1D000] =	vst v63  }
0x5e: {  	s22 =	rddreg [dreg:$0xa]  }
0x5f: {  	[tilespmem:s25], [sflag:$0x2] =	stream.linear.gather [hbm4b:s9+s13], $0x400, $0x38;
	[tilespmem:$0x1D000] =	vst v63  }
0x60: {  	s3 =	sadd.s32 s22, s8  }
0x61: {  	[tilespmem:s26], [sflag:$0x2] =	stream.linear.gather [hbm4b:s3+s13], $0x400, $0x38;
	[tilespmem:$0x1D000] =	vst v63  }
0x62: {  	[bflag:$0x0] =	sbarrier.arrive $0xFFFF  }
0x63: {  	s9 =	rddreg [dreg:$0xd]  }
0x64: {  	s22 =	rddreg [dreg:$0xe]  }
0x65: {  	s31 =	sadd.s32 s8, s9;
	s22 =	sadd.s32 s8, s22  }
.LBB2_4:
0x66: {  	[tilespmem:s28], [sflag:$0x4] =	stream.indirect.gather [hbm4b:s4+s23], $0x80, s23, s23, $0xb8;
	[tilespmem:$0x1D000] =	vst v63  }
0x67: {  	_ =	swait.ge [sflag:s29], $0x4000  }
0x68: {  	[sflag:s29] =	ssyncset.done $0x0  }
0x69: {  	s3 =	simm.s32 $0x400;
	[sflag:s29] =	ssyncadd.s32 $0xFFFFC000  }
0x6a: {  	[spmem:s1] =	stream.indirect.scatter.add.f32 [tilespmem:s20], [sflag:$0x5], $0x80, s3, s23, $0xb8;
	[tilespmem:$0x1D000] =	vst v63  }
0x6b: {  	_ =	swait.ge [sflag:s30], $0x4000  }
0x6c: {  	[sflag:s30] =	ssyncset.done $0x0  }
0x6d: {  	s9 =	simm.s32 $0x100;
	[sflag:s30] =	ssyncadd.s32 $0xFFFFC000  }
0x6e: {  	[tilespmem:s20], [sflag:$0x3] =	stream.indirect.gather [hbm4b:s4+s23], $0x80, s9, s23, $0xb8;
	[tilespmem:$0x1D000] =	vst v63  }
0x6f: {  	_ =	swait.ge [sflag:s0], $0x4000  }
0x70: {  	[sflag:s0] =	ssyncset.done $0x0  }
0x71: {  	s8 =	simm.s32 $0x480;
	[sflag:s0] =	ssyncadd.s32 $0xFFFFC000  }
0x72: {  	[spmem:s1] =	stream.indirect.scatter.add.f32 [tilespmem:s28], [sflag:$0x6], $0x80, s8, s23, $0xb8;
	[tilespmem:$0x1D000] =	vst v63  }
0x73: {  	_ =	swait.ge [sflag:s7], $0x4000  }
0x74: {  	[sflag:s7] =	ssyncset.done $0x0  }
0x75: {  	s9 =	simm.s32 $0x180;
	[sflag:s7] =	ssyncadd.s32 $0xFFFFC000  }
0x76: {  	[tilespmem:s28], [sflag:$0x4] =	stream.indirect.gather [hbm4b:s4+s23], $0x80, s9, s23, $0xb8;
	[tilespmem:$0x1D000] =	vst v63  }
0x77: {  	_ =	swait.ge [sflag:s29], $0x4000  }
0x78: {  	[sflag:s29] =	ssyncset.done $0x0  }
0x79: {  	s8 =	simm.s32 $0x500;
	[sflag:s29] =	ssyncadd.s32 $0xFFFFC000  }
0x7a: {  	[spmem:s1] =	stream.indirect.scatter.add.f32 [tilespmem:s20], [sflag:$0x5], $0x80, s8, s23, $0xb8;
	[tilespmem:$0x1D000] =	vst v63  }
0x7b: {  	_ =	swait.ge [sflag:s30], $0x4000  }
0x7c: {  	[sflag:s30] =	ssyncset.done $0x0  }
0x7d: {  	s9 =	simm.s32 $0x200;
	[sflag:s30] =	ssyncadd.s32 $0xFFFFC000  }
0x7e: {  	[tilespmem:s20], [sflag:$0x3] =	stream.indirect.gather [hbm4b:s4+s23], $0x80, s9, s23, $0xb8;
	[tilespmem:$0x1D000] =	vst v63  }
0x7f: {  	_ =	swait.ge [sflag:s0], $0x4000  }
0x80: {  	[sflag:s0] =	ssyncset.done $0x0  }
0x81: {  	s8 =	simm.s32 $0x580;
	[sflag:s0] =	ssyncadd.s32 $0xFFFFC000  }
0x82: {  	[spmem:s1] =	stream.indirect.scatter.add.f32 [tilespmem:s28], [sflag:$0x6], $0x80, s8, s23, $0xb8;
	[tilespmem:$0x1D000] =	vst v63  }
0x83: {  	_ =	swait.ge [sflag:s7], $0x4000  }
0x84: {  	[sflag:s7] =	ssyncset.done $0x0  }
0x85: {  	s9 =	simm.s32 $0x280;
	[sflag:s7] =	ssyncadd.s32 $0xFFFFC000  }
0x86: {  	[tilespmem:s28], [sflag:$0x4] =	stream.indirect.gather [hbm4b:s4+s23], $0x80, s9, s23, $0xb8;
	[tilespmem:$0x1D000] =	vst v63  }
0x87: {  	_ =	swait.ge [sflag:s29], $0x4000  }
0x88: {  	[sflag:s29] =	ssyncset.done $0x0  }
0x89: {  	s8 =	simm.s32 $0x600;
	[sflag:s29] =	ssyncadd.s32 $0xFFFFC000  }
0x8a: {  	[spmem:s1] =	stream.indirect.scatter.add.f32 [tilespmem:s20], [sflag:$0x5], $0x80, s8, s23, $0xb8;
	[tilespmem:$0x1D000] =	vst v63  }
0x8b: {  	_ =	swait.ge [sflag:s30], $0x4000  }
0x8c: {  	[sflag:s30] =	ssyncset.done $0x0  }
0x8d: {  	s9 =	simm.s32 $0x300;
	[sflag:s30] =	ssyncadd.s32 $0xFFFFC000  }
0x8e: {  	[tilespmem:s20], [sflag:$0x3] =	stream.indirect.gather [hbm4b:s4+s23], $0x80, s9, s23, $0xb8;
	[tilespmem:$0x1D000] =	vst v63  }
0x8f: {  	_ =	swait.ge [sflag:s0], $0x4000  }
0x90: {  	[sflag:s0] =	ssyncset.done $0x0  }
0x91: {  	s8 =	simm.s32 $0x680;
	[sflag:s0] =	ssyncadd.s32 $0xFFFFC000  }
0x92: {  	[spmem:s1] =	stream.indirect.scatter.add.f32 [tilespmem:s28], [sflag:$0x6], $0x80, s8, s23, $0xb8;
	[tilespmem:$0x1D000] =	vst v63  }
0x93: {  	_ =	swait.ge [sflag:s7], $0x4000  }
0x94: {  	[sflag:s7] =	ssyncset.done $0x0  }
0x95: {  	s9 =	simm.s32 $0x380;
	[sflag:s7] =	ssyncadd.s32 $0xFFFFC000  }
0x96: {  	[tilespmem:s28], [sflag:$0x4] =	stream.indirect.gather [hbm4b:s4+s23], $0x80, s9, s23, $0xb8;
	[tilespmem:$0x1D000] =	vst v63  }
0x97: {  	_ =	swait.ge [sflag:s29], $0x4000  }
0x98: {  	[sflag:s29] =	ssyncset.done $0x0  }
0x99: {  	s8 =	simm.s32 $0x700;
	[sflag:s29] =	ssyncadd.s32 $0xFFFFC000  }
0x9a: {  	[spmem:s1] =	stream.indirect.scatter.add.f32 [tilespmem:s20], [sflag:$0x5], $0x80, s8, s23, $0xb8;
	[tilespmem:$0x1D000] =	vst v63  }
0x9b: {  	_ =	swait.ge [sflag:s30], $0x4000  }
0x9c: {  	[sflag:s30] =	ssyncset.done $0x0  }
0x9d: {  	[sflag:s30] =	ssyncadd.s32 $0xFFFFC000  }
0x9e: {  	_ =	swait.ge [sflag:s16], $0x400  }
0x9f: {  	[sflag:s16] =	ssyncset.done $0x0  }
0xa0: {  	[sflag:s16] =	ssyncadd.s32 $0xFFFFFC00  }
0xa1: {  	_ =	swait.ge [sflag:s16], $0x400  }
0xa2: {  	[sflag:s16] =	ssyncset.done $0x0  }
0xa3: {  	[sflag:s16] =	ssyncadd.s32 $0xFFFFFC00  }
0xa4: {  	[tilespmem:s20], [sflag:$0x3] =	stream.indirect.gather [hbm4b:s4+s23], $0x80, s25, s23, $0xb8;
	[tilespmem:$0x1D000] =	vst v63  }
0xa5: {  	_ =	swait.ge [sflag:s0], $0x4000  }
0xa6: {  	[sflag:s0] =	ssyncset.done $0x0  }
0xa7: {  	s9 =	simm.s32 $0x780;
	[sflag:s0] =	ssyncadd.s32 $0xFFFFC000  }
0xa8: {  	[spmem:s1] =	stream.indirect.scatter.add.f32 [tilespmem:s28], [sflag:$0x7], $0x80, s9, s23, $0xb8;
	[tilespmem:$0x1D000] =	vst v63  }
0xa9: {  	_ =	swait.ge [sflag:s21], $0x4000  }
0xaa: {  	p0 =	seq.s32 s13, $0x400;
	[sflag:s21] =	ssyncset.done $0x0  }
0xab: {  	s3 =	sadd.s32 @!p0 s13, s19;
	s8 =	simm.s32 @!p0 $0x0;
	[sflag:s21] =	ssyncadd.s32 $0xFFFFC000  }
0xac: {  	[tilespmem:s8], [sflag:$0x1] =	stream.linear.gather @!p0 [hbm4b:s3+s8], $0x400, $0x38;
	[tilespmem:$0x1D000] =	vst v63  }
0xad: {  	s9 =	simm.s32 @!p0 $0x400;
	s3 =	sadd.s32 @!p0 s13, s22  }
0xae: {  	[tilespmem:s9], [sflag:$0x1] =	stream.linear.gather @!p0 [hbm4b:s3+s8], $0x400, $0x38;
	[tilespmem:$0x1D000] =	vst v63  }
0xaf: {  	s8 =	simm.s32 $0x880  }
0xb0: {  	[tilespmem:s28], [sflag:$0x4] =	stream.indirect.gather [hbm4b:s4+s23], $0x80, s8, s23, $0xb8;
	[tilespmem:$0x1D000] =	vst v63  }
0xb1: {  	_ =	swait.ge [sflag:s29], $0x4000  }
0xb2: {  	[sflag:s29] =	ssyncset.done $0x0  }
0xb3: {  	[sflag:s29] =	ssyncadd.s32 $0xFFFFC000  }
0xb4: {  	[spmem:s1] =	stream.indirect.scatter.add.f32 [tilespmem:s20], [sflag:$0x5], $0x80, s26, s23, $0xb8;
	[tilespmem:$0x1D000] =	vst v63  }
0xb5: {  	_ =	swait.ge [sflag:s30], $0x4000  }
0xb6: {  	[sflag:s30] =	ssyncset.done $0x0  }
0xb7: {  	s9 =	simm.s32 $0x900;
	[sflag:s30] =	ssyncadd.s32 $0xFFFFC000  }
0xb8: {  	[tilespmem:s20], [sflag:$0x3] =	stream.indirect.gather [hbm4b:s4+s23], $0x80, s9, s23, $0xb8;
	[tilespmem:$0x1D000] =	vst v63  }
0xb9: {  	_ =	swait.ge [sflag:s0], $0x4000  }
0xba: {  	[sflag:s0] =	ssyncset.done $0x0  }
0xbb: {  	s8 =	simm.s32 $0xC80;
	[sflag:s0] =	ssyncadd.s32 $0xFFFFC000  }
0xbc: {  	[spmem:s1] =	stream.indirect.scatter.add.f32 [tilespmem:s28], [sflag:$0x6], $0x80, s8, s23, $0xb8;
	[tilespmem:$0x1D000] =	vst v63  }
0xbd: {  	_ =	swait.ge [sflag:s7], $0x4000  }
0xbe: {  	[sflag:s7] =	ssyncset.done $0x0  }
0xbf: {  	s9 =	simm.s32 $0x980;
	[sflag:s7] =	ssyncadd.s32 $0xFFFFC000  }
0xc0: {  	[tilespmem:s28], [sflag:$0x4] =	stream.indirect.gather [hbm4b:s4+s23], $0x80, s9, s23, $0xb8;
	[tilespmem:$0x1D000] =	vst v63  }
0xc1: {  	_ =	swait.ge [sflag:s29], $0x4000  }
0xc2: {  	[sflag:s29] =	ssyncset.done $0x0  }
0xc3: {  	s8 =	simm.s32 $0xD00;
	[sflag:s29] =	ssyncadd.s32 $0xFFFFC000  }
0xc4: {  	[spmem:s1] =	stream.indirect.scatter.add.f32 [tilespmem:s20], [sflag:$0x5], $0x80, s8, s23, $0xb8;
	[tilespmem:$0x1D000] =	vst v63  }
0xc5: {  	_ =	swait.ge [sflag:s30], $0x4000  }
0xc6: {  	[sflag:s30] =	ssyncset.done $0x0  }
0xc7: {  	s9 =	simm.s32 $0xA00;
	[sflag:s30] =	ssyncadd.s32 $0xFFFFC000  }
0xc8: {  	[tilespmem:s20], [sflag:$0x3] =	stream.indirect.gather [hbm4b:s4+s23], $0x80, s9, s23, $0xb8;
	[tilespmem:$0x1D000] =	vst v63  }
0xc9: {  	_ =	swait.ge [sflag:s0], $0x4000  }
0xca: {  	[sflag:s0] =	ssyncset.done $0x0  }
0xcb: {  	[sflag:s0] =	ssyncadd.s32 $0xFFFFC000  }
0xcc: {  	[spmem:s1] =	stream.indirect.scatter.add.f32 [tilespmem:s28], [sflag:$0x6], $0x80, s10, s23, $0xb8;
	[tilespmem:$0x1D000] =	vst v63  }
0xcd: {  	_ =	swait.ge [sflag:s7], $0x4000  }
0xce: {  	[sflag:s7] =	ssyncset.done $0x0  }
0xcf: {  	[sflag:s7] =	ssyncadd.s32 $0xFFFFC000  }
0xd0: {  	[tilespmem:s28], [sflag:$0x4] =	stream.indirect.gather [hbm4b:s4+s23], $0x80, s11, s23, $0xb8;
	[tilespmem:$0x1D000] =	vst v63  }
0xd1: {  	_ =	swait.ge [sflag:s29], $0x4000  }
0xd2: {  	[sflag:s29] =	ssyncset.done $0x0  }
0xd3: {  	[sflag:s29] =	ssyncadd.s32 $0xFFFFC000  }
0xd4: {  	[spmem:s1] =	stream.indirect.scatter.add.f32 [tilespmem:s20], [sflag:$0x5], $0x80, s14, s23, $0xb8;
	[tilespmem:$0x1D000] =	vst v63  }
0xd5: {  	_ =	swait.ge [sflag:s30], $0x4000  }
0xd6: {  	[sflag:s30] =	ssyncset.done $0x0  }
0xd7: {  	[sflag:s30] =	ssyncadd.s32 $0xFFFFC000  }
0xd8: {  	[tilespmem:s20], [sflag:$0x3] =	stream.indirect.gather [hbm4b:s4+s23], $0x80, s5, s23, $0xb8;
	[tilespmem:$0x1D000] =	vst v63  }
0xd9: {  	_ =	swait.ge [sflag:s0], $0x4000  }
0xda: {  	[sflag:s0] =	ssyncset.done $0x0  }
0xdb: {  	[sflag:s0] =	ssyncadd.s32 $0xFFFFC000  }
0xdc: {  	[spmem:s1] =	stream.indirect.scatter.add.f32 [tilespmem:s28], [sflag:$0x6], $0x80, s12, s23, $0xb8;
	[tilespmem:$0x1D000] =	vst v63  }
0xdd: {  	_ =	swait.ge [sflag:s7], $0x4000  }
0xde: {  	[sflag:s7] =	ssyncset.done $0x0  }
0xdf: {  	[sflag:s7] =	ssyncadd.s32 $0xFFFFC000  }
0xe0: {  	[tilespmem:s28], [sflag:$0x4] =	stream.indirect.gather [hbm4b:s4+s23], $0x80, s17, s23, $0xb8;
	[tilespmem:$0x1D000] =	vst v63  }
0xe1: {  	_ =	swait.ge [sflag:s29], $0x4000  }
0xe2: {  	[sflag:s29] =	ssyncset.done $0x0  }
.Ltmp3:
0xe3: {  	[sflag:s29] =	ssyncadd.s32 $0xFFFFC000;
	(pc) =	sbr.rel @p0 .LBB2_6-.Ltmp3, $4  }
0xe4: {  	[spmem:s1] =	stream.indirect.scatter.add.f32 [tilespmem:s20], [sflag:$0x5], $0x80, s24, s23, $0xb8;
	[tilespmem:$0x1D000] =	vst v63  }
0xe5: {  	_ =	swait.ge [sflag:s30], $0x4000  }
0xe6: {  	[sflag:s30] =	ssyncset.done $0x0  }
0xe7: {  	[sflag:s30] =	ssyncadd.s32 $0xFFFFC000  }
0xe8: {  	_ =	swait.ge [sflag:s6], $0x400  }
0xe9: {  	[sflag:s6] =	ssyncset.done $0x0  }
0xea: {  	[sflag:s6] =	ssyncadd.s32 $0xFFFFFC00  }
0xeb: {  	_ =	swait.ge [sflag:s6], $0x400  }
0xec: {  	[sflag:s6] =	ssyncset.done $0x0  }
0xed: {  	[sflag:s6] =	ssyncadd.s32 $0xFFFFFC00  }
0xee: {  	[tilespmem:s20], [sflag:$0x3] =	stream.indirect.gather [hbm4b:s4+s23], $0x80, s2, s23, $0xb8;
	[tilespmem:$0x1D000] =	vst v63  }
0xef: {  	_ =	swait.ge [sflag:s0], $0x4000  }
0xf0: {  	[sflag:s0] =	ssyncset.done $0x0  }
0xf1: {  	[sflag:s0] =	ssyncadd.s32 $0xFFFFC000  }
0xf2: {  	[spmem:s1] =	stream.indirect.scatter.add.f32 [tilespmem:s28], [sflag:$0x7], $0x80, s15, s23, $0xb8;
	[tilespmem:$0x1D000] =	vst v63  }
0xf3: {  	_ =	swait.ge [sflag:s21], $0x4000  }
.Ltmp4:
0xf4: {  	[sflag:s21] =	ssyncset.done $0x0;
	(pc) =	sbr.rel .LBB2_4-.Ltmp4, $4  }
0xf5: {  	s3 =	sadd.s32 s13, s18;
	[sflag:s21] =	ssyncadd.s32 $0xFFFFC000  }
0xf6: {  	[tilespmem:s25], [sflag:$0x2] =	stream.linear.gather [hbm4b:s3+s2], $0x400, $0x38;
	[tilespmem:$0x1D000] =	vst v63  }
0xf7: {  	s9 =	sadd.s32 s13, s31;
	s13 =	sadd.s32 $0x100, s13  }
0xf8: {  	[tilespmem:s26], [sflag:$0x2] =	stream.linear.gather [hbm4b:s9+s2], $0x400, $0x38;
	[tilespmem:$0x1D000] =	vst v63  }
.LBB2_7:
0xf9: {  	_ =	sfence.sel $0x180000  }
0xfa: {  	[bflag:$0x0] =	sbarrier.arrive $0xFFFF  }
0xfb: {  	_ =	strace $0x9000004A  }
0xfc: {  	s0 =	stileid.u32;
	[bflag:$0x2] =	sbarrier.arrive $0xFFFF  }
0xfd: {  	p0 =	sne.s32 s0, $0x0;
	s0 =	rddreg [dreg:$0x2]  }
0xfe: {  	s0 =	sadd.s32 @!p0 $0x100000, s0  }
0xff: {  	[sflag:s0] =	ssyncadd.tile.s32 @!p0 $0x1;
	_ =	shalt  }
.Lfunc_end2:
_tile_overlayer_lowered:
.L_overlay_start_2:
0x100: {  	(tag) =	ssettag $0x2  }
0x101: {  	s0 =	rddreg [dreg:$0x0];
	s2 =	stileid.u32  }
0x102: {  	s1 =	rddreg [dreg:$0x1];
	p0 =	sne.s32 s2, $0x0  }
0x103: {  	s3 =	rddreg [dreg:$0x2];
	[bflag:$0x3] =	sbarrier.arrive $0xFFFF;
	s2 =	simm.s32 @!p0 $0x1C07  }
0x104: {  	[timem:s3], [sflag:s2] =	dma.local @!p0 [hbm:s0], s1  }
0x105: {  	s0 =	simm.s32 @!p0 $0x7  }
0x106: {  	_ =	swait.ge @!p0 [sflag:s0], s1  }
0x107: {  	s1 =	ssub.s32 @!p0 $0x0, s1;
	[sflag:s0] =	ssyncset.done @!p0 $0x0  }
0x108: {  	[sflag:s0] =	ssyncadd.s32 @!p0 s1  }
0x109: {  	[bflag:$0x3] =	sbarrier.arrive $0xFFFF  }
0x10a: {  	_ =	shalt  }

// kernel: kernel.14.cloned.1.call-start
scs
__scs_entry_jumppad:
0x0: {  	(pc) =	sbr.rel $0x88, $3  }
0x1: {  	(tag) =	ssettag $0x0;
	lr =	simm.s32 $0x1  }
0x2: {  	[smem:$0x3F9B] =	sst lr;
	_ =	strace $0xD0000000  }
0x3: {  	_ = 	snop  }
0x4: {  	_ = 	snop  }
0x5: {  	_ = 	snop  }
0x6: {  	_ = 	snop  }
0x7: {  	_ = 	snop  }
__scs_overlays_trampoline_lowered:
0x8: {  	[smem:$0x3FAA] =	sst s0  }
0x9: {  	[smem:$0x3FAB] =	sst s1  }
0xa: {  	[smem:$0x3FAC] =	sst s2  }
0xb: {  	[smem:$0x3FAD] =	sst s3  }
0xc: {  	[smem:$0x3FAE] =	sst s4  }
0xd: {  	[smem:$0x3FAF] =	sst s5  }
0xe: {  	[smem:$0x3FB0] =	sst s6  }
0xf: {  	[smem:$0x3FB1] =	sst s7  }
0x10: {  	[smem:$0x3FB2] =	sst s8  }
0x11: {  	[smem:$0x3FB3] =	sst s9;
	s0 =	simm.s32 @!p0 $0x0  }
0x12: {  	s1 =	sld [smem:$0x3F99];
	s0 =	simm.s32 @p0 $0x1  }
0x13: {  	[smem:$0x3FB4] =	sst s0;
	s0 =	simm.s32 @!p1 $0x0  }
0x14: {  	s2 =	sld [smem:$0x3F98];
	s0 =	simm.s32 @p1 $0x1  }
0x15: {  	[smem:$0x3FB5] =	sst s0;
	s0 =	simm.s32 @!p2 $0x0  }
0x16: {  	s3 =	sld [smem:$0x3FDB];
	s0 =	simm.s32 @p2 $0x1  }
0x17: {  	s4 =	simm.s32 $0x1BF5;
	[smem:$0x3FB7] =	sst s0  }
0x18: {  	s0 =	sld [smem:$0x3F9A];
	_ =	swait.ge [sflag:s4], $0x0  }
0x19: {  	s7 =	sld [smem:$0x3F9B]  }
0x1a: {  	s8 =	sadd.s32 $0xFFFFE003, lr  }
0x1b: {  	s9 =	sadd.s32 $0xFFFFFEF7, lr;
	s5 =	simm.s32 $0xFFFFFFFF;
	p2 =	slt.u32 s8, $0xFFFFF086  }
0x1c: {  	p1 =	slt.u32 s9, $0xF7A;
	s5 =	simm.s32 @!p2 $0x0  }
0x1d: {  	s5 =	simm.s32 @p1 $0x1;
	p0 =	seq.s32 s7, s2  }
0x1e: {  	s7 =	smul.u32 @!p0 $0xF7A, s2;
	p2 =	seq.s32 @!p0 s5, $0x0  }
0x1f: {  	s9 =	smul.u32 $0xF7A, s1;
	s8 =	simm.s32 @!p0 $0x1BF5;
	p2 =	por !p2, p0  }
0x20: {  	[sflag:s8] =	ssyncset.s32 @!p0 $0xFFFFF086;
	s6 =	sadd.s32 @!p0 s3, s7;
	s7 =	simm.s32 @!p0 $0x108  }
0x21: {  	s3 =	sadd.s32 s3, s9;
	s6 =	sadd.s32 @!p0 $0x88, s6;
	s7 =	simm.s32 @p2 $0x1082  }
0x22: {  	[simem:s7], [sflag:s8] =	dma.local @!p0 [hbm:s6], $0xF7A  }
0x23: {  	s9 =	sor.u32 $0xD0000000, s2;
	s6 =	simm.s32 $0x108;
	_ =	swait.ge @!p0 [sflag:s8], $0x0  }
0x24: {  	s3 =	sadd.s32 $0x88, s3;
	s6 =	simm.s32 @!p1 $0x1082;
	[sflag:s4] =	ssyncset.s32 $0xFFFFF086  }
0x25: {  	[simem:s6], [sflag:s4] =	dma.local [hbm:s3], $0xF7A  }
0x26: {  	[smem:$0x3F9B] =	sst s1;
	(tag) =	ssettag s2;
	_ =	strace s9  }
0x27: {  	s1 =	sld [smem:$0x3FAB]  }
0x28: {  	s2 =	sld [smem:$0x3FAC]  }
0x29: {  	s4 =	sld [smem:$0x3FAE]  }
0x2a: {  	p0 =	seq.s32 s5, $0x0;
	s5 =	sld [smem:$0x3FAF]  }
0x2b: {  	s6 =	sld [smem:$0x3FB0]  }
0x2c: {  	s7 =	sld [smem:$0x3FB1]  }
0x2d: {  	s3 =	simm.s32 $0x108;
	s8 =	sld [smem:$0x3FB2]  }
0x2e: {  	s3 =	simm.s32 @!p0 $0x1082;
	s9 =	sld [smem:$0x3FB3]  }
0x2f: {  	lr =	sadd.s32 s0, s3;
	s0 =	sld [smem:$0x3FAA]  }
0x30: {  	s3 =	sld [smem:$0x3FAD]  }
0x31: {  	[smem:$0x3FB6] =	sst s10  }
0x32: {  	s10 =	sld [smem:$0x3FB4];
	_ =	sdelay $0x3  }
0x33: {  	p0 =	seq.s32 s10, $0x1;
	s10 =	sld [smem:$0x3FB6];
	_ =	sdelay $0x3  }
0x34: {  	[smem:$0x3FB6] =	sst s10  }
0x35: {  	s10 =	sld [smem:$0x3FB5];
	_ =	sdelay $0x3  }
0x36: {  	p1 =	seq.s32 s10, $0x1;
	s10 =	sld [smem:$0x3FB6];
	_ =	sdelay $0x3  }
0x37: {  	[smem:$0x3FB6] =	sst s10  }
0x38: {  	s10 =	sld [smem:$0x3FB7]  }
0x39: {  	_ = 	snop;
	(pc) =	sbr.ind lr, $3  }
0x3a: {  	_ = 	snop  }
0x3b: {  	_ = 	snop  }
0x3c: {  	p2 =	seq.s32 s10, $0x1;
	s10 =	sld [smem:$0x3FB6]  }
0x3d: {  	_ =	shalt  }
0x3e: {  	_ =	shalt  }
0x3f: {  	_ =	shalt  }
0x40: {  	_ =	shalt  }
0x41: {  	_ =	shalt  }
0x42: {  	_ =	shalt  }
0x43: {  	_ =	shalt  }
0x44: {  	_ =	shalt  }
0x45: {  	_ =	shalt  }
0x46: {  	_ =	shalt  }
0x47: {  	_ =	shalt  }
0x48: {  	_ =	shalt  }
0x49: {  	_ =	shalt  }
0x4a: {  	_ =	shalt  }
0x4b: {  	_ =	shalt  }
0x4c: {  	_ =	shalt  }
0x4d: {  	_ =	shalt  }
0x4e: {  	_ =	shalt  }
0x4f: {  	_ =	shalt  }
0x50: {  	_ =	shalt  }
0x51: {  	_ =	shalt  }
0x52: {  	_ =	shalt  }
0x53: {  	_ =	shalt  }
0x54: {  	_ =	shalt  }
0x55: {  	_ =	shalt  }
0x56: {  	_ =	shalt  }
0x57: {  	_ =	shalt  }
0x58: {  	_ =	shalt  }
0x59: {  	_ =	shalt  }
0x5a: {  	_ =	shalt  }
0x5b: {  	_ =	shalt  }
0x5c: {  	_ =	shalt  }
0x5d: {  	_ =	shalt  }
0x5e: {  	_ =	shalt  }
0x5f: {  	_ =	shalt  }
0x60: {  	_ =	shalt  }
0x61: {  	_ =	shalt  }
0x62: {  	_ =	shalt  }
0x63: {  	_ =	shalt  }
0x64: {  	_ =	shalt  }
0x65: {  	_ =	shalt  }
0x66: {  	_ =	shalt  }
0x67: {  	_ =	shalt  }
0x68: {  	_ =	shalt  }
0x69: {  	_ =	shalt  }
0x6a: {  	_ =	shalt  }
0x6b: {  	_ =	shalt  }
0x6c: {  	_ =	shalt  }
0x6d: {  	_ =	shalt  }
0x6e: {  	_ =	shalt  }
0x6f: {  	_ =	shalt  }
0x70: {  	_ =	shalt  }
0x71: {  	_ =	shalt  }
0x72: {  	_ =	shalt  }
0x73: {  	_ =	shalt  }
0x74: {  	_ =	shalt  }
0x75: {  	_ =	shalt  }
0x76: {  	_ =	shalt  }
0x77: {  	_ =	shalt  }
0x78: {  	_ =	shalt  }
0x79: {  	_ =	shalt  }
0x7a: {  	_ =	shalt  }
0x7b: {  	_ =	shalt  }
0x7c: {  	_ =	shalt  }
0x7d: {  	_ =	shalt  }
0x7e: {  	_ =	shalt  }
0x7f: {  	_ =	shalt  }
0x80: {  	_ =	shalt  }
0x81: {  	_ =	shalt  }
0x82: {  	_ =	shalt  }
0x83: {  	_ =	shalt  }
0x84: {  	_ =	shalt  }
0x85: {  	_ =	shalt  }
0x86: {  	_ =	shalt  }
0x87: {  	_ =	shalt  }
.Lfunc_end0:
.L_simem_size_0:
called_computation.2_lowered:
.L_overlay_start_0:
0x88: {  	s2 =	sld [smem:$0x3FD9]  }
0x89: {  	s3 =	sld [smem:$0x3FFE];
	_ =	sdelay $0x1  }
0x8a: {  	s1 =	srdreg.scid  }
0x8b: {  	s0 =	sand.u32 $0x1, s1  }
0x8c: {  	s16 =	sshll.u32 s0, $0xA;
	s2 =	sadd.s32 s3, s2  }
0x8d: {  	s2 =	sadd.s32 s2, s16  }
0x8e: {  	[smem:$0x3FC2] =	sst s2  }
0x8f: {  	_ = 	snop  }
0x90: {  	(tm) =	ssettm $0x1  }
0x91: {  	s17 =	sld [smem:$0x3FFB];
	_ =	sdelay $0x3  }
0x92: {  	_ =	strace s17  }
0x93: {  	s2 =	sld [smem:$0x3FFC];
	_ =	sdelay $0x3  }
0x94: {  	_ =	strace s2  }
0x95: {  	s2 =	sld [smem:$0x3FFD];
	_ =	sdelay $0x3  }
0x96: {  	_ =	strace s2  }
0x97: {  	_ =	strace $0x8FFFFFFF  }
0x98: {  	s18 =	sld [smem:$0x3FDB];
	_ =	sdelay $0x1  }
0x99: {  	s19 =	simm.s32 $_scs_section_size  }
0x9a: {  	s4 =	simm.s32 $_size__tile_overlayer_lowered;
	s5 =	simm.s32 $_tile_overlayer_lowered  }
0x9b: {  	s22 =	simm.s32 $0x1BFF;
	s21 =	sshll.u32 s5, $0x1;
	s2 =	sadd.s32 s19, s18  }
0x9c: {  	s6 =	simm.s32 $0x0;
	s20 =	sshll.u32 s4, $0x1;
	s4 =	sadd.s32 s21, s2  }
0x9d: {  	[timem:s6], [sflag:s22] =	dma.local [hbm:s4], s20  }
0x9e: {  	_ =	swait.ge [sflag:s22], s20  }
0x9f: {  	s3 =	ssub.s32 $0x0, s20;
	[sflag:s22] =	ssyncset.done $0x0  }
0xa0: {  	[sflag:s22] =	ssyncadd.s32 s3;
	_ =	sdelay $0x1  }
0xa1: {  	s23 =	simm.s32 $0x1B8B  }
0xa2: {  	_ =	swait.ge [sflag:s23], $0x1  }
0xa3: {  	[sflag:s23] =	ssyncset.done $0x0  }
0xa4: {  	s25 =	simm.s32 $0x1B8E;
	s24 =	sld [smem:$0x3FFE];
	[sflag:s23] =	ssyncadd.s32 $0xFFFFFFFF  }
0xa5: {  	s26 =	simm.s32 $execute0_lowered;
	[smem:$0x3FD2] =	sst s25  }
0xa6: {  	s4 =	sshll.u32 s26, $0x1;
	_ =	strace $0x8000004C;
	[dreg:$0x1] =	wrdreg $0xFFFFFFFF  }
0xa7: {  	s28 =	simm.s32 $_size_execute0_lowered;
	s2 =	sadd.s32 s2, s4;
	[dreg:$0x0] =	wrdreg $0x0  }
0xa8: {  	s4 =	sshll.u32 s28, $0x1;
	[dreg:$0x2] =	wrdreg s2  }
0xa9: {  	[dreg:$0x3] =	wrdreg s4  }
0xaa: {  	[dreg:$0x4] =	wrdreg $0xC0  }
0xab: {  	_ =	task [dreg:s6], $0x5FFFF  }
0xac: {  	[dreg:$0x1] =	wrdreg $0xFFFFFFFF  }
0xad: {  	[dreg:$0x0] =	wrdreg $0x60  }
0xae: {  	[dreg:$0x2] =	wrdreg s24  }
0xaf: {  	[dreg:$0x3] =	wrdreg $0x50000  }
0xb0: {  	[dreg:$0x4] =	wrdreg $0x9  }
0xb1: {  	_ =	task.clear_ibuf [dreg:s6], $0x5FFFF;
	_ =	strace $0x9000004C  }
0xb2: {  	s29 =	simm.s32 $0x9;
	_ =	strace $0x8000004E  }
0xb3: {  	_ =	swait.ge [sflag:s29], $0x1  }
0xb4: {  	[sflag:s29] =	ssyncadd.s32 $0xFFFFFFFF  }
0xb5: {  	_ =	strace $0x9000004E  }
0xb6: {  	_ =	sfence  }
0xb7: {  	s30 =	sld [smem:$0x0];
	_ =	sdelay $0x2  }
0xb8: {  	s31 =	sshll.u32 s1, $0xD;
	s1 =	sshrl.u32 s1, $0x2  }
0xb9: {  	s3 =	sand.u32 $0x4000, s31;
	s1 =	sadd.s32 s1, s30  }
0xba: {  	s0 =	sor.u32 s3, s0;
	s1 =	sshll.u32 s1, $0x11  }
0xbb: {  	s0 =	sor.u32 s1, s0  }
0xbc: {  	s0 =	sadd.s32 $0x8F2B, s0  }
0xbd: {  	[sflag:s0] =	ssyncadd.remote.s32 $0x1  }
0xbe: {  	_ =	sfence.sel $0xFFFF  }
0xbf: {  	[dreg:$0x0] =	wrdreg $0xFFFFFFFF;
	(pc) =	sbr.abs _section_cstart, $3  }
0xc0: {  	[dreg:$0x1] =	wrdreg $0xFFFFFFFF  }
0xc1: {  	_ =	task.clear_ibuf [dreg:s6], $0x2FFFF;
	_ =	strace $0x9FFFFFFF  }
0xc2: {  	(tm) =	ssettm $0x7FFFFFFF  }
0xc3: {  	_ =	shalt  }
tec
execute0_lowered:
.L_overlay_start_1:
0x0: {  	(tag) =	ssettag $0x1  }
0x1: {  	s0 =	rddreg [dreg:$0x0]  }
0x2: {  	s1 =	rddreg [dreg:$0x1];
	s2 =	simm.s32 $0x0;
	s3 =	srdreg.scid  }
0x3: {  	s12 =	stileid.u32;
	s28 =	simm.s32 $0x3000;
	s29 =	simm.s32 $0x3  }
0x4: {  	s30 =	simm.s32 $0x5;
	s31 =	simm.s32 $0x1;
	s8 =	smul.u32 $0x28000, s12  }
0x5: {  	[smem:$0x7FF] =	sst s2;
	s3 =	sand.u32 $0x1, s3;
	s10 =	smul.u32 $0xA000, s12  }
0x6: {  	s4 =	sadd.s32 $0x2400, s0;
	s5 =	sadd.s32 $0x8E400, s0;
	s17 =	smul.u32 $0x2800, s12  }
0x7: {  	s14 =	sadd.s32 $0x98400, s0;
	_ =	strace $0x8000004D;
	s6 =	smul.u32 $0x14000, s3  }
0x8: {  	s7 =	sshll.u32 s3, $0x4;
	s9 =	ssub.s32 $0x2, s3;
	s3 =	smul.u32 $0x28000, s3  }
0x9: {  	s7 =	sor.u32 s12, s7;
	s11 =	sshrl.u32 s9, $0x1;
	s8 =	sshrl.u32 s8, $0x2  }
0xa: {  	s24 =	sshrl.u32 s10, $0x3;
	s6 =	sadd.s32 s6, s0;
	s13 =	smul.u32 $0x500, s7  }
0xb: {  	s15 =	ssub.s32 s9, s11;
	s8 =	sadd.s32 s8, s1;
	s11 =	sadd.s32 s10, s1  }
0xc: {  	s3 =	sadd.s32 s17, s3;
	s16 =	sadd.s32 $0x2000, s8;
	[dreg:$0x4] =	wrdreg s11  }
0xd: {  	s17 =	simm.s32 $0xB00;
	s18 =	sadd.s32 $0x4000, s8;
	[dreg:$0x5] =	wrdreg s16  }
0xe: {  	s9 =	simm.s32 $0x0;
	s19 =	sadd.s32 $0x6000, s8;
	[dreg:$0x6] =	wrdreg s18  }
0xf: {  	s8 =	sadd.s32 $0x8000, s8;
	s23 =	sadd.s32 $0xC00, s3;
	[dreg:$0x7] =	wrdreg s19  }
0x10: {  	s6 =	sadd.s32 $0x16400, s6;
	s7 =	smax.u32 s15, $0x1;
	[dreg:$0x8] =	wrdreg s8  }
0x11: {  	s25 =	sadd.s32 $0x800, s3;
	s15 =	simm.s32 $0xA80;
	[dreg:$0x3] =	wrdreg s13  }
0x12: {  	s20 =	sadd.s32 s5, s13;
	s21 =	sor.u32 $0x80, s13;
	[dreg:$0xd] =	wrdreg s7  }
0x13: {  	s0 =	sshrl.u32 s23, $0x3;
	[dreg:$0xe] =	wrdreg s25;
	s23 =	simm.s32 $0x80  }
0x14: {  	s26 =	sadd.s32 s24, s6;
	s25 =	simm.s32 $0x800;
	s8 =	simm.s32 $0x6  }
0x15: {  	s16 =	simm.s32 $0x2;
	s6 =	simm.s32 $0xE00;
	s13 =	simm.s32 $0xE80  }
.Ltmp0:
0x16: {  	s19 =	simm.s32 $0xB80;
	[dreg:$0x9] =	wrdreg s20;
	(pc) =	sbr.rel .LBB2_1-.Ltmp0, $4  }
0x17: {  	s24 =	simm.s32 $0xF00;
	s7 =	simm.s32 $0xF80;
	[dreg:$0xa] =	wrdreg s21  }
0x18: {  	s22 =	sadd.s32 s5, s21;
	[dreg:$0xc] =	wrdreg s0;
	s18 =	sadd.s32 s0, s5  }
0x19: {  	s20 =	simm.s32 $0x1000;
	s21 =	simm.s32 $0x7;
	[dreg:$0xf] =	wrdreg s26  }
0x1a: {  	v0 =	vimm.f32 $0.0e+00;
	s26 =	simm.s32 $0xC00;
	s0 =	simm.s32 $0x4;
	[dreg:$0xb] =	wrdreg s22  }
.LBB2_6:
0x1b: {  	_ =	swait.ge [sflag:s0], $0x2000  }
0x1c: {  	[sflag:s0] =	ssyncset.done $0x0  }
0x1d: {  	[sflag:s0] =	ssyncadd.s32 $0xFFFFE000  }
0x1e: {  	[spmem:s1] =	stream.indirect.scatter.add.f32 [tilespmem:s28], [sflag:$0x7], $0x40, s7, s23, $0xb8;
	[tilespmem:$0xF000] =	vst v63  }
0x1f: {  	_ =	swait.ge [sflag:s21], $0x2000  }
0x20: {  	[sflag:s21] =	ssyncset.done $0x0  }
0x21: {  	[sflag:s21] =	ssyncadd.s32 $0xFFFFE000  }
0x22: {  	s3 =	stileid.u32;
	[bflag:$0x0] =	sbarrier.arrive $0xFFFF  }
0x23: {  	s3 =	sshll.u32 s3, $0x6;
	s11 =	rddreg [dreg:$0x4]  }
0x24: {  	s3 =	sor.u32 $0x1C07, s3;
	s10 =	rddreg [dreg:$0xf];
	s9 =	sshrl.u32 s11, $0x3  }
0x25: {  	[hbm:s10], [sflag:s3] =	dma.local [spmem:s9], $0x1400  }
0x26: {  	_ =	swait.ge [sflag:s21], $0x1400  }
0x27: {  	s12 =	rddreg [dreg:$0x10]  }
0x28: {  	s22 =	rddreg [dreg:$0xd];
	s9 =	sadd.s32 $0x1, s12  }
0x29: {  	p0 =	sne.s32 s9, s22  }
.Ltmp1:
0x2a: {  	_ = 	snop;
	(pc) =	sbr.rel @!p0 .LBB2_7-.Ltmp1, $3  }
0x2b: {  	_ =	sdelay $0x1  }
0x2c: {  	[sflag:s21] =	ssyncset.done $0x0  }
0x2d: {  	[sflag:s21] =	ssyncadd.s32 $0xFFFFEC00  }
.LBB2_1:
0x2e: {  	[dreg:$0x10] =	wrdreg s9;
	s9 =	simm.s32 $0x100;
	s3 =	simm.s32 $0x0  }
.LBB2_2:
0x2f: {  	p0 =	sne.s32 s9, $0x7F00;
	[tilespmem:s3+$0x1030] =	vst v0;
	s22 =	smov.u32 s9;
	s9 =	sadd.s32 $0x100, s9  }
.Ltmp2:
0x30: {  	[tilespmem:s3+$0x1020] =	vst v0;
	(pc) =	sbr.rel @p0 .LBB2_2-.Ltmp2, $3  }
0x31: {  	[tilespmem:s3+$0x1000] =	vst v0  }
0x32: {  	[tilespmem:s3+$0x1010] =	vst v0;
	_ =	sdelay $0x1  }
0x33: {  	s3 =	sshra.s32 s22, $0x2  }
0x34: {  	[tilespmem:s3+$0x1030] =	vst v0  }
0x35: {  	[tilespmem:s3+$0x1020] =	vst v0  }
0x36: {  	[tilespmem:s3+$0x1000] =	vst v0  }
0x37: {  	[tilespmem:s3+$0x1010] =	vst v0  }
0x38: {  	[spmem:s11] =	stream.linear.scatter [tilespmem:s20], [sflag:$0x7], $0x2000, $0x38;
	[tilespmem:$0xF000] =	vst v63  }
0x39: {  	_ =	swait.ge [sflag:s21], $0x2000  }
0x3a: {  	[sflag:s21] =	ssyncset.done $0x0  }
0x3b: {  	s22 =	rddreg [dreg:$0x5];
	[sflag:s21] =	ssyncadd.s32 $0xFFFFE000  }
0x3c: {  	[spmem:s22] =	stream.linear.scatter [tilespmem:s20], [sflag:$0x7], $0x2000, $0x38;
	[tilespmem:$0xF000] =	vst v63  }
0x3d: {  	_ =	swait.ge [sflag:s21], $0x2000  }
0x3e: {  	[sflag:s21] =	ssyncset.done $0x0  }
0x3f: {  	s9 =	rddreg [dreg:$0x6];
	[sflag:s21] =	ssyncadd.s32 $0xFFFFE000  }
0x40: {  	[spmem:s9] =	stream.linear.scatter [tilespmem:s20], [sflag:$0x7], $0x2000, $0x38;
	[tilespmem:$0xF000] =	vst v63  }
0x41: {  	_ =	swait.ge [sflag:s21], $0x2000  }
0x42: {  	[sflag:s21] =	ssyncset.done $0x0  }
0x43: {  	s10 =	rddreg [dreg:$0x7];
	[sflag:s21] =	ssyncadd.s32 $0xFFFFE000  }
0x44: {  	[spmem:s10] =	stream.linear.scatter [tilespmem:s20], [sflag:$0x7], $0x2000, $0x38;
	[tilespmem:$0xF000] =	vst v63  }
0x45: {  	_ =	swait.ge [sflag:s21], $0x2000  }
0x46: {  	[sflag:s21] =	ssyncset.done $0x0  }
0x47: {  	s11 =	rddreg [dreg:$0x8];
	[sflag:s21] =	ssyncadd.s32 $0xFFFFE000  }
0x48: {  	[spmem:s11] =	stream.linear.scatter [tilespmem:s20], [sflag:$0x7], $0x2000, $0x38;
	[tilespmem:$0xF000] =	vst v63  }
0x49: {  	_ =	swait.ge [sflag:s21], $0x2000  }
0x4a: {  	[sflag:s21] =	ssyncset.done $0x0  }
0x4b: {  	s22 =	simm.s32 $0x0;
	s12 =	rddreg [dreg:$0x9];
	[sflag:s21] =	ssyncadd.s32 $0xFFFFE000  }
0x4c: {  	[tilespmem:s22], [sflag:$0x7] =	stream.linear.gather [hbm4b:s12+s22], $0x400, $0x38;
	[tilespmem:$0xF000] =	vst v63  }
0x4d: {  	_ =	swait.ge [sflag:s21], $0x400  }
0x4e: {  	[sflag:s21] =	ssyncset.done $0x0;
	s9 =	rddreg [dreg:$0x3]  }
0x4f: {  	[sflag:s21] =	ssyncadd.s32 $0xFFFFFC00;
	s3 =	sadd.s32 s9, s14;
	s9 =	simm.s32 $0x400  }
0x50: {  	[tilespmem:s9], [sflag:$0x7] =	stream.linear.gather [hbm4b:s3+s22], $0x400, $0x38;
	[tilespmem:$0xF000] =	vst v63  }
0x51: {  	_ =	swait.ge [sflag:s21], $0x400  }
0x52: {  	[sflag:s21] =	ssyncset.done $0x0  }
0x53: {  	s10 =	rddreg [dreg:$0xb];
	[sflag:s21] =	ssyncadd.s32 $0xFFFFFC00  }
0x54: {  	[tilespmem:s20], [sflag:$0x3] =	stream.indirect.gather [hbm4b:s4+s23], $0x40, s22, s23, $0xb8;
	[tilespmem:$0xF000] =	vst v63  }
0x55: {  	s11 =	rddreg [dreg:$0xa]  }
0x56: {  	[tilespmem:s25], [sflag:$0x2] =	stream.linear.gather [hbm4b:s10+s22], $0x400, $0x38;
	[tilespmem:$0xF000] =	vst v63  }
0x57: {  	s3 =	sadd.s32 s11, s14  }
0x58: {  	[tilespmem:s26], [sflag:$0x2] =	stream.linear.gather [hbm4b:s3+s22], $0x400, $0x38;
	[tilespmem:$0xF000] =	vst v63  }
0x59: {  	[bflag:$0x0] =	sbarrier.arrive $0xFFFF  }
0x5a: {  	s12 =	rddreg [dreg:$0xc]  }
0x5b: {  	s9 =	rddreg [dreg:$0xe];
	s3 =	sadd.s32 s14, s12  }
.LBB2_4:
0x5c: {  	[tilespmem:s28], [sflag:$0x4] =	stream.indirect.gather [hbm4b:s4+s23], $0x40, s23, s23, $0xb8;
	[tilespmem:$0xF000] =	vst v63  }
0x5d: {  	_ =	swait.ge [sflag:s29], $0x2000  }
0x5e: {  	[sflag:s29] =	ssyncset.done $0x0  }
0x5f: {  	s10 =	simm.s32 $0x400;
	[sflag:s29] =	ssyncadd.s32 $0xFFFFE000  }
0x60: {  	[spmem:s1] =	stream.indirect.scatter.add.f32 [tilespmem:s20], [sflag:$0x5], $0x40, s10, s23, $0xb8;
	[tilespmem:$0xF000] =	vst v63  }
0x61: {  	_ =	swait.ge [sflag:s30], $0x2000  }
0x62: {  	[sflag:s30] =	ssyncset.done $0x0  }
0x63: {  	s11 =	simm.s32 $0x100;
	[sflag:s30] =	ssyncadd.s32 $0xFFFFE000  }
0x64: {  	[tilespmem:s20], [sflag:$0x3] =	stream.indirect.gather [hbm4b:s4+s23], $0x40, s11, s23, $0xb8;
	[tilespmem:$0xF000] =	vst v63  }
0x65: {  	_ =	swait.ge [sflag:s0], $0x2000  }
0x66: {  	[sflag:s0] =	ssyncset.done $0x0  }
0x67: {  	s12 =	simm.s32 $0x480;
	[sflag:s0] =	ssyncadd.s32 $0xFFFFE000  }
0x68: {  	[spmem:s1] =	stream.indirect.scatter.add.f32 [tilespmem:s28], [sflag:$0x6], $0x40, s12, s23, $0xb8;
	[tilespmem:$0xF000] =	vst v63  }
0x69: {  	_ =	swait.ge [sflag:s8], $0x2000  }
0x6a: {  	[sflag:s8] =	ssyncset.done $0x0  }
0x6b: {  	s11 =	simm.s32 $0x180;
	[sflag:s8] =	ssyncadd.s32 $0xFFFFE000  }
0x6c: {  	[tilespmem:s28], [sflag:$0x4] =	stream.indirect.gather [hbm4b:s4+s23], $0x40, s11, s23, $0xb8;
	[tilespmem:$0xF000] =	vst v63  }
0x6d: {  	_ =	swait.ge [sflag:s29], $0x2000  }
0x6e: {  	[sflag:s29] =	ssyncset.done $0x0  }
0x6f: {  	s12 =	simm.s32 $0x500;
	[sflag:s29] =	ssyncadd.s32 $0xFFFFE000  }
0x70: {  	[spmem:s1] =	stream.indirect.scatter.add.f32 [tilespmem:s20], [sflag:$0x5], $0x40, s12, s23, $0xb8;
	[tilespmem:$0xF000] =	vst v63  }
0x71: {  	_ =	swait.ge [sflag:s30], $0x2000  }
0x72: {  	[sflag:s30] =	ssyncset.done $0x0  }
0x73: {  	s11 =	simm.s32 $0x200;
	[sflag:s30] =	ssyncadd.s32 $0xFFFFE000  }
0x74: {  	[tilespmem:s20], [sflag:$0x3] =	stream.indirect.gather [hbm4b:s4+s23], $0x40, s11, s23, $0xb8;
	[tilespmem:$0xF000] =	vst v63  }
0x75: {  	_ =	swait.ge [sflag:s0], $0x2000  }
0x76: {  	[sflag:s0] =	ssyncset.done $0x0  }
0x77: {  	s12 =	simm.s32 $0x580;
	[sflag:s0] =	ssyncadd.s32 $0xFFFFE000  }
0x78: {  	[spmem:s1] =	stream.indirect.scatter.add.f32 [tilespmem:s28], [sflag:$0x6], $0x40, s12, s23, $0xb8;
	[tilespmem:$0xF000] =	vst v63  }
0x79: {  	_ =	swait.ge [sflag:s8], $0x2000  }
0x7a: {  	[sflag:s8] =	ssyncset.done $0x0  }
0x7b: {  	s11 =	simm.s32 $0x280;
	[sflag:s8] =	ssyncadd.s32 $0xFFFFE000  }
0x7c: {  	[tilespmem:s28], [sflag:$0x4] =	stream.indirect.gather [hbm4b:s4+s23], $0x40, s11, s23, $0xb8;
	[tilespmem:$0xF000] =	vst v63  }
0x7d: {  	_ =	swait.ge [sflag:s29], $0x2000  }
0x7e: {  	[sflag:s29] =	ssyncset.done $0x0  }
0x7f: {  	s12 =	simm.s32 $0x600;
	[sflag:s29] =	ssyncadd.s32 $0xFFFFE000  }
0x80: {  	[spmem:s1] =	stream.indirect.scatter.add.f32 [tilespmem:s20], [sflag:$0x5], $0x40, s12, s23, $0xb8;
	[tilespmem:$0xF000] =	vst v63  }
0x81: {  	_ =	swait.ge [sflag:s30], $0x2000  }
0x82: {  	[sflag:s30] =	ssyncset.done $0x0  }
0x83: {  	s11 =	simm.s32 $0x300;
	[sflag:s30] =	ssyncadd.s32 $0xFFFFE000  }
0x84: {  	[tilespmem:s20], [sflag:$0x3] =	stream.indirect.gather [hbm4b:s4+s23], $0x40, s11, s23, $0xb8;
	[tilespmem:$0xF000] =	vst v63  }
0x85: {  	_ =	swait.ge [sflag:s0], $0x2000  }
0x86: {  	[sflag:s0] =	ssyncset.done $0x0  }
0x87: {  	s12 =	simm.s32 $0x680;
	[sflag:s0] =	ssyncadd.s32 $0xFFFFE000  }
0x88: {  	[spmem:s1] =	stream.indirect.scatter.add.f32 [tilespmem:s28], [sflag:$0x6], $0x40, s12, s23, $0xb8;
	[tilespmem:$0xF000] =	vst v63  }
0x89: {  	_ =	swait.ge [sflag:s8], $0x2000  }
0x8a: {  	[sflag:s8] =	ssyncset.done $0x0  }
0x8b: {  	s11 =	simm.s32 $0x380;
	[sflag:s8] =	ssyncadd.s32 $0xFFFFE000  }
0x8c: {  	[tilespmem:s28], [sflag:$0x4] =	stream.indirect.gather [hbm4b:s4+s23], $0x40, s11, s23, $0xb8;
	[tilespmem:$0xF000] =	vst v63  }
0x8d: {  	_ =	swait.ge [sflag:s29], $0x2000  }
0x8e: {  	[sflag:s29] =	ssyncset.done $0x0  }
0x8f: {  	s12 =	simm.s32 $0x700;
	[sflag:s29] =	ssyncadd.s32 $0xFFFFE000  }
0x90: {  	[spmem:s1] =	stream.indirect.scatter.add.f32 [tilespmem:s20], [sflag:$0x5], $0x40, s12, s23, $0xb8;
	[tilespmem:$0xF000] =	vst v63  }
0x91: {  	_ =	swait.ge [sflag:s30], $0x2000  }
0x92: {  	[sflag:s30] =	ssyncset.done $0x0  }
0x93: {  	[sflag:s30] =	ssyncadd.s32 $0xFFFFE000  }
0x94: {  	_ =	swait.ge [sflag:s16], $0x400  }
0x95: {  	[sflag:s16] =	ssyncset.done $0x0  }
0x96: {  	[sflag:s16] =	ssyncadd.s32 $0xFFFFFC00  }
0x97: {  	_ =	swait.ge [sflag:s16], $0x400  }
0x98: {  	[sflag:s16] =	ssyncset.done $0x0  }
0x99: {  	[sflag:s16] =	ssyncadd.s32 $0xFFFFFC00  }
0x9a: {  	[tilespmem:s20], [sflag:$0x3] =	stream.indirect.gather [hbm4b:s4+s23], $0x40, s25, s23, $0xb8;
	[tilespmem:$0xF000] =	vst v63  }
0x9b: {  	_ =	swait.ge [sflag:s0], $0x2000  }
0x9c: {  	[sflag:s0] =	ssyncset.done $0x0  }
0x9d: {  	s11 =	simm.s32 $0x780;
	[sflag:s0] =	ssyncadd.s32 $0xFFFFE000  }
0x9e: {  	[spmem:s1] =	stream.indirect.scatter.add.f32 [tilespmem:s28], [sflag:$0x7], $0x40, s11, s23, $0xb8;
	[tilespmem:$0xF000] =	vst v63  }
0x9f: {  	p0 =	seq.s32 s22, $0x400;
	_ =	swait.ge [sflag:s21], $0x2000  }
0xa0: {  	s10 =	sshrl.u32 @!p0 s9, $0x3;
	[sflag:s21] =	ssyncset.done $0x0  }
0xa1: {  	s12 =	simm.s32 @!p0 $0x0;
	s11 =	sadd.s32 @!p0 s5, s10;
	[sflag:s21] =	ssyncadd.s32 $0xFFFFE000  }
0xa2: {  	[tilespmem:s12], [sflag:$0x1] =	stream.linear.gather @!p0 [hbm4b:s11+s12], $0x400, $0x38;
	[tilespmem:$0xF000] =	vst v63  }
0xa3: {  	s10 =	sadd.s32 @!p0 s14, s10;
	s11 =	simm.s32 @!p0 $0x400  }
0xa4: {  	[tilespmem:s11], [sflag:$0x1] =	stream.linear.gather @!p0 [hbm4b:s10+s12], $0x400, $0x38;
	[tilespmem:$0xF000] =	vst v63  }
0xa5: {  	s12 =	simm.s32 $0x880  }
0xa6: {  	[tilespmem:s28], [sflag:$0x4] =	stream.indirect.gather [hbm4b:s4+s23], $0x40, s12, s23, $0xb8;
	[tilespmem:$0xF000] =	vst v63  }
0xa7: {  	_ =	swait.ge [sflag:s29], $0x2000  }
0xa8: {  	[sflag:s29] =	ssyncset.done $0x0  }
0xa9: {  	[sflag:s29] =	ssyncadd.s32 $0xFFFFE000  }
0xaa: {  	[spmem:s1] =	stream.indirect.scatter.add.f32 [tilespmem:s20], [sflag:$0x5], $0x40, s26, s23, $0xb8;
	[tilespmem:$0xF000] =	vst v63  }
0xab: {  	_ =	swait.ge [sflag:s30], $0x2000  }
0xac: {  	[sflag:s30] =	ssyncset.done $0x0  }
0xad: {  	s11 =	simm.s32 $0x900;
	[sflag:s30] =	ssyncadd.s32 $0xFFFFE000  }
0xae: {  	[tilespmem:s20], [sflag:$0x3] =	stream.indirect.gather [hbm4b:s4+s23], $0x40, s11, s23, $0xb8;
	[tilespmem:$0xF000] =	vst v63  }
0xaf: {  	_ =	swait.ge [sflag:s0], $0x2000  }
0xb0: {  	[sflag:s0] =	ssyncset.done $0x0  }
0xb1: {  	s12 =	simm.s32 $0xC80;
	[sflag:s0] =	ssyncadd.s32 $0xFFFFE000  }
0xb2: {  	[spmem:s1] =	stream.indirect.scatter.add.f32 [tilespmem:s28], [sflag:$0x6], $0x40, s12, s23, $0xb8;
	[tilespmem:$0xF000] =	vst v63  }
0xb3: {  	_ =	swait.ge [sflag:s8], $0x2000  }
0xb4: {  	[sflag:s8] =	ssyncset.done $0x0  }
0xb5: {  	s11 =	simm.s32 $0x980;
	[sflag:s8] =	ssyncadd.s32 $0xFFFFE000  }
0xb6: {  	[tilespmem:s28], [sflag:$0x4] =	stream.indirect.gather [hbm4b:s4+s23], $0x40, s11, s23, $0xb8;
	[tilespmem:$0xF000] =	vst v63  }
0xb7: {  	_ =	swait.ge [sflag:s29], $0x2000  }
0xb8: {  	[sflag:s29] =	ssyncset.done $0x0  }
0xb9: {  	s12 =	simm.s32 $0xD00;
	[sflag:s29] =	ssyncadd.s32 $0xFFFFE000  }
0xba: {  	[spmem:s1] =	stream.indirect.scatter.add.f32 [tilespmem:s20], [sflag:$0x5], $0x40, s12, s23, $0xb8;
	[tilespmem:$0xF000] =	vst v63  }
0xbb: {  	_ =	swait.ge [sflag:s30], $0x2000  }
0xbc: {  	[sflag:s30] =	ssyncset.done $0x0  }
0xbd: {  	s11 =	simm.s32 $0xA00;
	[sflag:s30] =	ssyncadd.s32 $0xFFFFE000  }
0xbe: {  	[tilespmem:s20], [sflag:$0x3] =	stream.indirect.gather [hbm4b:s4+s23], $0x40, s11, s23, $0xb8;
	[tilespmem:$0xF000] =	vst v63  }
0xbf: {  	_ =	swait.ge [sflag:s0], $0x2000  }
0xc0: {  	[sflag:s0] =	ssyncset.done $0x0  }
0xc1: {  	s12 =	simm.s32 $0xD80;
	[sflag:s0] =	ssyncadd.s32 $0xFFFFE000  }
0xc2: {  	[spmem:s1] =	stream.indirect.scatter.add.f32 [tilespmem:s28], [sflag:$0x6], $0x40, s12, s23, $0xb8;
	[tilespmem:$0xF000] =	vst v63  }
0xc3: {  	_ =	swait.ge [sflag:s8], $0x2000  }
0xc4: {  	[sflag:s8] =	ssyncset.done $0x0  }
0xc5: {  	[sflag:s8] =	ssyncadd.s32 $0xFFFFE000  }
0xc6: {  	[tilespmem:s28], [sflag:$0x4] =	stream.indirect.gather [hbm4b:s4+s23], $0x40, s15, s23, $0xb8;
	[tilespmem:$0xF000] =	vst v63  }
0xc7: {  	_ =	swait.ge [sflag:s29], $0x2000  }
0xc8: {  	[sflag:s29] =	ssyncset.done $0x0  }
0xc9: {  	[sflag:s29] =	ssyncadd.s32 $0xFFFFE000  }
0xca: {  	[spmem:s1] =	stream.indirect.scatter.add.f32 [tilespmem:s20], [sflag:$0x5], $0x40, s6, s23, $0xb8;
	[tilespmem:$0xF000] =	vst v63  }
0xcb: {  	_ =	swait.ge [sflag:s30], $0x2000  }
0xcc: {  	[sflag:s30] =	ssyncset.done $0x0  }
0xcd: {  	[sflag:s30] =	ssyncadd.s32 $0xFFFFE000  }
0xce: {  	[tilespmem:s20], [sflag:$0x3] =	stream.indirect.gather [hbm4b:s4+s23], $0x40, s17, s23, $0xb8;
	[tilespmem:$0xF000] =	vst v63  }
0xcf: {  	_ =	swait.ge [sflag:s0], $0x2000  }
0xd0: {  	[sflag:s0] =	ssyncset.done $0x0  }
0xd1: {  	[sflag:s0] =	ssyncadd.s32 $0xFFFFE000  }
0xd2: {  	[spmem:s1] =	stream.indirect.scatter.add.f32 [tilespmem:s28], [sflag:$0x6], $0x40, s13, s23, $0xb8;
	[tilespmem:$0xF000] =	vst v63  }
0xd3: {  	_ =	swait.ge [sflag:s8], $0x2000  }
0xd4: {  	[sflag:s8] =	ssyncset.done $0x0  }
0xd5: {  	[sflag:s8] =	ssyncadd.s32 $0xFFFFE000  }
0xd6: {  	[tilespmem:s28], [sflag:$0x4] =	stream.indirect.gather [hbm4b:s4+s23], $0x40, s19, s23, $0xb8;
	[tilespmem:$0xF000] =	vst v63  }
0xd7: {  	_ =	swait.ge [sflag:s29], $0x2000  }
0xd8: {  	[sflag:s29] =	ssyncset.done $0x0  }
.Ltmp3:
0xd9: {  	[sflag:s29] =	ssyncadd.s32 $0xFFFFE000;
	(pc) =	sbr.rel @p0 .LBB2_6-.Ltmp3, $4  }
0xda: {  	[spmem:s1] =	stream.indirect.scatter.add.f32 [tilespmem:s20], [sflag:$0x5], $0x40, s24, s23, $0xb8;
	[tilespmem:$0xF000] =	vst v63  }
0xdb: {  	_ =	swait.ge [sflag:s30], $0x2000  }
0xdc: {  	[sflag:s30] =	ssyncset.done $0x0  }
0xdd: {  	[sflag:s30] =	ssyncadd.s32 $0xFFFFE000  }
0xde: {  	_ =	swait.ge [sflag:s31], $0x400  }
0xdf: {  	[sflag:s31] =	ssyncset.done $0x0  }
0xe0: {  	[sflag:s31] =	ssyncadd.s32 $0xFFFFFC00  }
0xe1: {  	_ =	swait.ge [sflag:s31], $0x400  }
0xe2: {  	[sflag:s31] =	ssyncset.done $0x0  }
0xe3: {  	[sflag:s31] =	ssyncadd.s32 $0xFFFFFC00  }
0xe4: {  	[tilespmem:s20], [sflag:$0x3] =	stream.indirect.gather [hbm4b:s4+s23], $0x40, s2, s23, $0xb8;
	[tilespmem:$0xF000] =	vst v63  }
0xe5: {  	_ =	swait.ge [sflag:s0], $0x2000  }
0xe6: {  	[sflag:s0] =	ssyncset.done $0x0  }
0xe7: {  	[sflag:s0] =	ssyncadd.s32 $0xFFFFE000  }
0xe8: {  	[spmem:s1] =	stream.indirect.scatter.add.f32 [tilespmem:s28], [sflag:$0x7], $0x40, s7, s23, $0xb8;
	[tilespmem:$0xF000] =	vst v63  }
0xe9: {  	_ =	swait.ge [sflag:s21], $0x2000  }
.Ltmp4:
0xea: {  	[sflag:s21] =	ssyncset.done $0x0;
	(pc) =	sbr.rel .LBB2_4-.Ltmp4, $4  }
0xeb: {  	s10 =	sadd.s32 s22, s18;
	[sflag:s21] =	ssyncadd.s32 $0xFFFFE000  }
0xec: {  	[tilespmem:s25], [sflag:$0x2] =	stream.linear.gather [hbm4b:s10+s2], $0x400, $0x38;
	[tilespmem:$0xF000] =	vst v63  }
0xed: {  	s12 =	sadd.s32 s22, s3;
	s22 =	sadd.s32 $0x100, s22;
	s9 =	sadd.s32 $0x800, s9  }
0xee: {  	[tilespmem:s26], [sflag:$0x2] =	stream.linear.gather [hbm4b:s12+s2], $0x400, $0x38;
	[tilespmem:$0xF000] =	vst v63  }
.LBB2_7:
0xef: {  	_ =	sfence.sel $0x180000  }
0xf0: {  	[bflag:$0x0] =	sbarrier.arrive $0xFFFF  }
0xf1: {  	_ =	strace $0x9000004D  }
0xf2: {  	s0 =	stileid.u32;
	[bflag:$0x2] =	sbarrier.arrive $0xFFFF  }
0xf3: {  	p0 =	sne.s32 s0, $0x0;
	s0 =	rddreg [dreg:$0x2]  }
0xf4: {  	s0 =	sadd.s32 @!p0 $0x100000, s0  }
0xf5: {  	[sflag:s0] =	ssyncadd.tile.s32 @!p0 $0x1;
	_ =	shalt  }
.Lfunc_end2:
_tile_overlayer_lowered:
.L_overlay_start_2:
0xf6: {  	(tag) =	ssettag $0x2  }
0xf7: {  	s0 =	rddreg [dreg:$0x0];
	s2 =	stileid.u32  }
0xf8: {  	s1 =	rddreg [dreg:$0x1];
	p0 =	sne.s32 s2, $0x0  }
0xf9: {  	s3 =	rddreg [dreg:$0x2];
	[bflag:$0x3] =	sbarrier.arrive $0xFFFF;
	s2 =	simm.s32 @!p0 $0x1C07  }
0xfa: {  	[timem:s3], [sflag:s2] =	dma.local @!p0 [hbm:s0], s1  }
0xfb: {  	s0 =	simm.s32 @!p0 $0x7  }
0xfc: {  	_ =	swait.ge @!p0 [sflag:s0], s1  }
0xfd: {  	s1 =	ssub.s32 @!p0 $0x0, s1;
	[sflag:s0] =	ssyncset.done @!p0 $0x0  }
0xfe: {  	[sflag:s0] =	ssyncadd.s32 @!p0 s1  }
0xff: {  	[bflag:$0x3] =	sbarrier.arrive $0xFFFF  }
0x100: {  	_ =	shalt  }

// kernel: kernel.8.cloned.1.call-start
scs
__scs_entry_jumppad:
0x0: {  	(pc) =	sbr.rel $0x88, $3  }
0x1: {  	(tag) =	ssettag $0x0;
	lr =	simm.s32 $0x1  }
0x2: {  	[smem:$0x3F9B] =	sst lr;
	_ =	strace $0xD0000000  }
0x3: {  	_ = 	snop  }
0x4: {  	_ = 	snop  }
0x5: {  	_ = 	snop  }
0x6: {  	_ = 	snop  }
0x7: {  	_ = 	snop  }
__scs_overlays_trampoline_lowered:
0x8: {  	[smem:$0x3FAA] =	sst s0  }
0x9: {  	[smem:$0x3FAB] =	sst s1  }
0xa: {  	[smem:$0x3FAC] =	sst s2  }
0xb: {  	[smem:$0x3FAD] =	sst s3  }
0xc: {  	[smem:$0x3FAE] =	sst s4  }
0xd: {  	[smem:$0x3FAF] =	sst s5  }
0xe: {  	[smem:$0x3FB0] =	sst s6  }
0xf: {  	[smem:$0x3FB1] =	sst s7  }
0x10: {  	[smem:$0x3FB2] =	sst s8  }
0x11: {  	[smem:$0x3FB3] =	sst s9;
	s0 =	simm.s32 @!p0 $0x0  }
0x12: {  	s1 =	sld [smem:$0x3F99];
	s0 =	simm.s32 @p0 $0x1  }
0x13: {  	[smem:$0x3FB4] =	sst s0;
	s0 =	simm.s32 @!p1 $0x0  }
0x14: {  	s2 =	sld [smem:$0x3F98];
	s0 =	simm.s32 @p1 $0x1  }
0x15: {  	[smem:$0x3FB5] =	sst s0;
	s0 =	simm.s32 @!p2 $0x0  }
0x16: {  	s3 =	sld [smem:$0x3FDB];
	s0 =	simm.s32 @p2 $0x1  }
0x17: {  	s4 =	simm.s32 $0x1BF5;
	[smem:$0x3FB7] =	sst s0  }
0x18: {  	s0 =	sld [smem:$0x3F9A];
	_ =	swait.ge [sflag:s4], $0x0  }
0x19: {  	s7 =	sld [smem:$0x3F9B]  }
0x1a: {  	s8 =	sadd.s32 $0xFFFFE003, lr  }
0x1b: {  	s9 =	sadd.s32 $0xFFFFFEF7, lr;
	s5 =	simm.s32 $0xFFFFFFFF;
	p2 =	slt.u32 s8, $0xFFFFF086  }
0x1c: {  	p1 =	slt.u32 s9, $0xF7A;
	s5 =	simm.s32 @!p2 $0x0  }
0x1d: {  	s5 =	simm.s32 @p1 $0x1;
	p0 =	seq.s32 s7, s2  }
0x1e: {  	s7 =	smul.u32 @!p0 $0xF7A, s2;
	p2 =	seq.s32 @!p0 s5, $0x0  }
0x1f: {  	s9 =	smul.u32 $0xF7A, s1;
	s8 =	simm.s32 @!p0 $0x1BF5;
	p2 =	por !p2, p0  }
0x20: {  	[sflag:s8] =	ssyncset.s32 @!p0 $0xFFFFF086;
	s6 =	sadd.s32 @!p0 s3, s7;
	s7 =	simm.s32 @!p0 $0x108  }
0x21: {  	s3 =	sadd.s32 s3, s9;
	s6 =	sadd.s32 @!p0 $0x88, s6;
	s7 =	simm.s32 @p2 $0x1082  }
0x22: {  	[simem:s7], [sflag:s8] =	dma.local @!p0 [hbm:s6], $0xF7A  }
0x23: {  	s9 =	sor.u32 $0xD0000000, s2;
	s6 =	simm.s32 $0x108;
	_ =	swait.ge @!p0 [sflag:s8], $0x0  }
0x24: {  	s3 =	sadd.s32 $0x88, s3;
	s6 =	simm.s32 @!p1 $0x1082;
	[sflag:s4] =	ssyncset.s32 $0xFFFFF086  }
0x25: {  	[simem:s6], [sflag:s4] =	dma.local [hbm:s3], $0xF7A  }
0x26: {  	[smem:$0x3F9B] =	sst s1;
	(tag) =	ssettag s2;
	_ =	strace s9  }
0x27: {  	s1 =	sld [smem:$0x3FAB]  }
0x28: {  	s2 =	sld [smem:$0x3FAC]  }
0x29: {  	s4 =	sld [smem:$0x3FAE]  }
0x2a: {  	p0 =	seq.s32 s5, $0x0;
	s5 =	sld [smem:$0x3FAF]  }
0x2b: {  	s6 =	sld [smem:$0x3FB0]  }
0x2c: {  	s7 =	sld [smem:$0x3FB1]  }
0x2d: {  	s3 =	simm.s32 $0x108;
	s8 =	sld [smem:$0x3FB2]  }
0x2e: {  	s3 =	simm.s32 @!p0 $0x1082;
	s9 =	sld [smem:$0x3FB3]  }
0x2f: {  	lr =	sadd.s32 s0, s3;
	s0 =	sld [smem:$0x3FAA]  }
0x30: {  	s3 =	sld [smem:$0x3FAD]  }
0x31: {  	[smem:$0x3FB6] =	sst s10  }
0x32: {  	s10 =	sld [smem:$0x3FB4];
	_ =	sdelay $0x3  }
0x33: {  	p0 =	seq.s32 s10, $0x1;
	s10 =	sld [smem:$0x3FB6];
	_ =	sdelay $0x3  }
0x34: {  	[smem:$0x3FB6] =	sst s10  }
0x35: {  	s10 =	sld [smem:$0x3FB5];
	_ =	sdelay $0x3  }
0x36: {  	p1 =	seq.s32 s10, $0x1;
	s10 =	sld [smem:$0x3FB6];
	_ =	sdelay $0x3  }
0x37: {  	[smem:$0x3FB6] =	sst s10  }
0x38: {  	s10 =	sld [smem:$0x3FB7]  }
0x39: {  	_ = 	snop;
	(pc) =	sbr.ind lr, $3  }
0x3a: {  	_ = 	snop  }
0x3b: {  	_ = 	snop  }
0x3c: {  	p2 =	seq.s32 s10, $0x1;
	s10 =	sld [smem:$0x3FB6]  }
0x3d: {  	_ =	shalt  }
0x3e: {  	_ =	shalt  }
0x3f: {  	_ =	shalt  }
0x40: {  	_ =	shalt  }
0x41: {  	_ =	shalt  }
0x42: {  	_ =	shalt  }
0x43: {  	_ =	shalt  }
0x44: {  	_ =	shalt  }
0x45: {  	_ =	shalt  }
0x46: {  	_ =	shalt  }
0x47: {  	_ =	shalt  }
0x48: {  	_ =	shalt  }
0x49: {  	_ =	shalt  }
0x4a: {  	_ =	shalt  }
0x4b: {  	_ =	shalt  }
0x4c: {  	_ =	shalt  }
0x4d: {  	_ =	shalt  }
0x4e: {  	_ =	shalt  }
0x4f: {  	_ =	shalt  }
0x50: {  	_ =	shalt  }
0x51: {  	_ =	shalt  }
0x52: {  	_ =	shalt  }
0x53: {  	_ =	shalt  }
0x54: {  	_ =	shalt  }
0x55: {  	_ =	shalt  }
0x56: {  	_ =	shalt  }
0x57: {  	_ =	shalt  }
0x58: {  	_ =	shalt  }
0x59: {  	_ =	shalt  }
0x5a: {  	_ =	shalt  }
0x5b: {  	_ =	shalt  }
0x5c: {  	_ =	shalt  }
0x5d: {  	_ =	shalt  }
0x5e: {  	_ =	shalt  }
0x5f: {  	_ =	shalt  }
0x60: {  	_ =	shalt  }
0x61: {  	_ =	shalt  }
0x62: {  	_ =	shalt  }
0x63: {  	_ =	shalt  }
0x64: {  	_ =	shalt  }
0x65: {  	_ =	shalt  }
0x66: {  	_ =	shalt  }
0x67: {  	_ =	shalt  }
0x68: {  	_ =	shalt  }
0x69: {  	_ =	shalt  }
0x6a: {  	_ =	shalt  }
0x6b: {  	_ =	shalt  }
0x6c: {  	_ =	shalt  }
0x6d: {  	_ =	shalt  }
0x6e: {  	_ =	shalt  }
0x6f: {  	_ =	shalt  }
0x70: {  	_ =	shalt  }
0x71: {  	_ =	shalt  }
0x72: {  	_ =	shalt  }
0x73: {  	_ =	shalt  }
0x74: {  	_ =	shalt  }
0x75: {  	_ =	shalt  }
0x76: {  	_ =	shalt  }
0x77: {  	_ =	shalt  }
0x78: {  	_ =	shalt  }
0x79: {  	_ =	shalt  }
0x7a: {  	_ =	shalt  }
0x7b: {  	_ =	shalt  }
0x7c: {  	_ =	shalt  }
0x7d: {  	_ =	shalt  }
0x7e: {  	_ =	shalt  }
0x7f: {  	_ =	shalt  }
0x80: {  	_ =	shalt  }
0x81: {  	_ =	shalt  }
0x82: {  	_ =	shalt  }
0x83: {  	_ =	shalt  }
0x84: {  	_ =	shalt  }
0x85: {  	_ =	shalt  }
0x86: {  	_ =	shalt  }
0x87: {  	_ =	shalt  }
.Lfunc_end0:
.L_simem_size_0:
called_computation_lowered:
.L_overlay_start_0:
0x88: {  	s2 =	sld [smem:$0x3FD9]  }
0x89: {  	s3 =	sld [smem:$0x3FFE];
	_ =	sdelay $0x1  }
0x8a: {  	s1 =	srdreg.scid  }
0x8b: {  	s0 =	sand.u32 $0x1, s1  }
0x8c: {  	s17 =	sshll.u32 s0, $0xA;
	s2 =	sadd.s32 s3, s2  }
0x8d: {  	s2 =	sadd.s32 s2, s17  }
0x8e: {  	[smem:$0x3FC2] =	sst s2  }
0x8f: {  	_ = 	snop  }
0x90: {  	s2 =	sld [smem:$0x3FD0];
	(tm) =	ssettm $0x1  }
0x91: {  	s18 =	sld [smem:$0x3FFB];
	_ =	sdelay $0x3  }
0x92: {  	_ =	strace s18  }
0x93: {  	s3 =	sld [smem:$0x3FFC];
	_ =	sdelay $0x3  }
0x94: {  	_ =	strace s3  }
0x95: {  	s3 =	sld [smem:$0x3FFD];
	_ =	sdelay $0x3  }
0x96: {  	_ =	strace s3  }
0x97: {  	_ =	strace $0x8FFFFFFF  }
0x98: {  	s19 =	sld [smem:$0x3FDB];
	_ =	sdelay $0x1  }
0x99: {  	s4 =	simm.s32 $_scs_section_size  }
0x9a: {  	s5 =	simm.s32 $_size__tile_overlayer_lowered;
	s6 =	simm.s32 $_tile_overlayer_lowered  }
0x9b: {  	s22 =	simm.s32 $0x1BFF;
	s21 =	sshll.u32 s6, $0x1;
	s3 =	sadd.s32 s4, s19  }
0x9c: {  	s7 =	simm.s32 $0x0;
	s20 =	sshll.u32 s5, $0x1;
	s5 =	sadd.s32 s21, s3  }
0x9d: {  	[timem:s7], [sflag:s22] =	dma.local [hbm:s5], s20  }
0x9e: {  	_ =	swait.ge [sflag:s22], s20  }
0x9f: {  	s4 =	ssub.s32 $0x0, s20;
	[sflag:s22] =	ssyncset.done $0x0  }
0xa0: {  	[sflag:s22] =	ssyncadd.s32 s4;
	_ =	sdelay $0x1  }
0xa1: {  	s23 =	simm.s32 $0x1B8B  }
0xa2: {  	_ =	swait.ge [sflag:s23], $0x1  }
0xa3: {  	[sflag:s23] =	ssyncset.done $0x0  }
0xa4: {  	s25 =	simm.s32 $0x1B8E;
	s24 =	sld [smem:$0x3FFE];
	[sflag:s23] =	ssyncadd.s32 $0xFFFFFFFF  }
0xa5: {  	s26 =	simm.s32 $execute0_lowered;
	[smem:$0x3FD2] =	sst s25  }
0xa6: {  	s5 =	sshll.u32 s26, $0x1;
	_ =	strace $0x80000046;
	[dreg:$0x1] =	wrdreg $0xFFFFFFFF  }
0xa7: {  	s28 =	simm.s32 $_size_execute0_lowered;
	s3 =	sadd.s32 s3, s5;
	[dreg:$0x0] =	wrdreg $0x0  }
0xa8: {  	s5 =	sshll.u32 s28, $0x1;
	[dreg:$0x2] =	wrdreg s3  }
0xa9: {  	[dreg:$0x3] =	wrdreg s5  }
0xaa: {  	[dreg:$0x4] =	wrdreg $0xC0  }
0xab: {  	_ =	task [dreg:s7], $0x5FFFF  }
0xac: {  	[dreg:$0x1] =	wrdreg $0xFFFFFFFF  }
0xad: {  	[dreg:$0x0] =	wrdreg $0x60  }
0xae: {  	[dreg:$0x2] =	wrdreg s24  }
0xaf: {  	[dreg:$0x3] =	wrdreg s2  }
0xb0: {  	[dreg:$0x4] =	wrdreg $0x9  }
0xb1: {  	_ =	task.clear_ibuf [dreg:s7], $0x5FFFF;
	_ =	strace $0x90000046  }
0xb2: {  	s29 =	simm.s32 $0x9;
	_ =	strace $0x80000048  }
0xb3: {  	_ =	swait.ge [sflag:s29], $0x1  }
0xb4: {  	[sflag:s29] =	ssyncadd.s32 $0xFFFFFFFF  }
0xb5: {  	_ =	strace $0x90000048  }
0xb6: {  	_ =	sfence  }
0xb7: {  	s30 =	sld [smem:$0x0];
	_ =	sdelay $0x2  }
0xb8: {  	s31 =	sshll.u32 s1, $0xD;
	s1 =	sshrl.u32 s1, $0x2  }
0xb9: {  	s3 =	sand.u32 $0x4000, s31;
	s1 =	sadd.s32 s1, s30  }
0xba: {  	s0 =	sor.u32 s3, s0;
	s1 =	sshll.u32 s1, $0x11  }
0xbb: {  	s0 =	sor.u32 s1, s0  }
0xbc: {  	s0 =	sadd.s32 $0x8F2B, s0  }
0xbd: {  	[sflag:s0] =	ssyncadd.remote.s32 $0x1  }
0xbe: {  	_ =	sfence.sel $0xFFFF  }
0xbf: {  	[dreg:$0x0] =	wrdreg $0xFFFFFFFF;
	(pc) =	sbr.abs _section_cstart, $3  }
0xc0: {  	[dreg:$0x1] =	wrdreg $0xFFFFFFFF  }
0xc1: {  	_ =	task.clear_ibuf [dreg:s7], $0x2FFFF;
	_ =	strace $0x9FFFFFFF  }
0xc2: {  	(tm) =	ssettm $0x7FFFFFFF  }
0xc3: {  	_ =	shalt  }
tec
execute0_lowered:
.L_overlay_start_1:
0x0: {  	(tag) =	ssettag $0x1  }
0x1: {  	s3 =	rddreg [dreg:$0x0]  }
0x2: {  	s5 =	rddreg [dreg:$0x1]  }
0x3: {  	s1 =	srdreg.scid;
	s0 =	rddreg [dreg:$0x2];
	s2 =	simm.s32 $0x0  }
0x4: {  	s13 =	simm.s32 $0x80;
	s6 =	sand.u32 $0x1, s1;
	s1 =	stileid.u32  }
0x5: {  	s14 =	simm.s32 $0x0;
	[smem:$0x7FF] =	sst s2;
	s11 =	smul.u32 $0xA0, s6  }
0x6: {  	s28 =	sadd.s32 $0xC400, s3;
	s4 =	sshll.u32 s6, $0x4;
	s12 =	smul.u32 $0xA, s1  }
0x7: {  	s7 =	ssub.s32 $0x2, s6;
	_ =	strace $0x80000047;
	s6 =	smul.u32 $0x5000, s6  }
0x8: {  	s29 =	sshll.u32 s1, $0x7;
	s30 =	smul.u32 $0x500, s1;
	s4 =	sor.u32 s1, s4  }
0x9: {  	s9 =	sshrl.u32 s7, $0x1;
	s8 =	smul.u32 $0x500, s4;
	s4 =	sshrl.u32 s4, $0x3  }
0xa: {  	s7 =	ssub.s32 s7, s9;
	s11 =	sadd.s32 s12, s11;
	s6 =	sadd.s32 s6, s28  }
0xb: {  	s12 =	simm.s32 $0x2;
	s10 =	smul.u32 $0x14000, s4;
	s11 =	sshll.u32 s11, $0x7  }
.Ltmp0:
0xc: {  	s31 =	sadd.s32 s30, s6;
	s6 =	smax.u32 s7, $0x1;
	(pc) =	sbr.rel .LBB2_1-.Ltmp0, $4  }
0xd: {  	s3 =	sadd.s32 s8, s28;
	s8 =	sand.u32 $0x380, s29;
	s9 =	sadd.s32 s28, s11  }
0xe: {  	s7 =	sadd.s32 $0x180, s31;
	s11 =	simm.s32 $0x800;
	s8 =	sor.u32 s8, s10  }
0xf: {  	s4 =	sadd.s32 $0x80, s3;
	s10 =	simm.s32 $0x400;
	s8 =	sshrl.u32 s8, $0x3  }
0x10: {  	v0 =	vimm.f32 $0.0e+00;
	v1 =	vimm.f32 $1.000000000e+00;
	s5 =	sadd.s32 s5, s8;
	s8 =	sadd.s32 $0x100, s9;
	s9 =	simm.s32 $0x3  }
.LBB2_6:
0x11: {  	s14 =	sadd.s32 $0x1, s14  }
0x12: {  	p0 =	sne.s32 s14, s6  }
.Ltmp1:
0x13: {  	_ = 	snop;
	(pc) =	sbr.rel @!p0 .LBB2_7-.Ltmp1, $4  }
0x14: {  	[hbm4b:s5+s13] =	stream.strided.scatter [tilespmem:s11], [sflag:$0x3], $0x2800, s10, s13, $0x38;
	[tilespmem:$0x3000] =	vst v63  }
0x15: {  	_ =	swait.ge [sflag:s9], $0x2800  }
0x16: {  	[sflag:s9] =	ssyncset.done $0x0  }
0x17: {  	[sflag:s9] =	ssyncadd.s32 $0xFFFFD800  }
.LBB2_1:
0x18: {  	[tilespmem:s2], [sflag:$0x3] =	stream.linear.gather [hbm4b:s3+s2], $0x400, $0x38;
	[tilespmem:$0x3000] =	vst v63  }
0x19: {  	_ =	swait.ge [sflag:s9], $0x400  }
0x1a: {  	[sflag:s9] =	ssyncset.done $0x0  }
0x1b: {  	s15 =	simm.s32 $0x0;
	[sflag:s9] =	ssyncadd.s32 $0xFFFFFC00  }
0x1c: {  	[tilespmem:s10], [sflag:$0x2] =	stream.linear.gather [hbm4b:s4+s2], $0x400, $0x38;
	[tilespmem:$0x3000] =	vst v63  }
.LBB2_2:
0x1d: {  	p0 =	sne.s32 s15, $0x9FC0  }
.Ltmp2:
0x1e: {  	_ = 	snop;
	(pc) =	sbr.rel @p0 .LBB2_2-.Ltmp2, $3  }
0x1f: {  	_ =	sdelay $0x1  }
0x20: {  	s16 =	sshra.s32 s15, $0x2  }
0x21: {  	s15 =	sadd.s32 $0x40, s15;
	[tilespmem:s16+$0x800] =	vst v0  }
0x22: {  	s15 =	simm.s32 $0x0  }
.LBB2_4:
0x23: {  	p0 =	seq.s32 s15, $0x0  }
0x24: {  	s16 =	simm.s32 @!p0 $0x1  }
0x25: {  	_ =	swait.ge @!p0 [sflag:s16], $0x400  }
0x26: {  	[sflag:s16] =	ssyncset.done @!p0 $0x0  }
0x27: {  	[sflag:s16] =	ssyncadd.s32 @!p0 $0xFFFFFC00  }
0x28: {  	v2 =	vld [tilespmem:$0x0];
	_ =	sdelay $0x7  }
0x29: {  	[tilespmem:v2+s11+$0x0] =	vst.idx.add.f32.msk $0xffff, v1  }
0x2a: {  	v2 =	vld [tilespmem:$0x10];
	_ =	sdelay $0x7  }
0x2b: {  	[tilespmem:v2+s11+$0x0] =	vst.idx.add.f32.msk $0xffff, v1  }
0x2c: {  	v2 =	vld [tilespmem:$0x20];
	_ =	sdelay $0x7  }
0x2d: {  	[tilespmem:v2+s11+$0x0] =	vst.idx.add.f32.msk $0xffff, v1  }
0x2e: {  	v2 =	vld [tilespmem:$0x30];
	_ =	sdelay $0x7  }
0x2f: {  	[tilespmem:v2+s11+$0x0] =	vst.idx.add.f32.msk $0xffff, v1  }
0x30: {  	v2 =	vld [tilespmem:$0x40];
	_ =	sdelay $0x7  }
0x31: {  	[tilespmem:v2+s11+$0x0] =	vst.idx.add.f32.msk $0xffff, v1  }
0x32: {  	v2 =	vld [tilespmem:$0x50];
	_ =	sdelay $0x7  }
0x33: {  	[tilespmem:v2+s11+$0x0] =	vst.idx.add.f32.msk $0xffff, v1  }
0x34: {  	v2 =	vld [tilespmem:$0x60];
	_ =	sdelay $0x7  }
0x35: {  	[tilespmem:v2+s11+$0x0] =	vst.idx.add.f32.msk $0xffff, v1  }
0x36: {  	v2 =	vld [tilespmem:$0x70];
	_ =	sdelay $0x7  }
0x37: {  	[tilespmem:v2+s11+$0x0] =	vst.idx.add.f32.msk $0xffff, v1  }
0x38: {  	v2 =	vld [tilespmem:$0x80];
	_ =	sdelay $0x7  }
0x39: {  	[tilespmem:v2+s11+$0x0] =	vst.idx.add.f32.msk $0xffff, v1  }
0x3a: {  	v2 =	vld [tilespmem:$0x90];
	_ =	sdelay $0x7  }
0x3b: {  	[tilespmem:v2+s11+$0x0] =	vst.idx.add.f32.msk $0xffff, v1  }
0x3c: {  	v2 =	vld [tilespmem:$0xA0];
	_ =	sdelay $0x7  }
0x3d: {  	[tilespmem:v2+s11+$0x0] =	vst.idx.add.f32.msk $0xffff, v1  }
0x3e: {  	v2 =	vld [tilespmem:$0xB0];
	_ =	sdelay $0x7  }
0x3f: {  	[tilespmem:v2+s11+$0x0] =	vst.idx.add.f32.msk $0xffff, v1  }
0x40: {  	v2 =	vld [tilespmem:$0xC0];
	_ =	sdelay $0x7  }
0x41: {  	[tilespmem:v2+s11+$0x0] =	vst.idx.add.f32.msk $0xffff, v1  }
0x42: {  	v2 =	vld [tilespmem:$0xD0];
	_ =	sdelay $0x7  }
0x43: {  	[tilespmem:v2+s11+$0x0] =	vst.idx.add.f32.msk $0xffff, v1  }
0x44: {  	v2 =	vld [tilespmem:$0xE0];
	_ =	sdelay $0x7  }
0x45: {  	[tilespmem:v2+s11+$0x0] =	vst.idx.add.f32.msk $0xffff, v1  }
0x46: {  	v2 =	vld [tilespmem:$0xF0];
	_ =	sdelay $0x7  }
0x47: {  	[tilespmem:v2+s11+$0x0] =	vst.idx.add.f32.msk $0xffff, v1  }
0x48: {  	v2 =	vld [tilespmem:$0x100];
	_ =	sdelay $0x7  }
0x49: {  	[tilespmem:v2+s11+$0x0] =	vst.idx.add.f32.msk $0xffff, v1  }
0x4a: {  	v2 =	vld [tilespmem:$0x110];
	_ =	sdelay $0x7  }
0x4b: {  	[tilespmem:v2+s11+$0x0] =	vst.idx.add.f32.msk $0xffff, v1  }
0x4c: {  	v2 =	vld [tilespmem:$0x120];
	_ =	sdelay $0x7  }
0x4d: {  	[tilespmem:v2+s11+$0x0] =	vst.idx.add.f32.msk $0xffff, v1  }
0x4e: {  	v2 =	vld [tilespmem:$0x130];
	_ =	sdelay $0x7  }
0x4f: {  	[tilespmem:v2+s11+$0x0] =	vst.idx.add.f32.msk $0xffff, v1  }
0x50: {  	v2 =	vld [tilespmem:$0x140];
	_ =	sdelay $0x7  }
0x51: {  	[tilespmem:v2+s11+$0x0] =	vst.idx.add.f32.msk $0xffff, v1  }
0x52: {  	v2 =	vld [tilespmem:$0x150];
	_ =	sdelay $0x7  }
0x53: {  	[tilespmem:v2+s11+$0x0] =	vst.idx.add.f32.msk $0xffff, v1  }
0x54: {  	v2 =	vld [tilespmem:$0x160];
	_ =	sdelay $0x7  }
0x55: {  	[tilespmem:v2+s11+$0x0] =	vst.idx.add.f32.msk $0xffff, v1  }
0x56: {  	v2 =	vld [tilespmem:$0x170];
	_ =	sdelay $0x7  }
0x57: {  	[tilespmem:v2+s11+$0x0] =	vst.idx.add.f32.msk $0xffff, v1  }
0x58: {  	v2 =	vld [tilespmem:$0x180];
	_ =	sdelay $0x7  }
0x59: {  	[tilespmem:v2+s11+$0x0] =	vst.idx.add.f32.msk $0xffff, v1  }
0x5a: {  	v2 =	vld [tilespmem:$0x190];
	_ =	sdelay $0x7  }
0x5b: {  	[tilespmem:v2+s11+$0x0] =	vst.idx.add.f32.msk $0xffff, v1  }
0x5c: {  	v2 =	vld [tilespmem:$0x1A0];
	_ =	sdelay $0x7  }
0x5d: {  	[tilespmem:v2+s11+$0x0] =	vst.idx.add.f32.msk $0xffff, v1  }
0x5e: {  	v2 =	vld [tilespmem:$0x1B0];
	_ =	sdelay $0x7  }
0x5f: {  	[tilespmem:v2+s11+$0x0] =	vst.idx.add.f32.msk $0xffff, v1  }
0x60: {  	v2 =	vld [tilespmem:$0x1C0];
	_ =	sdelay $0x7  }
0x61: {  	[tilespmem:v2+s11+$0x0] =	vst.idx.add.f32.msk $0xffff, v1  }
0x62: {  	v2 =	vld [tilespmem:$0x1D0];
	_ =	sdelay $0x7  }
0x63: {  	[tilespmem:v2+s11+$0x0] =	vst.idx.add.f32.msk $0xffff, v1  }
0x64: {  	v2 =	vld [tilespmem:$0x1E0];
	_ =	sdelay $0x7  }
0x65: {  	[tilespmem:v2+s11+$0x0] =	vst.idx.add.f32.msk $0xffff, v1  }
0x66: {  	v2 =	vld [tilespmem:$0x1F0];
	_ =	sdelay $0x7  }
0x67: {  	[tilespmem:v2+s11+$0x0] =	vst.idx.add.f32.msk $0xffff, v1  }
0x68: {  	v2 =	vld [tilespmem:$0x200];
	_ =	sdelay $0x7  }
0x69: {  	[tilespmem:v2+s11+$0x0] =	vst.idx.add.f32.msk $0xffff, v1  }
0x6a: {  	v2 =	vld [tilespmem:$0x210];
	_ =	sdelay $0x7  }
0x6b: {  	[tilespmem:v2+s11+$0x0] =	vst.idx.add.f32.msk $0xffff, v1  }
0x6c: {  	v2 =	vld [tilespmem:$0x220];
	_ =	sdelay $0x7  }
0x6d: {  	[tilespmem:v2+s11+$0x0] =	vst.idx.add.f32.msk $0xffff, v1  }
0x6e: {  	v2 =	vld [tilespmem:$0x230];
	_ =	sdelay $0x7  }
0x6f: {  	[tilespmem:v2+s11+$0x0] =	vst.idx.add.f32.msk $0xffff, v1  }
0x70: {  	v2 =	vld [tilespmem:$0x240];
	_ =	sdelay $0x7  }
0x71: {  	[tilespmem:v2+s11+$0x0] =	vst.idx.add.f32.msk $0xffff, v1  }
0x72: {  	v2 =	vld [tilespmem:$0x250];
	_ =	sdelay $0x7  }
0x73: {  	[tilespmem:v2+s11+$0x0] =	vst.idx.add.f32.msk $0xffff, v1  }
0x74: {  	v2 =	vld [tilespmem:$0x260];
	_ =	sdelay $0x7  }
0x75: {  	[tilespmem:v2+s11+$0x0] =	vst.idx.add.f32.msk $0xffff, v1  }
0x76: {  	v2 =	vld [tilespmem:$0x270];
	_ =	sdelay $0x7  }
0x77: {  	[tilespmem:v2+s11+$0x0] =	vst.idx.add.f32.msk $0xffff, v1  }
0x78: {  	v2 =	vld [tilespmem:$0x280];
	_ =	sdelay $0x7  }
0x79: {  	[tilespmem:v2+s11+$0x0] =	vst.idx.add.f32.msk $0xffff, v1  }
0x7a: {  	v2 =	vld [tilespmem:$0x290];
	_ =	sdelay $0x7  }
0x7b: {  	[tilespmem:v2+s11+$0x0] =	vst.idx.add.f32.msk $0xffff, v1  }
0x7c: {  	v2 =	vld [tilespmem:$0x2A0];
	_ =	sdelay $0x7  }
0x7d: {  	[tilespmem:v2+s11+$0x0] =	vst.idx.add.f32.msk $0xffff, v1  }
0x7e: {  	v2 =	vld [tilespmem:$0x2B0];
	_ =	sdelay $0x7  }
0x7f: {  	[tilespmem:v2+s11+$0x0] =	vst.idx.add.f32.msk $0xffff, v1  }
0x80: {  	v2 =	vld [tilespmem:$0x2C0];
	_ =	sdelay $0x7  }
0x81: {  	[tilespmem:v2+s11+$0x0] =	vst.idx.add.f32.msk $0xffff, v1  }
0x82: {  	v2 =	vld [tilespmem:$0x2D0];
	_ =	sdelay $0x7  }
0x83: {  	[tilespmem:v2+s11+$0x0] =	vst.idx.add.f32.msk $0xffff, v1  }
0x84: {  	v2 =	vld [tilespmem:$0x2E0];
	_ =	sdelay $0x7  }
0x85: {  	[tilespmem:v2+s11+$0x0] =	vst.idx.add.f32.msk $0xffff, v1  }
0x86: {  	v2 =	vld [tilespmem:$0x2F0];
	_ =	sdelay $0x7  }
0x87: {  	[tilespmem:v2+s11+$0x0] =	vst.idx.add.f32.msk $0xffff, v1  }
0x88: {  	v2 =	vld [tilespmem:$0x300];
	_ =	sdelay $0x7  }
0x89: {  	[tilespmem:v2+s11+$0x0] =	vst.idx.add.f32.msk $0xffff, v1  }
0x8a: {  	v2 =	vld [tilespmem:$0x310];
	_ =	sdelay $0x7  }
0x8b: {  	[tilespmem:v2+s11+$0x0] =	vst.idx.add.f32.msk $0xffff, v1  }
0x8c: {  	v2 =	vld [tilespmem:$0x320];
	_ =	sdelay $0x7  }
0x8d: {  	[tilespmem:v2+s11+$0x0] =	vst.idx.add.f32.msk $0xffff, v1  }
0x8e: {  	v2 =	vld [tilespmem:$0x330];
	_ =	sdelay $0x7  }
0x8f: {  	[tilespmem:v2+s11+$0x0] =	vst.idx.add.f32.msk $0xffff, v1  }
0x90: {  	v2 =	vld [tilespmem:$0x340];
	_ =	sdelay $0x7  }
0x91: {  	[tilespmem:v2+s11+$0x0] =	vst.idx.add.f32.msk $0xffff, v1  }
0x92: {  	v2 =	vld [tilespmem:$0x350];
	_ =	sdelay $0x7  }
0x93: {  	[tilespmem:v2+s11+$0x0] =	vst.idx.add.f32.msk $0xffff, v1  }
0x94: {  	v2 =	vld [tilespmem:$0x360];
	_ =	sdelay $0x7  }
0x95: {  	[tilespmem:v2+s11+$0x0] =	vst.idx.add.f32.msk $0xffff, v1  }
0x96: {  	v2 =	vld [tilespmem:$0x370];
	_ =	sdelay $0x7  }
0x97: {  	[tilespmem:v2+s11+$0x0] =	vst.idx.add.f32.msk $0xffff, v1  }
0x98: {  	v2 =	vld [tilespmem:$0x380];
	_ =	sdelay $0x7  }
0x99: {  	[tilespmem:v2+s11+$0x0] =	vst.idx.add.f32.msk $0xffff, v1  }
0x9a: {  	v2 =	vld [tilespmem:$0x390];
	_ =	sdelay $0x7  }
0x9b: {  	[tilespmem:v2+s11+$0x0] =	vst.idx.add.f32.msk $0xffff, v1  }
0x9c: {  	v2 =	vld [tilespmem:$0x3A0];
	_ =	sdelay $0x7  }
0x9d: {  	[tilespmem:v2+s11+$0x0] =	vst.idx.add.f32.msk $0xffff, v1  }
0x9e: {  	v2 =	vld [tilespmem:$0x3B0];
	_ =	sdelay $0x7  }
0x9f: {  	[tilespmem:v2+s11+$0x0] =	vst.idx.add.f32.msk $0xffff, v1  }
0xa0: {  	v2 =	vld [tilespmem:$0x3C0];
	_ =	sdelay $0x7  }
0xa1: {  	[tilespmem:v2+s11+$0x0] =	vst.idx.add.f32.msk $0xffff, v1  }
0xa2: {  	v2 =	vld [tilespmem:$0x3D0];
	_ =	sdelay $0x7  }
0xa3: {  	[tilespmem:v2+s11+$0x0] =	vst.idx.add.f32.msk $0xffff, v1  }
0xa4: {  	v2 =	vld [tilespmem:$0x3E0];
	_ =	sdelay $0x7  }
0xa5: {  	[tilespmem:v2+s11+$0x0] =	vst.idx.add.f32.msk $0xffff, v1  }
0xa6: {  	v2 =	vld [tilespmem:$0x3F0];
	_ =	sdelay $0x6  }
0xa7: {  	p0 =	seq.s32 s15, $0x400  }
0xa8: {  	s16 =	sadd.s32 @!p0 s15, s8;
	s17 =	simm.s32 @!p0 $0x0;
	[tilespmem:v2+s11+$0x0] =	vst.idx.add.f32.msk $0xffff, v1  }
0xa9: {  	[tilespmem:s17], [sflag:$0x1] =	stream.linear.gather @!p0 [hbm4b:s16+s17], $0x400, $0x38;
	[tilespmem:$0x3000] =	vst v63  }
0xaa: {  	_ =	swait.ge [sflag:s12], $0x400  }
0xab: {  	[sflag:s12] =	ssyncset.done $0x0  }
0xac: {  	[sflag:s12] =	ssyncadd.s32 $0xFFFFFC00  }
0xad: {  	v2 =	vld [tilespmem:$0x400];
	_ =	sdelay $0x7  }
0xae: {  	[tilespmem:v2+s11+$0x0] =	vst.idx.add.f32.msk $0xffff, v1  }
0xaf: {  	v2 =	vld [tilespmem:$0x410];
	_ =	sdelay $0x7  }
0xb0: {  	[tilespmem:v2+s11+$0x0] =	vst.idx.add.f32.msk $0xffff, v1  }
0xb1: {  	v2 =	vld [tilespmem:$0x420];
	_ =	sdelay $0x7  }
0xb2: {  	[tilespmem:v2+s11+$0x0] =	vst.idx.add.f32.msk $0xffff, v1  }
0xb3: {  	v2 =	vld [tilespmem:$0x430];
	_ =	sdelay $0x7  }
0xb4: {  	[tilespmem:v2+s11+$0x0] =	vst.idx.add.f32.msk $0xffff, v1  }
0xb5: {  	v2 =	vld [tilespmem:$0x440];
	_ =	sdelay $0x7  }
0xb6: {  	[tilespmem:v2+s11+$0x0] =	vst.idx.add.f32.msk $0xffff, v1  }
0xb7: {  	v2 =	vld [tilespmem:$0x450];
	_ =	sdelay $0x7  }
0xb8: {  	[tilespmem:v2+s11+$0x0] =	vst.idx.add.f32.msk $0xffff, v1  }
0xb9: {  	v2 =	vld [tilespmem:$0x460];
	_ =	sdelay $0x7  }
0xba: {  	[tilespmem:v2+s11+$0x0] =	vst.idx.add.f32.msk $0xffff, v1  }
0xbb: {  	v2 =	vld [tilespmem:$0x470];
	_ =	sdelay $0x7  }
0xbc: {  	[tilespmem:v2+s11+$0x0] =	vst.idx.add.f32.msk $0xffff, v1  }
0xbd: {  	v2 =	vld [tilespmem:$0x480];
	_ =	sdelay $0x7  }
0xbe: {  	[tilespmem:v2+s11+$0x0] =	vst.idx.add.f32.msk $0xffff, v1  }
0xbf: {  	v2 =	vld [tilespmem:$0x490];
	_ =	sdelay $0x7  }
0xc0: {  	[tilespmem:v2+s11+$0x0] =	vst.idx.add.f32.msk $0xffff, v1  }
0xc1: {  	v2 =	vld [tilespmem:$0x4A0];
	_ =	sdelay $0x7  }
0xc2: {  	[tilespmem:v2+s11+$0x0] =	vst.idx.add.f32.msk $0xffff, v1  }
0xc3: {  	v2 =	vld [tilespmem:$0x4B0];
	_ =	sdelay $0x7  }
0xc4: {  	[tilespmem:v2+s11+$0x0] =	vst.idx.add.f32.msk $0xffff, v1  }
0xc5: {  	v2 =	vld [tilespmem:$0x4C0];
	_ =	sdelay $0x7  }
0xc6: {  	[tilespmem:v2+s11+$0x0] =	vst.idx.add.f32.msk $0xffff, v1  }
0xc7: {  	v2 =	vld [tilespmem:$0x4D0];
	_ =	sdelay $0x7  }
0xc8: {  	[tilespmem:v2+s11+$0x0] =	vst.idx.add.f32.msk $0xffff, v1  }
0xc9: {  	v2 =	vld [tilespmem:$0x4E0];
	_ =	sdelay $0x7  }
0xca: {  	[tilespmem:v2+s11+$0x0] =	vst.idx.add.f32.msk $0xffff, v1  }
0xcb: {  	v2 =	vld [tilespmem:$0x4F0];
	_ =	sdelay $0x7  }
0xcc: {  	[tilespmem:v2+s11+$0x0] =	vst.idx.add.f32.msk $0xffff, v1  }
0xcd: {  	v2 =	vld [tilespmem:$0x500];
	_ =	sdelay $0x7  }
0xce: {  	[tilespmem:v2+s11+$0x0] =	vst.idx.add.f32.msk $0xffff, v1  }
0xcf: {  	v2 =	vld [tilespmem:$0x510];
	_ =	sdelay $0x7  }
0xd0: {  	[tilespmem:v2+s11+$0x0] =	vst.idx.add.f32.msk $0xffff, v1  }
0xd1: {  	v2 =	vld [tilespmem:$0x520];
	_ =	sdelay $0x7  }
0xd2: {  	[tilespmem:v2+s11+$0x0] =	vst.idx.add.f32.msk $0xffff, v1  }
0xd3: {  	v2 =	vld [tilespmem:$0x530];
	_ =	sdelay $0x7  }
0xd4: {  	[tilespmem:v2+s11+$0x0] =	vst.idx.add.f32.msk $0xffff, v1  }
0xd5: {  	v2 =	vld [tilespmem:$0x540];
	_ =	sdelay $0x7  }
0xd6: {  	[tilespmem:v2+s11+$0x0] =	vst.idx.add.f32.msk $0xffff, v1  }
0xd7: {  	v2 =	vld [tilespmem:$0x550];
	_ =	sdelay $0x7  }
0xd8: {  	[tilespmem:v2+s11+$0x0] =	vst.idx.add.f32.msk $0xffff, v1  }
0xd9: {  	v2 =	vld [tilespmem:$0x560];
	_ =	sdelay $0x7  }
0xda: {  	[tilespmem:v2+s11+$0x0] =	vst.idx.add.f32.msk $0xffff, v1  }
0xdb: {  	v2 =	vld [tilespmem:$0x570];
	_ =	sdelay $0x7  }
0xdc: {  	[tilespmem:v2+s11+$0x0] =	vst.idx.add.f32.msk $0xffff, v1  }
0xdd: {  	v2 =	vld [tilespmem:$0x580];
	_ =	sdelay $0x7  }
0xde: {  	[tilespmem:v2+s11+$0x0] =	vst.idx.add.f32.msk $0xffff, v1  }
0xdf: {  	v2 =	vld [tilespmem:$0x590];
	_ =	sdelay $0x7  }
0xe0: {  	[tilespmem:v2+s11+$0x0] =	vst.idx.add.f32.msk $0xffff, v1  }
0xe1: {  	v2 =	vld [tilespmem:$0x5A0];
	_ =	sdelay $0x7  }
0xe2: {  	[tilespmem:v2+s11+$0x0] =	vst.idx.add.f32.msk $0xffff, v1  }
0xe3: {  	v2 =	vld [tilespmem:$0x5B0];
	_ =	sdelay $0x7  }
0xe4: {  	[tilespmem:v2+s11+$0x0] =	vst.idx.add.f32.msk $0xffff, v1  }
0xe5: {  	v2 =	vld [tilespmem:$0x5C0];
	_ =	sdelay $0x7  }
0xe6: {  	[tilespmem:v2+s11+$0x0] =	vst.idx.add.f32.msk $0xffff, v1  }
0xe7: {  	v2 =	vld [tilespmem:$0x5D0];
	_ =	sdelay $0x7  }
0xe8: {  	[tilespmem:v2+s11+$0x0] =	vst.idx.add.f32.msk $0xffff, v1  }
0xe9: {  	v2 =	vld [tilespmem:$0x5E0];
	_ =	sdelay $0x7  }
0xea: {  	[tilespmem:v2+s11+$0x0] =	vst.idx.add.f32.msk $0xffff, v1  }
0xeb: {  	v2 =	vld [tilespmem:$0x5F0];
	_ =	sdelay $0x7  }
0xec: {  	[tilespmem:v2+s11+$0x0] =	vst.idx.add.f32.msk $0xffff, v1  }
0xed: {  	v2 =	vld [tilespmem:$0x600];
	_ =	sdelay $0x7  }
0xee: {  	[tilespmem:v2+s11+$0x0] =	vst.idx.add.f32.msk $0xffff, v1  }
0xef: {  	v2 =	vld [tilespmem:$0x610];
	_ =	sdelay $0x7  }
0xf0: {  	[tilespmem:v2+s11+$0x0] =	vst.idx.add.f32.msk $0xffff, v1  }
0xf1: {  	v2 =	vld [tilespmem:$0x620];
	_ =	sdelay $0x7  }
0xf2: {  	[tilespmem:v2+s11+$0x0] =	vst.idx.add.f32.msk $0xffff, v1  }
0xf3: {  	v2 =	vld [tilespmem:$0x630];
	_ =	sdelay $0x7  }
0xf4: {  	[tilespmem:v2+s11+$0x0] =	vst.idx.add.f32.msk $0xffff, v1  }
0xf5: {  	v2 =	vld [tilespmem:$0x640];
	_ =	sdelay $0x7  }
0xf6: {  	[tilespmem:v2+s11+$0x0] =	vst.idx.add.f32.msk $0xffff, v1  }
0xf7: {  	v2 =	vld [tilespmem:$0x650];
	_ =	sdelay $0x7  }
0xf8: {  	[tilespmem:v2+s11+$0x0] =	vst.idx.add.f32.msk $0xffff, v1  }
0xf9: {  	v2 =	vld [tilespmem:$0x660];
	_ =	sdelay $0x7  }
0xfa: {  	[tilespmem:v2+s11+$0x0] =	vst.idx.add.f32.msk $0xffff, v1  }
0xfb: {  	v2 =	vld [tilespmem:$0x670];
	_ =	sdelay $0x7  }
0xfc: {  	[tilespmem:v2+s11+$0x0] =	vst.idx.add.f32.msk $0xffff, v1  }
0xfd: {  	v2 =	vld [tilespmem:$0x680];
	_ =	sdelay $0x7  }
0xfe: {  	[tilespmem:v2+s11+$0x0] =	vst.idx.add.f32.msk $0xffff, v1  }
0xff: {  	v2 =	vld [tilespmem:$0x690];
	_ =	sdelay $0x7  }
0x100: {  	[tilespmem:v2+s11+$0x0] =	vst.idx.add.f32.msk $0xffff, v1  }
0x101: {  	v2 =	vld [tilespmem:$0x6A0];
	_ =	sdelay $0x7  }
0x102: {  	[tilespmem:v2+s11+$0x0] =	vst.idx.add.f32.msk $0xffff, v1  }
0x103: {  	v2 =	vld [tilespmem:$0x6B0];
	_ =	sdelay $0x7  }
0x104: {  	[tilespmem:v2+s11+$0x0] =	vst.idx.add.f32.msk $0xffff, v1  }
0x105: {  	v2 =	vld [tilespmem:$0x6C0];
	_ =	sdelay $0x7  }
0x106: {  	[tilespmem:v2+s11+$0x0] =	vst.idx.add.f32.msk $0xffff, v1  }
0x107: {  	v2 =	vld [tilespmem:$0x6D0];
	_ =	sdelay $0x7  }
0x108: {  	[tilespmem:v2+s11+$0x0] =	vst.idx.add.f32.msk $0xffff, v1  }
0x109: {  	v2 =	vld [tilespmem:$0x6E0];
	_ =	sdelay $0x7  }
0x10a: {  	[tilespmem:v2+s11+$0x0] =	vst.idx.add.f32.msk $0xffff, v1  }
0x10b: {  	v2 =	vld [tilespmem:$0x6F0];
	_ =	sdelay $0x7  }
0x10c: {  	[tilespmem:v2+s11+$0x0] =	vst.idx.add.f32.msk $0xffff, v1  }
0x10d: {  	v2 =	vld [tilespmem:$0x700];
	_ =	sdelay $0x7  }
0x10e: {  	[tilespmem:v2+s11+$0x0] =	vst.idx.add.f32.msk $0xffff, v1  }
0x10f: {  	v2 =	vld [tilespmem:$0x710];
	_ =	sdelay $0x7  }
0x110: {  	[tilespmem:v2+s11+$0x0] =	vst.idx.add.f32.msk $0xffff, v1  }
0x111: {  	v2 =	vld [tilespmem:$0x720];
	_ =	sdelay $0x7  }
0x112: {  	[tilespmem:v2+s11+$0x0] =	vst.idx.add.f32.msk $0xffff, v1  }
0x113: {  	v2 =	vld [tilespmem:$0x730];
	_ =	sdelay $0x7  }
0x114: {  	[tilespmem:v2+s11+$0x0] =	vst.idx.add.f32.msk $0xffff, v1  }
0x115: {  	v2 =	vld [tilespmem:$0x740];
	_ =	sdelay $0x7  }
0x116: {  	[tilespmem:v2+s11+$0x0] =	vst.idx.add.f32.msk $0xffff, v1  }
0x117: {  	v2 =	vld [tilespmem:$0x750];
	_ =	sdelay $0x7  }
0x118: {  	[tilespmem:v2+s11+$0x0] =	vst.idx.add.f32.msk $0xffff, v1  }
0x119: {  	v2 =	vld [tilespmem:$0x760];
	_ =	sdelay $0x7  }
0x11a: {  	[tilespmem:v2+s11+$0x0] =	vst.idx.add.f32.msk $0xffff, v1  }
0x11b: {  	v2 =	vld [tilespmem:$0x770];
	_ =	sdelay $0x7  }
0x11c: {  	[tilespmem:v2+s11+$0x0] =	vst.idx.add.f32.msk $0xffff, v1  }
0x11d: {  	v2 =	vld [tilespmem:$0x780];
	_ =	sdelay $0x7  }
0x11e: {  	[tilespmem:v2+s11+$0x0] =	vst.idx.add.f32.msk $0xffff, v1  }
0x11f: {  	v2 =	vld [tilespmem:$0x790];
	_ =	sdelay $0x7  }
0x120: {  	[tilespmem:v2+s11+$0x0] =	vst.idx.add.f32.msk $0xffff, v1  }
0x121: {  	v2 =	vld [tilespmem:$0x7A0];
	_ =	sdelay $0x7  }
0x122: {  	[tilespmem:v2+s11+$0x0] =	vst.idx.add.f32.msk $0xffff, v1  }
0x123: {  	v2 =	vld [tilespmem:$0x7B0];
	_ =	sdelay $0x7  }
0x124: {  	[tilespmem:v2+s11+$0x0] =	vst.idx.add.f32.msk $0xffff, v1  }
0x125: {  	v2 =	vld [tilespmem:$0x7C0];
	_ =	sdelay $0x7  }
0x126: {  	[tilespmem:v2+s11+$0x0] =	vst.idx.add.f32.msk $0xffff, v1  }
0x127: {  	v2 =	vld [tilespmem:$0x7D0];
	_ =	sdelay $0x7  }
0x128: {  	[tilespmem:v2+s11+$0x0] =	vst.idx.add.f32.msk $0xffff, v1  }
0x129: {  	v2 =	vld [tilespmem:$0x7E0];
	_ =	sdelay $0x7  }
0x12a: {  	[tilespmem:v2+s11+$0x0] =	vst.idx.add.f32.msk $0xffff, v1  }
0x12b: {  	v2 =	vld [tilespmem:$0x7F0];
	_ =	sdelay $0x3  }
.Ltmp3:
0x12c: {  	_ = 	snop;
	(pc) =	sbr.rel @p0 .LBB2_6-.Ltmp3, $2  }
0x12d: {  	_ =	sdelay $0x2  }
0x12e: {  	[tilespmem:v2+s11+$0x0] =	vst.idx.add.f32.msk $0xffff, v1  }
.Ltmp4:
0x12f: {  	(pc) =	sbr.rel .LBB2_4-.Ltmp4, $3  }
0x130: {  	_ =	sdelay $0x1  }
0x131: {  	s16 =	sadd.s32 s15, s7;
	s15 =	sadd.s32 $0x100, s15  }
0x132: {  	[tilespmem:s10], [sflag:$0x2] =	stream.linear.gather [hbm4b:s16+s2], $0x400, $0x38;
	[tilespmem:$0x3000] =	vst v63  }
.LBB2_7:
0x133: {  	_ =	sfence.sel $0x180000  }
0x134: {  	[bflag:$0x0] =	sbarrier.arrive $0xFFFF  }
0x135: {  	p0 =	sne.s32 s1, $0x0;
	_ =	strace $0x90000047  }
0x136: {  	s0 =	sadd.s32 @!p0 $0x100000, s0;
	[bflag:$0x2] =	sbarrier.arrive $0xFFFF  }
0x137: {  	[sflag:s0] =	ssyncadd.tile.s32 @!p0 $0x1;
	_ =	shalt  }
.Lfunc_end2:
_tile_overlayer_lowered:
.L_overlay_start_2:
0x138: {  	(tag) =	ssettag $0x2  }
0x139: {  	s0 =	rddreg [dreg:$0x0];
	s2 =	stileid.u32  }
0x13a: {  	s1 =	rddreg [dreg:$0x1];
	p0 =	sne.s32 s2, $0x0  }
0x13b: {  	s3 =	rddreg [dreg:$0x2];
	[bflag:$0x3] =	sbarrier.arrive $0xFFFF;
	s2 =	simm.s32 @!p0 $0x1C03  }
0x13c: {  	[timem:s3], [sflag:s2] =	dma.local @!p0 [hbm:s0], s1  }
0x13d: {  	s0 =	simm.s32 @!p0 $0x3  }
0x13e: {  	_ =	swait.ge @!p0 [sflag:s0], s1  }
0x13f: {  	s1 =	ssub.s32 @!p0 $0x0, s1;
	[sflag:s0] =	ssyncset.done @!p0 $0x0  }
0x140: {  	[sflag:s0] =	ssyncadd.s32 @!p0 s1  }
0x141: {  	[bflag:$0x3] =	sbarrier.arrive $0xFFFF  }
0x142: {  	_ =	shalt  }

</sc_bundles>
